<compile_context>
chip_gen: v7x
topology: tpu7x:2x2x1
jax: 0.10.2.dev20260603
libtpu: 0.0.44.dev20260713+nightly
codegen_flags: <defaults>
</compile_context>

<pallas_src>
import functools

import jax
import jax.numpy as jnp
from jax import lax
from jax.experimental import pallas as pl
from jax.experimental.pallas import tpu as pltpu
from jax.experimental.pallas import tpu_sc as plsc

_L = 16
_PB = 128
_D = 64
_NBLK = 128
_NSPLIT = 2


def _body(blocks_per_w, nc, cos_hbm, sin_hbm, pos_hbm, cos_out, sin_out,
          pos_v, vb_v, idx_v, cbuf, sbuf, gsems, osem):
    wid = lax.axis_index("s") * nc + lax.axis_index("c")
    base_u = wid * blocks_per_w
    nwords = _D * _PB
    half = nwords // _NSPLIT

    def build_and_fire(j):
        u = base_u + j
        b = u // 32
        sb = u % 32
        pltpu.sync_copy(pos_hbm.at[sb, b], pos_v)
        for c in range(_PB // _L):
            p = pos_v[pl.ds(c * _L, _L)]
            vb_v[pl.ds(c * _L, _L)] = ((p >> 7) << 10) + (p & 127)

        def row(i, _):
            off = (i // 8) * (1 << 20) + (i % 8) * 128
            for c in range(_PB // _L):
                vb = vb_v[pl.ds(c * _L, _L)]
                idx_v[pl.ds(j * nwords + i * _PB + c * _L, _L)] = vb + off
            return _

        lax.fori_loop(0, _D, row, None)

        gs = []
        for h in range(_NSPLIT):
            src = idx_v.at[pl.ds(j * nwords + h * half, half)]
            gs.append(pltpu.async_copy(
                cos_hbm.at[src], cbuf.at[pl.ds(j * nwords + h * half, half)],
                gsems[j]))
            gs.append(pltpu.async_copy(
                sin_hbm.at[src], sbuf.at[pl.ds(j * nwords + h * half, half)],
                gsems[j]))
        return gs

    gathers = [build_and_fire(j) for j in range(blocks_per_w)]

    outs = []
    for j in range(blocks_per_w):
        u = base_u + j
        b = u // 32
        sb = u % 32
        for g in gathers[j]:
            g.wait()
        for dg in range(8):
            src = cbuf.at[pl.ds(j * nwords + dg * 1024, 1024)]
            outs.append(pltpu.async_copy(src, cos_out.at[b, dg, sb], osem))
            src = sbuf.at[pl.ds(j * nwords + dg * 1024, 1024)]
            outs.append(pltpu.async_copy(src, sin_out.at[b, dg, sb], osem))
    for o in outs:
        o.wait()


def kernel(x, position_ids, cos_cached, sin_cached):
    b, s = position_ids.shape
    v, d = cos_cached.shape
    info = plsc.get_sparse_core_info()
    nc, ns = info.num_cores, info.num_subcores
    nw = nc * ns
    blocks_per_w = _NBLK // nw

    def phys1d(t):
        a4 = t.T.reshape(d // 8, 8, v // 128, 128).transpose(0, 2, 1, 3)
        return a4.reshape(v * d)

    cos1d = phys1d(cos_cached)
    sin1d = phys1d(sin_cached)
    pos3 = position_ids.astype(jnp.int32).reshape(b, s // _PB, _PB).transpose(1, 0, 2)

    mesh = plsc.VectorSubcoreMesh(core_axis_name="c", subcore_axis_name="s")
    run = functools.partial(
        pl.kernel,
        mesh=mesh,
        out_type=[
            jax.ShapeDtypeStruct((b, 8, s // _PB, 8 * _PB), jnp.float32),
            jax.ShapeDtypeStruct((b, 8, s // _PB, 8 * _PB), jnp.float32),
        ],
        scratch_types=[
            pltpu.VMEM((_PB,), jnp.int32),
            pltpu.VMEM((_PB,), jnp.int32),
            pltpu.VMEM((blocks_per_w * _D * _PB,), jnp.int32),
            pltpu.VMEM((blocks_per_w * _D * _PB,), jnp.float32),
            pltpu.VMEM((blocks_per_w * _D * _PB,), jnp.float32),
            [pltpu.SemaphoreType.DMA] * blocks_per_w,
            pltpu.SemaphoreType.DMA,
        ],
        compiler_params=pltpu.CompilerParams(use_tc_tiling_on_sc=False),
    )(functools.partial(_body, blocks_per_w, nc))

    cos5, sin5 = run(cos1d, sin1d, pos3)

    def unview(o5):
        o = o5.reshape(b, 8, s // _PB, 8, _PB).transpose(0, 1, 3, 2, 4)
        return o.reshape(b, d, s).transpose(0, 2, 1)

    return (unview(cos5).astype(x.dtype), unview(sin5).astype(x.dtype))

# --- scband reference (transcript-rebuilt; emitter-appended) ---
"""Pipeline reference for scband-gpt-oss-yarn-rotary-embedding-11424613007748 (READ-ONLY COPY).

The authoritative reference and input builder live on the scoring server;
editing this copy changes nothing except your own understanding.
"""

import math
import jax, jax.numpy as jnp
import numpy as np

_DIM = 64
_BASE = 150000.0
_MAX_POS = 131072
_FACTOR = 32.0
_ORIG_MAX_POS = 4096
_BETA_FAST = 32.0
_BETA_SLOW = 1.0


def _find_correction_dim(num_rotations, dim, base, max_position_embeddings):
    return dim * math.log(max_position_embeddings / (num_rotations * 2 * math.pi)) / (2 * math.log(base))


def _build_caches():
    dim = _DIM
    freq_extra = 1.0 / _BASE ** (np.arange(0, dim, 2, dtype=np.float32) / dim)
    freq_inter = freq_extra / _FACTOR
    low = max(math.floor(_find_correction_dim(_BETA_FAST, dim, _BASE, _ORIG_MAX_POS)), 0)
    high = min(math.ceil(_find_correction_dim(_BETA_SLOW, dim, _BASE, _ORIG_MAX_POS)), dim - 1)
    lo, hi = float(low), float(high)
    if lo == hi:
        hi += 0.001
    linear_func = (np.arange(dim // 2, dtype=np.float32) - lo) / (hi - lo)
    ramp = np.clip(linear_func, 0.0, 1.0)
    mask = 1.0 - ramp
    inv_freq = freq_inter * (1 - mask) + freq_extra * mask
    attention_scaling = 0.1 * math.log(_FACTOR) + 1.0 if _FACTOR > 1 else 1.0
    t = np.arange(_MAX_POS, dtype=np.float32)
    freqs = np.outer(t, inv_freq)
    emb = np.concatenate((freqs, freqs), axis=-1)
    cos_cached = jnp.asarray(np.cos(emb) * attention_scaling, dtype=jnp.float32)
    sin_cached = jnp.asarray(np.sin(emb) * attention_scaling, dtype=jnp.float32)
    return cos_cached, sin_cached


def setup_inputs(seed: int = 0) -> dict:
    key = jax.random.key(seed)
    k1, k2 = jax.random.split(key)
    x = jax.random.normal(k1, (4, 4096, 64), dtype=jnp.float32)
    position_ids = jax.random.randint(k2, (4, 4096), 0, _MAX_POS, dtype=jnp.int64 if jax.config.jax_enable_x64 else jnp.int32)
    cos_cached, sin_cached = _build_caches()
    return {"x": x, "position_ids": position_ids, "cos_cached": cos_cached, "sin_cached": sin_cached}


def reference(x, position_ids, cos_cached, sin_cached):
    cos = jnp.take(cos_cached, position_ids, axis=0).astype(x.dtype)
    sin = jnp.take(sin_cached, position_ids, axis=0).astype(x.dtype)
    return (cos, sin)

if __name__ == "__main__":
    import jax
    _d = setup_inputs()
    print(jax.jit(kernel)(*tuple(_d.values())))

</pallas_src>

<mosaic_0001>
#map = affine_map<(d0, d1) -> (0)>
#map1 = affine_map<(d0, d1) -> (0, 0, 0)>
#map2 = affine_map<(d0, d1) -> (0, 0, 0, 0)>
module attributes {stable_mosaic.version = 14 : i64} {
  func.func @_body(%arg0: i32, %arg1: i32, %arg2: memref<8388608xf32, #tpu.memory_space<hbm>>, %arg3: memref<8388608xf32, #tpu.memory_space<hbm>>, %arg4: memref<32x4x128xi32, #tpu.memory_space<hbm>>, %arg5: memref<4x8x32x1024xf32, #tpu.memory_space<hbm>>, %arg6: memref<4x8x32x1024xf32, #tpu.memory_space<hbm>>, %arg7: memref<128xi32, #tpu.memory_space<vmem>>, %arg8: memref<128xi32, #tpu.memory_space<vmem>>, %arg9: memref<32768xi32, #tpu.memory_space<vmem>>, %arg10: memref<32768xf32, #tpu.memory_space<vmem>>, %arg11: memref<32768xf32, #tpu.memory_space<vmem>>, %arg12: memref<!tpu.dma_semaphore, #tpu.memory_space<semaphore_mem>>, %arg13: memref<!tpu.dma_semaphore, #tpu.memory_space<semaphore_mem>>, %arg14: memref<!tpu.dma_semaphore, #tpu.memory_space<semaphore_mem>>, %arg15: memref<!tpu.dma_semaphore, #tpu.memory_space<semaphore_mem>>, %arg16: memref<!tpu.dma_semaphore, #tpu.memory_space<semaphore_mem>>) attributes {dimension_semantics = [#tpu.dimension_semantics<core_parallel>, #tpu.dimension_semantics<subcore_parallel>], iteration_bounds = array<i64: 2, 16>, scalar_prefetch = 0 : i64, scratch_operands = 10 : i64, tpu.core_type = #tpu.core_type<sc_vector_subcore>, window_params = [{transform_indices = #map}, {transform_indices = #map}, {transform_indices = #map1}, {transform_indices = #map2}, {transform_indices = #map2}]} {
    %mul3A = arith.constant 2 : i32
    %mul3A_0 = arith.muli %arg1, %mul3A : i32
    %add3A = arith.addi %mul3A_0, %arg0 : i32
    %mul3A_1 = arith.constant 4 : i32
    %mul3A_2 = arith.muli %add3A, %mul3A_1 : i32
    %add3A_3 = arith.constant 0 : i32
    %add3A_4 = arith.addi %mul3A_2, %add3A_3 : i32
    %jit3A = arith.constant 32 : i32
    %div3A = arith.divsi %add3A_4, %jit3A : i32
    %sign3A = arith.constant 0 : i32
    %sign3A_5 = arith.cmpi sgt, %add3A_4, %sign3A : i32
    %sign3A_6 = arith.extui %sign3A_5 : i1 to i32
    %sign3A_7 = arith.constant 0 : i32
    %sign3A_8 = arith.cmpi slt, %add3A_4, %sign3A_7 : i32
    %sign3A_9 = arith.extui %sign3A_8 : i1 to i32
    %sign3A_10 = arith.subi %sign3A_6, %sign3A_9 : i32
    %sign3A_11 = arith.constant 0 : i32
    %sign3A_12 = arith.cmpi sgt, %jit3A, %sign3A_11 : i32
    %sign3A_13 = arith.extui %sign3A_12 : i1 to i32
    %sign3A_14 = arith.constant 0 : i32
    %sign3A_15 = arith.cmpi slt, %jit3A, %sign3A_14 : i32
    %sign3A_16 = arith.extui %sign3A_15 : i1 to i32
    %sign3A_17 = arith.subi %sign3A_13, %sign3A_16 : i32
    %ne3A = arith.cmpi ne, %sign3A_10, %sign3A_17 : i32
    %rem3A = arith.remsi %add3A_4, %jit3A : i32
    %ne3A_18 = arith.constant 0 : i32
    %ne3A_19 = arith.cmpi ne, %rem3A, %ne3A_18 : i32
    %and3A = arith.andi %ne3A, %ne3A_19 : i1
    %sub3A = arith.constant 1 : i32
    %sub3A_20 = arith.subi %div3A, %sub3A : i32
    %select_n3A = arith.select %and3A, %sub3A_20, %div3A : i32
    %jit3A_21 = arith.constant 32 : i32
    %eq3A = arith.constant 0 : i32
    %eq3A_22 = arith.cmpi eq, %jit3A_21, %eq3A : i32
    %jit3A_23 = arith.constant 1 : i32
    %select_n3A_24 = arith.select %eq3A_22, %jit3A_23, %jit3A_21 : i32
    %rem3A_25 = arith.remsi %add3A_4, %select_n3A_24 : i32
    %ne3A_26 = arith.constant 0 : i32
    %ne3A_27 = arith.cmpi ne, %rem3A_25, %ne3A_26 : i32
    %lt3A = arith.constant 0 : i32
    %lt3A_28 = arith.cmpi slt, %rem3A_25, %lt3A : i32
    %lt3A_29 = arith.constant 0 : i32
    %lt3A_30 = arith.cmpi slt, %select_n3A_24, %lt3A_29 : i32
    %ne3A_31 = arith.xori %lt3A_28, %lt3A_30 : i1
    %and3A_32 = arith.andi %ne3A_31, %ne3A_27 : i1
    %add3A_33 = arith.addi %rem3A_25, %select_n3A_24 : i32
    %select_n3A_34 = arith.select %and3A_32, %add3A_33, %rem3A_25 : i32
    "tpu.region"() ({
      %run_scoped3A = tpu.sem_alloc : memref<!tpu.dma_semaphore, #tpu.memory_space<semaphore_mem>>
      %dma_start3A_2486 = arith.constant 0 : i32
      %dma_start3A_2487 = tpu.memref_slice %arg4[%select_n3A_34, %select_n3A, %dma_start3A_2486] : memref<32x4x128xi32, #tpu.memory_space<hbm>> -> memref<1x1x128xi32, #tpu.memory_space<hbm>>
      %dma_start3A_2488 = tpu.memref_squeeze %dma_start3A_2487 : memref<1x1x128xi32, #tpu.memory_space<hbm>> -> memref<128xi32, #tpu.memory_space<hbm>>
      %dma_start3A_2489 = arith.constant 0 : i32
      %dma_start3A_2490 = tpu.memref_slice %arg4[%select_n3A_34, %select_n3A, %dma_start3A_2489] : memref<32x4x128xi32, #tpu.memory_space<hbm>> -> memref<1x1x128xi32, #tpu.memory_space<hbm>>
      %dma_start3A_2491 = tpu.memref_squeeze %dma_start3A_2490 : memref<1x1x128xi32, #tpu.memory_space<hbm>> -> memref<128xi32, #tpu.memory_space<hbm>>
      tpu.enqueue_dma source(%dma_start3A_2491 : memref<128xi32, #tpu.memory_space<hbm>>) target(%arg7 : memref<128xi32, #tpu.memory_space<vmem>>) target_semaphore(%run_scoped3A : memref<!tpu.dma_semaphore, #tpu.memory_space<semaphore_mem>>)
      %dma_wait3A_2492 = arith.constant 0 : i32
      %dma_wait3A_2493 = tpu.memref_slice %arg4[%select_n3A_34, %select_n3A, %dma_wait3A_2492] : memref<32x4x128xi32, #tpu.memory_space<hbm>> -> memref<1x1x128xi32, #tpu.memory_space<hbm>>
      %dma_wait3A_2494 = tpu.memref_squeeze %dma_wait3A_2493 : memref<1x1x128xi32, #tpu.memory_space<hbm>> -> memref<128xi32, #tpu.memory_space<hbm>>
      %dma_wait3A_2495 = arith.constant 0 : i32
      %dma_wait3A_2496 = tpu.memref_slice %arg4[%select_n3A_34, %select_n3A, %dma_wait3A_2495] : memref<32x4x128xi32, #tpu.memory_space<hbm>> -> memref<1x1x128xi32, #tpu.memory_space<hbm>>
      %dma_wait3A_2497 = tpu.memref_squeeze %dma_wait3A_2496 : memref<1x1x128xi32, #tpu.memory_space<hbm>> -> memref<128xi32, #tpu.memory_space<hbm>>
      tpu.wait_dma2 semaphore(%run_scoped3A : memref<!tpu.dma_semaphore, #tpu.memory_space<semaphore_mem>>) src(%dma_wait3A_2497 : memref<128xi32, #tpu.memory_space<hbm>>) dst(%arg7 : memref<128xi32, #tpu.memory_space<vmem>>)
      tpu.yield
    }) : () -> ()
    %get3A = arith.constant 0 : index
    %get3A_35 = tpu.vector_load %arg7[%get3A] {strides = array<i32>} : memref<128xi32, #tpu.memory_space<vmem>>, vector<16xi32>,
    %get3A_36 = vector.shape_cast %get3A_35 : vector<16xi32> to vector<16xi32>
    %shift_right_arithmetic3A = arith.constant 7 : i32
    %shift_right_arithmetic3A_37 = vector.broadcast %shift_right_arithmetic3A : i32 to vector<16xi32>
    %shift_right_arithmetic3A_38 = arith.shrsi %get3A_36, %shift_right_arithmetic3A_37 : vector<16xi32>
    %shift_left3A = arith.constant 10 : i32
    %shift_left3A_39 = vector.broadcast %shift_left3A : i32 to vector<16xi32>
    %shift_left3A_40 = arith.shli %shift_right_arithmetic3A_38, %shift_left3A_39 : vector<16xi32>
    %and3A_41 = arith.constant 127 : i32
    %and3A_42 = vector.broadcast %and3A_41 : i32 to vector<16xi32>
    %and3A_43 = arith.andi %get3A_36, %and3A_42 : vector<16xi32>
    %add3A_44 = arith.addi %shift_left3A_40, %and3A_43 : vector<16xi32>
    %swap3A = arith.constant 0 : index
    %swap3A_45 = tpu.vector_load %arg8[%swap3A] {strides = array<i32>} : memref<128xi32, #tpu.memory_space<vmem>>, vector<16xi32>,
    %swap3A_46 = vector.shape_cast %swap3A_45 : vector<16xi32> to vector<16xi32>
    %swap3A_47 = vector.shape_cast %add3A_44 : vector<16xi32> to vector<16xi32>
    tpu.vector_store %arg8[%swap3A], %swap3A_47 {strides = array<i32>} : memref<128xi32, #tpu.memory_space<vmem>>, vector<16xi32>,
    %get3A_48 = arith.constant 16 : index
    %get3A_49 = tpu.vector_load %arg7[%get3A_48] {strides = array<i32>} : memref<128xi32, #tpu.memory_space<vmem>>, vector<16xi32>,
    %get3A_50 = vector.shape_cast %get3A_49 : vector<16xi32> to vector<16xi32>
    %shift_right_arithmetic3A_51 = arith.constant 7 : i32
    %shift_right_arithmetic3A_52 = vector.broadcast %shift_right_arithmetic3A_51 : i32 to vector<16xi32>
    %shift_right_arithmetic3A_53 = arith.shrsi %get3A_50, %shift_right_arithmetic3A_52 : vector<16xi32>
    %shift_left3A_54 = arith.constant 10 : i32
    %shift_left3A_55 = vector.broadcast %shift_left3A_54 : i32 to vector<16xi32>
    %shift_left3A_56 = arith.shli %shift_right_arithmetic3A_53, %shift_left3A_55 : vector<16xi32>
    %and3A_57 = arith.constant 127 : i32
    %and3A_58 = vector.broadcast %and3A_57 : i32 to vector<16xi32>
    %and3A_59 = arith.andi %get3A_50, %and3A_58 : vector<16xi32>
    %add3A_60 = arith.addi %shift_left3A_56, %and3A_59 : vector<16xi32>
    %swap3A_61 = arith.constant 16 : index
    %swap3A_62 = tpu.vector_load %arg8[%swap3A_61] {strides = array<i32>} : memref<128xi32, #tpu.memory_space<vmem>>, vector<16xi32>,
    %swap3A_63 = vector.shape_cast %swap3A_62 : vector<16xi32> to vector<16xi32>
    %swap3A_64 = vector.shape_cast %add3A_60 : vector<16xi32> to vector<16xi32>
    tpu.vector_store %arg8[%swap3A_61], %swap3A_64 {strides = array<i32>} : memref<128xi32, #tpu.memory_space<vmem>>, vector<16xi32>,
    %get3A_65 = arith.constant 32 : index
    %get3A_66 = tpu.vector_load %arg7[%get3A_65] {strides = array<i32>} : memref<128xi32, #tpu.memory_space<vmem>>, vector<16xi32>,
    %get3A_67 = vector.shape_cast %get3A_66 : vector<16xi32> to vector<16xi32>
    %shift_right_arithmetic3A_68 = arith.constant 7 : i32
    %shift_right_arithmetic3A_69 = vector.broadcast %shift_right_arithmetic3A_68 : i32 to vector<16xi32>
    %shift_right_arithmetic3A_70 = arith.shrsi %get3A_67, %shift_right_arithmetic3A_69 : vector<16xi32>
    %shift_left3A_71 = arith.constant 10 : i32
    %shift_left3A_72 = vector.broadcast %shift_left3A_71 : i32 to vector<16xi32>
    %shift_left3A_73 = arith.shli %shift_right_arithmetic3A_70, %shift_left3A_72 : vector<16xi32>
    %and3A_74 = arith.constant 127 : i32
    %and3A_75 = vector.broadcast %and3A_74 : i32 to vector<16xi32>
    %and3A_76 = arith.andi %get3A_67, %and3A_75 : vector<16xi32>
    %add3A_77 = arith.addi %shift_left3A_73, %and3A_76 : vector<16xi32>
    %swap3A_78 = arith.constant 32 : index
    %swap3A_79 = tpu.vector_load %arg8[%swap3A_78] {strides = array<i32>} : memref<128xi32, #tpu.memory_space<vmem>>, vector<16xi32>,
    %swap3A_80 = vector.shape_cast %swap3A_79 : vector<16xi32> to vector<16xi32>
    %swap3A_81 = vector.shape_cast %add3A_77 : vector<16xi32> to vector<16xi32>
    tpu.vector_store %arg8[%swap3A_78], %swap3A_81 {strides = array<i32>} : memref<128xi32, #tpu.memory_space<vmem>>, vector<16xi32>,
    %get3A_82 = arith.constant 48 : index
    %get3A_83 = tpu.vector_load %arg7[%get3A_82] {strides = array<i32>} : memref<128xi32, #tpu.memory_space<vmem>>, vector<16xi32>,
    %get3A_84 = vector.shape_cast %get3A_83 : vector<16xi32> to vector<16xi32>
    %shift_right_arithmetic3A_85 = arith.constant 7 : i32
    %shift_right_arithmetic3A_86 = vector.broadcast %shift_right_arithmetic3A_85 : i32 to vector<16xi32>
    %shift_right_arithmetic3A_87 = arith.shrsi %get3A_84, %shift_right_arithmetic3A_86 : vector<16xi32>
    %shift_left3A_88 = arith.constant 10 : i32
    %shift_left3A_89 = vector.broadcast %shift_left3A_88 : i32 to vector<16xi32>
    %shift_left3A_90 = arith.shli %shift_right_arithmetic3A_87, %shift_left3A_89 : vector<16xi32>
    %and3A_91 = arith.constant 127 : i32
    %and3A_92 = vector.broadcast %and3A_91 : i32 to vector<16xi32>
    %and3A_93 = arith.andi %get3A_84, %and3A_92 : vector<16xi32>
    %add3A_94 = arith.addi %shift_left3A_90, %and3A_93 : vector<16xi32>
    %swap3A_95 = arith.constant 48 : index
    %swap3A_96 = tpu.vector_load %arg8[%swap3A_95] {strides = array<i32>} : memref<128xi32, #tpu.memory_space<vmem>>, vector<16xi32>,
    %swap3A_97 = vector.shape_cast %swap3A_96 : vector<16xi32> to vector<16xi32>
    %swap3A_98 = vector.shape_cast %add3A_94 : vector<16xi32> to vector<16xi32>
    tpu.vector_store %arg8[%swap3A_95], %swap3A_98 {strides = array<i32>} : memref<128xi32, #tpu.memory_space<vmem>>, vector<16xi32>,
    %get3A_99 = arith.constant 64 : index
    %get3A_100 = tpu.vector_load %arg7[%get3A_99] {strides = array<i32>} : memref<128xi32, #tpu.memory_space<vmem>>, vector<16xi32>,
    %get3A_101 = vector.shape_cast %get3A_100 : vector<16xi32> to vector<16xi32>
    %shift_right_arithmetic3A_102 = arith.constant 7 : i32
    %shift_right_arithmetic3A_103 = vector.broadcast %shift_right_arithmetic3A_102 : i32 to vector<16xi32>
    %shift_right_arithmetic3A_104 = arith.shrsi %get3A_101, %shift_right_arithmetic3A_103 : vector<16xi32>
    %shift_left3A_105 = arith.constant 10 : i32
    %shift_left3A_106 = vector.broadcast %shift_left3A_105 : i32 to vector<16xi32>
    %shift_left3A_107 = arith.shli %shift_right_arithmetic3A_104, %shift_left3A_106 : vector<16xi32>
    %and3A_108 = arith.constant 127 : i32
    %and3A_109 = vector.broadcast %and3A_108 : i32 to vector<16xi32>
    %and3A_110 = arith.andi %get3A_101, %and3A_109 : vector<16xi32>
    %add3A_111 = arith.addi %shift_left3A_107, %and3A_110 : vector<16xi32>
    %swap3A_112 = arith.constant 64 : index
    %swap3A_113 = tpu.vector_load %arg8[%swap3A_112] {strides = array<i32>} : memref<128xi32, #tpu.memory_space<vmem>>, vector<16xi32>,
    %swap3A_114 = vector.shape_cast %swap3A_113 : vector<16xi32> to vector<16xi32>
    %swap3A_115 = vector.shape_cast %add3A_111 : vector<16xi32> to vector<16xi32>
    tpu.vector_store %arg8[%swap3A_112], %swap3A_115 {strides = array<i32>} : memref<128xi32, #tpu.memory_space<vmem>>, vector<16xi32>,
    %get3A_116 = arith.constant 80 : index
    %get3A_117 = tpu.vector_load %arg7[%get3A_116] {strides = array<i32>} : memref<128xi32, #tpu.memory_space<vmem>>, vector<16xi32>,
    %get3A_118 = vector.shape_cast %get3A_117 : vector<16xi32> to vector<16xi32>
    %shift_right_arithmetic3A_119 = arith.constant 7 : i32
    %shift_right_arithmetic3A_120 = vector.broadcast %shift_right_arithmetic3A_119 : i32 to vector<16xi32>
    %shift_right_arithmetic3A_121 = arith.shrsi %get3A_118, %shift_right_arithmetic3A_120 : vector<16xi32>
    %shift_left3A_122 = arith.constant 10 : i32
    %shift_left3A_123 = vector.broadcast %shift_left3A_122 : i32 to vector<16xi32>
    %shift_left3A_124 = arith.shli %shift_right_arithmetic3A_121, %shift_left3A_123 : vector<16xi32>
    %and3A_125 = arith.constant 127 : i32
    %and3A_126 = vector.broadcast %and3A_125 : i32 to vector<16xi32>
    %and3A_127 = arith.andi %get3A_118, %and3A_126 : vector<16xi32>
    %add3A_128 = arith.addi %shift_left3A_124, %and3A_127 : vector<16xi32>
    %swap3A_129 = arith.constant 80 : index
    %swap3A_130 = tpu.vector_load %arg8[%swap3A_129] {strides = array<i32>} : memref<128xi32, #tpu.memory_space<vmem>>, vector<16xi32>,
    %swap3A_131 = vector.shape_cast %swap3A_130 : vector<16xi32> to vector<16xi32>
    %swap3A_132 = vector.shape_cast %add3A_128 : vector<16xi32> to vector<16xi32>
    tpu.vector_store %arg8[%swap3A_129], %swap3A_132 {strides = array<i32>} : memref<128xi32, #tpu.memory_space<vmem>>, vector<16xi32>,
    %get3A_133 = arith.constant 96 : index
    %get3A_134 = tpu.vector_load %arg7[%get3A_133] {strides = array<i32>} : memref<128xi32, #tpu.memory_space<vmem>>, vector<16xi32>,
    %get3A_135 = vector.shape_cast %get3A_134 : vector<16xi32> to vector<16xi32>
    %shift_right_arithmetic3A_136 = arith.constant 7 : i32
    %shift_right_arithmetic3A_137 = vector.broadcast %shift_right_arithmetic3A_136 : i32 to vector<16xi32>
    %shift_right_arithmetic3A_138 = arith.shrsi %get3A_135, %shift_right_arithmetic3A_137 : vector<16xi32>
    %shift_left3A_139 = arith.constant 10 : i32
    %shift_left3A_140 = vector.broadcast %shift_left3A_139 : i32 to vector<16xi32>
    %shift_left3A_141 = arith.shli %shift_right_arithmetic3A_138, %shift_left3A_140 : vector<16xi32>
    %and3A_142 = arith.constant 127 : i32
    %and3A_143 = vector.broadcast %and3A_142 : i32 to vector<16xi32>
    %and3A_144 = arith.andi %get3A_135, %and3A_143 : vector<16xi32>
    %add3A_145 = arith.addi %shift_left3A_141, %and3A_144 : vector<16xi32>
    %swap3A_146 = arith.constant 96 : index
    %swap3A_147 = tpu.vector_load %arg8[%swap3A_146] {strides = array<i32>} : memref<128xi32, #tpu.memory_space<vmem>>, vector<16xi32>,
    %swap3A_148 = vector.shape_cast %swap3A_147 : vector<16xi32> to vector<16xi32>
    %swap3A_149 = vector.shape_cast %add3A_145 : vector<16xi32> to vector<16xi32>
    tpu.vector_store %arg8[%swap3A_146], %swap3A_149 {strides = array<i32>} : memref<128xi32, #tpu.memory_space<vmem>>, vector<16xi32>,
    %get3A_150 = arith.constant 112 : index
    %get3A_151 = tpu.vector_load %arg7[%get3A_150] {strides = array<i32>} : memref<128xi32, #tpu.memory_space<vmem>>, vector<16xi32>,
    %get3A_152 = vector.shape_cast %get3A_151 : vector<16xi32> to vector<16xi32>
    %shift_right_arithmetic3A_153 = arith.constant 7 : i32
    %shift_right_arithmetic3A_154 = vector.broadcast %shift_right_arithmetic3A_153 : i32 to vector<16xi32>
    %shift_right_arithmetic3A_155 = arith.shrsi %get3A_152, %shift_right_arithmetic3A_154 : vector<16xi32>
    %shift_left3A_156 = arith.constant 10 : i32
    %shift_left3A_157 = vector.broadcast %shift_left3A_156 : i32 to vector<16xi32>
    %shift_left3A_158 = arith.shli %shift_right_arithmetic3A_155, %shift_left3A_157 : vector<16xi32>
    %and3A_159 = arith.constant 127 : i32
    %and3A_160 = vector.broadcast %and3A_159 : i32 to vector<16xi32>
    %and3A_161 = arith.andi %get3A_152, %and3A_160 : vector<16xi32>
    %add3A_162 = arith.addi %shift_left3A_158, %and3A_161 : vector<16xi32>
    %swap3A_163 = arith.constant 112 : index
    %swap3A_164 = tpu.vector_load %arg8[%swap3A_163] {strides = array<i32>} : memref<128xi32, #tpu.memory_space<vmem>>, vector<16xi32>,
    %swap3A_165 = vector.shape_cast %swap3A_164 : vector<16xi32> to vector<16xi32>
    %swap3A_166 = vector.shape_cast %add3A_162 : vector<16xi32> to vector<16xi32>
    tpu.vector_store %arg8[%swap3A_163], %swap3A_166 {strides = array<i32>} : memref<128xi32, #tpu.memory_space<vmem>>, vector<16xi32>,
    %scan3A = arith.constant 0 : i32
    %scan3A_167 = arith.constant 64 : i32
    %scan3A_168 = arith.addi %scan3A, %scan3A_167 : i32
    %scan3A_169 = arith.constant 1 : i32
    scf.for %scan3A_2486 = %scan3A to %scan3A_168 step %scan3A_169  : i32 {
      %jit3A_2487 = arith.constant 8 : i32
      %div3A_2488 = arith.divsi %scan3A_2486, %jit3A_2487 : i32
      %sign3A_2489 = arith.constant 0 : i32
      %sign3A_2490 = arith.cmpi sgt, %scan3A_2486, %sign3A_2489 : i32
      %sign3A_2491 = arith.extui %sign3A_2490 : i1 to i32
      %sign3A_2492 = arith.constant 0 : i32
      %sign3A_2493 = arith.cmpi slt, %scan3A_2486, %sign3A_2492 : i32
      %sign3A_2494 = arith.extui %sign3A_2493 : i1 to i32
      %sign3A_2495 = arith.subi %sign3A_2491, %sign3A_2494 : i32
      %sign3A_2496 = arith.constant 0 : i32
      %sign3A_2497 = arith.cmpi sgt, %jit3A_2487, %sign3A_2496 : i32
      %sign3A_2498 = arith.extui %sign3A_2497 : i1 to i32
      %sign3A_2499 = arith.constant 0 : i32
      %sign3A_2500 = arith.cmpi slt, %jit3A_2487, %sign3A_2499 : i32
      %sign3A_2501 = arith.extui %sign3A_2500 : i1 to i32
      %sign3A_2502 = arith.subi %sign3A_2498, %sign3A_2501 : i32
      %ne3A_2503 = arith.cmpi ne, %sign3A_2495, %sign3A_2502 : i32
      %rem3A_2504 = arith.remsi %scan3A_2486, %jit3A_2487 : i32
      %ne3A_2505 = arith.constant 0 : i32
      %ne3A_2506 = arith.cmpi ne, %rem3A_2504, %ne3A_2505 : i32
      %and3A_2507 = arith.andi %ne3A_2503, %ne3A_2506 : i1
      %sub3A_2508 = arith.constant 1 : i32
      %sub3A_2509 = arith.subi %div3A_2488, %sub3A_2508 : i32
      %select_n3A_2510 = arith.select %and3A_2507, %sub3A_2509, %div3A_2488 : i32
      %mul3A_2511 = arith.constant 1048576 : i32
      %mul3A_2512 = arith.muli %select_n3A_2510, %mul3A_2511 : i32
      %jit3A_2513 = arith.constant 8 : i32
      %eq3A_2514 = arith.constant 0 : i32
      %eq3A_2515 = arith.cmpi eq, %jit3A_2513, %eq3A_2514 : i32
      %jit3A_2516 = arith.constant 1 : i32
      %select_n3A_2517 = arith.select %eq3A_2515, %jit3A_2516, %jit3A_2513 : i32
      %rem3A_2518 = arith.remsi %scan3A_2486, %select_n3A_2517 : i32
      %ne3A_2519 = arith.constant 0 : i32
      %ne3A_2520 = arith.cmpi ne, %rem3A_2518, %ne3A_2519 : i32
      %lt3A_2521 = arith.constant 0 : i32
      %lt3A_2522 = arith.cmpi slt, %rem3A_2518, %lt3A_2521 : i32
      %lt3A_2523 = arith.constant 0 : i32
      %lt3A_2524 = arith.cmpi slt, %select_n3A_2517, %lt3A_2523 : i32
      %ne3A_2525 = arith.xori %lt3A_2522, %lt3A_2524 : i1
      %and3A_2526 = arith.andi %ne3A_2525, %ne3A_2520 : i1
      %add3A_2527 = arith.addi %rem3A_2518, %select_n3A_2517 : i32
      %select_n3A_2528 = arith.select %and3A_2526, %add3A_2527, %rem3A_2518 : i32
      %mul3A_2529 = arith.constant 128 : i32
      %mul3A_2530 = arith.muli %select_n3A_2528, %mul3A_2529 : i32
      %add3A_2531 = arith.addi %mul3A_2512, %mul3A_2530 : i32
      %get3A_2532 = arith.constant 0 : index
      %get3A_2533 = tpu.vector_load %arg8[%get3A_2532] {strides = array<i32>} : memref<128xi32, #tpu.memory_space<vmem>>, vector<16xi32>,
      %get3A_2534 = vector.shape_cast %get3A_2533 : vector<16xi32> to vector<16xi32>
      %add3A_2535 = vector.broadcast %add3A_2531 : i32 to vector<16xi32>
      %add3A_2536 = arith.addi %get3A_2534, %add3A_2535 : vector<16xi32>
      %mul3A_2537 = arith.constant 128 : i32
      %mul3A_2538 = arith.muli %scan3A_2486, %mul3A_2537 : i32
      %add3A_2539 = arith.constant 0 : i32
      %add3A_2540 = arith.addi %add3A_2539, %mul3A_2538 : i32
      %add3A_2541 = arith.constant 0 : i32
      %add3A_2542 = arith.addi %add3A_2540, %add3A_2541 : i32
      %swap3A_2543 = arith.index_cast %add3A_2542 : i32 to index
      %swap3A_2544 = tpu.vector_load %arg9[%swap3A_2543] {strides = array<i32>} : memref<32768xi32, #tpu.memory_space<vmem>>, vector<16xi32>,
      %swap3A_2545 = vector.shape_cast %swap3A_2544 : vector<16xi32> to vector<16xi32>
      %swap3A_2546 = vector.shape_cast %add3A_2536 : vector<16xi32> to vector<16xi32>
      tpu.vector_store %arg9[%swap3A_2543], %swap3A_2546 {strides = array<i32>} : memref<32768xi32, #tpu.memory_space<vmem>>, vector<16xi32>,
      %get3A_2547 = arith.constant 16 : index
      %get3A_2548 = tpu.vector_load %arg8[%get3A_2547] {strides = array<i32>} : memref<128xi32, #tpu.memory_space<vmem>>, vector<16xi32>,
      %get3A_2549 = vector.shape_cast %get3A_2548 : vector<16xi32> to vector<16xi32>
      %add3A_2550 = vector.broadcast %add3A_2531 : i32 to vector<16xi32>
      %add3A_2551 = arith.addi %get3A_2549, %add3A_2550 : vector<16xi32>
      %mul3A_2552 = arith.constant 128 : i32
      %mul3A_2553 = arith.muli %scan3A_2486, %mul3A_2552 : i32
      %add3A_2554 = arith.constant 0 : i32
      %add3A_2555 = arith.addi %add3A_2554, %mul3A_2553 : i32
      %add3A_2556 = arith.constant 16 : i32
      %add3A_2557 = arith.addi %add3A_2555, %add3A_2556 : i32
      %swap3A_2558 = arith.index_cast %add3A_2557 : i32 to index
      %swap3A_2559 = tpu.vector_load %arg9[%swap3A_2558] {strides = array<i32>} : memref<32768xi32, #tpu.memory_space<vmem>>, vector<16xi32>,
      %swap3A_2560 = vector.shape_cast %swap3A_2559 : vector<16xi32> to vector<16xi32>
      %swap3A_2561 = vector.shape_cast %add3A_2551 : vector<16xi32> to vector<16xi32>
      tpu.vector_store %arg9[%swap3A_2558], %swap3A_2561 {strides = array<i32>} : memref<32768xi32, #tpu.memory_space<vmem>>, vector<16xi32>,
      %get3A_2562 = arith.constant 32 : index
      %get3A_2563 = tpu.vector_load %arg8[%get3A_2562] {strides = array<i32>} : memref<128xi32, #tpu.memory_space<vmem>>, vector<16xi32>,
      %get3A_2564 = vector.shape_cast %get3A_2563 : vector<16xi32> to vector<16xi32>
      %add3A_2565 = vector.broadcast %add3A_2531 : i32 to vector<16xi32>
      %add3A_2566 = arith.addi %get3A_2564, %add3A_2565 : vector<16xi32>
      %mul3A_2567 = arith.constant 128 : i32
      %mul3A_2568 = arith.muli %scan3A_2486, %mul3A_2567 : i32
      %add3A_2569 = arith.constant 0 : i32
      %add3A_2570 = arith.addi %add3A_2569, %mul3A_2568 : i32
      %add3A_2571 = arith.constant 32 : i32
      %add3A_2572 = arith.addi %add3A_2570, %add3A_2571 : i32
      %swap3A_2573 = arith.index_cast %add3A_2572 : i32 to index
      %swap3A_2574 = tpu.vector_load %arg9[%swap3A_2573] {strides = array<i32>} : memref<32768xi32, #tpu.memory_space<vmem>>, vector<16xi32>,
      %swap3A_2575 = vector.shape_cast %swap3A_2574 : vector<16xi32> to vector<16xi32>
      %swap3A_2576 = vector.shape_cast %add3A_2566 : vector<16xi32> to vector<16xi32>
      tpu.vector_store %arg9[%swap3A_2573], %swap3A_2576 {strides = array<i32>} : memref<32768xi32, #tpu.memory_space<vmem>>, vector<16xi32>,
      %get3A_2577 = arith.constant 48 : index
      %get3A_2578 = tpu.vector_load %arg8[%get3A_2577] {strides = array<i32>} : memref<128xi32, #tpu.memory_space<vmem>>, vector<16xi32>,
      %get3A_2579 = vector.shape_cast %get3A_2578 : vector<16xi32> to vector<16xi32>
      %add3A_2580 = vector.broadcast %add3A_2531 : i32 to vector<16xi32>
      %add3A_2581 = arith.addi %get3A_2579, %add3A_2580 : vector<16xi32>
      %mul3A_2582 = arith.constant 128 : i32
      %mul3A_2583 = arith.muli %scan3A_2486, %mul3A_2582 : i32
      %add3A_2584 = arith.constant 0 : i32
      %add3A_2585 = arith.addi %add3A_2584, %mul3A_2583 : i32
      %add3A_2586 = arith.constant 48 : i32
      %add3A_2587 = arith.addi %add3A_2585, %add3A_2586 : i32
      %swap3A_2588 = arith.index_cast %add3A_2587 : i32 to index
      %swap3A_2589 = tpu.vector_load %arg9[%swap3A_2588] {strides = array<i32>} : memref<32768xi32, #tpu.memory_space<vmem>>, vector<16xi32>,
      %swap3A_2590 = vector.shape_cast %swap3A_2589 : vector<16xi32> to vector<16xi32>
      %swap3A_2591 = vector.shape_cast %add3A_2581 : vector<16xi32> to vector<16xi32>
      tpu.vector_store %arg9[%swap3A_2588], %swap3A_2591 {strides = array<i32>} : memref<32768xi32, #tpu.memory_space<vmem>>, vector<16xi32>,
      %get3A_2592 = arith.constant 64 : index
      %get3A_2593 = tpu.vector_load %arg8[%get3A_2592] {strides = array<i32>} : memref<128xi32, #tpu.memory_space<vmem>>, vector<16xi32>,
      %get3A_2594 = vector.shape_cast %get3A_2593 : vector<16xi32> to vector<16xi32>
      %add3A_2595 = vector.broadcast %add3A_2531 : i32 to vector<16xi32>
      %add3A_2596 = arith.addi %get3A_2594, %add3A_2595 : vector<16xi32>
      %mul3A_2597 = arith.constant 128 : i32
      %mul3A_2598 = arith.muli %scan3A_2486, %mul3A_2597 : i32
      %add3A_2599 = arith.constant 0 : i32
      %add3A_2600 = arith.addi %add3A_2599, %mul3A_2598 : i32
      %add3A_2601 = arith.constant 64 : i32
      %add3A_2602 = arith.addi %add3A_2600, %add3A_2601 : i32
      %swap3A_2603 = arith.index_cast %add3A_2602 : i32 to index
      %swap3A_2604 = tpu.vector_load %arg9[%swap3A_2603] {strides = array<i32>} : memref<32768xi32, #tpu.memory_space<vmem>>, vector<16xi32>,
      %swap3A_2605 = vector.shape_cast %swap3A_2604 : vector<16xi32> to vector<16xi32>
      %swap3A_2606 = vector.shape_cast %add3A_2596 : vector<16xi32> to vector<16xi32>
      tpu.vector_store %arg9[%swap3A_2603], %swap3A_2606 {strides = array<i32>} : memref<32768xi32, #tpu.memory_space<vmem>>, vector<16xi32>,
      %get3A_2607 = arith.constant 80 : index
      %get3A_2608 = tpu.vector_load %arg8[%get3A_2607] {strides = array<i32>} : memref<128xi32, #tpu.memory_space<vmem>>, vector<16xi32>,
      %get3A_2609 = vector.shape_cast %get3A_2608 : vector<16xi32> to vector<16xi32>
      %add3A_2610 = vector.broadcast %add3A_2531 : i32 to vector<16xi32>
      %add3A_2611 = arith.addi %get3A_2609, %add3A_2610 : vector<16xi32>
      %mul3A_2612 = arith.constant 128 : i32
      %mul3A_2613 = arith.muli %scan3A_2486, %mul3A_2612 : i32
      %add3A_2614 = arith.constant 0 : i32
      %add3A_2615 = arith.addi %add3A_2614, %mul3A_2613 : i32
      %add3A_2616 = arith.constant 80 : i32
      %add3A_2617 = arith.addi %add3A_2615, %add3A_2616 : i32
      %swap3A_2618 = arith.index_cast %add3A_2617 : i32 to index
      %swap3A_2619 = tpu.vector_load %arg9[%swap3A_2618] {strides = array<i32>} : memref<32768xi32, #tpu.memory_space<vmem>>, vector<16xi32>,
      %swap3A_2620 = vector.shape_cast %swap3A_2619 : vector<16xi32> to vector<16xi32>
      %swap3A_2621 = vector.shape_cast %add3A_2611 : vector<16xi32> to vector<16xi32>
      tpu.vector_store %arg9[%swap3A_2618], %swap3A_2621 {strides = array<i32>} : memref<32768xi32, #tpu.memory_space<vmem>>, vector<16xi32>,
      %get3A_2622 = arith.constant 96 : index
      %get3A_2623 = tpu.vector_load %arg8[%get3A_2622] {strides = array<i32>} : memref<128xi32, #tpu.memory_space<vmem>>, vector<16xi32>,
      %get3A_2624 = vector.shape_cast %get3A_2623 : vector<16xi32> to vector<16xi32>
      %add3A_2625 = vector.broadcast %add3A_2531 : i32 to vector<16xi32>
      %add3A_2626 = arith.addi %get3A_2624, %add3A_2625 : vector<16xi32>
      %mul3A_2627 = arith.constant 128 : i32
      %mul3A_2628 = arith.muli %scan3A_2486, %mul3A_2627 : i32
      %add3A_2629 = arith.constant 0 : i32
      %add3A_2630 = arith.addi %add3A_2629, %mul3A_2628 : i32
      %add3A_2631 = arith.constant 96 : i32
      %add3A_2632 = arith.addi %add3A_2630, %add3A_2631 : i32
      %swap3A_2633 = arith.index_cast %add3A_2632 : i32 to index
      %swap3A_2634 = tpu.vector_load %arg9[%swap3A_2633] {strides = array<i32>} : memref<32768xi32, #tpu.memory_space<vmem>>, vector<16xi32>,
      %swap3A_2635 = vector.shape_cast %swap3A_2634 : vector<16xi32> to vector<16xi32>
      %swap3A_2636 = vector.shape_cast %add3A_2626 : vector<16xi32> to vector<16xi32>
      tpu.vector_store %arg9[%swap3A_2633], %swap3A_2636 {strides = array<i32>} : memref<32768xi32, #tpu.memory_space<vmem>>, vector<16xi32>,
      %get3A_2637 = arith.constant 112 : index
      %get3A_2638 = tpu.vector_load %arg8[%get3A_2637] {strides = array<i32>} : memref<128xi32, #tpu.memory_space<vmem>>, vector<16xi32>,
      %get3A_2639 = vector.shape_cast %get3A_2638 : vector<16xi32> to vector<16xi32>
      %add3A_2640 = vector.broadcast %add3A_2531 : i32 to vector<16xi32>
      %add3A_2641 = arith.addi %get3A_2639, %add3A_2640 : vector<16xi32>
      %mul3A_2642 = arith.constant 128 : i32
      %mul3A_2643 = arith.muli %scan3A_2486, %mul3A_2642 : i32
      %add3A_2644 = arith.constant 0 : i32
      %add3A_2645 = arith.addi %add3A_2644, %mul3A_2643 : i32
      %add3A_2646 = arith.constant 112 : i32
      %add3A_2647 = arith.addi %add3A_2645, %add3A_2646 : i32
      %swap3A_2648 = arith.index_cast %add3A_2647 : i32 to index
      %swap3A_2649 = tpu.vector_load %arg9[%swap3A_2648] {strides = array<i32>} : memref<32768xi32, #tpu.memory_space<vmem>>, vector<16xi32>,
      %swap3A_2650 = vector.shape_cast %swap3A_2649 : vector<16xi32> to vector<16xi32>
      %swap3A_2651 = vector.shape_cast %add3A_2641 : vector<16xi32> to vector<16xi32>
      tpu.vector_store %arg9[%swap3A_2648], %swap3A_2651 {strides = array<i32>} : memref<32768xi32, #tpu.memory_space<vmem>>, vector<16xi32>,
    }
    %scan3A_170 = arith.constant 64 : i32
    %dma_start3A = arith.constant 0 : i32
    %dma_start3A_171 = tpu.memref_slice %arg10[%dma_start3A] : memref<32768xf32, #tpu.memory_space<vmem>> -> memref<4096xf32, #tpu.memory_space<vmem>>
    %dma_start3A_172 = arith.constant 0 : i32
    %dma_start3A_173 = tpu.memref_slice %arg9[%dma_start3A_172] : memref<32768xi32, #tpu.memory_space<vmem>> -> memref<4096xi32, #tpu.memory_space<vmem>>
    %dma_start3A_174 = arith.constant 0 : i32
    %dma_start3A_175 = tpu.memref_slice %arg2[%dma_start3A_174] : memref<8388608xf32, #tpu.memory_space<hbm>> -> memref<8388608xf32, #tpu.memory_space<hbm>>
    tpu.enqueue_indirect_dma source(%dma_start3A_175 : memref<8388608xf32, #tpu.memory_space<hbm>>) target(%dma_start3A_171 : memref<4096xf32, #tpu.memory_space<vmem>>) offsets(%dma_start3A_173 : memref<4096xi32, #tpu.memory_space<vmem>>) semaphore(%arg12 : memref<!tpu.dma_semaphore, #tpu.memory_space<semaphore_mem>>)
    %dma_start3A_176 = arith.constant 0 : i32
    %dma_start3A_177 = tpu.memref_slice %arg11[%dma_start3A_176] : memref<32768xf32, #tpu.memory_space<vmem>> -> memref<4096xf32, #tpu.memory_space<vmem>>
    %dma_start3A_178 = arith.constant 0 : i32
    %dma_start3A_179 = tpu.memref_slice %arg9[%dma_start3A_178] : memref<32768xi32, #tpu.memory_space<vmem>> -> memref<4096xi32, #tpu.memory_space<vmem>>
    %dma_start3A_180 = arith.constant 0 : i32
    %dma_start3A_181 = tpu.memref_slice %arg3[%dma_start3A_180] : memref<8388608xf32, #tpu.memory_space<hbm>> -> memref<8388608xf32, #tpu.memory_space<hbm>>
    tpu.enqueue_indirect_dma source(%dma_start3A_181 : memref<8388608xf32, #tpu.memory_space<hbm>>) target(%dma_start3A_177 : memref<4096xf32, #tpu.memory_space<vmem>>) offsets(%dma_start3A_179 : memref<4096xi32, #tpu.memory_space<vmem>>) semaphore(%arg12 : memref<!tpu.dma_semaphore, #tpu.memory_space<semaphore_mem>>)
    %dma_start3A_182 = arith.constant 4096 : i32
    %dma_start3A_183 = tpu.memref_slice %arg10[%dma_start3A_182] : memref<32768xf32, #tpu.memory_space<vmem>> -> memref<4096xf32, #tpu.memory_space<vmem>>
    %dma_start3A_184 = arith.constant 4096 : i32
    %dma_start3A_185 = tpu.memref_slice %arg9[%dma_start3A_184] : memref<32768xi32, #tpu.memory_space<vmem>> -> memref<4096xi32, #tpu.memory_space<vmem>>
    %dma_start3A_186 = arith.constant 0 : i32
    %dma_start3A_187 = tpu.memref_slice %arg2[%dma_start3A_186] : memref<8388608xf32, #tpu.memory_space<hbm>> -> memref<8388608xf32, #tpu.memory_space<hbm>>
    tpu.enqueue_indirect_dma source(%dma_start3A_187 : memref<8388608xf32, #tpu.memory_space<hbm>>) target(%dma_start3A_183 : memref<4096xf32, #tpu.memory_space<vmem>>) offsets(%dma_start3A_185 : memref<4096xi32, #tpu.memory_space<vmem>>) semaphore(%arg12 : memref<!tpu.dma_semaphore, #tpu.memory_space<semaphore_mem>>)
    %dma_start3A_188 = arith.constant 4096 : i32
    %dma_start3A_189 = tpu.memref_slice %arg11[%dma_start3A_188] : memref<32768xf32, #tpu.memory_space<vmem>> -> memref<4096xf32, #tpu.memory_space<vmem>>
    %dma_start3A_190 = arith.constant 4096 : i32
    %dma_start3A_191 = tpu.memref_slice %arg9[%dma_start3A_190] : memref<32768xi32, #tpu.memory_space<vmem>> -> memref<4096xi32, #tpu.memory_space<vmem>>
    %dma_start3A_192 = arith.constant 0 : i32
    %dma_start3A_193 = tpu.memref_slice %arg3[%dma_start3A_192] : memref<8388608xf32, #tpu.memory_space<hbm>> -> memref<8388608xf32, #tpu.memory_space<hbm>>
    tpu.enqueue_indirect_dma source(%dma_start3A_193 : memref<8388608xf32, #tpu.memory_space<hbm>>) target(%dma_start3A_189 : memref<4096xf32, #tpu.memory_space<vmem>>) offsets(%dma_start3A_191 : memref<4096xi32, #tpu.memory_space<vmem>>) semaphore(%arg12 : memref<!tpu.dma_semaphore, #tpu.memory_space<semaphore_mem>>)
    %add3A_194 = arith.constant 1 : i32
    %add3A_195 = arith.addi %mul3A_2, %add3A_194 : i32
    %jit3A_196 = arith.constant 32 : i32
    %div3A_197 = arith.divsi %add3A_195, %jit3A_196 : i32
    %sign3A_198 = arith.constant 0 : i32
    %sign3A_199 = arith.cmpi sgt, %add3A_195, %sign3A_198 : i32
    %sign3A_200 = arith.extui %sign3A_199 : i1 to i32
    %sign3A_201 = arith.constant 0 : i32
    %sign3A_202 = arith.cmpi slt, %add3A_195, %sign3A_201 : i32
    %sign3A_203 = arith.extui %sign3A_202 : i1 to i32
    %sign3A_204 = arith.subi %sign3A_200, %sign3A_203 : i32
    %sign3A_205 = arith.constant 0 : i32
    %sign3A_206 = arith.cmpi sgt, %jit3A_196, %sign3A_205 : i32
    %sign3A_207 = arith.extui %sign3A_206 : i1 to i32
    %sign3A_208 = arith.constant 0 : i32
    %sign3A_209 = arith.cmpi slt, %jit3A_196, %sign3A_208 : i32
    %sign3A_210 = arith.extui %sign3A_209 : i1 to i32
    %sign3A_211 = arith.subi %sign3A_207, %sign3A_210 : i32
    %ne3A_212 = arith.cmpi ne, %sign3A_204, %sign3A_211 : i32
    %rem3A_213 = arith.remsi %add3A_195, %jit3A_196 : i32
    %ne3A_214 = arith.constant 0 : i32
    %ne3A_215 = arith.cmpi ne, %rem3A_213, %ne3A_214 : i32
    %and3A_216 = arith.andi %ne3A_212, %ne3A_215 : i1
    %sub3A_217 = arith.constant 1 : i32
    %sub3A_218 = arith.subi %div3A_197, %sub3A_217 : i32
    %select_n3A_219 = arith.select %and3A_216, %sub3A_218, %div3A_197 : i32
    %jit3A_220 = arith.constant 32 : i32
    %eq3A_221 = arith.constant 0 : i32
    %eq3A_222 = arith.cmpi eq, %jit3A_220, %eq3A_221 : i32
    %jit3A_223 = arith.constant 1 : i32
    %select_n3A_224 = arith.select %eq3A_222, %jit3A_223, %jit3A_220 : i32
    %rem3A_225 = arith.remsi %add3A_195, %select_n3A_224 : i32
    %ne3A_226 = arith.constant 0 : i32
    %ne3A_227 = arith.cmpi ne, %rem3A_225, %ne3A_226 : i32
    %lt3A_228 = arith.constant 0 : i32
    %lt3A_229 = arith.cmpi slt, %rem3A_225, %lt3A_228 : i32
    %lt3A_230 = arith.constant 0 : i32
    %lt3A_231 = arith.cmpi slt, %select_n3A_224, %lt3A_230 : i32
    %ne3A_232 = arith.xori %lt3A_229, %lt3A_231 : i1
    %and3A_233 = arith.andi %ne3A_232, %ne3A_227 : i1
    %add3A_234 = arith.addi %rem3A_225, %select_n3A_224 : i32
    %select_n3A_235 = arith.select %and3A_233, %add3A_234, %rem3A_225 : i32
    "tpu.region"() ({
      %run_scoped3A = tpu.sem_alloc : memref<!tpu.dma_semaphore, #tpu.memory_space<semaphore_mem>>
      %dma_start3A_2486 = arith.constant 0 : i32
      %dma_start3A_2487 = tpu.memref_slice %arg4[%select_n3A_235, %select_n3A_219, %dma_start3A_2486] : memref<32x4x128xi32, #tpu.memory_space<hbm>> -> memref<1x1x128xi32, #tpu.memory_space<hbm>>
      %dma_start3A_2488 = tpu.memref_squeeze %dma_start3A_2487 : memref<1x1x128xi32, #tpu.memory_space<hbm>> -> memref<128xi32, #tpu.memory_space<hbm>>
      %dma_start3A_2489 = arith.constant 0 : i32
      %dma_start3A_2490 = tpu.memref_slice %arg4[%select_n3A_235, %select_n3A_219, %dma_start3A_2489] : memref<32x4x128xi32, #tpu.memory_space<hbm>> -> memref<1x1x128xi32, #tpu.memory_space<hbm>>
      %dma_start3A_2491 = tpu.memref_squeeze %dma_start3A_2490 : memref<1x1x128xi32, #tpu.memory_space<hbm>> -> memref<128xi32, #tpu.memory_space<hbm>>
      tpu.enqueue_dma source(%dma_start3A_2491 : memref<128xi32, #tpu.memory_space<hbm>>) target(%arg7 : memref<128xi32, #tpu.memory_space<vmem>>) target_semaphore(%run_scoped3A : memref<!tpu.dma_semaphore, #tpu.memory_space<semaphore_mem>>)
      %dma_wait3A_2492 = arith.constant 0 : i32
      %dma_wait3A_2493 = tpu.memref_slice %arg4[%select_n3A_235, %select_n3A_219, %dma_wait3A_2492] : memref<32x4x128xi32, #tpu.memory_space<hbm>> -> memref<1x1x128xi32, #tpu.memory_space<hbm>>
      %dma_wait3A_2494 = tpu.memref_squeeze %dma_wait3A_2493 : memref<1x1x128xi32, #tpu.memory_space<hbm>> -> memref<128xi32, #tpu.memory_space<hbm>>
      %dma_wait3A_2495 = arith.constant 0 : i32
      %dma_wait3A_2496 = tpu.memref_slice %arg4[%select_n3A_235, %select_n3A_219, %dma_wait3A_2495] : memref<32x4x128xi32, #tpu.memory_space<hbm>> -> memref<1x1x128xi32, #tpu.memory_space<hbm>>
      %dma_wait3A_2497 = tpu.memref_squeeze %dma_wait3A_2496 : memref<1x1x128xi32, #tpu.memory_space<hbm>> -> memref<128xi32, #tpu.memory_space<hbm>>
      tpu.wait_dma2 semaphore(%run_scoped3A : memref<!tpu.dma_semaphore, #tpu.memory_space<semaphore_mem>>) src(%dma_wait3A_2497 : memref<128xi32, #tpu.memory_space<hbm>>) dst(%arg7 : memref<128xi32, #tpu.memory_space<vmem>>)
      tpu.yield
    }) : () -> ()
    %get3A_236 = arith.constant 0 : index
    %get3A_237 = tpu.vector_load %arg7[%get3A_236] {strides = array<i32>} : memref<128xi32, #tpu.memory_space<vmem>>, vector<16xi32>,
    %get3A_238 = vector.shape_cast %get3A_237 : vector<16xi32> to vector<16xi32>
    %shift_right_arithmetic3A_239 = arith.constant 7 : i32
    %shift_right_arithmetic3A_240 = vector.broadcast %shift_right_arithmetic3A_239 : i32 to vector<16xi32>
    %shift_right_arithmetic3A_241 = arith.shrsi %get3A_238, %shift_right_arithmetic3A_240 : vector<16xi32>
    %shift_left3A_242 = arith.constant 10 : i32
    %shift_left3A_243 = vector.broadcast %shift_left3A_242 : i32 to vector<16xi32>
    %shift_left3A_244 = arith.shli %shift_right_arithmetic3A_241, %shift_left3A_243 : vector<16xi32>
    %and3A_245 = arith.constant 127 : i32
    %and3A_246 = vector.broadcast %and3A_245 : i32 to vector<16xi32>
    %and3A_247 = arith.andi %get3A_238, %and3A_246 : vector<16xi32>
    %add3A_248 = arith.addi %shift_left3A_244, %and3A_247 : vector<16xi32>
    %swap3A_249 = arith.constant 0 : index
    %swap3A_250 = tpu.vector_load %arg8[%swap3A_249] {strides = array<i32>} : memref<128xi32, #tpu.memory_space<vmem>>, vector<16xi32>,
    %swap3A_251 = vector.shape_cast %swap3A_250 : vector<16xi32> to vector<16xi32>
    %swap3A_252 = vector.shape_cast %add3A_248 : vector<16xi32> to vector<16xi32>
    tpu.vector_store %arg8[%swap3A_249], %swap3A_252 {strides = array<i32>} : memref<128xi32, #tpu.memory_space<vmem>>, vector<16xi32>,
    %get3A_253 = arith.constant 16 : index
    %get3A_254 = tpu.vector_load %arg7[%get3A_253] {strides = array<i32>} : memref<128xi32, #tpu.memory_space<vmem>>, vector<16xi32>,
    %get3A_255 = vector.shape_cast %get3A_254 : vector<16xi32> to vector<16xi32>
    %shift_right_arithmetic3A_256 = arith.constant 7 : i32
    %shift_right_arithmetic3A_257 = vector.broadcast %shift_right_arithmetic3A_256 : i32 to vector<16xi32>
    %shift_right_arithmetic3A_258 = arith.shrsi %get3A_255, %shift_right_arithmetic3A_257 : vector<16xi32>
    %shift_left3A_259 = arith.constant 10 : i32
    %shift_left3A_260 = vector.broadcast %shift_left3A_259 : i32 to vector<16xi32>
    %shift_left3A_261 = arith.shli %shift_right_arithmetic3A_258, %shift_left3A_260 : vector<16xi32>
    %and3A_262 = arith.constant 127 : i32
    %and3A_263 = vector.broadcast %and3A_262 : i32 to vector<16xi32>
    %and3A_264 = arith.andi %get3A_255, %and3A_263 : vector<16xi32>
    %add3A_265 = arith.addi %shift_left3A_261, %and3A_264 : vector<16xi32>
    %swap3A_266 = arith.constant 16 : index
    %swap3A_267 = tpu.vector_load %arg8[%swap3A_266] {strides = array<i32>} : memref<128xi32, #tpu.memory_space<vmem>>, vector<16xi32>,
    %swap3A_268 = vector.shape_cast %swap3A_267 : vector<16xi32> to vector<16xi32>
    %swap3A_269 = vector.shape_cast %add3A_265 : vector<16xi32> to vector<16xi32>
    tpu.vector_store %arg8[%swap3A_266], %swap3A_269 {strides = array<i32>} : memref<128xi32, #tpu.memory_space<vmem>>, vector<16xi32>,
    %get3A_270 = arith.constant 32 : index
    %get3A_271 = tpu.vector_load %arg7[%get3A_270] {strides = array<i32>} : memref<128xi32, #tpu.memory_space<vmem>>, vector<16xi32>,
    %get3A_272 = vector.shape_cast %get3A_271 : vector<16xi32> to vector<16xi32>
    %shift_right_arithmetic3A_273 = arith.constant 7 : i32
    %shift_right_arithmetic3A_274 = vector.broadcast %shift_right_arithmetic3A_273 : i32 to vector<16xi32>
    %shift_right_arithmetic3A_275 = arith.shrsi %get3A_272, %shift_right_arithmetic3A_274 : vector<16xi32>
    %shift_left3A_276 = arith.constant 10 : i32
    %shift_left3A_277 = vector.broadcast %shift_left3A_276 : i32 to vector<16xi32>
    %shift_left3A_278 = arith.shli %shift_right_arithmetic3A_275, %shift_left3A_277 : vector<16xi32>
    %and3A_279 = arith.constant 127 : i32
    %and3A_280 = vector.broadcast %and3A_279 : i32 to vector<16xi32>
    %and3A_281 = arith.andi %get3A_272, %and3A_280 : vector<16xi32>
    %add3A_282 = arith.addi %shift_left3A_278, %and3A_281 : vector<16xi32>
    %swap3A_283 = arith.constant 32 : index
    %swap3A_284 = tpu.vector_load %arg8[%swap3A_283] {strides = array<i32>} : memref<128xi32, #tpu.memory_space<vmem>>, vector<16xi32>,
    %swap3A_285 = vector.shape_cast %swap3A_284 : vector<16xi32> to vector<16xi32>
    %swap3A_286 = vector.shape_cast %add3A_282 : vector<16xi32> to vector<16xi32>
    tpu.vector_store %arg8[%swap3A_283], %swap3A_286 {strides = array<i32>} : memref<128xi32, #tpu.memory_space<vmem>>, vector<16xi32>,
    %get3A_287 = arith.constant 48 : index
    %get3A_288 = tpu.vector_load %arg7[%get3A_287] {strides = array<i32>} : memref<128xi32, #tpu.memory_space<vmem>>, vector<16xi32>,
    %get3A_289 = vector.shape_cast %get3A_288 : vector<16xi32> to vector<16xi32>
    %shift_right_arithmetic3A_290 = arith.constant 7 : i32
    %shift_right_arithmetic3A_291 = vector.broadcast %shift_right_arithmetic3A_290 : i32 to vector<16xi32>
    %shift_right_arithmetic3A_292 = arith.shrsi %get3A_289, %shift_right_arithmetic3A_291 : vector<16xi32>
    %shift_left3A_293 = arith.constant 10 : i32
    %shift_left3A_294 = vector.broadcast %shift_left3A_293 : i32 to vector<16xi32>
    %shift_left3A_295 = arith.shli %shift_right_arithmetic3A_292, %shift_left3A_294 : vector<16xi32>
    %and3A_296 = arith.constant 127 : i32
    %and3A_297 = vector.broadcast %and3A_296 : i32 to vector<16xi32>
    %and3A_298 = arith.andi %get3A_289, %and3A_297 : vector<16xi32>
    %add3A_299 = arith.addi %shift_left3A_295, %and3A_298 : vector<16xi32>
    %swap3A_300 = arith.constant 48 : index
    %swap3A_301 = tpu.vector_load %arg8[%swap3A_300] {strides = array<i32>} : memref<128xi32, #tpu.memory_space<vmem>>, vector<16xi32>,
    %swap3A_302 = vector.shape_cast %swap3A_301 : vector<16xi32> to vector<16xi32>
    %swap3A_303 = vector.shape_cast %add3A_299 : vector<16xi32> to vector<16xi32>
    tpu.vector_store %arg8[%swap3A_300], %swap3A_303 {strides = array<i32>} : memref<128xi32, #tpu.memory_space<vmem>>, vector<16xi32>,
    %get3A_304 = arith.constant 64 : index
    %get3A_305 = tpu.vector_load %arg7[%get3A_304] {strides = array<i32>} : memref<128xi32, #tpu.memory_space<vmem>>, vector<16xi32>,
    %get3A_306 = vector.shape_cast %get3A_305 : vector<16xi32> to vector<16xi32>
    %shift_right_arithmetic3A_307 = arith.constant 7 : i32
    %shift_right_arithmetic3A_308 = vector.broadcast %shift_right_arithmetic3A_307 : i32 to vector<16xi32>
    %shift_right_arithmetic3A_309 = arith.shrsi %get3A_306, %shift_right_arithmetic3A_308 : vector<16xi32>
    %shift_left3A_310 = arith.constant 10 : i32
    %shift_left3A_311 = vector.broadcast %shift_left3A_310 : i32 to vector<16xi32>
    %shift_left3A_312 = arith.shli %shift_right_arithmetic3A_309, %shift_left3A_311 : vector<16xi32>
    %and3A_313 = arith.constant 127 : i32
    %and3A_314 = vector.broadcast %and3A_313 : i32 to vector<16xi32>
    %and3A_315 = arith.andi %get3A_306, %and3A_314 : vector<16xi32>
    %add3A_316 = arith.addi %shift_left3A_312, %and3A_315 : vector<16xi32>
    %swap3A_317 = arith.constant 64 : index
    %swap3A_318 = tpu.vector_load %arg8[%swap3A_317] {strides = array<i32>} : memref<128xi32, #tpu.memory_space<vmem>>, vector<16xi32>,
    %swap3A_319 = vector.shape_cast %swap3A_318 : vector<16xi32> to vector<16xi32>
    %swap3A_320 = vector.shape_cast %add3A_316 : vector<16xi32> to vector<16xi32>
    tpu.vector_store %arg8[%swap3A_317], %swap3A_320 {strides = array<i32>} : memref<128xi32, #tpu.memory_space<vmem>>, vector<16xi32>,
    %get3A_321 = arith.constant 80 : index
    %get3A_322 = tpu.vector_load %arg7[%get3A_321] {strides = array<i32>} : memref<128xi32, #tpu.memory_space<vmem>>, vector<16xi32>,
    %get3A_323 = vector.shape_cast %get3A_322 : vector<16xi32> to vector<16xi32>
    %shift_right_arithmetic3A_324 = arith.constant 7 : i32
    %shift_right_arithmetic3A_325 = vector.broadcast %shift_right_arithmetic3A_324 : i32 to vector<16xi32>
    %shift_right_arithmetic3A_326 = arith.shrsi %get3A_323, %shift_right_arithmetic3A_325 : vector<16xi32>
    %shift_left3A_327 = arith.constant 10 : i32
    %shift_left3A_328 = vector.broadcast %shift_left3A_327 : i32 to vector<16xi32>
    %shift_left3A_329 = arith.shli %shift_right_arithmetic3A_326, %shift_left3A_328 : vector<16xi32>
    %and3A_330 = arith.constant 127 : i32
    %and3A_331 = vector.broadcast %and3A_330 : i32 to vector<16xi32>
    %and3A_332 = arith.andi %get3A_323, %and3A_331 : vector<16xi32>
    %add3A_333 = arith.addi %shift_left3A_329, %and3A_332 : vector<16xi32>
    %swap3A_334 = arith.constant 80 : index
    %swap3A_335 = tpu.vector_load %arg8[%swap3A_334] {strides = array<i32>} : memref<128xi32, #tpu.memory_space<vmem>>, vector<16xi32>,
    %swap3A_336 = vector.shape_cast %swap3A_335 : vector<16xi32> to vector<16xi32>
    %swap3A_337 = vector.shape_cast %add3A_333 : vector<16xi32> to vector<16xi32>
    tpu.vector_store %arg8[%swap3A_334], %swap3A_337 {strides = array<i32>} : memref<128xi32, #tpu.memory_space<vmem>>, vector<16xi32>,
    %get3A_338 = arith.constant 96 : index
    %get3A_339 = tpu.vector_load %arg7[%get3A_338] {strides = array<i32>} : memref<128xi32, #tpu.memory_space<vmem>>, vector<16xi32>,
    %get3A_340 = vector.shape_cast %get3A_339 : vector<16xi32> to vector<16xi32>
    %shift_right_arithmetic3A_341 = arith.constant 7 : i32
    %shift_right_arithmetic3A_342 = vector.broadcast %shift_right_arithmetic3A_341 : i32 to vector<16xi32>
    %shift_right_arithmetic3A_343 = arith.shrsi %get3A_340, %shift_right_arithmetic3A_342 : vector<16xi32>
    %shift_left3A_344 = arith.constant 10 : i32
    %shift_left3A_345 = vector.broadcast %shift_left3A_344 : i32 to vector<16xi32>
    %shift_left3A_346 = arith.shli %shift_right_arithmetic3A_343, %shift_left3A_345 : vector<16xi32>
    %and3A_347 = arith.constant 127 : i32
    %and3A_348 = vector.broadcast %and3A_347 : i32 to vector<16xi32>
    %and3A_349 = arith.andi %get3A_340, %and3A_348 : vector<16xi32>
    %add3A_350 = arith.addi %shift_left3A_346, %and3A_349 : vector<16xi32>
    %swap3A_351 = arith.constant 96 : index
    %swap3A_352 = tpu.vector_load %arg8[%swap3A_351] {strides = array<i32>} : memref<128xi32, #tpu.memory_space<vmem>>, vector<16xi32>,
    %swap3A_353 = vector.shape_cast %swap3A_352 : vector<16xi32> to vector<16xi32>
    %swap3A_354 = vector.shape_cast %add3A_350 : vector<16xi32> to vector<16xi32>
    tpu.vector_store %arg8[%swap3A_351], %swap3A_354 {strides = array<i32>} : memref<128xi32, #tpu.memory_space<vmem>>, vector<16xi32>,
    %get3A_355 = arith.constant 112 : index
    %get3A_356 = tpu.vector_load %arg7[%get3A_355] {strides = array<i32>} : memref<128xi32, #tpu.memory_space<vmem>>, vector<16xi32>,
    %get3A_357 = vector.shape_cast %get3A_356 : vector<16xi32> to vector<16xi32>
    %shift_right_arithmetic3A_358 = arith.constant 7 : i32
    %shift_right_arithmetic3A_359 = vector.broadcast %shift_right_arithmetic3A_358 : i32 to vector<16xi32>
    %shift_right_arithmetic3A_360 = arith.shrsi %get3A_357, %shift_right_arithmetic3A_359 : vector<16xi32>
    %shift_left3A_361 = arith.constant 10 : i32
    %shift_left3A_362 = vector.broadcast %shift_left3A_361 : i32 to vector<16xi32>
    %shift_left3A_363 = arith.shli %shift_right_arithmetic3A_360, %shift_left3A_362 : vector<16xi32>
    %and3A_364 = arith.constant 127 : i32
    %and3A_365 = vector.broadcast %and3A_364 : i32 to vector<16xi32>
    %and3A_366 = arith.andi %get3A_357, %and3A_365 : vector<16xi32>
    %add3A_367 = arith.addi %shift_left3A_363, %and3A_366 : vector<16xi32>
    %swap3A_368 = arith.constant 112 : index
    %swap3A_369 = tpu.vector_load %arg8[%swap3A_368] {strides = array<i32>} : memref<128xi32, #tpu.memory_space<vmem>>, vector<16xi32>,
    %swap3A_370 = vector.shape_cast %swap3A_369 : vector<16xi32> to vector<16xi32>
    %swap3A_371 = vector.shape_cast %add3A_367 : vector<16xi32> to vector<16xi32>
    tpu.vector_store %arg8[%swap3A_368], %swap3A_371 {strides = array<i32>} : memref<128xi32, #tpu.memory_space<vmem>>, vector<16xi32>,
    %scan3A_372 = arith.constant 0 : i32
    %scan3A_373 = arith.constant 64 : i32
    %scan3A_374 = arith.addi %scan3A_372, %scan3A_373 : i32
    %scan3A_375 = arith.constant 1 : i32
    scf.for %scan3A_2486 = %scan3A_372 to %scan3A_374 step %scan3A_375  : i32 {
      %jit3A_2487 = arith.constant 8 : i32
      %div3A_2488 = arith.divsi %scan3A_2486, %jit3A_2487 : i32
      %sign3A_2489 = arith.constant 0 : i32
      %sign3A_2490 = arith.cmpi sgt, %scan3A_2486, %sign3A_2489 : i32
      %sign3A_2491 = arith.extui %sign3A_2490 : i1 to i32
      %sign3A_2492 = arith.constant 0 : i32
      %sign3A_2493 = arith.cmpi slt, %scan3A_2486, %sign3A_2492 : i32
      %sign3A_2494 = arith.extui %sign3A_2493 : i1 to i32
      %sign3A_2495 = arith.subi %sign3A_2491, %sign3A_2494 : i32
      %sign3A_2496 = arith.constant 0 : i32
      %sign3A_2497 = arith.cmpi sgt, %jit3A_2487, %sign3A_2496 : i32
      %sign3A_2498 = arith.extui %sign3A_2497 : i1 to i32
      %sign3A_2499 = arith.constant 0 : i32
      %sign3A_2500 = arith.cmpi slt, %jit3A_2487, %sign3A_2499 : i32
      %sign3A_2501 = arith.extui %sign3A_2500 : i1 to i32
      %sign3A_2502 = arith.subi %sign3A_2498, %sign3A_2501 : i32
      %ne3A_2503 = arith.cmpi ne, %sign3A_2495, %sign3A_2502 : i32
      %rem3A_2504 = arith.remsi %scan3A_2486, %jit3A_2487 : i32
      %ne3A_2505 = arith.constant 0 : i32
      %ne3A_2506 = arith.cmpi ne, %rem3A_2504, %ne3A_2505 : i32
      %and3A_2507 = arith.andi %ne3A_2503, %ne3A_2506 : i1
      %sub3A_2508 = arith.constant 1 : i32
      %sub3A_2509 = arith.subi %div3A_2488, %sub3A_2508 : i32
      %select_n3A_2510 = arith.select %and3A_2507, %sub3A_2509, %div3A_2488 : i32
      %mul3A_2511 = arith.constant 1048576 : i32
      %mul3A_2512 = arith.muli %select_n3A_2510, %mul3A_2511 : i32
      %jit3A_2513 = arith.constant 8 : i32
      %eq3A_2514 = arith.constant 0 : i32
      %eq3A_2515 = arith.cmpi eq, %jit3A_2513, %eq3A_2514 : i32
      %jit3A_2516 = arith.constant 1 : i32
      %select_n3A_2517 = arith.select %eq3A_2515, %jit3A_2516, %jit3A_2513 : i32
      %rem3A_2518 = arith.remsi %scan3A_2486, %select_n3A_2517 : i32
      %ne3A_2519 = arith.constant 0 : i32
      %ne3A_2520 = arith.cmpi ne, %rem3A_2518, %ne3A_2519 : i32
      %lt3A_2521 = arith.constant 0 : i32
      %lt3A_2522 = arith.cmpi slt, %rem3A_2518, %lt3A_2521 : i32
      %lt3A_2523 = arith.constant 0 : i32
      %lt3A_2524 = arith.cmpi slt, %select_n3A_2517, %lt3A_2523 : i32
      %ne3A_2525 = arith.xori %lt3A_2522, %lt3A_2524 : i1
      %and3A_2526 = arith.andi %ne3A_2525, %ne3A_2520 : i1
      %add3A_2527 = arith.addi %rem3A_2518, %select_n3A_2517 : i32
      %select_n3A_2528 = arith.select %and3A_2526, %add3A_2527, %rem3A_2518 : i32
      %mul3A_2529 = arith.constant 128 : i32
      %mul3A_2530 = arith.muli %select_n3A_2528, %mul3A_2529 : i32
      %add3A_2531 = arith.addi %mul3A_2512, %mul3A_2530 : i32
      %get3A_2532 = arith.constant 0 : index
      %get3A_2533 = tpu.vector_load %arg8[%get3A_2532] {strides = array<i32>} : memref<128xi32, #tpu.memory_space<vmem>>, vector<16xi32>,
      %get3A_2534 = vector.shape_cast %get3A_2533 : vector<16xi32> to vector<16xi32>
      %add3A_2535 = vector.broadcast %add3A_2531 : i32 to vector<16xi32>
      %add3A_2536 = arith.addi %get3A_2534, %add3A_2535 : vector<16xi32>
      %mul3A_2537 = arith.constant 128 : i32
      %mul3A_2538 = arith.muli %scan3A_2486, %mul3A_2537 : i32
      %add3A_2539 = arith.constant 8192 : i32
      %add3A_2540 = arith.addi %add3A_2539, %mul3A_2538 : i32
      %add3A_2541 = arith.constant 0 : i32
      %add3A_2542 = arith.addi %add3A_2540, %add3A_2541 : i32
      %swap3A_2543 = arith.index_cast %add3A_2542 : i32 to index
      %swap3A_2544 = tpu.vector_load %arg9[%swap3A_2543] {strides = array<i32>} : memref<32768xi32, #tpu.memory_space<vmem>>, vector<16xi32>,
      %swap3A_2545 = vector.shape_cast %swap3A_2544 : vector<16xi32> to vector<16xi32>
      %swap3A_2546 = vector.shape_cast %add3A_2536 : vector<16xi32> to vector<16xi32>
      tpu.vector_store %arg9[%swap3A_2543], %swap3A_2546 {strides = array<i32>} : memref<32768xi32, #tpu.memory_space<vmem>>, vector<16xi32>,
      %get3A_2547 = arith.constant 16 : index
      %get3A_2548 = tpu.vector_load %arg8[%get3A_2547] {strides = array<i32>} : memref<128xi32, #tpu.memory_space<vmem>>, vector<16xi32>,
      %get3A_2549 = vector.shape_cast %get3A_2548 : vector<16xi32> to vector<16xi32>
      %add3A_2550 = vector.broadcast %add3A_2531 : i32 to vector<16xi32>
      %add3A_2551 = arith.addi %get3A_2549, %add3A_2550 : vector<16xi32>
      %mul3A_2552 = arith.constant 128 : i32
      %mul3A_2553 = arith.muli %scan3A_2486, %mul3A_2552 : i32
      %add3A_2554 = arith.constant 8192 : i32
      %add3A_2555 = arith.addi %add3A_2554, %mul3A_2553 : i32
      %add3A_2556 = arith.constant 16 : i32
      %add3A_2557 = arith.addi %add3A_2555, %add3A_2556 : i32
      %swap3A_2558 = arith.index_cast %add3A_2557 : i32 to index
      %swap3A_2559 = tpu.vector_load %arg9[%swap3A_2558] {strides = array<i32>} : memref<32768xi32, #tpu.memory_space<vmem>>, vector<16xi32>,
      %swap3A_2560 = vector.shape_cast %swap3A_2559 : vector<16xi32> to vector<16xi32>
      %swap3A_2561 = vector.shape_cast %add3A_2551 : vector<16xi32> to vector<16xi32>
      tpu.vector_store %arg9[%swap3A_2558], %swap3A_2561 {strides = array<i32>} : memref<32768xi32, #tpu.memory_space<vmem>>, vector<16xi32>,
      %get3A_2562 = arith.constant 32 : index
      %get3A_2563 = tpu.vector_load %arg8[%get3A_2562] {strides = array<i32>} : memref<128xi32, #tpu.memory_space<vmem>>, vector<16xi32>,
      %get3A_2564 = vector.shape_cast %get3A_2563 : vector<16xi32> to vector<16xi32>
      %add3A_2565 = vector.broadcast %add3A_2531 : i32 to vector<16xi32>
      %add3A_2566 = arith.addi %get3A_2564, %add3A_2565 : vector<16xi32>
      %mul3A_2567 = arith.constant 128 : i32
      %mul3A_2568 = arith.muli %scan3A_2486, %mul3A_2567 : i32
      %add3A_2569 = arith.constant 8192 : i32
      %add3A_2570 = arith.addi %add3A_2569, %mul3A_2568 : i32
      %add3A_2571 = arith.constant 32 : i32
      %add3A_2572 = arith.addi %add3A_2570, %add3A_2571 : i32
      %swap3A_2573 = arith.index_cast %add3A_2572 : i32 to index
      %swap3A_2574 = tpu.vector_load %arg9[%swap3A_2573] {strides = array<i32>} : memref<32768xi32, #tpu.memory_space<vmem>>, vector<16xi32>,
      %swap3A_2575 = vector.shape_cast %swap3A_2574 : vector<16xi32> to vector<16xi32>
      %swap3A_2576 = vector.shape_cast %add3A_2566 : vector<16xi32> to vector<16xi32>
      tpu.vector_store %arg9[%swap3A_2573], %swap3A_2576 {strides = array<i32>} : memref<32768xi32, #tpu.memory_space<vmem>>, vector<16xi32>,
      %get3A_2577 = arith.constant 48 : index
      %get3A_2578 = tpu.vector_load %arg8[%get3A_2577] {strides = array<i32>} : memref<128xi32, #tpu.memory_space<vmem>>, vector<16xi32>,
      %get3A_2579 = vector.shape_cast %get3A_2578 : vector<16xi32> to vector<16xi32>
      %add3A_2580 = vector.broadcast %add3A_2531 : i32 to vector<16xi32>
      %add3A_2581 = arith.addi %get3A_2579, %add3A_2580 : vector<16xi32>
      %mul3A_2582 = arith.constant 128 : i32
      %mul3A_2583 = arith.muli %scan3A_2486, %mul3A_2582 : i32
      %add3A_2584 = arith.constant 8192 : i32
      %add3A_2585 = arith.addi %add3A_2584, %mul3A_2583 : i32
      %add3A_2586 = arith.constant 48 : i32
      %add3A_2587 = arith.addi %add3A_2585, %add3A_2586 : i32
      %swap3A_2588 = arith.index_cast %add3A_2587 : i32 to index
      %swap3A_2589 = tpu.vector_load %arg9[%swap3A_2588] {strides = array<i32>} : memref<32768xi32, #tpu.memory_space<vmem>>, vector<16xi32>,
      %swap3A_2590 = vector.shape_cast %swap3A_2589 : vector<16xi32> to vector<16xi32>
      %swap3A_2591 = vector.shape_cast %add3A_2581 : vector<16xi32> to vector<16xi32>
      tpu.vector_store %arg9[%swap3A_2588], %swap3A_2591 {strides = array<i32>} : memref<32768xi32, #tpu.memory_space<vmem>>, vector<16xi32>,
      %get3A_2592 = arith.constant 64 : index
      %get3A_2593 = tpu.vector_load %arg8[%get3A_2592] {strides = array<i32>} : memref<128xi32, #tpu.memory_space<vmem>>, vector<16xi32>,
      %get3A_2594 = vector.shape_cast %get3A_2593 : vector<16xi32> to vector<16xi32>
      %add3A_2595 = vector.broadcast %add3A_2531 : i32 to vector<16xi32>
      %add3A_2596 = arith.addi %get3A_2594, %add3A_2595 : vector<16xi32>
      %mul3A_2597 = arith.constant 128 : i32
      %mul3A_2598 = arith.muli %scan3A_2486, %mul3A_2597 : i32
      %add3A_2599 = arith.constant 8192 : i32
      %add3A_2600 = arith.addi %add3A_2599, %mul3A_2598 : i32
      %add3A_2601 = arith.constant 64 : i32
      %add3A_2602 = arith.addi %add3A_2600, %add3A_2601 : i32
      %swap3A_2603 = arith.index_cast %add3A_2602 : i32 to index
      %swap3A_2604 = tpu.vector_load %arg9[%swap3A_2603] {strides = array<i32>} : memref<32768xi32, #tpu.memory_space<vmem>>, vector<16xi32>,
      %swap3A_2605 = vector.shape_cast %swap3A_2604 : vector<16xi32> to vector<16xi32>
      %swap3A_2606 = vector.shape_cast %add3A_2596 : vector<16xi32> to vector<16xi32>
      tpu.vector_store %arg9[%swap3A_2603], %swap3A_2606 {strides = array<i32>} : memref<32768xi32, #tpu.memory_space<vmem>>, vector<16xi32>,
      %get3A_2607 = arith.constant 80 : index
      %get3A_2608 = tpu.vector_load %arg8[%get3A_2607] {strides = array<i32>} : memref<128xi32, #tpu.memory_space<vmem>>, vector<16xi32>,
      %get3A_2609 = vector.shape_cast %get3A_2608 : vector<16xi32> to vector<16xi32>
      %add3A_2610 = vector.broadcast %add3A_2531 : i32 to vector<16xi32>
      %add3A_2611 = arith.addi %get3A_2609, %add3A_2610 : vector<16xi32>
      %mul3A_2612 = arith.constant 128 : i32
      %mul3A_2613 = arith.muli %scan3A_2486, %mul3A_2612 : i32
      %add3A_2614 = arith.constant 8192 : i32
      %add3A_2615 = arith.addi %add3A_2614, %mul3A_2613 : i32
      %add3A_2616 = arith.constant 80 : i32
      %add3A_2617 = arith.addi %add3A_2615, %add3A_2616 : i32
      %swap3A_2618 = arith.index_cast %add3A_2617 : i32 to index
      %swap3A_2619 = tpu.vector_load %arg9[%swap3A_2618] {strides = array<i32>} : memref<32768xi32, #tpu.memory_space<vmem>>, vector<16xi32>,
      %swap3A_2620 = vector.shape_cast %swap3A_2619 : vector<16xi32> to vector<16xi32>
      %swap3A_2621 = vector.shape_cast %add3A_2611 : vector<16xi32> to vector<16xi32>
      tpu.vector_store %arg9[%swap3A_2618], %swap3A_2621 {strides = array<i32>} : memref<32768xi32, #tpu.memory_space<vmem>>, vector<16xi32>,
      %get3A_2622 = arith.constant 96 : index
      %get3A_2623 = tpu.vector_load %arg8[%get3A_2622] {strides = array<i32>} : memref<128xi32, #tpu.memory_space<vmem>>, vector<16xi32>,
      %get3A_2624 = vector.shape_cast %get3A_2623 : vector<16xi32> to vector<16xi32>
      %add3A_2625 = vector.broadcast %add3A_2531 : i32 to vector<16xi32>
      %add3A_2626 = arith.addi %get3A_2624, %add3A_2625 : vector<16xi32>
      %mul3A_2627 = arith.constant 128 : i32
      %mul3A_2628 = arith.muli %scan3A_2486, %mul3A_2627 : i32
      %add3A_2629 = arith.constant 8192 : i32
      %add3A_2630 = arith.addi %add3A_2629, %mul3A_2628 : i32
      %add3A_2631 = arith.constant 96 : i32
      %add3A_2632 = arith.addi %add3A_2630, %add3A_2631 : i32
      %swap3A_2633 = arith.index_cast %add3A_2632 : i32 to index
      %swap3A_2634 = tpu.vector_load %arg9[%swap3A_2633] {strides = array<i32>} : memref<32768xi32, #tpu.memory_space<vmem>>, vector<16xi32>,
      %swap3A_2635 = vector.shape_cast %swap3A_2634 : vector<16xi32> to vector<16xi32>
      %swap3A_2636 = vector.shape_cast %add3A_2626 : vector<16xi32> to vector<16xi32>
      tpu.vector_store %arg9[%swap3A_2633], %swap3A_2636 {strides = array<i32>} : memref<32768xi32, #tpu.memory_space<vmem>>, vector<16xi32>,
      %get3A_2637 = arith.constant 112 : index
      %get3A_2638 = tpu.vector_load %arg8[%get3A_2637] {strides = array<i32>} : memref<128xi32, #tpu.memory_space<vmem>>, vector<16xi32>,
      %get3A_2639 = vector.shape_cast %get3A_2638 : vector<16xi32> to vector<16xi32>
      %add3A_2640 = vector.broadcast %add3A_2531 : i32 to vector<16xi32>
      %add3A_2641 = arith.addi %get3A_2639, %add3A_2640 : vector<16xi32>
      %mul3A_2642 = arith.constant 128 : i32
      %mul3A_2643 = arith.muli %scan3A_2486, %mul3A_2642 : i32
      %add3A_2644 = arith.constant 8192 : i32
      %add3A_2645 = arith.addi %add3A_2644, %mul3A_2643 : i32
      %add3A_2646 = arith.constant 112 : i32
      %add3A_2647 = arith.addi %add3A_2645, %add3A_2646 : i32
      %swap3A_2648 = arith.index_cast %add3A_2647 : i32 to index
      %swap3A_2649 = tpu.vector_load %arg9[%swap3A_2648] {strides = array<i32>} : memref<32768xi32, #tpu.memory_space<vmem>>, vector<16xi32>,
      %swap3A_2650 = vector.shape_cast %swap3A_2649 : vector<16xi32> to vector<16xi32>
      %swap3A_2651 = vector.shape_cast %add3A_2641 : vector<16xi32> to vector<16xi32>
      tpu.vector_store %arg9[%swap3A_2648], %swap3A_2651 {strides = array<i32>} : memref<32768xi32, #tpu.memory_space<vmem>>, vector<16xi32>,
    }
    %scan3A_376 = arith.constant 64 : i32
    %dma_start3A_377 = arith.constant 8192 : i32
    %dma_start3A_378 = tpu.memref_slice %arg10[%dma_start3A_377] : memref<32768xf32, #tpu.memory_space<vmem>> -> memref<4096xf32, #tpu.memory_space<vmem>>
    %dma_start3A_379 = arith.constant 8192 : i32
    %dma_start3A_380 = tpu.memref_slice %arg9[%dma_start3A_379] : memref<32768xi32, #tpu.memory_space<vmem>> -> memref<4096xi32, #tpu.memory_space<vmem>>
    %dma_start3A_381 = arith.constant 0 : i32
    %dma_start3A_382 = tpu.memref_slice %arg2[%dma_start3A_381] : memref<8388608xf32, #tpu.memory_space<hbm>> -> memref<8388608xf32, #tpu.memory_space<hbm>>
    tpu.enqueue_indirect_dma source(%dma_start3A_382 : memref<8388608xf32, #tpu.memory_space<hbm>>) target(%dma_start3A_378 : memref<4096xf32, #tpu.memory_space<vmem>>) offsets(%dma_start3A_380 : memref<4096xi32, #tpu.memory_space<vmem>>) semaphore(%arg13 : memref<!tpu.dma_semaphore, #tpu.memory_space<semaphore_mem>>)
    %dma_start3A_383 = arith.constant 8192 : i32
    %dma_start3A_384 = tpu.memref_slice %arg11[%dma_start3A_383] : memref<32768xf32, #tpu.memory_space<vmem>> -> memref<4096xf32, #tpu.memory_space<vmem>>
    %dma_start3A_385 = arith.constant 8192 : i32
    %dma_start3A_386 = tpu.memref_slice %arg9[%dma_start3A_385] : memref<32768xi32, #tpu.memory_space<vmem>> -> memref<4096xi32, #tpu.memory_space<vmem>>
    %dma_start3A_387 = arith.constant 0 : i32
    %dma_start3A_388 = tpu.memref_slice %arg3[%dma_start3A_387] : memref<8388608xf32, #tpu.memory_space<hbm>> -> memref<8388608xf32, #tpu.memory_space<hbm>>
    tpu.enqueue_indirect_dma source(%dma_start3A_388 : memref<8388608xf32, #tpu.memory_space<hbm>>) target(%dma_start3A_384 : memref<4096xf32, #tpu.memory_space<vmem>>) offsets(%dma_start3A_386 : memref<4096xi32, #tpu.memory_space<vmem>>) semaphore(%arg13 : memref<!tpu.dma_semaphore, #tpu.memory_space<semaphore_mem>>)
    %dma_start3A_389 = arith.constant 12288 : i32
    %dma_start3A_390 = tpu.memref_slice %arg10[%dma_start3A_389] : memref<32768xf32, #tpu.memory_space<vmem>> -> memref<4096xf32, #tpu.memory_space<vmem>>
    %dma_start3A_391 = arith.constant 12288 : i32
    %dma_start3A_392 = tpu.memref_slice %arg9[%dma_start3A_391] : memref<32768xi32, #tpu.memory_space<vmem>> -> memref<4096xi32, #tpu.memory_space<vmem>>
    %dma_start3A_393 = arith.constant 0 : i32
    %dma_start3A_394 = tpu.memref_slice %arg2[%dma_start3A_393] : memref<8388608xf32, #tpu.memory_space<hbm>> -> memref<8388608xf32, #tpu.memory_space<hbm>>
    tpu.enqueue_indirect_dma source(%dma_start3A_394 : memref<8388608xf32, #tpu.memory_space<hbm>>) target(%dma_start3A_390 : memref<4096xf32, #tpu.memory_space<vmem>>) offsets(%dma_start3A_392 : memref<4096xi32, #tpu.memory_space<vmem>>) semaphore(%arg13 : memref<!tpu.dma_semaphore, #tpu.memory_space<semaphore_mem>>)
    %dma_start3A_395 = arith.constant 12288 : i32
    %dma_start3A_396 = tpu.memref_slice %arg11[%dma_start3A_395] : memref<32768xf32, #tpu.memory_space<vmem>> -> memref<4096xf32, #tpu.memory_space<vmem>>
    %dma_start3A_397 = arith.constant 12288 : i32
    %dma_start3A_398 = tpu.memref_slice %arg9[%dma_start3A_397] : memref<32768xi32, #tpu.memory_space<vmem>> -> memref<4096xi32, #tpu.memory_space<vmem>>
    %dma_start3A_399 = arith.constant 0 : i32
    %dma_start3A_400 = tpu.memref_slice %arg3[%dma_start3A_399] : memref<8388608xf32, #tpu.memory_space<hbm>> -> memref<8388608xf32, #tpu.memory_space<hbm>>
    tpu.enqueue_indirect_dma source(%dma_start3A_400 : memref<8388608xf32, #tpu.memory_space<hbm>>) target(%dma_start3A_396 : memref<4096xf32, #tpu.memory_space<vmem>>) offsets(%dma_start3A_398 : memref<4096xi32, #tpu.memory_space<vmem>>) semaphore(%arg13 : memref<!tpu.dma_semaphore, #tpu.memory_space<semaphore_mem>>)
    %add3A_401 = arith.constant 2 : i32
    %add3A_402 = arith.addi %mul3A_2, %add3A_401 : i32
    %jit3A_403 = arith.constant 32 : i32
    %div3A_404 = arith.divsi %add3A_402, %jit3A_403 : i32
    %sign3A_405 = arith.constant 0 : i32
    %sign3A_406 = arith.cmpi sgt, %add3A_402, %sign3A_405 : i32
    %sign3A_407 = arith.extui %sign3A_406 : i1 to i32
    %sign3A_408 = arith.constant 0 : i32
    %sign3A_409 = arith.cmpi slt, %add3A_402, %sign3A_408 : i32
    %sign3A_410 = arith.extui %sign3A_409 : i1 to i32
    %sign3A_411 = arith.subi %sign3A_407, %sign3A_410 : i32
    %sign3A_412 = arith.constant 0 : i32
    %sign3A_413 = arith.cmpi sgt, %jit3A_403, %sign3A_412 : i32
    %sign3A_414 = arith.extui %sign3A_413 : i1 to i32
    %sign3A_415 = arith.constant 0 : i32
    %sign3A_416 = arith.cmpi slt, %jit3A_403, %sign3A_415 : i32
    %sign3A_417 = arith.extui %sign3A_416 : i1 to i32
    %sign3A_418 = arith.subi %sign3A_414, %sign3A_417 : i32
    %ne3A_419 = arith.cmpi ne, %sign3A_411, %sign3A_418 : i32
    %rem3A_420 = arith.remsi %add3A_402, %jit3A_403 : i32
    %ne3A_421 = arith.constant 0 : i32
    %ne3A_422 = arith.cmpi ne, %rem3A_420, %ne3A_421 : i32
    %and3A_423 = arith.andi %ne3A_419, %ne3A_422 : i1
    %sub3A_424 = arith.constant 1 : i32
    %sub3A_425 = arith.subi %div3A_404, %sub3A_424 : i32
    %select_n3A_426 = arith.select %and3A_423, %sub3A_425, %div3A_404 : i32
    %jit3A_427 = arith.constant 32 : i32
    %eq3A_428 = arith.constant 0 : i32
    %eq3A_429 = arith.cmpi eq, %jit3A_427, %eq3A_428 : i32
    %jit3A_430 = arith.constant 1 : i32
    %select_n3A_431 = arith.select %eq3A_429, %jit3A_430, %jit3A_427 : i32
    %rem3A_432 = arith.remsi %add3A_402, %select_n3A_431 : i32
    %ne3A_433 = arith.constant 0 : i32
    %ne3A_434 = arith.cmpi ne, %rem3A_432, %ne3A_433 : i32
    %lt3A_435 = arith.constant 0 : i32
    %lt3A_436 = arith.cmpi slt, %rem3A_432, %lt3A_435 : i32
    %lt3A_437 = arith.constant 0 : i32
    %lt3A_438 = arith.cmpi slt, %select_n3A_431, %lt3A_437 : i32
    %ne3A_439 = arith.xori %lt3A_436, %lt3A_438 : i1
    %and3A_440 = arith.andi %ne3A_439, %ne3A_434 : i1
    %add3A_441 = arith.addi %rem3A_432, %select_n3A_431 : i32
    %select_n3A_442 = arith.select %and3A_440, %add3A_441, %rem3A_432 : i32
    "tpu.region"() ({
      %run_scoped3A = tpu.sem_alloc : memref<!tpu.dma_semaphore, #tpu.memory_space<semaphore_mem>>
      %dma_start3A_2486 = arith.constant 0 : i32
      %dma_start3A_2487 = tpu.memref_slice %arg4[%select_n3A_442, %select_n3A_426, %dma_start3A_2486] : memref<32x4x128xi32, #tpu.memory_space<hbm>> -> memref<1x1x128xi32, #tpu.memory_space<hbm>>
      %dma_start3A_2488 = tpu.memref_squeeze %dma_start3A_2487 : memref<1x1x128xi32, #tpu.memory_space<hbm>> -> memref<128xi32, #tpu.memory_space<hbm>>
      %dma_start3A_2489 = arith.constant 0 : i32
      %dma_start3A_2490 = tpu.memref_slice %arg4[%select_n3A_442, %select_n3A_426, %dma_start3A_2489] : memref<32x4x128xi32, #tpu.memory_space<hbm>> -> memref<1x1x128xi32, #tpu.memory_space<hbm>>
      %dma_start3A_2491 = tpu.memref_squeeze %dma_start3A_2490 : memref<1x1x128xi32, #tpu.memory_space<hbm>> -> memref<128xi32, #tpu.memory_space<hbm>>
      tpu.enqueue_dma source(%dma_start3A_2491 : memref<128xi32, #tpu.memory_space<hbm>>) target(%arg7 : memref<128xi32, #tpu.memory_space<vmem>>) target_semaphore(%run_scoped3A : memref<!tpu.dma_semaphore, #tpu.memory_space<semaphore_mem>>)
      %dma_wait3A_2492 = arith.constant 0 : i32
      %dma_wait3A_2493 = tpu.memref_slice %arg4[%select_n3A_442, %select_n3A_426, %dma_wait3A_2492] : memref<32x4x128xi32, #tpu.memory_space<hbm>> -> memref<1x1x128xi32, #tpu.memory_space<hbm>>
      %dma_wait3A_2494 = tpu.memref_squeeze %dma_wait3A_2493 : memref<1x1x128xi32, #tpu.memory_space<hbm>> -> memref<128xi32, #tpu.memory_space<hbm>>
      %dma_wait3A_2495 = arith.constant 0 : i32
      %dma_wait3A_2496 = tpu.memref_slice %arg4[%select_n3A_442, %select_n3A_426, %dma_wait3A_2495] : memref<32x4x128xi32, #tpu.memory_space<hbm>> -> memref<1x1x128xi32, #tpu.memory_space<hbm>>
      %dma_wait3A_2497 = tpu.memref_squeeze %dma_wait3A_2496 : memref<1x1x128xi32, #tpu.memory_space<hbm>> -> memref<128xi32, #tpu.memory_space<hbm>>
      tpu.wait_dma2 semaphore(%run_scoped3A : memref<!tpu.dma_semaphore, #tpu.memory_space<semaphore_mem>>) src(%dma_wait3A_2497 : memref<128xi32, #tpu.memory_space<hbm>>) dst(%arg7 : memref<128xi32, #tpu.memory_space<vmem>>)
      tpu.yield
    }) : () -> ()
    %get3A_443 = arith.constant 0 : index
    %get3A_444 = tpu.vector_load %arg7[%get3A_443] {strides = array<i32>} : memref<128xi32, #tpu.memory_space<vmem>>, vector<16xi32>,
    %get3A_445 = vector.shape_cast %get3A_444 : vector<16xi32> to vector<16xi32>
    %shift_right_arithmetic3A_446 = arith.constant 7 : i32
    %shift_right_arithmetic3A_447 = vector.broadcast %shift_right_arithmetic3A_446 : i32 to vector<16xi32>
    %shift_right_arithmetic3A_448 = arith.shrsi %get3A_445, %shift_right_arithmetic3A_447 : vector<16xi32>
    %shift_left3A_449 = arith.constant 10 : i32
    %shift_left3A_450 = vector.broadcast %shift_left3A_449 : i32 to vector<16xi32>
    %shift_left3A_451 = arith.shli %shift_right_arithmetic3A_448, %shift_left3A_450 : vector<16xi32>
    %and3A_452 = arith.constant 127 : i32
    %and3A_453 = vector.broadcast %and3A_452 : i32 to vector<16xi32>
    %and3A_454 = arith.andi %get3A_445, %and3A_453 : vector<16xi32>
    %add3A_455 = arith.addi %shift_left3A_451, %and3A_454 : vector<16xi32>
    %swap3A_456 = arith.constant 0 : index
    %swap3A_457 = tpu.vector_load %arg8[%swap3A_456] {strides = array<i32>} : memref<128xi32, #tpu.memory_space<vmem>>, vector<16xi32>,
    %swap3A_458 = vector.shape_cast %swap3A_457 : vector<16xi32> to vector<16xi32>
    %swap3A_459 = vector.shape_cast %add3A_455 : vector<16xi32> to vector<16xi32>
    tpu.vector_store %arg8[%swap3A_456], %swap3A_459 {strides = array<i32>} : memref<128xi32, #tpu.memory_space<vmem>>, vector<16xi32>,
    %get3A_460 = arith.constant 16 : index
    %get3A_461 = tpu.vector_load %arg7[%get3A_460] {strides = array<i32>} : memref<128xi32, #tpu.memory_space<vmem>>, vector<16xi32>,
    %get3A_462 = vector.shape_cast %get3A_461 : vector<16xi32> to vector<16xi32>
    %shift_right_arithmetic3A_463 = arith.constant 7 : i32
    %shift_right_arithmetic3A_464 = vector.broadcast %shift_right_arithmetic3A_463 : i32 to vector<16xi32>
    %shift_right_arithmetic3A_465 = arith.shrsi %get3A_462, %shift_right_arithmetic3A_464 : vector<16xi32>
    %shift_left3A_466 = arith.constant 10 : i32
    %shift_left3A_467 = vector.broadcast %shift_left3A_466 : i32 to vector<16xi32>
    %shift_left3A_468 = arith.shli %shift_right_arithmetic3A_465, %shift_left3A_467 : vector<16xi32>
    %and3A_469 = arith.constant 127 : i32
    %and3A_470 = vector.broadcast %and3A_469 : i32 to vector<16xi32>
    %and3A_471 = arith.andi %get3A_462, %and3A_470 : vector<16xi32>
    %add3A_472 = arith.addi %shift_left3A_468, %and3A_471 : vector<16xi32>
    %swap3A_473 = arith.constant 16 : index
    %swap3A_474 = tpu.vector_load %arg8[%swap3A_473] {strides = array<i32>} : memref<128xi32, #tpu.memory_space<vmem>>, vector<16xi32>,
    %swap3A_475 = vector.shape_cast %swap3A_474 : vector<16xi32> to vector<16xi32>
    %swap3A_476 = vector.shape_cast %add3A_472 : vector<16xi32> to vector<16xi32>
    tpu.vector_store %arg8[%swap3A_473], %swap3A_476 {strides = array<i32>} : memref<128xi32, #tpu.memory_space<vmem>>, vector<16xi32>,
    %get3A_477 = arith.constant 32 : index
    %get3A_478 = tpu.vector_load %arg7[%get3A_477] {strides = array<i32>} : memref<128xi32, #tpu.memory_space<vmem>>, vector<16xi32>,
    %get3A_479 = vector.shape_cast %get3A_478 : vector<16xi32> to vector<16xi32>
    %shift_right_arithmetic3A_480 = arith.constant 7 : i32
    %shift_right_arithmetic3A_481 = vector.broadcast %shift_right_arithmetic3A_480 : i32 to vector<16xi32>
    %shift_right_arithmetic3A_482 = arith.shrsi %get3A_479, %shift_right_arithmetic3A_481 : vector<16xi32>
    %shift_left3A_483 = arith.constant 10 : i32
    %shift_left3A_484 = vector.broadcast %shift_left3A_483 : i32 to vector<16xi32>
    %shift_left3A_485 = arith.shli %shift_right_arithmetic3A_482, %shift_left3A_484 : vector<16xi32>
    %and3A_486 = arith.constant 127 : i32
    %and3A_487 = vector.broadcast %and3A_486 : i32 to vector<16xi32>
    %and3A_488 = arith.andi %get3A_479, %and3A_487 : vector<16xi32>
    %add3A_489 = arith.addi %shift_left3A_485, %and3A_488 : vector<16xi32>
    %swap3A_490 = arith.constant 32 : index
    %swap3A_491 = tpu.vector_load %arg8[%swap3A_490] {strides = array<i32>} : memref<128xi32, #tpu.memory_space<vmem>>, vector<16xi32>,
    %swap3A_492 = vector.shape_cast %swap3A_491 : vector<16xi32> to vector<16xi32>
    %swap3A_493 = vector.shape_cast %add3A_489 : vector<16xi32> to vector<16xi32>
    tpu.vector_store %arg8[%swap3A_490], %swap3A_493 {strides = array<i32>} : memref<128xi32, #tpu.memory_space<vmem>>, vector<16xi32>,
    %get3A_494 = arith.constant 48 : index
    %get3A_495 = tpu.vector_load %arg7[%get3A_494] {strides = array<i32>} : memref<128xi32, #tpu.memory_space<vmem>>, vector<16xi32>,
    %get3A_496 = vector.shape_cast %get3A_495 : vector<16xi32> to vector<16xi32>
    %shift_right_arithmetic3A_497 = arith.constant 7 : i32
    %shift_right_arithmetic3A_498 = vector.broadcast %shift_right_arithmetic3A_497 : i32 to vector<16xi32>
    %shift_right_arithmetic3A_499 = arith.shrsi %get3A_496, %shift_right_arithmetic3A_498 : vector<16xi32>
    %shift_left3A_500 = arith.constant 10 : i32
    %shift_left3A_501 = vector.broadcast %shift_left3A_500 : i32 to vector<16xi32>
    %shift_left3A_502 = arith.shli %shift_right_arithmetic3A_499, %shift_left3A_501 : vector<16xi32>
    %and3A_503 = arith.constant 127 : i32
    %and3A_504 = vector.broadcast %and3A_503 : i32 to vector<16xi32>
    %and3A_505 = arith.andi %get3A_496, %and3A_504 : vector<16xi32>
    %add3A_506 = arith.addi %shift_left3A_502, %and3A_505 : vector<16xi32>
    %swap3A_507 = arith.constant 48 : index
    %swap3A_508 = tpu.vector_load %arg8[%swap3A_507] {strides = array<i32>} : memref<128xi32, #tpu.memory_space<vmem>>, vector<16xi32>,
    %swap3A_509 = vector.shape_cast %swap3A_508 : vector<16xi32> to vector<16xi32>
    %swap3A_510 = vector.shape_cast %add3A_506 : vector<16xi32> to vector<16xi32>
    tpu.vector_store %arg8[%swap3A_507], %swap3A_510 {strides = array<i32>} : memref<128xi32, #tpu.memory_space<vmem>>, vector<16xi32>,
    %get3A_511 = arith.constant 64 : index
    %get3A_512 = tpu.vector_load %arg7[%get3A_511] {strides = array<i32>} : memref<128xi32, #tpu.memory_space<vmem>>, vector<16xi32>,
    %get3A_513 = vector.shape_cast %get3A_512 : vector<16xi32> to vector<16xi32>
    %shift_right_arithmetic3A_514 = arith.constant 7 : i32
    %shift_right_arithmetic3A_515 = vector.broadcast %shift_right_arithmetic3A_514 : i32 to vector<16xi32>
    %shift_right_arithmetic3A_516 = arith.shrsi %get3A_513, %shift_right_arithmetic3A_515 : vector<16xi32>
    %shift_left3A_517 = arith.constant 10 : i32
    %shift_left3A_518 = vector.broadcast %shift_left3A_517 : i32 to vector<16xi32>
    %shift_left3A_519 = arith.shli %shift_right_arithmetic3A_516, %shift_left3A_518 : vector<16xi32>
    %and3A_520 = arith.constant 127 : i32
    %and3A_521 = vector.broadcast %and3A_520 : i32 to vector<16xi32>
    %and3A_522 = arith.andi %get3A_513, %and3A_521 : vector<16xi32>
    %add3A_523 = arith.addi %shift_left3A_519, %and3A_522 : vector<16xi32>
    %swap3A_524 = arith.constant 64 : index
    %swap3A_525 = tpu.vector_load %arg8[%swap3A_524] {strides = array<i32>} : memref<128xi32, #tpu.memory_space<vmem>>, vector<16xi32>,
    %swap3A_526 = vector.shape_cast %swap3A_525 : vector<16xi32> to vector<16xi32>
    %swap3A_527 = vector.shape_cast %add3A_523 : vector<16xi32> to vector<16xi32>
    tpu.vector_store %arg8[%swap3A_524], %swap3A_527 {strides = array<i32>} : memref<128xi32, #tpu.memory_space<vmem>>, vector<16xi32>,
    %get3A_528 = arith.constant 80 : index
    %get3A_529 = tpu.vector_load %arg7[%get3A_528] {strides = array<i32>} : memref<128xi32, #tpu.memory_space<vmem>>, vector<16xi32>,
    %get3A_530 = vector.shape_cast %get3A_529 : vector<16xi32> to vector<16xi32>
    %shift_right_arithmetic3A_531 = arith.constant 7 : i32
    %shift_right_arithmetic3A_532 = vector.broadcast %shift_right_arithmetic3A_531 : i32 to vector<16xi32>
    %shift_right_arithmetic3A_533 = arith.shrsi %get3A_530, %shift_right_arithmetic3A_532 : vector<16xi32>
    %shift_left3A_534 = arith.constant 10 : i32
    %shift_left3A_535 = vector.broadcast %shift_left3A_534 : i32 to vector<16xi32>
    %shift_left3A_536 = arith.shli %shift_right_arithmetic3A_533, %shift_left3A_535 : vector<16xi32>
    %and3A_537 = arith.constant 127 : i32
    %and3A_538 = vector.broadcast %and3A_537 : i32 to vector<16xi32>
    %and3A_539 = arith.andi %get3A_530, %and3A_538 : vector<16xi32>
    %add3A_540 = arith.addi %shift_left3A_536, %and3A_539 : vector<16xi32>
    %swap3A_541 = arith.constant 80 : index
    %swap3A_542 = tpu.vector_load %arg8[%swap3A_541] {strides = array<i32>} : memref<128xi32, #tpu.memory_space<vmem>>, vector<16xi32>,
    %swap3A_543 = vector.shape_cast %swap3A_542 : vector<16xi32> to vector<16xi32>
    %swap3A_544 = vector.shape_cast %add3A_540 : vector<16xi32> to vector<16xi32>
    tpu.vector_store %arg8[%swap3A_541], %swap3A_544 {strides = array<i32>} : memref<128xi32, #tpu.memory_space<vmem>>, vector<16xi32>,
    %get3A_545 = arith.constant 96 : index
    %get3A_546 = tpu.vector_load %arg7[%get3A_545] {strides = array<i32>} : memref<128xi32, #tpu.memory_space<vmem>>, vector<16xi32>,
    %get3A_547 = vector.shape_cast %get3A_546 : vector<16xi32> to vector<16xi32>
    %shift_right_arithmetic3A_548 = arith.constant 7 : i32
    %shift_right_arithmetic3A_549 = vector.broadcast %shift_right_arithmetic3A_548 : i32 to vector<16xi32>
    %shift_right_arithmetic3A_550 = arith.shrsi %get3A_547, %shift_right_arithmetic3A_549 : vector<16xi32>
    %shift_left3A_551 = arith.constant 10 : i32
    %shift_left3A_552 = vector.broadcast %shift_left3A_551 : i32 to vector<16xi32>
    %shift_left3A_553 = arith.shli %shift_right_arithmetic3A_550, %shift_left3A_552 : vector<16xi32>
    %and3A_554 = arith.constant 127 : i32
    %and3A_555 = vector.broadcast %and3A_554 : i32 to vector<16xi32>
    %and3A_556 = arith.andi %get3A_547, %and3A_555 : vector<16xi32>
    %add3A_557 = arith.addi %shift_left3A_553, %and3A_556 : vector<16xi32>
    %swap3A_558 = arith.constant 96 : index
    %swap3A_559 = tpu.vector_load %arg8[%swap3A_558] {strides = array<i32>} : memref<128xi32, #tpu.memory_space<vmem>>, vector<16xi32>,
    %swap3A_560 = vector.shape_cast %swap3A_559 : vector<16xi32> to vector<16xi32>
    %swap3A_561 = vector.shape_cast %add3A_557 : vector<16xi32> to vector<16xi32>
    tpu.vector_store %arg8[%swap3A_558], %swap3A_561 {strides = array<i32>} : memref<128xi32, #tpu.memory_space<vmem>>, vector<16xi32>,
    %get3A_562 = arith.constant 112 : index
    %get3A_563 = tpu.vector_load %arg7[%get3A_562] {strides = array<i32>} : memref<128xi32, #tpu.memory_space<vmem>>, vector<16xi32>,
    %get3A_564 = vector.shape_cast %get3A_563 : vector<16xi32> to vector<16xi32>
    %shift_right_arithmetic3A_565 = arith.constant 7 : i32
    %shift_right_arithmetic3A_566 = vector.broadcast %shift_right_arithmetic3A_565 : i32 to vector<16xi32>
    %shift_right_arithmetic3A_567 = arith.shrsi %get3A_564, %shift_right_arithmetic3A_566 : vector<16xi32>
    %shift_left3A_568 = arith.constant 10 : i32
    %shift_left3A_569 = vector.broadcast %shift_left3A_568 : i32 to vector<16xi32>
    %shift_left3A_570 = arith.shli %shift_right_arithmetic3A_567, %shift_left3A_569 : vector<16xi32>
    %and3A_571 = arith.constant 127 : i32
    %and3A_572 = vector.broadcast %and3A_571 : i32 to vector<16xi32>
    %and3A_573 = arith.andi %get3A_564, %and3A_572 : vector<16xi32>
    %add3A_574 = arith.addi %shift_left3A_570, %and3A_573 : vector<16xi32>
    %swap3A_575 = arith.constant 112 : index
    %swap3A_576 = tpu.vector_load %arg8[%swap3A_575] {strides = array<i32>} : memref<128xi32, #tpu.memory_space<vmem>>, vector<16xi32>,
    %swap3A_577 = vector.shape_cast %swap3A_576 : vector<16xi32> to vector<16xi32>
    %swap3A_578 = vector.shape_cast %add3A_574 : vector<16xi32> to vector<16xi32>
    tpu.vector_store %arg8[%swap3A_575], %swap3A_578 {strides = array<i32>} : memref<128xi32, #tpu.memory_space<vmem>>, vector<16xi32>,
    %scan3A_579 = arith.constant 0 : i32
    %scan3A_580 = arith.constant 64 : i32
    %scan3A_581 = arith.addi %scan3A_579, %scan3A_580 : i32
    %scan3A_582 = arith.constant 1 : i32
    scf.for %scan3A_2486 = %scan3A_579 to %scan3A_581 step %scan3A_582  : i32 {
      %jit3A_2487 = arith.constant 8 : i32
      %div3A_2488 = arith.divsi %scan3A_2486, %jit3A_2487 : i32
      %sign3A_2489 = arith.constant 0 : i32
      %sign3A_2490 = arith.cmpi sgt, %scan3A_2486, %sign3A_2489 : i32
      %sign3A_2491 = arith.extui %sign3A_2490 : i1 to i32
      %sign3A_2492 = arith.constant 0 : i32
      %sign3A_2493 = arith.cmpi slt, %scan3A_2486, %sign3A_2492 : i32
      %sign3A_2494 = arith.extui %sign3A_2493 : i1 to i32
      %sign3A_2495 = arith.subi %sign3A_2491, %sign3A_2494 : i32
      %sign3A_2496 = arith.constant 0 : i32
      %sign3A_2497 = arith.cmpi sgt, %jit3A_2487, %sign3A_2496 : i32
      %sign3A_2498 = arith.extui %sign3A_2497 : i1 to i32
      %sign3A_2499 = arith.constant 0 : i32
      %sign3A_2500 = arith.cmpi slt, %jit3A_2487, %sign3A_2499 : i32
      %sign3A_2501 = arith.extui %sign3A_2500 : i1 to i32
      %sign3A_2502 = arith.subi %sign3A_2498, %sign3A_2501 : i32
      %ne3A_2503 = arith.cmpi ne, %sign3A_2495, %sign3A_2502 : i32
      %rem3A_2504 = arith.remsi %scan3A_2486, %jit3A_2487 : i32
      %ne3A_2505 = arith.constant 0 : i32
      %ne3A_2506 = arith.cmpi ne, %rem3A_2504, %ne3A_2505 : i32
      %and3A_2507 = arith.andi %ne3A_2503, %ne3A_2506 : i1
      %sub3A_2508 = arith.constant 1 : i32
      %sub3A_2509 = arith.subi %div3A_2488, %sub3A_2508 : i32
      %select_n3A_2510 = arith.select %and3A_2507, %sub3A_2509, %div3A_2488 : i32
      %mul3A_2511 = arith.constant 1048576 : i32
      %mul3A_2512 = arith.muli %select_n3A_2510, %mul3A_2511 : i32
      %jit3A_2513 = arith.constant 8 : i32
      %eq3A_2514 = arith.constant 0 : i32
      %eq3A_2515 = arith.cmpi eq, %jit3A_2513, %eq3A_2514 : i32
      %jit3A_2516 = arith.constant 1 : i32
      %select_n3A_2517 = arith.select %eq3A_2515, %jit3A_2516, %jit3A_2513 : i32
      %rem3A_2518 = arith.remsi %scan3A_2486, %select_n3A_2517 : i32
      %ne3A_2519 = arith.constant 0 : i32
      %ne3A_2520 = arith.cmpi ne, %rem3A_2518, %ne3A_2519 : i32
      %lt3A_2521 = arith.constant 0 : i32
      %lt3A_2522 = arith.cmpi slt, %rem3A_2518, %lt3A_2521 : i32
      %lt3A_2523 = arith.constant 0 : i32
      %lt3A_2524 = arith.cmpi slt, %select_n3A_2517, %lt3A_2523 : i32
      %ne3A_2525 = arith.xori %lt3A_2522, %lt3A_2524 : i1
      %and3A_2526 = arith.andi %ne3A_2525, %ne3A_2520 : i1
      %add3A_2527 = arith.addi %rem3A_2518, %select_n3A_2517 : i32
      %select_n3A_2528 = arith.select %and3A_2526, %add3A_2527, %rem3A_2518 : i32
      %mul3A_2529 = arith.constant 128 : i32
      %mul3A_2530 = arith.muli %select_n3A_2528, %mul3A_2529 : i32
      %add3A_2531 = arith.addi %mul3A_2512, %mul3A_2530 : i32
      %get3A_2532 = arith.constant 0 : index
      %get3A_2533 = tpu.vector_load %arg8[%get3A_2532] {strides = array<i32>} : memref<128xi32, #tpu.memory_space<vmem>>, vector<16xi32>,
      %get3A_2534 = vector.shape_cast %get3A_2533 : vector<16xi32> to vector<16xi32>
      %add3A_2535 = vector.broadcast %add3A_2531 : i32 to vector<16xi32>
      %add3A_2536 = arith.addi %get3A_2534, %add3A_2535 : vector<16xi32>
      %mul3A_2537 = arith.constant 128 : i32
      %mul3A_2538 = arith.muli %scan3A_2486, %mul3A_2537 : i32
      %add3A_2539 = arith.constant 16384 : i32
      %add3A_2540 = arith.addi %add3A_2539, %mul3A_2538 : i32
      %add3A_2541 = arith.constant 0 : i32
      %add3A_2542 = arith.addi %add3A_2540, %add3A_2541 : i32
      %swap3A_2543 = arith.index_cast %add3A_2542 : i32 to index
      %swap3A_2544 = tpu.vector_load %arg9[%swap3A_2543] {strides = array<i32>} : memref<32768xi32, #tpu.memory_space<vmem>>, vector<16xi32>,
      %swap3A_2545 = vector.shape_cast %swap3A_2544 : vector<16xi32> to vector<16xi32>
      %swap3A_2546 = vector.shape_cast %add3A_2536 : vector<16xi32> to vector<16xi32>
      tpu.vector_store %arg9[%swap3A_2543], %swap3A_2546 {strides = array<i32>} : memref<32768xi32, #tpu.memory_space<vmem>>, vector<16xi32>,
      %get3A_2547 = arith.constant 16 : index
      %get3A_2548 = tpu.vector_load %arg8[%get3A_2547] {strides = array<i32>} : memref<128xi32, #tpu.memory_space<vmem>>, vector<16xi32>,
      %get3A_2549 = vector.shape_cast %get3A_2548 : vector<16xi32> to vector<16xi32>
      %add3A_2550 = vector.broadcast %add3A_2531 : i32 to vector<16xi32>
      %add3A_2551 = arith.addi %get3A_2549, %add3A_2550 : vector<16xi32>
      %mul3A_2552 = arith.constant 128 : i32
      %mul3A_2553 = arith.muli %scan3A_2486, %mul3A_2552 : i32
      %add3A_2554 = arith.constant 16384 : i32
      %add3A_2555 = arith.addi %add3A_2554, %mul3A_2553 : i32
      %add3A_2556 = arith.constant 16 : i32
      %add3A_2557 = arith.addi %add3A_2555, %add3A_2556 : i32
      %swap3A_2558 = arith.index_cast %add3A_2557 : i32 to index
      %swap3A_2559 = tpu.vector_load %arg9[%swap3A_2558] {strides = array<i32>} : memref<32768xi32, #tpu.memory_space<vmem>>, vector<16xi32>,
      %swap3A_2560 = vector.shape_cast %swap3A_2559 : vector<16xi32> to vector<16xi32>
      %swap3A_2561 = vector.shape_cast %add3A_2551 : vector<16xi32> to vector<16xi32>
      tpu.vector_store %arg9[%swap3A_2558], %swap3A_2561 {strides = array<i32>} : memref<32768xi32, #tpu.memory_space<vmem>>, vector<16xi32>,
      %get3A_2562 = arith.constant 32 : index
      %get3A_2563 = tpu.vector_load %arg8[%get3A_2562] {strides = array<i32>} : memref<128xi32, #tpu.memory_space<vmem>>, vector<16xi32>,
      %get3A_2564 = vector.shape_cast %get3A_2563 : vector<16xi32> to vector<16xi32>
      %add3A_2565 = vector.broadcast %add3A_2531 : i32 to vector<16xi32>
      %add3A_2566 = arith.addi %get3A_2564, %add3A_2565 : vector<16xi32>
      %mul3A_2567 = arith.constant 128 : i32
      %mul3A_2568 = arith.muli %scan3A_2486, %mul3A_2567 : i32
      %add3A_2569 = arith.constant 16384 : i32
      %add3A_2570 = arith.addi %add3A_2569, %mul3A_2568 : i32
      %add3A_2571 = arith.constant 32 : i32
      %add3A_2572 = arith.addi %add3A_2570, %add3A_2571 : i32
      %swap3A_2573 = arith.index_cast %add3A_2572 : i32 to index
      %swap3A_2574 = tpu.vector_load %arg9[%swap3A_2573] {strides = array<i32>} : memref<32768xi32, #tpu.memory_space<vmem>>, vector<16xi32>,
      %swap3A_2575 = vector.shape_cast %swap3A_2574 : vector<16xi32> to vector<16xi32>
      %swap3A_2576 = vector.shape_cast %add3A_2566 : vector<16xi32> to vector<16xi32>
      tpu.vector_store %arg9[%swap3A_2573], %swap3A_2576 {strides = array<i32>} : memref<32768xi32, #tpu.memory_space<vmem>>, vector<16xi32>,
      %get3A_2577 = arith.constant 48 : index
      %get3A_2578 = tpu.vector_load %arg8[%get3A_2577] {strides = array<i32>} : memref<128xi32, #tpu.memory_space<vmem>>, vector<16xi32>,
      %get3A_2579 = vector.shape_cast %get3A_2578 : vector<16xi32> to vector<16xi32>
      %add3A_2580 = vector.broadcast %add3A_2531 : i32 to vector<16xi32>
      %add3A_2581 = arith.addi %get3A_2579, %add3A_2580 : vector<16xi32>
      %mul3A_2582 = arith.constant 128 : i32
      %mul3A_2583 = arith.muli %scan3A_2486, %mul3A_2582 : i32
      %add3A_2584 = arith.constant 16384 : i32
      %add3A_2585 = arith.addi %add3A_2584, %mul3A_2583 : i32
      %add3A_2586 = arith.constant 48 : i32
      %add3A_2587 = arith.addi %add3A_2585, %add3A_2586 : i32
      %swap3A_2588 = arith.index_cast %add3A_2587 : i32 to index
      %swap3A_2589 = tpu.vector_load %arg9[%swap3A_2588] {strides = array<i32>} : memref<32768xi32, #tpu.memory_space<vmem>>, vector<16xi32>,
      %swap3A_2590 = vector.shape_cast %swap3A_2589 : vector<16xi32> to vector<16xi32>
      %swap3A_2591 = vector.shape_cast %add3A_2581 : vector<16xi32> to vector<16xi32>
      tpu.vector_store %arg9[%swap3A_2588], %swap3A_2591 {strides = array<i32>} : memref<32768xi32, #tpu.memory_space<vmem>>, vector<16xi32>,
      %get3A_2592 = arith.constant 64 : index
      %get3A_2593 = tpu.vector_load %arg8[%get3A_2592] {strides = array<i32>} : memref<128xi32, #tpu.memory_space<vmem>>, vector<16xi32>,
      %get3A_2594 = vector.shape_cast %get3A_2593 : vector<16xi32> to vector<16xi32>
      %add3A_2595 = vector.broadcast %add3A_2531 : i32 to vector<16xi32>
      %add3A_2596 = arith.addi %get3A_2594, %add3A_2595 : vector<16xi32>
      %mul3A_2597 = arith.constant 128 : i32
      %mul3A_2598 = arith.muli %scan3A_2486, %mul3A_2597 : i32
      %add3A_2599 = arith.constant 16384 : i32
      %add3A_2600 = arith.addi %add3A_2599, %mul3A_2598 : i32
      %add3A_2601 = arith.constant 64 : i32
      %add3A_2602 = arith.addi %add3A_2600, %add3A_2601 : i32
      %swap3A_2603 = arith.index_cast %add3A_2602 : i32 to index
      %swap3A_2604 = tpu.vector_load %arg9[%swap3A_2603] {strides = array<i32>} : memref<32768xi32, #tpu.memory_space<vmem>>, vector<16xi32>,
      %swap3A_2605 = vector.shape_cast %swap3A_2604 : vector<16xi32> to vector<16xi32>
      %swap3A_2606 = vector.shape_cast %add3A_2596 : vector<16xi32> to vector<16xi32>
      tpu.vector_store %arg9[%swap3A_2603], %swap3A_2606 {strides = array<i32>} : memref<32768xi32, #tpu.memory_space<vmem>>, vector<16xi32>,
      %get3A_2607 = arith.constant 80 : index
      %get3A_2608 = tpu.vector_load %arg8[%get3A_2607] {strides = array<i32>} : memref<128xi32, #tpu.memory_space<vmem>>, vector<16xi32>,
      %get3A_2609 = vector.shape_cast %get3A_2608 : vector<16xi32> to vector<16xi32>
      %add3A_2610 = vector.broadcast %add3A_2531 : i32 to vector<16xi32>
      %add3A_2611 = arith.addi %get3A_2609, %add3A_2610 : vector<16xi32>
      %mul3A_2612 = arith.constant 128 : i32
      %mul3A_2613 = arith.muli %scan3A_2486, %mul3A_2612 : i32
      %add3A_2614 = arith.constant 16384 : i32
      %add3A_2615 = arith.addi %add3A_2614, %mul3A_2613 : i32
      %add3A_2616 = arith.constant 80 : i32
      %add3A_2617 = arith.addi %add3A_2615, %add3A_2616 : i32
      %swap3A_2618 = arith.index_cast %add3A_2617 : i32 to index
      %swap3A_2619 = tpu.vector_load %arg9[%swap3A_2618] {strides = array<i32>} : memref<32768xi32, #tpu.memory_space<vmem>>, vector<16xi32>,
      %swap3A_2620 = vector.shape_cast %swap3A_2619 : vector<16xi32> to vector<16xi32>
      %swap3A_2621 = vector.shape_cast %add3A_2611 : vector<16xi32> to vector<16xi32>
      tpu.vector_store %arg9[%swap3A_2618], %swap3A_2621 {strides = array<i32>} : memref<32768xi32, #tpu.memory_space<vmem>>, vector<16xi32>,
      %get3A_2622 = arith.constant 96 : index
      %get3A_2623 = tpu.vector_load %arg8[%get3A_2622] {strides = array<i32>} : memref<128xi32, #tpu.memory_space<vmem>>, vector<16xi32>,
      %get3A_2624 = vector.shape_cast %get3A_2623 : vector<16xi32> to vector<16xi32>
      %add3A_2625 = vector.broadcast %add3A_2531 : i32 to vector<16xi32>
      %add3A_2626 = arith.addi %get3A_2624, %add3A_2625 : vector<16xi32>
      %mul3A_2627 = arith.constant 128 : i32
      %mul3A_2628 = arith.muli %scan3A_2486, %mul3A_2627 : i32
      %add3A_2629 = arith.constant 16384 : i32
      %add3A_2630 = arith.addi %add3A_2629, %mul3A_2628 : i32
      %add3A_2631 = arith.constant 96 : i32
      %add3A_2632 = arith.addi %add3A_2630, %add3A_2631 : i32
      %swap3A_2633 = arith.index_cast %add3A_2632 : i32 to index
      %swap3A_2634 = tpu.vector_load %arg9[%swap3A_2633] {strides = array<i32>} : memref<32768xi32, #tpu.memory_space<vmem>>, vector<16xi32>,
      %swap3A_2635 = vector.shape_cast %swap3A_2634 : vector<16xi32> to vector<16xi32>
      %swap3A_2636 = vector.shape_cast %add3A_2626 : vector<16xi32> to vector<16xi32>
      tpu.vector_store %arg9[%swap3A_2633], %swap3A_2636 {strides = array<i32>} : memref<32768xi32, #tpu.memory_space<vmem>>, vector<16xi32>,
      %get3A_2637 = arith.constant 112 : index
      %get3A_2638 = tpu.vector_load %arg8[%get3A_2637] {strides = array<i32>} : memref<128xi32, #tpu.memory_space<vmem>>, vector<16xi32>,
      %get3A_2639 = vector.shape_cast %get3A_2638 : vector<16xi32> to vector<16xi32>
      %add3A_2640 = vector.broadcast %add3A_2531 : i32 to vector<16xi32>
      %add3A_2641 = arith.addi %get3A_2639, %add3A_2640 : vector<16xi32>
      %mul3A_2642 = arith.constant 128 : i32
      %mul3A_2643 = arith.muli %scan3A_2486, %mul3A_2642 : i32
      %add3A_2644 = arith.constant 16384 : i32
      %add3A_2645 = arith.addi %add3A_2644, %mul3A_2643 : i32
      %add3A_2646 = arith.constant 112 : i32
      %add3A_2647 = arith.addi %add3A_2645, %add3A_2646 : i32
      %swap3A_2648 = arith.index_cast %add3A_2647 : i32 to index
      %swap3A_2649 = tpu.vector_load %arg9[%swap3A_2648] {strides = array<i32>} : memref<32768xi32, #tpu.memory_space<vmem>>, vector<16xi32>,
      %swap3A_2650 = vector.shape_cast %swap3A_2649 : vector<16xi32> to vector<16xi32>
      %swap3A_2651 = vector.shape_cast %add3A_2641 : vector<16xi32> to vector<16xi32>
      tpu.vector_store %arg9[%swap3A_2648], %swap3A_2651 {strides = array<i32>} : memref<32768xi32, #tpu.memory_space<vmem>>, vector<16xi32>,
    }
    %scan3A_583 = arith.constant 64 : i32
    %dma_start3A_584 = arith.constant 16384 : i32
    %dma_start3A_585 = tpu.memref_slice %arg10[%dma_start3A_584] : memref<32768xf32, #tpu.memory_space<vmem>> -> memref<4096xf32, #tpu.memory_space<vmem>>
    %dma_start3A_586 = arith.constant 16384 : i32
    %dma_start3A_587 = tpu.memref_slice %arg9[%dma_start3A_586] : memref<32768xi32, #tpu.memory_space<vmem>> -> memref<4096xi32, #tpu.memory_space<vmem>>
    %dma_start3A_588 = arith.constant 0 : i32
    %dma_start3A_589 = tpu.memref_slice %arg2[%dma_start3A_588] : memref<8388608xf32, #tpu.memory_space<hbm>> -> memref<8388608xf32, #tpu.memory_space<hbm>>
    tpu.enqueue_indirect_dma source(%dma_start3A_589 : memref<8388608xf32, #tpu.memory_space<hbm>>) target(%dma_start3A_585 : memref<4096xf32, #tpu.memory_space<vmem>>) offsets(%dma_start3A_587 : memref<4096xi32, #tpu.memory_space<vmem>>) semaphore(%arg14 : memref<!tpu.dma_semaphore, #tpu.memory_space<semaphore_mem>>)
    %dma_start3A_590 = arith.constant 16384 : i32
    %dma_start3A_591 = tpu.memref_slice %arg11[%dma_start3A_590] : memref<32768xf32, #tpu.memory_space<vmem>> -> memref<4096xf32, #tpu.memory_space<vmem>>
    %dma_start3A_592 = arith.constant 16384 : i32
    %dma_start3A_593 = tpu.memref_slice %arg9[%dma_start3A_592] : memref<32768xi32, #tpu.memory_space<vmem>> -> memref<4096xi32, #tpu.memory_space<vmem>>
    %dma_start3A_594 = arith.constant 0 : i32
    %dma_start3A_595 = tpu.memref_slice %arg3[%dma_start3A_594] : memref<8388608xf32, #tpu.memory_space<hbm>> -> memref<8388608xf32, #tpu.memory_space<hbm>>
    tpu.enqueue_indirect_dma source(%dma_start3A_595 : memref<8388608xf32, #tpu.memory_space<hbm>>) target(%dma_start3A_591 : memref<4096xf32, #tpu.memory_space<vmem>>) offsets(%dma_start3A_593 : memref<4096xi32, #tpu.memory_space<vmem>>) semaphore(%arg14 : memref<!tpu.dma_semaphore, #tpu.memory_space<semaphore_mem>>)
    %dma_start3A_596 = arith.constant 20480 : i32
    %dma_start3A_597 = tpu.memref_slice %arg10[%dma_start3A_596] : memref<32768xf32, #tpu.memory_space<vmem>> -> memref<4096xf32, #tpu.memory_space<vmem>>
    %dma_start3A_598 = arith.constant 20480 : i32
    %dma_start3A_599 = tpu.memref_slice %arg9[%dma_start3A_598] : memref<32768xi32, #tpu.memory_space<vmem>> -> memref<4096xi32, #tpu.memory_space<vmem>>
    %dma_start3A_600 = arith.constant 0 : i32
    %dma_start3A_601 = tpu.memref_slice %arg2[%dma_start3A_600] : memref<8388608xf32, #tpu.memory_space<hbm>> -> memref<8388608xf32, #tpu.memory_space<hbm>>
    tpu.enqueue_indirect_dma source(%dma_start3A_601 : memref<8388608xf32, #tpu.memory_space<hbm>>) target(%dma_start3A_597 : memref<4096xf32, #tpu.memory_space<vmem>>) offsets(%dma_start3A_599 : memref<4096xi32, #tpu.memory_space<vmem>>) semaphore(%arg14 : memref<!tpu.dma_semaphore, #tpu.memory_space<semaphore_mem>>)
    %dma_start3A_602 = arith.constant 20480 : i32
    %dma_start3A_603 = tpu.memref_slice %arg11[%dma_start3A_602] : memref<32768xf32, #tpu.memory_space<vmem>> -> memref<4096xf32, #tpu.memory_space<vmem>>
    %dma_start3A_604 = arith.constant 20480 : i32
    %dma_start3A_605 = tpu.memref_slice %arg9[%dma_start3A_604] : memref<32768xi32, #tpu.memory_space<vmem>> -> memref<4096xi32, #tpu.memory_space<vmem>>
    %dma_start3A_606 = arith.constant 0 : i32
    %dma_start3A_607 = tpu.memref_slice %arg3[%dma_start3A_606] : memref<8388608xf32, #tpu.memory_space<hbm>> -> memref<8388608xf32, #tpu.memory_space<hbm>>
    tpu.enqueue_indirect_dma source(%dma_start3A_607 : memref<8388608xf32, #tpu.memory_space<hbm>>) target(%dma_start3A_603 : memref<4096xf32, #tpu.memory_space<vmem>>) offsets(%dma_start3A_605 : memref<4096xi32, #tpu.memory_space<vmem>>) semaphore(%arg14 : memref<!tpu.dma_semaphore, #tpu.memory_space<semaphore_mem>>)
    %add3A_608 = arith.constant 3 : i32
    %add3A_609 = arith.addi %mul3A_2, %add3A_608 : i32
    %jit3A_610 = arith.constant 32 : i32
    %div3A_611 = arith.divsi %add3A_609, %jit3A_610 : i32
    %sign3A_612 = arith.constant 0 : i32
    %sign3A_613 = arith.cmpi sgt, %add3A_609, %sign3A_612 : i32
    %sign3A_614 = arith.extui %sign3A_613 : i1 to i32
    %sign3A_615 = arith.constant 0 : i32
    %sign3A_616 = arith.cmpi slt, %add3A_609, %sign3A_615 : i32
    %sign3A_617 = arith.extui %sign3A_616 : i1 to i32
    %sign3A_618 = arith.subi %sign3A_614, %sign3A_617 : i32
    %sign3A_619 = arith.constant 0 : i32
    %sign3A_620 = arith.cmpi sgt, %jit3A_610, %sign3A_619 : i32
    %sign3A_621 = arith.extui %sign3A_620 : i1 to i32
    %sign3A_622 = arith.constant 0 : i32
    %sign3A_623 = arith.cmpi slt, %jit3A_610, %sign3A_622 : i32
    %sign3A_624 = arith.extui %sign3A_623 : i1 to i32
    %sign3A_625 = arith.subi %sign3A_621, %sign3A_624 : i32
    %ne3A_626 = arith.cmpi ne, %sign3A_618, %sign3A_625 : i32
    %rem3A_627 = arith.remsi %add3A_609, %jit3A_610 : i32
    %ne3A_628 = arith.constant 0 : i32
    %ne3A_629 = arith.cmpi ne, %rem3A_627, %ne3A_628 : i32
    %and3A_630 = arith.andi %ne3A_626, %ne3A_629 : i1
    %sub3A_631 = arith.constant 1 : i32
    %sub3A_632 = arith.subi %div3A_611, %sub3A_631 : i32
    %select_n3A_633 = arith.select %and3A_630, %sub3A_632, %div3A_611 : i32
    %jit3A_634 = arith.constant 32 : i32
    %eq3A_635 = arith.constant 0 : i32
    %eq3A_636 = arith.cmpi eq, %jit3A_634, %eq3A_635 : i32
    %jit3A_637 = arith.constant 1 : i32
    %select_n3A_638 = arith.select %eq3A_636, %jit3A_637, %jit3A_634 : i32
    %rem3A_639 = arith.remsi %add3A_609, %select_n3A_638 : i32
    %ne3A_640 = arith.constant 0 : i32
    %ne3A_641 = arith.cmpi ne, %rem3A_639, %ne3A_640 : i32
    %lt3A_642 = arith.constant 0 : i32
    %lt3A_643 = arith.cmpi slt, %rem3A_639, %lt3A_642 : i32
    %lt3A_644 = arith.constant 0 : i32
    %lt3A_645 = arith.cmpi slt, %select_n3A_638, %lt3A_644 : i32
    %ne3A_646 = arith.xori %lt3A_643, %lt3A_645 : i1
    %and3A_647 = arith.andi %ne3A_646, %ne3A_641 : i1
    %add3A_648 = arith.addi %rem3A_639, %select_n3A_638 : i32
    %select_n3A_649 = arith.select %and3A_647, %add3A_648, %rem3A_639 : i32
    "tpu.region"() ({
      %run_scoped3A = tpu.sem_alloc : memref<!tpu.dma_semaphore, #tpu.memory_space<semaphore_mem>>
      %dma_start3A_2486 = arith.constant 0 : i32
      %dma_start3A_2487 = tpu.memref_slice %arg4[%select_n3A_649, %select_n3A_633, %dma_start3A_2486] : memref<32x4x128xi32, #tpu.memory_space<hbm>> -> memref<1x1x128xi32, #tpu.memory_space<hbm>>
      %dma_start3A_2488 = tpu.memref_squeeze %dma_start3A_2487 : memref<1x1x128xi32, #tpu.memory_space<hbm>> -> memref<128xi32, #tpu.memory_space<hbm>>
      %dma_start3A_2489 = arith.constant 0 : i32
      %dma_start3A_2490 = tpu.memref_slice %arg4[%select_n3A_649, %select_n3A_633, %dma_start3A_2489] : memref<32x4x128xi32, #tpu.memory_space<hbm>> -> memref<1x1x128xi32, #tpu.memory_space<hbm>>
      %dma_start3A_2491 = tpu.memref_squeeze %dma_start3A_2490 : memref<1x1x128xi32, #tpu.memory_space<hbm>> -> memref<128xi32, #tpu.memory_space<hbm>>
      tpu.enqueue_dma source(%dma_start3A_2491 : memref<128xi32, #tpu.memory_space<hbm>>) target(%arg7 : memref<128xi32, #tpu.memory_space<vmem>>) target_semaphore(%run_scoped3A : memref<!tpu.dma_semaphore, #tpu.memory_space<semaphore_mem>>)
      %dma_wait3A_2492 = arith.constant 0 : i32
      %dma_wait3A_2493 = tpu.memref_slice %arg4[%select_n3A_649, %select_n3A_633, %dma_wait3A_2492] : memref<32x4x128xi32, #tpu.memory_space<hbm>> -> memref<1x1x128xi32, #tpu.memory_space<hbm>>
      %dma_wait3A_2494 = tpu.memref_squeeze %dma_wait3A_2493 : memref<1x1x128xi32, #tpu.memory_space<hbm>> -> memref<128xi32, #tpu.memory_space<hbm>>
      %dma_wait3A_2495 = arith.constant 0 : i32
      %dma_wait3A_2496 = tpu.memref_slice %arg4[%select_n3A_649, %select_n3A_633, %dma_wait3A_2495] : memref<32x4x128xi32, #tpu.memory_space<hbm>> -> memref<1x1x128xi32, #tpu.memory_space<hbm>>
      %dma_wait3A_2497 = tpu.memref_squeeze %dma_wait3A_2496 : memref<1x1x128xi32, #tpu.memory_space<hbm>> -> memref<128xi32, #tpu.memory_space<hbm>>
      tpu.wait_dma2 semaphore(%run_scoped3A : memref<!tpu.dma_semaphore, #tpu.memory_space<semaphore_mem>>) src(%dma_wait3A_2497 : memref<128xi32, #tpu.memory_space<hbm>>) dst(%arg7 : memref<128xi32, #tpu.memory_space<vmem>>)
      tpu.yield
    }) : () -> ()
    %get3A_650 = arith.constant 0 : index
    %get3A_651 = tpu.vector_load %arg7[%get3A_650] {strides = array<i32>} : memref<128xi32, #tpu.memory_space<vmem>>, vector<16xi32>,
    %get3A_652 = vector.shape_cast %get3A_651 : vector<16xi32> to vector<16xi32>
    %shift_right_arithmetic3A_653 = arith.constant 7 : i32
    %shift_right_arithmetic3A_654 = vector.broadcast %shift_right_arithmetic3A_653 : i32 to vector<16xi32>
    %shift_right_arithmetic3A_655 = arith.shrsi %get3A_652, %shift_right_arithmetic3A_654 : vector<16xi32>
    %shift_left3A_656 = arith.constant 10 : i32
    %shift_left3A_657 = vector.broadcast %shift_left3A_656 : i32 to vector<16xi32>
    %shift_left3A_658 = arith.shli %shift_right_arithmetic3A_655, %shift_left3A_657 : vector<16xi32>
    %and3A_659 = arith.constant 127 : i32
    %and3A_660 = vector.broadcast %and3A_659 : i32 to vector<16xi32>
    %and3A_661 = arith.andi %get3A_652, %and3A_660 : vector<16xi32>
    %add3A_662 = arith.addi %shift_left3A_658, %and3A_661 : vector<16xi32>
    %swap3A_663 = arith.constant 0 : index
    %swap3A_664 = tpu.vector_load %arg8[%swap3A_663] {strides = array<i32>} : memref<128xi32, #tpu.memory_space<vmem>>, vector<16xi32>,
    %swap3A_665 = vector.shape_cast %swap3A_664 : vector<16xi32> to vector<16xi32>
    %swap3A_666 = vector.shape_cast %add3A_662 : vector<16xi32> to vector<16xi32>
    tpu.vector_store %arg8[%swap3A_663], %swap3A_666 {strides = array<i32>} : memref<128xi32, #tpu.memory_space<vmem>>, vector<16xi32>,
    %get3A_667 = arith.constant 16 : index
    %get3A_668 = tpu.vector_load %arg7[%get3A_667] {strides = array<i32>} : memref<128xi32, #tpu.memory_space<vmem>>, vector<16xi32>,
    %get3A_669 = vector.shape_cast %get3A_668 : vector<16xi32> to vector<16xi32>
    %shift_right_arithmetic3A_670 = arith.constant 7 : i32
    %shift_right_arithmetic3A_671 = vector.broadcast %shift_right_arithmetic3A_670 : i32 to vector<16xi32>
    %shift_right_arithmetic3A_672 = arith.shrsi %get3A_669, %shift_right_arithmetic3A_671 : vector<16xi32>
    %shift_left3A_673 = arith.constant 10 : i32
    %shift_left3A_674 = vector.broadcast %shift_left3A_673 : i32 to vector<16xi32>
    %shift_left3A_675 = arith.shli %shift_right_arithmetic3A_672, %shift_left3A_674 : vector<16xi32>
    %and3A_676 = arith.constant 127 : i32
    %and3A_677 = vector.broadcast %and3A_676 : i32 to vector<16xi32>
    %and3A_678 = arith.andi %get3A_669, %and3A_677 : vector<16xi32>
    %add3A_679 = arith.addi %shift_left3A_675, %and3A_678 : vector<16xi32>
    %swap3A_680 = arith.constant 16 : index
    %swap3A_681 = tpu.vector_load %arg8[%swap3A_680] {strides = array<i32>} : memref<128xi32, #tpu.memory_space<vmem>>, vector<16xi32>,
    %swap3A_682 = vector.shape_cast %swap3A_681 : vector<16xi32> to vector<16xi32>
    %swap3A_683 = vector.shape_cast %add3A_679 : vector<16xi32> to vector<16xi32>
    tpu.vector_store %arg8[%swap3A_680], %swap3A_683 {strides = array<i32>} : memref<128xi32, #tpu.memory_space<vmem>>, vector<16xi32>,
    %get3A_684 = arith.constant 32 : index
    %get3A_685 = tpu.vector_load %arg7[%get3A_684] {strides = array<i32>} : memref<128xi32, #tpu.memory_space<vmem>>, vector<16xi32>,
    %get3A_686 = vector.shape_cast %get3A_685 : vector<16xi32> to vector<16xi32>
    %shift_right_arithmetic3A_687 = arith.constant 7 : i32
    %shift_right_arithmetic3A_688 = vector.broadcast %shift_right_arithmetic3A_687 : i32 to vector<16xi32>
    %shift_right_arithmetic3A_689 = arith.shrsi %get3A_686, %shift_right_arithmetic3A_688 : vector<16xi32>
    %shift_left3A_690 = arith.constant 10 : i32
    %shift_left3A_691 = vector.broadcast %shift_left3A_690 : i32 to vector<16xi32>
    %shift_left3A_692 = arith.shli %shift_right_arithmetic3A_689, %shift_left3A_691 : vector<16xi32>
    %and3A_693 = arith.constant 127 : i32
    %and3A_694 = vector.broadcast %and3A_693 : i32 to vector<16xi32>
    %and3A_695 = arith.andi %get3A_686, %and3A_694 : vector<16xi32>
    %add3A_696 = arith.addi %shift_left3A_692, %and3A_695 : vector<16xi32>
    %swap3A_697 = arith.constant 32 : index
    %swap3A_698 = tpu.vector_load %arg8[%swap3A_697] {strides = array<i32>} : memref<128xi32, #tpu.memory_space<vmem>>, vector<16xi32>,
    %swap3A_699 = vector.shape_cast %swap3A_698 : vector<16xi32> to vector<16xi32>
    %swap3A_700 = vector.shape_cast %add3A_696 : vector<16xi32> to vector<16xi32>
    tpu.vector_store %arg8[%swap3A_697], %swap3A_700 {strides = array<i32>} : memref<128xi32, #tpu.memory_space<vmem>>, vector<16xi32>,
    %get3A_701 = arith.constant 48 : index
    %get3A_702 = tpu.vector_load %arg7[%get3A_701] {strides = array<i32>} : memref<128xi32, #tpu.memory_space<vmem>>, vector<16xi32>,
    %get3A_703 = vector.shape_cast %get3A_702 : vector<16xi32> to vector<16xi32>
    %shift_right_arithmetic3A_704 = arith.constant 7 : i32
    %shift_right_arithmetic3A_705 = vector.broadcast %shift_right_arithmetic3A_704 : i32 to vector<16xi32>
    %shift_right_arithmetic3A_706 = arith.shrsi %get3A_703, %shift_right_arithmetic3A_705 : vector<16xi32>
    %shift_left3A_707 = arith.constant 10 : i32
    %shift_left3A_708 = vector.broadcast %shift_left3A_707 : i32 to vector<16xi32>
    %shift_left3A_709 = arith.shli %shift_right_arithmetic3A_706, %shift_left3A_708 : vector<16xi32>
    %and3A_710 = arith.constant 127 : i32
    %and3A_711 = vector.broadcast %and3A_710 : i32 to vector<16xi32>
    %and3A_712 = arith.andi %get3A_703, %and3A_711 : vector<16xi32>
    %add3A_713 = arith.addi %shift_left3A_709, %and3A_712 : vector<16xi32>
    %swap3A_714 = arith.constant 48 : index
    %swap3A_715 = tpu.vector_load %arg8[%swap3A_714] {strides = array<i32>} : memref<128xi32, #tpu.memory_space<vmem>>, vector<16xi32>,
    %swap3A_716 = vector.shape_cast %swap3A_715 : vector<16xi32> to vector<16xi32>
    %swap3A_717 = vector.shape_cast %add3A_713 : vector<16xi32> to vector<16xi32>
    tpu.vector_store %arg8[%swap3A_714], %swap3A_717 {strides = array<i32>} : memref<128xi32, #tpu.memory_space<vmem>>, vector<16xi32>,
    %get3A_718 = arith.constant 64 : index
    %get3A_719 = tpu.vector_load %arg7[%get3A_718] {strides = array<i32>} : memref<128xi32, #tpu.memory_space<vmem>>, vector<16xi32>,
    %get3A_720 = vector.shape_cast %get3A_719 : vector<16xi32> to vector<16xi32>
    %shift_right_arithmetic3A_721 = arith.constant 7 : i32
    %shift_right_arithmetic3A_722 = vector.broadcast %shift_right_arithmetic3A_721 : i32 to vector<16xi32>
    %shift_right_arithmetic3A_723 = arith.shrsi %get3A_720, %shift_right_arithmetic3A_722 : vector<16xi32>
    %shift_left3A_724 = arith.constant 10 : i32
    %shift_left3A_725 = vector.broadcast %shift_left3A_724 : i32 to vector<16xi32>
    %shift_left3A_726 = arith.shli %shift_right_arithmetic3A_723, %shift_left3A_725 : vector<16xi32>
    %and3A_727 = arith.constant 127 : i32
    %and3A_728 = vector.broadcast %and3A_727 : i32 to vector<16xi32>
    %and3A_729 = arith.andi %get3A_720, %and3A_728 : vector<16xi32>
    %add3A_730 = arith.addi %shift_left3A_726, %and3A_729 : vector<16xi32>
    %swap3A_731 = arith.constant 64 : index
    %swap3A_732 = tpu.vector_load %arg8[%swap3A_731] {strides = array<i32>} : memref<128xi32, #tpu.memory_space<vmem>>, vector<16xi32>,
    %swap3A_733 = vector.shape_cast %swap3A_732 : vector<16xi32> to vector<16xi32>
    %swap3A_734 = vector.shape_cast %add3A_730 : vector<16xi32> to vector<16xi32>
    tpu.vector_store %arg8[%swap3A_731], %swap3A_734 {strides = array<i32>} : memref<128xi32, #tpu.memory_space<vmem>>, vector<16xi32>,
    %get3A_735 = arith.constant 80 : index
    %get3A_736 = tpu.vector_load %arg7[%get3A_735] {strides = array<i32>} : memref<128xi32, #tpu.memory_space<vmem>>, vector<16xi32>,
    %get3A_737 = vector.shape_cast %get3A_736 : vector<16xi32> to vector<16xi32>
    %shift_right_arithmetic3A_738 = arith.constant 7 : i32
    %shift_right_arithmetic3A_739 = vector.broadcast %shift_right_arithmetic3A_738 : i32 to vector<16xi32>
    %shift_right_arithmetic3A_740 = arith.shrsi %get3A_737, %shift_right_arithmetic3A_739 : vector<16xi32>
    %shift_left3A_741 = arith.constant 10 : i32
    %shift_left3A_742 = vector.broadcast %shift_left3A_741 : i32 to vector<16xi32>
    %shift_left3A_743 = arith.shli %shift_right_arithmetic3A_740, %shift_left3A_742 : vector<16xi32>
    %and3A_744 = arith.constant 127 : i32
    %and3A_745 = vector.broadcast %and3A_744 : i32 to vector<16xi32>
    %and3A_746 = arith.andi %get3A_737, %and3A_745 : vector<16xi32>
    %add3A_747 = arith.addi %shift_left3A_743, %and3A_746 : vector<16xi32>
    %swap3A_748 = arith.constant 80 : index
    %swap3A_749 = tpu.vector_load %arg8[%swap3A_748] {strides = array<i32>} : memref<128xi32, #tpu.memory_space<vmem>>, vector<16xi32>,
    %swap3A_750 = vector.shape_cast %swap3A_749 : vector<16xi32> to vector<16xi32>
    %swap3A_751 = vector.shape_cast %add3A_747 : vector<16xi32> to vector<16xi32>
    tpu.vector_store %arg8[%swap3A_748], %swap3A_751 {strides = array<i32>} : memref<128xi32, #tpu.memory_space<vmem>>, vector<16xi32>,
    %get3A_752 = arith.constant 96 : index
    %get3A_753 = tpu.vector_load %arg7[%get3A_752] {strides = array<i32>} : memref<128xi32, #tpu.memory_space<vmem>>, vector<16xi32>,
    %get3A_754 = vector.shape_cast %get3A_753 : vector<16xi32> to vector<16xi32>
    %shift_right_arithmetic3A_755 = arith.constant 7 : i32
    %shift_right_arithmetic3A_756 = vector.broadcast %shift_right_arithmetic3A_755 : i32 to vector<16xi32>
    %shift_right_arithmetic3A_757 = arith.shrsi %get3A_754, %shift_right_arithmetic3A_756 : vector<16xi32>
    %shift_left3A_758 = arith.constant 10 : i32
    %shift_left3A_759 = vector.broadcast %shift_left3A_758 : i32 to vector<16xi32>
    %shift_left3A_760 = arith.shli %shift_right_arithmetic3A_757, %shift_left3A_759 : vector<16xi32>
    %and3A_761 = arith.constant 127 : i32
    %and3A_762 = vector.broadcast %and3A_761 : i32 to vector<16xi32>
    %and3A_763 = arith.andi %get3A_754, %and3A_762 : vector<16xi32>
    %add3A_764 = arith.addi %shift_left3A_760, %and3A_763 : vector<16xi32>
    %swap3A_765 = arith.constant 96 : index
    %swap3A_766 = tpu.vector_load %arg8[%swap3A_765] {strides = array<i32>} : memref<128xi32, #tpu.memory_space<vmem>>, vector<16xi32>,
    %swap3A_767 = vector.shape_cast %swap3A_766 : vector<16xi32> to vector<16xi32>
    %swap3A_768 = vector.shape_cast %add3A_764 : vector<16xi32> to vector<16xi32>
    tpu.vector_store %arg8[%swap3A_765], %swap3A_768 {strides = array<i32>} : memref<128xi32, #tpu.memory_space<vmem>>, vector<16xi32>,
    %get3A_769 = arith.constant 112 : index
    %get3A_770 = tpu.vector_load %arg7[%get3A_769] {strides = array<i32>} : memref<128xi32, #tpu.memory_space<vmem>>, vector<16xi32>,
    %get3A_771 = vector.shape_cast %get3A_770 : vector<16xi32> to vector<16xi32>
    %shift_right_arithmetic3A_772 = arith.constant 7 : i32
    %shift_right_arithmetic3A_773 = vector.broadcast %shift_right_arithmetic3A_772 : i32 to vector<16xi32>
    %shift_right_arithmetic3A_774 = arith.shrsi %get3A_771, %shift_right_arithmetic3A_773 : vector<16xi32>
    %shift_left3A_775 = arith.constant 10 : i32
    %shift_left3A_776 = vector.broadcast %shift_left3A_775 : i32 to vector<16xi32>
    %shift_left3A_777 = arith.shli %shift_right_arithmetic3A_774, %shift_left3A_776 : vector<16xi32>
    %and3A_778 = arith.constant 127 : i32
    %and3A_779 = vector.broadcast %and3A_778 : i32 to vector<16xi32>
    %and3A_780 = arith.andi %get3A_771, %and3A_779 : vector<16xi32>
    %add3A_781 = arith.addi %shift_left3A_777, %and3A_780 : vector<16xi32>
    %swap3A_782 = arith.constant 112 : index
    %swap3A_783 = tpu.vector_load %arg8[%swap3A_782] {strides = array<i32>} : memref<128xi32, #tpu.memory_space<vmem>>, vector<16xi32>,
    %swap3A_784 = vector.shape_cast %swap3A_783 : vector<16xi32> to vector<16xi32>
    %swap3A_785 = vector.shape_cast %add3A_781 : vector<16xi32> to vector<16xi32>
    tpu.vector_store %arg8[%swap3A_782], %swap3A_785 {strides = array<i32>} : memref<128xi32, #tpu.memory_space<vmem>>, vector<16xi32>,
    %scan3A_786 = arith.constant 0 : i32
    %scan3A_787 = arith.constant 64 : i32
    %scan3A_788 = arith.addi %scan3A_786, %scan3A_787 : i32
    %scan3A_789 = arith.constant 1 : i32
    scf.for %scan3A_2486 = %scan3A_786 to %scan3A_788 step %scan3A_789  : i32 {
      %jit3A_2487 = arith.constant 8 : i32
      %div3A_2488 = arith.divsi %scan3A_2486, %jit3A_2487 : i32
      %sign3A_2489 = arith.constant 0 : i32
      %sign3A_2490 = arith.cmpi sgt, %scan3A_2486, %sign3A_2489 : i32
      %sign3A_2491 = arith.extui %sign3A_2490 : i1 to i32
      %sign3A_2492 = arith.constant 0 : i32
      %sign3A_2493 = arith.cmpi slt, %scan3A_2486, %sign3A_2492 : i32
      %sign3A_2494 = arith.extui %sign3A_2493 : i1 to i32
      %sign3A_2495 = arith.subi %sign3A_2491, %sign3A_2494 : i32
      %sign3A_2496 = arith.constant 0 : i32
      %sign3A_2497 = arith.cmpi sgt, %jit3A_2487, %sign3A_2496 : i32
      %sign3A_2498 = arith.extui %sign3A_2497 : i1 to i32
      %sign3A_2499 = arith.constant 0 : i32
      %sign3A_2500 = arith.cmpi slt, %jit3A_2487, %sign3A_2499 : i32
      %sign3A_2501 = arith.extui %sign3A_2500 : i1 to i32
      %sign3A_2502 = arith.subi %sign3A_2498, %sign3A_2501 : i32
      %ne3A_2503 = arith.cmpi ne, %sign3A_2495, %sign3A_2502 : i32
      %rem3A_2504 = arith.remsi %scan3A_2486, %jit3A_2487 : i32
      %ne3A_2505 = arith.constant 0 : i32
      %ne3A_2506 = arith.cmpi ne, %rem3A_2504, %ne3A_2505 : i32
      %and3A_2507 = arith.andi %ne3A_2503, %ne3A_2506 : i1
      %sub3A_2508 = arith.constant 1 : i32
      %sub3A_2509 = arith.subi %div3A_2488, %sub3A_2508 : i32
      %select_n3A_2510 = arith.select %and3A_2507, %sub3A_2509, %div3A_2488 : i32
      %mul3A_2511 = arith.constant 1048576 : i32
      %mul3A_2512 = arith.muli %select_n3A_2510, %mul3A_2511 : i32
      %jit3A_2513 = arith.constant 8 : i32
      %eq3A_2514 = arith.constant 0 : i32
      %eq3A_2515 = arith.cmpi eq, %jit3A_2513, %eq3A_2514 : i32
      %jit3A_2516 = arith.constant 1 : i32
      %select_n3A_2517 = arith.select %eq3A_2515, %jit3A_2516, %jit3A_2513 : i32
      %rem3A_2518 = arith.remsi %scan3A_2486, %select_n3A_2517 : i32
      %ne3A_2519 = arith.constant 0 : i32
      %ne3A_2520 = arith.cmpi ne, %rem3A_2518, %ne3A_2519 : i32
      %lt3A_2521 = arith.constant 0 : i32
      %lt3A_2522 = arith.cmpi slt, %rem3A_2518, %lt3A_2521 : i32
      %lt3A_2523 = arith.constant 0 : i32
      %lt3A_2524 = arith.cmpi slt, %select_n3A_2517, %lt3A_2523 : i32
      %ne3A_2525 = arith.xori %lt3A_2522, %lt3A_2524 : i1
      %and3A_2526 = arith.andi %ne3A_2525, %ne3A_2520 : i1
      %add3A_2527 = arith.addi %rem3A_2518, %select_n3A_2517 : i32
      %select_n3A_2528 = arith.select %and3A_2526, %add3A_2527, %rem3A_2518 : i32
      %mul3A_2529 = arith.constant 128 : i32
      %mul3A_2530 = arith.muli %select_n3A_2528, %mul3A_2529 : i32
      %add3A_2531 = arith.addi %mul3A_2512, %mul3A_2530 : i32
      %get3A_2532 = arith.constant 0 : index
      %get3A_2533 = tpu.vector_load %arg8[%get3A_2532] {strides = array<i32>} : memref<128xi32, #tpu.memory_space<vmem>>, vector<16xi32>,
      %get3A_2534 = vector.shape_cast %get3A_2533 : vector<16xi32> to vector<16xi32>
      %add3A_2535 = vector.broadcast %add3A_2531 : i32 to vector<16xi32>
      %add3A_2536 = arith.addi %get3A_2534, %add3A_2535 : vector<16xi32>
      %mul3A_2537 = arith.constant 128 : i32
      %mul3A_2538 = arith.muli %scan3A_2486, %mul3A_2537 : i32
      %add3A_2539 = arith.constant 24576 : i32
      %add3A_2540 = arith.addi %add3A_2539, %mul3A_2538 : i32
      %add3A_2541 = arith.constant 0 : i32
      %add3A_2542 = arith.addi %add3A_2540, %add3A_2541 : i32
      %swap3A_2543 = arith.index_cast %add3A_2542 : i32 to index
      %swap3A_2544 = tpu.vector_load %arg9[%swap3A_2543] {strides = array<i32>} : memref<32768xi32, #tpu.memory_space<vmem>>, vector<16xi32>,
      %swap3A_2545 = vector.shape_cast %swap3A_2544 : vector<16xi32> to vector<16xi32>
      %swap3A_2546 = vector.shape_cast %add3A_2536 : vector<16xi32> to vector<16xi32>
      tpu.vector_store %arg9[%swap3A_2543], %swap3A_2546 {strides = array<i32>} : memref<32768xi32, #tpu.memory_space<vmem>>, vector<16xi32>,
      %get3A_2547 = arith.constant 16 : index
      %get3A_2548 = tpu.vector_load %arg8[%get3A_2547] {strides = array<i32>} : memref<128xi32, #tpu.memory_space<vmem>>, vector<16xi32>,
      %get3A_2549 = vector.shape_cast %get3A_2548 : vector<16xi32> to vector<16xi32>
      %add3A_2550 = vector.broadcast %add3A_2531 : i32 to vector<16xi32>
      %add3A_2551 = arith.addi %get3A_2549, %add3A_2550 : vector<16xi32>
      %mul3A_2552 = arith.constant 128 : i32
      %mul3A_2553 = arith.muli %scan3A_2486, %mul3A_2552 : i32
      %add3A_2554 = arith.constant 24576 : i32
      %add3A_2555 = arith.addi %add3A_2554, %mul3A_2553 : i32
      %add3A_2556 = arith.constant 16 : i32
      %add3A_2557 = arith.addi %add3A_2555, %add3A_2556 : i32
      %swap3A_2558 = arith.index_cast %add3A_2557 : i32 to index
      %swap3A_2559 = tpu.vector_load %arg9[%swap3A_2558] {strides = array<i32>} : memref<32768xi32, #tpu.memory_space<vmem>>, vector<16xi32>,
      %swap3A_2560 = vector.shape_cast %swap3A_2559 : vector<16xi32> to vector<16xi32>
      %swap3A_2561 = vector.shape_cast %add3A_2551 : vector<16xi32> to vector<16xi32>
      tpu.vector_store %arg9[%swap3A_2558], %swap3A_2561 {strides = array<i32>} : memref<32768xi32, #tpu.memory_space<vmem>>, vector<16xi32>,
      %get3A_2562 = arith.constant 32 : index
      %get3A_2563 = tpu.vector_load %arg8[%get3A_2562] {strides = array<i32>} : memref<128xi32, #tpu.memory_space<vmem>>, vector<16xi32>,
      %get3A_2564 = vector.shape_cast %get3A_2563 : vector<16xi32> to vector<16xi32>
      %add3A_2565 = vector.broadcast %add3A_2531 : i32 to vector<16xi32>
      %add3A_2566 = arith.addi %get3A_2564, %add3A_2565 : vector<16xi32>
      %mul3A_2567 = arith.constant 128 : i32
      %mul3A_2568 = arith.muli %scan3A_2486, %mul3A_2567 : i32
      %add3A_2569 = arith.constant 24576 : i32
      %add3A_2570 = arith.addi %add3A_2569, %mul3A_2568 : i32
      %add3A_2571 = arith.constant 32 : i32
      %add3A_2572 = arith.addi %add3A_2570, %add3A_2571 : i32
      %swap3A_2573 = arith.index_cast %add3A_2572 : i32 to index
      %swap3A_2574 = tpu.vector_load %arg9[%swap3A_2573] {strides = array<i32>} : memref<32768xi32, #tpu.memory_space<vmem>>, vector<16xi32>,
      %swap3A_2575 = vector.shape_cast %swap3A_2574 : vector<16xi32> to vector<16xi32>
      %swap3A_2576 = vector.shape_cast %add3A_2566 : vector<16xi32> to vector<16xi32>
      tpu.vector_store %arg9[%swap3A_2573], %swap3A_2576 {strides = array<i32>} : memref<32768xi32, #tpu.memory_space<vmem>>, vector<16xi32>,
      %get3A_2577 = arith.constant 48 : index
      %get3A_2578 = tpu.vector_load %arg8[%get3A_2577] {strides = array<i32>} : memref<128xi32, #tpu.memory_space<vmem>>, vector<16xi32>,
      %get3A_2579 = vector.shape_cast %get3A_2578 : vector<16xi32> to vector<16xi32>
      %add3A_2580 = vector.broadcast %add3A_2531 : i32 to vector<16xi32>
      %add3A_2581 = arith.addi %get3A_2579, %add3A_2580 : vector<16xi32>
      %mul3A_2582 = arith.constant 128 : i32
      %mul3A_2583 = arith.muli %scan3A_2486, %mul3A_2582 : i32
      %add3A_2584 = arith.constant 24576 : i32
      %add3A_2585 = arith.addi %add3A_2584, %mul3A_2583 : i32
      %add3A_2586 = arith.constant 48 : i32
      %add3A_2587 = arith.addi %add3A_2585, %add3A_2586 : i32
      %swap3A_2588 = arith.index_cast %add3A_2587 : i32 to index
      %swap3A_2589 = tpu.vector_load %arg9[%swap3A_2588] {strides = array<i32>} : memref<32768xi32, #tpu.memory_space<vmem>>, vector<16xi32>,
      %swap3A_2590 = vector.shape_cast %swap3A_2589 : vector<16xi32> to vector<16xi32>
      %swap3A_2591 = vector.shape_cast %add3A_2581 : vector<16xi32> to vector<16xi32>
      tpu.vector_store %arg9[%swap3A_2588], %swap3A_2591 {strides = array<i32>} : memref<32768xi32, #tpu.memory_space<vmem>>, vector<16xi32>,
      %get3A_2592 = arith.constant 64 : index
      %get3A_2593 = tpu.vector_load %arg8[%get3A_2592] {strides = array<i32>} : memref<128xi32, #tpu.memory_space<vmem>>, vector<16xi32>,
      %get3A_2594 = vector.shape_cast %get3A_2593 : vector<16xi32> to vector<16xi32>
      %add3A_2595 = vector.broadcast %add3A_2531 : i32 to vector<16xi32>
      %add3A_2596 = arith.addi %get3A_2594, %add3A_2595 : vector<16xi32>
      %mul3A_2597 = arith.constant 128 : i32
      %mul3A_2598 = arith.muli %scan3A_2486, %mul3A_2597 : i32
      %add3A_2599 = arith.constant 24576 : i32
      %add3A_2600 = arith.addi %add3A_2599, %mul3A_2598 : i32
      %add3A_2601 = arith.constant 64 : i32
      %add3A_2602 = arith.addi %add3A_2600, %add3A_2601 : i32
      %swap3A_2603 = arith.index_cast %add3A_2602 : i32 to index
      %swap3A_2604 = tpu.vector_load %arg9[%swap3A_2603] {strides = array<i32>} : memref<32768xi32, #tpu.memory_space<vmem>>, vector<16xi32>,
      %swap3A_2605 = vector.shape_cast %swap3A_2604 : vector<16xi32> to vector<16xi32>
      %swap3A_2606 = vector.shape_cast %add3A_2596 : vector<16xi32> to vector<16xi32>
      tpu.vector_store %arg9[%swap3A_2603], %swap3A_2606 {strides = array<i32>} : memref<32768xi32, #tpu.memory_space<vmem>>, vector<16xi32>,
      %get3A_2607 = arith.constant 80 : index
      %get3A_2608 = tpu.vector_load %arg8[%get3A_2607] {strides = array<i32>} : memref<128xi32, #tpu.memory_space<vmem>>, vector<16xi32>,
      %get3A_2609 = vector.shape_cast %get3A_2608 : vector<16xi32> to vector<16xi32>
      %add3A_2610 = vector.broadcast %add3A_2531 : i32 to vector<16xi32>
      %add3A_2611 = arith.addi %get3A_2609, %add3A_2610 : vector<16xi32>
      %mul3A_2612 = arith.constant 128 : i32
      %mul3A_2613 = arith.muli %scan3A_2486, %mul3A_2612 : i32
      %add3A_2614 = arith.constant 24576 : i32
      %add3A_2615 = arith.addi %add3A_2614, %mul3A_2613 : i32
      %add3A_2616 = arith.constant 80 : i32
      %add3A_2617 = arith.addi %add3A_2615, %add3A_2616 : i32
      %swap3A_2618 = arith.index_cast %add3A_2617 : i32 to index
      %swap3A_2619 = tpu.vector_load %arg9[%swap3A_2618] {strides = array<i32>} : memref<32768xi32, #tpu.memory_space<vmem>>, vector<16xi32>,
      %swap3A_2620 = vector.shape_cast %swap3A_2619 : vector<16xi32> to vector<16xi32>
      %swap3A_2621 = vector.shape_cast %add3A_2611 : vector<16xi32> to vector<16xi32>
      tpu.vector_store %arg9[%swap3A_2618], %swap3A_2621 {strides = array<i32>} : memref<32768xi32, #tpu.memory_space<vmem>>, vector<16xi32>,
      %get3A_2622 = arith.constant 96 : index
      %get3A_2623 = tpu.vector_load %arg8[%get3A_2622] {strides = array<i32>} : memref<128xi32, #tpu.memory_space<vmem>>, vector<16xi32>,
      %get3A_2624 = vector.shape_cast %get3A_2623 : vector<16xi32> to vector<16xi32>
      %add3A_2625 = vector.broadcast %add3A_2531 : i32 to vector<16xi32>
      %add3A_2626 = arith.addi %get3A_2624, %add3A_2625 : vector<16xi32>
      %mul3A_2627 = arith.constant 128 : i32
      %mul3A_2628 = arith.muli %scan3A_2486, %mul3A_2627 : i32
      %add3A_2629 = arith.constant 24576 : i32
      %add3A_2630 = arith.addi %add3A_2629, %mul3A_2628 : i32
      %add3A_2631 = arith.constant 96 : i32
      %add3A_2632 = arith.addi %add3A_2630, %add3A_2631 : i32
      %swap3A_2633 = arith.index_cast %add3A_2632 : i32 to index
      %swap3A_2634 = tpu.vector_load %arg9[%swap3A_2633] {strides = array<i32>} : memref<32768xi32, #tpu.memory_space<vmem>>, vector<16xi32>,
      %swap3A_2635 = vector.shape_cast %swap3A_2634 : vector<16xi32> to vector<16xi32>
      %swap3A_2636 = vector.shape_cast %add3A_2626 : vector<16xi32> to vector<16xi32>
      tpu.vector_store %arg9[%swap3A_2633], %swap3A_2636 {strides = array<i32>} : memref<32768xi32, #tpu.memory_space<vmem>>, vector<16xi32>,
      %get3A_2637 = arith.constant 112 : index
      %get3A_2638 = tpu.vector_load %arg8[%get3A_2637] {strides = array<i32>} : memref<128xi32, #tpu.memory_space<vmem>>, vector<16xi32>,
      %get3A_2639 = vector.shape_cast %get3A_2638 : vector<16xi32> to vector<16xi32>
      %add3A_2640 = vector.broadcast %add3A_2531 : i32 to vector<16xi32>
      %add3A_2641 = arith.addi %get3A_2639, %add3A_2640 : vector<16xi32>
      %mul3A_2642 = arith.constant 128 : i32
      %mul3A_2643 = arith.muli %scan3A_2486, %mul3A_2642 : i32
      %add3A_2644 = arith.constant 24576 : i32
      %add3A_2645 = arith.addi %add3A_2644, %mul3A_2643 : i32
      %add3A_2646 = arith.constant 112 : i32
      %add3A_2647 = arith.addi %add3A_2645, %add3A_2646 : i32
      %swap3A_2648 = arith.index_cast %add3A_2647 : i32 to index
      %swap3A_2649 = tpu.vector_load %arg9[%swap3A_2648] {strides = array<i32>} : memref<32768xi32, #tpu.memory_space<vmem>>, vector<16xi32>,
      %swap3A_2650 = vector.shape_cast %swap3A_2649 : vector<16xi32> to vector<16xi32>
      %swap3A_2651 = vector.shape_cast %add3A_2641 : vector<16xi32> to vector<16xi32>
      tpu.vector_store %arg9[%swap3A_2648], %swap3A_2651 {strides = array<i32>} : memref<32768xi32, #tpu.memory_space<vmem>>, vector<16xi32>,
    }
    %scan3A_790 = arith.constant 64 : i32
    %dma_start3A_791 = arith.constant 24576 : i32
    %dma_start3A_792 = tpu.memref_slice %arg10[%dma_start3A_791] : memref<32768xf32, #tpu.memory_space<vmem>> -> memref<4096xf32, #tpu.memory_space<vmem>>
    %dma_start3A_793 = arith.constant 24576 : i32
    %dma_start3A_794 = tpu.memref_slice %arg9[%dma_start3A_793] : memref<32768xi32, #tpu.memory_space<vmem>> -> memref<4096xi32, #tpu.memory_space<vmem>>
    %dma_start3A_795 = arith.constant 0 : i32
    %dma_start3A_796 = tpu.memref_slice %arg2[%dma_start3A_795] : memref<8388608xf32, #tpu.memory_space<hbm>> -> memref<8388608xf32, #tpu.memory_space<hbm>>
    tpu.enqueue_indirect_dma source(%dma_start3A_796 : memref<8388608xf32, #tpu.memory_space<hbm>>) target(%dma_start3A_792 : memref<4096xf32, #tpu.memory_space<vmem>>) offsets(%dma_start3A_794 : memref<4096xi32, #tpu.memory_space<vmem>>) semaphore(%arg15 : memref<!tpu.dma_semaphore, #tpu.memory_space<semaphore_mem>>)
    %dma_start3A_797 = arith.constant 24576 : i32
    %dma_start3A_798 = tpu.memref_slice %arg11[%dma_start3A_797] : memref<32768xf32, #tpu.memory_space<vmem>> -> memref<4096xf32, #tpu.memory_space<vmem>>
    %dma_start3A_799 = arith.constant 24576 : i32
    %dma_start3A_800 = tpu.memref_slice %arg9[%dma_start3A_799] : memref<32768xi32, #tpu.memory_space<vmem>> -> memref<4096xi32, #tpu.memory_space<vmem>>
    %dma_start3A_801 = arith.constant 0 : i32
    %dma_start3A_802 = tpu.memref_slice %arg3[%dma_start3A_801] : memref<8388608xf32, #tpu.memory_space<hbm>> -> memref<8388608xf32, #tpu.memory_space<hbm>>
    tpu.enqueue_indirect_dma source(%dma_start3A_802 : memref<8388608xf32, #tpu.memory_space<hbm>>) target(%dma_start3A_798 : memref<4096xf32, #tpu.memory_space<vmem>>) offsets(%dma_start3A_800 : memref<4096xi32, #tpu.memory_space<vmem>>) semaphore(%arg15 : memref<!tpu.dma_semaphore, #tpu.memory_space<semaphore_mem>>)
    %dma_start3A_803 = arith.constant 28672 : i32
    %dma_start3A_804 = tpu.memref_slice %arg10[%dma_start3A_803] : memref<32768xf32, #tpu.memory_space<vmem>> -> memref<4096xf32, #tpu.memory_space<vmem>>
    %dma_start3A_805 = arith.constant 28672 : i32
    %dma_start3A_806 = tpu.memref_slice %arg9[%dma_start3A_805] : memref<32768xi32, #tpu.memory_space<vmem>> -> memref<4096xi32, #tpu.memory_space<vmem>>
    %dma_start3A_807 = arith.constant 0 : i32
    %dma_start3A_808 = tpu.memref_slice %arg2[%dma_start3A_807] : memref<8388608xf32, #tpu.memory_space<hbm>> -> memref<8388608xf32, #tpu.memory_space<hbm>>
    tpu.enqueue_indirect_dma source(%dma_start3A_808 : memref<8388608xf32, #tpu.memory_space<hbm>>) target(%dma_start3A_804 : memref<4096xf32, #tpu.memory_space<vmem>>) offsets(%dma_start3A_806 : memref<4096xi32, #tpu.memory_space<vmem>>) semaphore(%arg15 : memref<!tpu.dma_semaphore, #tpu.memory_space<semaphore_mem>>)
    %dma_start3A_809 = arith.constant 28672 : i32
    %dma_start3A_810 = tpu.memref_slice %arg11[%dma_start3A_809] : memref<32768xf32, #tpu.memory_space<vmem>> -> memref<4096xf32, #tpu.memory_space<vmem>>
    %dma_start3A_811 = arith.constant 28672 : i32
    %dma_start3A_812 = tpu.memref_slice %arg9[%dma_start3A_811] : memref<32768xi32, #tpu.memory_space<vmem>> -> memref<4096xi32, #tpu.memory_space<vmem>>
    %dma_start3A_813 = arith.constant 0 : i32
    %dma_start3A_814 = tpu.memref_slice %arg3[%dma_start3A_813] : memref<8388608xf32, #tpu.memory_space<hbm>> -> memref<8388608xf32, #tpu.memory_space<hbm>>
    tpu.enqueue_indirect_dma source(%dma_start3A_814 : memref<8388608xf32, #tpu.memory_space<hbm>>) target(%dma_start3A_810 : memref<4096xf32, #tpu.memory_space<vmem>>) offsets(%dma_start3A_812 : memref<4096xi32, #tpu.memory_space<vmem>>) semaphore(%arg15 : memref<!tpu.dma_semaphore, #tpu.memory_space<semaphore_mem>>)
    %add3A_815 = arith.constant 0 : i32
    %add3A_816 = arith.addi %mul3A_2, %add3A_815 : i32
    %jit3A_817 = arith.constant 32 : i32
    %div3A_818 = arith.divsi %add3A_816, %jit3A_817 : i32
    %sign3A_819 = arith.constant 0 : i32
    %sign3A_820 = arith.cmpi sgt, %add3A_816, %sign3A_819 : i32
    %sign3A_821 = arith.extui %sign3A_820 : i1 to i32
    %sign3A_822 = arith.constant 0 : i32
    %sign3A_823 = arith.cmpi slt, %add3A_816, %sign3A_822 : i32
    %sign3A_824 = arith.extui %sign3A_823 : i1 to i32
    %sign3A_825 = arith.subi %sign3A_821, %sign3A_824 : i32
    %sign3A_826 = arith.constant 0 : i32
    %sign3A_827 = arith.cmpi sgt, %jit3A_817, %sign3A_826 : i32
    %sign3A_828 = arith.extui %sign3A_827 : i1 to i32
    %sign3A_829 = arith.constant 0 : i32
    %sign3A_830 = arith.cmpi slt, %jit3A_817, %sign3A_829 : i32
    %sign3A_831 = arith.extui %sign3A_830 : i1 to i32
    %sign3A_832 = arith.subi %sign3A_828, %sign3A_831 : i32
    %ne3A_833 = arith.cmpi ne, %sign3A_825, %sign3A_832 : i32
    %rem3A_834 = arith.remsi %add3A_816, %jit3A_817 : i32
    %ne3A_835 = arith.constant 0 : i32
    %ne3A_836 = arith.cmpi ne, %rem3A_834, %ne3A_835 : i32
    %and3A_837 = arith.andi %ne3A_833, %ne3A_836 : i1
    %sub3A_838 = arith.constant 1 : i32
    %sub3A_839 = arith.subi %div3A_818, %sub3A_838 : i32
    %select_n3A_840 = arith.select %and3A_837, %sub3A_839, %div3A_818 : i32
    %jit3A_841 = arith.constant 32 : i32
    %eq3A_842 = arith.constant 0 : i32
    %eq3A_843 = arith.cmpi eq, %jit3A_841, %eq3A_842 : i32
    %jit3A_844 = arith.constant 1 : i32
    %select_n3A_845 = arith.select %eq3A_843, %jit3A_844, %jit3A_841 : i32
    %rem3A_846 = arith.remsi %add3A_816, %select_n3A_845 : i32
    %ne3A_847 = arith.constant 0 : i32
    %ne3A_848 = arith.cmpi ne, %rem3A_846, %ne3A_847 : i32
    %lt3A_849 = arith.constant 0 : i32
    %lt3A_850 = arith.cmpi slt, %rem3A_846, %lt3A_849 : i32
    %lt3A_851 = arith.constant 0 : i32
    %lt3A_852 = arith.cmpi slt, %select_n3A_845, %lt3A_851 : i32
    %ne3A_853 = arith.xori %lt3A_850, %lt3A_852 : i1
    %and3A_854 = arith.andi %ne3A_853, %ne3A_848 : i1
    %add3A_855 = arith.addi %rem3A_846, %select_n3A_845 : i32
    %select_n3A_856 = arith.select %and3A_854, %add3A_855, %rem3A_846 : i32
    %dma_wait3A = arith.constant 0 : i32
    %dma_wait3A_857 = tpu.memref_slice %arg10[%dma_wait3A] : memref<32768xf32, #tpu.memory_space<vmem>> -> memref<4096xf32, #tpu.memory_space<vmem>>
    %dma_wait3A_858 = arith.constant 0 : i32
    %dma_wait3A_859 = tpu.memref_slice %arg9[%dma_wait3A_858] : memref<32768xi32, #tpu.memory_space<vmem>> -> memref<4096xi32, #tpu.memory_space<vmem>>
    %dma_wait3A_860 = arith.constant 0 : i32
    %dma_wait3A_861 = tpu.memref_slice %arg2[%dma_wait3A_860] : memref<8388608xf32, #tpu.memory_space<hbm>> -> memref<8388608xf32, #tpu.memory_space<hbm>>
    tpu.wait_indirect_dma semaphore(%arg12 : memref<!tpu.dma_semaphore, #tpu.memory_space<semaphore_mem>>) src(%dma_wait3A_861 : memref<8388608xf32, #tpu.memory_space<hbm>>) dst(%dma_wait3A_857 : memref<4096xf32, #tpu.memory_space<vmem>>)
    %dma_wait3A_862 = arith.constant 0 : i32
    %dma_wait3A_863 = tpu.memref_slice %arg11[%dma_wait3A_862] : memref<32768xf32, #tpu.memory_space<vmem>> -> memref<4096xf32, #tpu.memory_space<vmem>>
    %dma_wait3A_864 = arith.constant 0 : i32
    %dma_wait3A_865 = tpu.memref_slice %arg9[%dma_wait3A_864] : memref<32768xi32, #tpu.memory_space<vmem>> -> memref<4096xi32, #tpu.memory_space<vmem>>
    %dma_wait3A_866 = arith.constant 0 : i32
    %dma_wait3A_867 = tpu.memref_slice %arg3[%dma_wait3A_866] : memref<8388608xf32, #tpu.memory_space<hbm>> -> memref<8388608xf32, #tpu.memory_space<hbm>>
    tpu.wait_indirect_dma semaphore(%arg12 : memref<!tpu.dma_semaphore, #tpu.memory_space<semaphore_mem>>) src(%dma_wait3A_867 : memref<8388608xf32, #tpu.memory_space<hbm>>) dst(%dma_wait3A_863 : memref<4096xf32, #tpu.memory_space<vmem>>)
    %dma_wait3A_868 = arith.constant 4096 : i32
    %dma_wait3A_869 = tpu.memref_slice %arg10[%dma_wait3A_868] : memref<32768xf32, #tpu.memory_space<vmem>> -> memref<4096xf32, #tpu.memory_space<vmem>>
    %dma_wait3A_870 = arith.constant 4096 : i32
    %dma_wait3A_871 = tpu.memref_slice %arg9[%dma_wait3A_870] : memref<32768xi32, #tpu.memory_space<vmem>> -> memref<4096xi32, #tpu.memory_space<vmem>>
    %dma_wait3A_872 = arith.constant 0 : i32
    %dma_wait3A_873 = tpu.memref_slice %arg2[%dma_wait3A_872] : memref<8388608xf32, #tpu.memory_space<hbm>> -> memref<8388608xf32, #tpu.memory_space<hbm>>
    tpu.wait_indirect_dma semaphore(%arg12 : memref<!tpu.dma_semaphore, #tpu.memory_space<semaphore_mem>>) src(%dma_wait3A_873 : memref<8388608xf32, #tpu.memory_space<hbm>>) dst(%dma_wait3A_869 : memref<4096xf32, #tpu.memory_space<vmem>>)
    %dma_wait3A_874 = arith.constant 4096 : i32
    %dma_wait3A_875 = tpu.memref_slice %arg11[%dma_wait3A_874] : memref<32768xf32, #tpu.memory_space<vmem>> -> memref<4096xf32, #tpu.memory_space<vmem>>
    %dma_wait3A_876 = arith.constant 4096 : i32
    %dma_wait3A_877 = tpu.memref_slice %arg9[%dma_wait3A_876] : memref<32768xi32, #tpu.memory_space<vmem>> -> memref<4096xi32, #tpu.memory_space<vmem>>
    %dma_wait3A_878 = arith.constant 0 : i32
    %dma_wait3A_879 = tpu.memref_slice %arg3[%dma_wait3A_878] : memref<8388608xf32, #tpu.memory_space<hbm>> -> memref<8388608xf32, #tpu.memory_space<hbm>>
    tpu.wait_indirect_dma semaphore(%arg12 : memref<!tpu.dma_semaphore, #tpu.memory_space<semaphore_mem>>) src(%dma_wait3A_879 : memref<8388608xf32, #tpu.memory_space<hbm>>) dst(%dma_wait3A_875 : memref<4096xf32, #tpu.memory_space<vmem>>)
    %dma_start3A_880 = arith.constant 0 : i32
    %dma_start3A_881 = arith.constant 0 : i32
    %dma_start3A_882 = tpu.memref_slice %arg10[%dma_start3A_881] : memref<32768xf32, #tpu.memory_space<vmem>> -> memref<1024xf32, #tpu.memory_space<vmem>>
    %dma_start3A_883 = arith.constant 0 : i32
    %dma_start3A_884 = tpu.memref_slice %arg5[%select_n3A_840, %dma_start3A_880, %select_n3A_856, %dma_start3A_883] : memref<4x8x32x1024xf32, #tpu.memory_space<hbm>> -> memref<1x1x1x1024xf32, #tpu.memory_space<hbm>>
    %dma_start3A_885 = tpu.memref_squeeze %dma_start3A_884 : memref<1x1x1x1024xf32, #tpu.memory_space<hbm>> -> memref<1024xf32, #tpu.memory_space<hbm>>
    %dma_start3A_886 = arith.constant 0 : i32
    %dma_start3A_887 = tpu.memref_slice %arg5[%select_n3A_840, %dma_start3A_880, %select_n3A_856, %dma_start3A_886] : memref<4x8x32x1024xf32, #tpu.memory_space<hbm>> -> memref<1x1x1x1024xf32, #tpu.memory_space<hbm>>
    %dma_start3A_888 = tpu.memref_squeeze %dma_start3A_887 : memref<1x1x1x1024xf32, #tpu.memory_space<hbm>> -> memref<1024xf32, #tpu.memory_space<hbm>>
    %dma_start3A_889 = arith.constant 0 : i32
    %dma_start3A_890 = tpu.memref_slice %arg10[%dma_start3A_889] : memref<32768xf32, #tpu.memory_space<vmem>> -> memref<1024xf32, #tpu.memory_space<vmem>>
    tpu.enqueue_dma source(%dma_start3A_890 : memref<1024xf32, #tpu.memory_space<vmem>>) target(%dma_start3A_888 : memref<1024xf32, #tpu.memory_space<hbm>>) target_semaphore(%arg16 : memref<!tpu.dma_semaphore, #tpu.memory_space<semaphore_mem>>)
    %dma_start3A_891 = arith.constant 0 : i32
    %dma_start3A_892 = arith.constant 0 : i32
    %dma_start3A_893 = tpu.memref_slice %arg11[%dma_start3A_892] : memref<32768xf32, #tpu.memory_space<vmem>> -> memref<1024xf32, #tpu.memory_space<vmem>>
    %dma_start3A_894 = arith.constant 0 : i32
    %dma_start3A_895 = tpu.memref_slice %arg6[%select_n3A_840, %dma_start3A_891, %select_n3A_856, %dma_start3A_894] : memref<4x8x32x1024xf32, #tpu.memory_space<hbm>> -> memref<1x1x1x1024xf32, #tpu.memory_space<hbm>>
    %dma_start3A_896 = tpu.memref_squeeze %dma_start3A_895 : memref<1x1x1x1024xf32, #tpu.memory_space<hbm>> -> memref<1024xf32, #tpu.memory_space<hbm>>
    %dma_start3A_897 = arith.constant 0 : i32
    %dma_start3A_898 = tpu.memref_slice %arg6[%select_n3A_840, %dma_start3A_891, %select_n3A_856, %dma_start3A_897] : memref<4x8x32x1024xf32, #tpu.memory_space<hbm>> -> memref<1x1x1x1024xf32, #tpu.memory_space<hbm>>
    %dma_start3A_899 = tpu.memref_squeeze %dma_start3A_898 : memref<1x1x1x1024xf32, #tpu.memory_space<hbm>> -> memref<1024xf32, #tpu.memory_space<hbm>>
    %dma_start3A_900 = arith.constant 0 : i32
    %dma_start3A_901 = tpu.memref_slice %arg11[%dma_start3A_900] : memref<32768xf32, #tpu.memory_space<vmem>> -> memref<1024xf32, #tpu.memory_space<vmem>>
    tpu.enqueue_dma source(%dma_start3A_901 : memref<1024xf32, #tpu.memory_space<vmem>>) target(%dma_start3A_899 : memref<1024xf32, #tpu.memory_space<hbm>>) target_semaphore(%arg16 : memref<!tpu.dma_semaphore, #tpu.memory_space<semaphore_mem>>)
    %dma_start3A_902 = arith.constant 1 : i32
    %dma_start3A_903 = arith.constant 1024 : i32
    %dma_start3A_904 = tpu.memref_slice %arg10[%dma_start3A_903] : memref<32768xf32, #tpu.memory_space<vmem>> -> memref<1024xf32, #tpu.memory_space<vmem>>
    %dma_start3A_905 = arith.constant 0 : i32
    %dma_start3A_906 = tpu.memref_slice %arg5[%select_n3A_840, %dma_start3A_902, %select_n3A_856, %dma_start3A_905] : memref<4x8x32x1024xf32, #tpu.memory_space<hbm>> -> memref<1x1x1x1024xf32, #tpu.memory_space<hbm>>
    %dma_start3A_907 = tpu.memref_squeeze %dma_start3A_906 : memref<1x1x1x1024xf32, #tpu.memory_space<hbm>> -> memref<1024xf32, #tpu.memory_space<hbm>>
    %dma_start3A_908 = arith.constant 0 : i32
    %dma_start3A_909 = tpu.memref_slice %arg5[%select_n3A_840, %dma_start3A_902, %select_n3A_856, %dma_start3A_908] : memref<4x8x32x1024xf32, #tpu.memory_space<hbm>> -> memref<1x1x1x1024xf32, #tpu.memory_space<hbm>>
    %dma_start3A_910 = tpu.memref_squeeze %dma_start3A_909 : memref<1x1x1x1024xf32, #tpu.memory_space<hbm>> -> memref<1024xf32, #tpu.memory_space<hbm>>
    %dma_start3A_911 = arith.constant 1024 : i32
    %dma_start3A_912 = tpu.memref_slice %arg10[%dma_start3A_911] : memref<32768xf32, #tpu.memory_space<vmem>> -> memref<1024xf32, #tpu.memory_space<vmem>>
    tpu.enqueue_dma source(%dma_start3A_912 : memref<1024xf32, #tpu.memory_space<vmem>>) target(%dma_start3A_910 : memref<1024xf32, #tpu.memory_space<hbm>>) target_semaphore(%arg16 : memref<!tpu.dma_semaphore, #tpu.memory_space<semaphore_mem>>)
    %dma_start3A_913 = arith.constant 1 : i32
    %dma_start3A_914 = arith.constant 1024 : i32
    %dma_start3A_915 = tpu.memref_slice %arg11[%dma_start3A_914] : memref<32768xf32, #tpu.memory_space<vmem>> -> memref<1024xf32, #tpu.memory_space<vmem>>
    %dma_start3A_916 = arith.constant 0 : i32
    %dma_start3A_917 = tpu.memref_slice %arg6[%select_n3A_840, %dma_start3A_913, %select_n3A_856, %dma_start3A_916] : memref<4x8x32x1024xf32, #tpu.memory_space<hbm>> -> memref<1x1x1x1024xf32, #tpu.memory_space<hbm>>
    %dma_start3A_918 = tpu.memref_squeeze %dma_start3A_917 : memref<1x1x1x1024xf32, #tpu.memory_space<hbm>> -> memref<1024xf32, #tpu.memory_space<hbm>>
    %dma_start3A_919 = arith.constant 0 : i32
    %dma_start3A_920 = tpu.memref_slice %arg6[%select_n3A_840, %dma_start3A_913, %select_n3A_856, %dma_start3A_919] : memref<4x8x32x1024xf32, #tpu.memory_space<hbm>> -> memref<1x1x1x1024xf32, #tpu.memory_space<hbm>>
    %dma_start3A_921 = tpu.memref_squeeze %dma_start3A_920 : memref<1x1x1x1024xf32, #tpu.memory_space<hbm>> -> memref<1024xf32, #tpu.memory_space<hbm>>
    %dma_start3A_922 = arith.constant 1024 : i32
    %dma_start3A_923 = tpu.memref_slice %arg11[%dma_start3A_922] : memref<32768xf32, #tpu.memory_space<vmem>> -> memref<1024xf32, #tpu.memory_space<vmem>>
    tpu.enqueue_dma source(%dma_start3A_923 : memref<1024xf32, #tpu.memory_space<vmem>>) target(%dma_start3A_921 : memref<1024xf32, #tpu.memory_space<hbm>>) target_semaphore(%arg16 : memref<!tpu.dma_semaphore, #tpu.memory_space<semaphore_mem>>)
    %dma_start3A_924 = arith.constant 2 : i32
    %dma_start3A_925 = arith.constant 2048 : i32
    %dma_start3A_926 = tpu.memref_slice %arg10[%dma_start3A_925] : memref<32768xf32, #tpu.memory_space<vmem>> -> memref<1024xf32, #tpu.memory_space<vmem>>
    %dma_start3A_927 = arith.constant 0 : i32
    %dma_start3A_928 = tpu.memref_slice %arg5[%select_n3A_840, %dma_start3A_924, %select_n3A_856, %dma_start3A_927] : memref<4x8x32x1024xf32, #tpu.memory_space<hbm>> -> memref<1x1x1x1024xf32, #tpu.memory_space<hbm>>
    %dma_start3A_929 = tpu.memref_squeeze %dma_start3A_928 : memref<1x1x1x1024xf32, #tpu.memory_space<hbm>> -> memref<1024xf32, #tpu.memory_space<hbm>>
    %dma_start3A_930 = arith.constant 0 : i32
    %dma_start3A_931 = tpu.memref_slice %arg5[%select_n3A_840, %dma_start3A_924, %select_n3A_856, %dma_start3A_930] : memref<4x8x32x1024xf32, #tpu.memory_space<hbm>> -> memref<1x1x1x1024xf32, #tpu.memory_space<hbm>>
    %dma_start3A_932 = tpu.memref_squeeze %dma_start3A_931 : memref<1x1x1x1024xf32, #tpu.memory_space<hbm>> -> memref<1024xf32, #tpu.memory_space<hbm>>
    %dma_start3A_933 = arith.constant 2048 : i32
    %dma_start3A_934 = tpu.memref_slice %arg10[%dma_start3A_933] : memref<32768xf32, #tpu.memory_space<vmem>> -> memref<1024xf32, #tpu.memory_space<vmem>>
    tpu.enqueue_dma source(%dma_start3A_934 : memref<1024xf32, #tpu.memory_space<vmem>>) target(%dma_start3A_932 : memref<1024xf32, #tpu.memory_space<hbm>>) target_semaphore(%arg16 : memref<!tpu.dma_semaphore, #tpu.memory_space<semaphore_mem>>)
    %dma_start3A_935 = arith.constant 2 : i32
    %dma_start3A_936 = arith.constant 2048 : i32
    %dma_start3A_937 = tpu.memref_slice %arg11[%dma_start3A_936] : memref<32768xf32, #tpu.memory_space<vmem>> -> memref<1024xf32, #tpu.memory_space<vmem>>
    %dma_start3A_938 = arith.constant 0 : i32
    %dma_start3A_939 = tpu.memref_slice %arg6[%select_n3A_840, %dma_start3A_935, %select_n3A_856, %dma_start3A_938] : memref<4x8x32x1024xf32, #tpu.memory_space<hbm>> -> memref<1x1x1x1024xf32, #tpu.memory_space<hbm>>
    %dma_start3A_940 = tpu.memref_squeeze %dma_start3A_939 : memref<1x1x1x1024xf32, #tpu.memory_space<hbm>> -> memref<1024xf32, #tpu.memory_space<hbm>>
    %dma_start3A_941 = arith.constant 0 : i32
    %dma_start3A_942 = tpu.memref_slice %arg6[%select_n3A_840, %dma_start3A_935, %select_n3A_856, %dma_start3A_941] : memref<4x8x32x1024xf32, #tpu.memory_space<hbm>> -> memref<1x1x1x1024xf32, #tpu.memory_space<hbm>>
    %dma_start3A_943 = tpu.memref_squeeze %dma_start3A_942 : memref<1x1x1x1024xf32, #tpu.memory_space<hbm>> -> memref<1024xf32, #tpu.memory_space<hbm>>
    %dma_start3A_944 = arith.constant 2048 : i32
    %dma_start3A_945 = tpu.memref_slice %arg11[%dma_start3A_944] : memref<32768xf32, #tpu.memory_space<vmem>> -> memref<1024xf32, #tpu.memory_space<vmem>>
    tpu.enqueue_dma source(%dma_start3A_945 : memref<1024xf32, #tpu.memory_space<vmem>>) target(%dma_start3A_943 : memref<1024xf32, #tpu.memory_space<hbm>>) target_semaphore(%arg16 : memref<!tpu.dma_semaphore, #tpu.memory_space<semaphore_mem>>)
    %dma_start3A_946 = arith.constant 3 : i32
    %dma_start3A_947 = arith.constant 3072 : i32
    %dma_start3A_948 = tpu.memref_slice %arg10[%dma_start3A_947] : memref<32768xf32, #tpu.memory_space<vmem>> -> memref<1024xf32, #tpu.memory_space<vmem>>
    %dma_start3A_949 = arith.constant 0 : i32
    %dma_start3A_950 = tpu.memref_slice %arg5[%select_n3A_840, %dma_start3A_946, %select_n3A_856, %dma_start3A_949] : memref<4x8x32x1024xf32, #tpu.memory_space<hbm>> -> memref<1x1x1x1024xf32, #tpu.memory_space<hbm>>
    %dma_start3A_951 = tpu.memref_squeeze %dma_start3A_950 : memref<1x1x1x1024xf32, #tpu.memory_space<hbm>> -> memref<1024xf32, #tpu.memory_space<hbm>>
    %dma_start3A_952 = arith.constant 0 : i32
    %dma_start3A_953 = tpu.memref_slice %arg5[%select_n3A_840, %dma_start3A_946, %select_n3A_856, %dma_start3A_952] : memref<4x8x32x1024xf32, #tpu.memory_space<hbm>> -> memref<1x1x1x1024xf32, #tpu.memory_space<hbm>>
    %dma_start3A_954 = tpu.memref_squeeze %dma_start3A_953 : memref<1x1x1x1024xf32, #tpu.memory_space<hbm>> -> memref<1024xf32, #tpu.memory_space<hbm>>
    %dma_start3A_955 = arith.constant 3072 : i32
    %dma_start3A_956 = tpu.memref_slice %arg10[%dma_start3A_955] : memref<32768xf32, #tpu.memory_space<vmem>> -> memref<1024xf32, #tpu.memory_space<vmem>>
    tpu.enqueue_dma source(%dma_start3A_956 : memref<1024xf32, #tpu.memory_space<vmem>>) target(%dma_start3A_954 : memref<1024xf32, #tpu.memory_space<hbm>>) target_semaphore(%arg16 : memref<!tpu.dma_semaphore, #tpu.memory_space<semaphore_mem>>)
    %dma_start3A_957 = arith.constant 3 : i32
    %dma_start3A_958 = arith.constant 3072 : i32
    %dma_start3A_959 = tpu.memref_slice %arg11[%dma_start3A_958] : memref<32768xf32, #tpu.memory_space<vmem>> -> memref<1024xf32, #tpu.memory_space<vmem>>
    %dma_start3A_960 = arith.constant 0 : i32
    %dma_start3A_961 = tpu.memref_slice %arg6[%select_n3A_840, %dma_start3A_957, %select_n3A_856, %dma_start3A_960] : memref<4x8x32x1024xf32, #tpu.memory_space<hbm>> -> memref<1x1x1x1024xf32, #tpu.memory_space<hbm>>
    %dma_start3A_962 = tpu.memref_squeeze %dma_start3A_961 : memref<1x1x1x1024xf32, #tpu.memory_space<hbm>> -> memref<1024xf32, #tpu.memory_space<hbm>>
    %dma_start3A_963 = arith.constant 0 : i32
    %dma_start3A_964 = tpu.memref_slice %arg6[%select_n3A_840, %dma_start3A_957, %select_n3A_856, %dma_start3A_963] : memref<4x8x32x1024xf32, #tpu.memory_space<hbm>> -> memref<1x1x1x1024xf32, #tpu.memory_space<hbm>>
    %dma_start3A_965 = tpu.memref_squeeze %dma_start3A_964 : memref<1x1x1x1024xf32, #tpu.memory_space<hbm>> -> memref<1024xf32, #tpu.memory_space<hbm>>
    %dma_start3A_966 = arith.constant 3072 : i32
    %dma_start3A_967 = tpu.memref_slice %arg11[%dma_start3A_966] : memref<32768xf32, #tpu.memory_space<vmem>> -> memref<1024xf32, #tpu.memory_space<vmem>>
    tpu.enqueue_dma source(%dma_start3A_967 : memref<1024xf32, #tpu.memory_space<vmem>>) target(%dma_start3A_965 : memref<1024xf32, #tpu.memory_space<hbm>>) target_semaphore(%arg16 : memref<!tpu.dma_semaphore, #tpu.memory_space<semaphore_mem>>)
    %dma_start3A_968 = arith.constant 4 : i32
    %dma_start3A_969 = arith.constant 4096 : i32
    %dma_start3A_970 = tpu.memref_slice %arg10[%dma_start3A_969] : memref<32768xf32, #tpu.memory_space<vmem>> -> memref<1024xf32, #tpu.memory_space<vmem>>
    %dma_start3A_971 = arith.constant 0 : i32
    %dma_start3A_972 = tpu.memref_slice %arg5[%select_n3A_840, %dma_start3A_968, %select_n3A_856, %dma_start3A_971] : memref<4x8x32x1024xf32, #tpu.memory_space<hbm>> -> memref<1x1x1x1024xf32, #tpu.memory_space<hbm>>
    %dma_start3A_973 = tpu.memref_squeeze %dma_start3A_972 : memref<1x1x1x1024xf32, #tpu.memory_space<hbm>> -> memref<1024xf32, #tpu.memory_space<hbm>>
    %dma_start3A_974 = arith.constant 0 : i32
    %dma_start3A_975 = tpu.memref_slice %arg5[%select_n3A_840, %dma_start3A_968, %select_n3A_856, %dma_start3A_974] : memref<4x8x32x1024xf32, #tpu.memory_space<hbm>> -> memref<1x1x1x1024xf32, #tpu.memory_space<hbm>>
    %dma_start3A_976 = tpu.memref_squeeze %dma_start3A_975 : memref<1x1x1x1024xf32, #tpu.memory_space<hbm>> -> memref<1024xf32, #tpu.memory_space<hbm>>
    %dma_start3A_977 = arith.constant 4096 : i32
    %dma_start3A_978 = tpu.memref_slice %arg10[%dma_start3A_977] : memref<32768xf32, #tpu.memory_space<vmem>> -> memref<1024xf32, #tpu.memory_space<vmem>>
    tpu.enqueue_dma source(%dma_start3A_978 : memref<1024xf32, #tpu.memory_space<vmem>>) target(%dma_start3A_976 : memref<1024xf32, #tpu.memory_space<hbm>>) target_semaphore(%arg16 : memref<!tpu.dma_semaphore, #tpu.memory_space<semaphore_mem>>)
    %dma_start3A_979 = arith.constant 4 : i32
    %dma_start3A_980 = arith.constant 4096 : i32
    %dma_start3A_981 = tpu.memref_slice %arg11[%dma_start3A_980] : memref<32768xf32, #tpu.memory_space<vmem>> -> memref<1024xf32, #tpu.memory_space<vmem>>
    %dma_start3A_982 = arith.constant 0 : i32
    %dma_start3A_983 = tpu.memref_slice %arg6[%select_n3A_840, %dma_start3A_979, %select_n3A_856, %dma_start3A_982] : memref<4x8x32x1024xf32, #tpu.memory_space<hbm>> -> memref<1x1x1x1024xf32, #tpu.memory_space<hbm>>
    %dma_start3A_984 = tpu.memref_squeeze %dma_start3A_983 : memref<1x1x1x1024xf32, #tpu.memory_space<hbm>> -> memref<1024xf32, #tpu.memory_space<hbm>>
    %dma_start3A_985 = arith.constant 0 : i32
    %dma_start3A_986 = tpu.memref_slice %arg6[%select_n3A_840, %dma_start3A_979, %select_n3A_856, %dma_start3A_985] : memref<4x8x32x1024xf32, #tpu.memory_space<hbm>> -> memref<1x1x1x1024xf32, #tpu.memory_space<hbm>>
    %dma_start3A_987 = tpu.memref_squeeze %dma_start3A_986 : memref<1x1x1x1024xf32, #tpu.memory_space<hbm>> -> memref<1024xf32, #tpu.memory_space<hbm>>
    %dma_start3A_988 = arith.constant 4096 : i32
    %dma_start3A_989 = tpu.memref_slice %arg11[%dma_start3A_988] : memref<32768xf32, #tpu.memory_space<vmem>> -> memref<1024xf32, #tpu.memory_space<vmem>>
    tpu.enqueue_dma source(%dma_start3A_989 : memref<1024xf32, #tpu.memory_space<vmem>>) target(%dma_start3A_987 : memref<1024xf32, #tpu.memory_space<hbm>>) target_semaphore(%arg16 : memref<!tpu.dma_semaphore, #tpu.memory_space<semaphore_mem>>)
    %dma_start3A_990 = arith.constant 5 : i32
    %dma_start3A_991 = arith.constant 5120 : i32
    %dma_start3A_992 = tpu.memref_slice %arg10[%dma_start3A_991] : memref<32768xf32, #tpu.memory_space<vmem>> -> memref<1024xf32, #tpu.memory_space<vmem>>
    %dma_start3A_993 = arith.constant 0 : i32
    %dma_start3A_994 = tpu.memref_slice %arg5[%select_n3A_840, %dma_start3A_990, %select_n3A_856, %dma_start3A_993] : memref<4x8x32x1024xf32, #tpu.memory_space<hbm>> -> memref<1x1x1x1024xf32, #tpu.memory_space<hbm>>
    %dma_start3A_995 = tpu.memref_squeeze %dma_start3A_994 : memref<1x1x1x1024xf32, #tpu.memory_space<hbm>> -> memref<1024xf32, #tpu.memory_space<hbm>>
    %dma_start3A_996 = arith.constant 0 : i32
    %dma_start3A_997 = tpu.memref_slice %arg5[%select_n3A_840, %dma_start3A_990, %select_n3A_856, %dma_start3A_996] : memref<4x8x32x1024xf32, #tpu.memory_space<hbm>> -> memref<1x1x1x1024xf32, #tpu.memory_space<hbm>>
    %dma_start3A_998 = tpu.memref_squeeze %dma_start3A_997 : memref<1x1x1x1024xf32, #tpu.memory_space<hbm>> -> memref<1024xf32, #tpu.memory_space<hbm>>
    %dma_start3A_999 = arith.constant 5120 : i32
    %dma_start3A_1000 = tpu.memref_slice %arg10[%dma_start3A_999] : memref<32768xf32, #tpu.memory_space<vmem>> -> memref<1024xf32, #tpu.memory_space<vmem>>
    tpu.enqueue_dma source(%dma_start3A_1000 : memref<1024xf32, #tpu.memory_space<vmem>>) target(%dma_start3A_998 : memref<1024xf32, #tpu.memory_space<hbm>>) target_semaphore(%arg16 : memref<!tpu.dma_semaphore, #tpu.memory_space<semaphore_mem>>)
    %dma_start3A_1001 = arith.constant 5 : i32
    %dma_start3A_1002 = arith.constant 5120 : i32
    %dma_start3A_1003 = tpu.memref_slice %arg11[%dma_start3A_1002] : memref<32768xf32, #tpu.memory_space<vmem>> -> memref<1024xf32, #tpu.memory_space<vmem>>
    %dma_start3A_1004 = arith.constant 0 : i32
    %dma_start3A_1005 = tpu.memref_slice %arg6[%select_n3A_840, %dma_start3A_1001, %select_n3A_856, %dma_start3A_1004] : memref<4x8x32x1024xf32, #tpu.memory_space<hbm>> -> memref<1x1x1x1024xf32, #tpu.memory_space<hbm>>
    %dma_start3A_1006 = tpu.memref_squeeze %dma_start3A_1005 : memref<1x1x1x1024xf32, #tpu.memory_space<hbm>> -> memref<1024xf32, #tpu.memory_space<hbm>>
    %dma_start3A_1007 = arith.constant 0 : i32
    %dma_start3A_1008 = tpu.memref_slice %arg6[%select_n3A_840, %dma_start3A_1001, %select_n3A_856, %dma_start3A_1007] : memref<4x8x32x1024xf32, #tpu.memory_space<hbm>> -> memref<1x1x1x1024xf32, #tpu.memory_space<hbm>>
    %dma_start3A_1009 = tpu.memref_squeeze %dma_start3A_1008 : memref<1x1x1x1024xf32, #tpu.memory_space<hbm>> -> memref<1024xf32, #tpu.memory_space<hbm>>
    %dma_start3A_1010 = arith.constant 5120 : i32
    %dma_start3A_1011 = tpu.memref_slice %arg11[%dma_start3A_1010] : memref<32768xf32, #tpu.memory_space<vmem>> -> memref<1024xf32, #tpu.memory_space<vmem>>
    tpu.enqueue_dma source(%dma_start3A_1011 : memref<1024xf32, #tpu.memory_space<vmem>>) target(%dma_start3A_1009 : memref<1024xf32, #tpu.memory_space<hbm>>) target_semaphore(%arg16 : memref<!tpu.dma_semaphore, #tpu.memory_space<semaphore_mem>>)
    %dma_start3A_1012 = arith.constant 6 : i32
    %dma_start3A_1013 = arith.constant 6144 : i32
    %dma_start3A_1014 = tpu.memref_slice %arg10[%dma_start3A_1013] : memref<32768xf32, #tpu.memory_space<vmem>> -> memref<1024xf32, #tpu.memory_space<vmem>>
    %dma_start3A_1015 = arith.constant 0 : i32
    %dma_start3A_1016 = tpu.memref_slice %arg5[%select_n3A_840, %dma_start3A_1012, %select_n3A_856, %dma_start3A_1015] : memref<4x8x32x1024xf32, #tpu.memory_space<hbm>> -> memref<1x1x1x1024xf32, #tpu.memory_space<hbm>>
    %dma_start3A_1017 = tpu.memref_squeeze %dma_start3A_1016 : memref<1x1x1x1024xf32, #tpu.memory_space<hbm>> -> memref<1024xf32, #tpu.memory_space<hbm>>
    %dma_start3A_1018 = arith.constant 0 : i32
    %dma_start3A_1019 = tpu.memref_slice %arg5[%select_n3A_840, %dma_start3A_1012, %select_n3A_856, %dma_start3A_1018] : memref<4x8x32x1024xf32, #tpu.memory_space<hbm>> -> memref<1x1x1x1024xf32, #tpu.memory_space<hbm>>
    %dma_start3A_1020 = tpu.memref_squeeze %dma_start3A_1019 : memref<1x1x1x1024xf32, #tpu.memory_space<hbm>> -> memref<1024xf32, #tpu.memory_space<hbm>>
    %dma_start3A_1021 = arith.constant 6144 : i32
    %dma_start3A_1022 = tpu.memref_slice %arg10[%dma_start3A_1021] : memref<32768xf32, #tpu.memory_space<vmem>> -> memref<1024xf32, #tpu.memory_space<vmem>>
    tpu.enqueue_dma source(%dma_start3A_1022 : memref<1024xf32, #tpu.memory_space<vmem>>) target(%dma_start3A_1020 : memref<1024xf32, #tpu.memory_space<hbm>>) target_semaphore(%arg16 : memref<!tpu.dma_semaphore, #tpu.memory_space<semaphore_mem>>)
    %dma_start3A_1023 = arith.constant 6 : i32
    %dma_start3A_1024 = arith.constant 6144 : i32
    %dma_start3A_1025 = tpu.memref_slice %arg11[%dma_start3A_1024] : memref<32768xf32, #tpu.memory_space<vmem>> -> memref<1024xf32, #tpu.memory_space<vmem>>
    %dma_start3A_1026 = arith.constant 0 : i32
    %dma_start3A_1027 = tpu.memref_slice %arg6[%select_n3A_840, %dma_start3A_1023, %select_n3A_856, %dma_start3A_1026] : memref<4x8x32x1024xf32, #tpu.memory_space<hbm>> -> memref<1x1x1x1024xf32, #tpu.memory_space<hbm>>
    %dma_start3A_1028 = tpu.memref_squeeze %dma_start3A_1027 : memref<1x1x1x1024xf32, #tpu.memory_space<hbm>> -> memref<1024xf32, #tpu.memory_space<hbm>>
    %dma_start3A_1029 = arith.constant 0 : i32
    %dma_start3A_1030 = tpu.memref_slice %arg6[%select_n3A_840, %dma_start3A_1023, %select_n3A_856, %dma_start3A_1029] : memref<4x8x32x1024xf32, #tpu.memory_space<hbm>> -> memref<1x1x1x1024xf32, #tpu.memory_space<hbm>>
    %dma_start3A_1031 = tpu.memref_squeeze %dma_start3A_1030 : memref<1x1x1x1024xf32, #tpu.memory_space<hbm>> -> memref<1024xf32, #tpu.memory_space<hbm>>
    %dma_start3A_1032 = arith.constant 6144 : i32
    %dma_start3A_1033 = tpu.memref_slice %arg11[%dma_start3A_1032] : memref<32768xf32, #tpu.memory_space<vmem>> -> memref<1024xf32, #tpu.memory_space<vmem>>
    tpu.enqueue_dma source(%dma_start3A_1033 : memref<1024xf32, #tpu.memory_space<vmem>>) target(%dma_start3A_1031 : memref<1024xf32, #tpu.memory_space<hbm>>) target_semaphore(%arg16 : memref<!tpu.dma_semaphore, #tpu.memory_space<semaphore_mem>>)
    %dma_start3A_1034 = arith.constant 7 : i32
    %dma_start3A_1035 = arith.constant 7168 : i32
    %dma_start3A_1036 = tpu.memref_slice %arg10[%dma_start3A_1035] : memref<32768xf32, #tpu.memory_space<vmem>> -> memref<1024xf32, #tpu.memory_space<vmem>>
    %dma_start3A_1037 = arith.constant 0 : i32
    %dma_start3A_1038 = tpu.memref_slice %arg5[%select_n3A_840, %dma_start3A_1034, %select_n3A_856, %dma_start3A_1037] : memref<4x8x32x1024xf32, #tpu.memory_space<hbm>> -> memref<1x1x1x1024xf32, #tpu.memory_space<hbm>>
    %dma_start3A_1039 = tpu.memref_squeeze %dma_start3A_1038 : memref<1x1x1x1024xf32, #tpu.memory_space<hbm>> -> memref<1024xf32, #tpu.memory_space<hbm>>
    %dma_start3A_1040 = arith.constant 0 : i32
    %dma_start3A_1041 = tpu.memref_slice %arg5[%select_n3A_840, %dma_start3A_1034, %select_n3A_856, %dma_start3A_1040] : memref<4x8x32x1024xf32, #tpu.memory_space<hbm>> -> memref<1x1x1x1024xf32, #tpu.memory_space<hbm>>
    %dma_start3A_1042 = tpu.memref_squeeze %dma_start3A_1041 : memref<1x1x1x1024xf32, #tpu.memory_space<hbm>> -> memref<1024xf32, #tpu.memory_space<hbm>>
    %dma_start3A_1043 = arith.constant 7168 : i32
    %dma_start3A_1044 = tpu.memref_slice %arg10[%dma_start3A_1043] : memref<32768xf32, #tpu.memory_space<vmem>> -> memref<1024xf32, #tpu.memory_space<vmem>>
    tpu.enqueue_dma source(%dma_start3A_1044 : memref<1024xf32, #tpu.memory_space<vmem>>) target(%dma_start3A_1042 : memref<1024xf32, #tpu.memory_space<hbm>>) target_semaphore(%arg16 : memref<!tpu.dma_semaphore, #tpu.memory_space<semaphore_mem>>)
    %dma_start3A_1045 = arith.constant 7 : i32
    %dma_start3A_1046 = arith.constant 7168 : i32
    %dma_start3A_1047 = tpu.memref_slice %arg11[%dma_start3A_1046] : memref<32768xf32, #tpu.memory_space<vmem>> -> memref<1024xf32, #tpu.memory_space<vmem>>
    %dma_start3A_1048 = arith.constant 0 : i32
    %dma_start3A_1049 = tpu.memref_slice %arg6[%select_n3A_840, %dma_start3A_1045, %select_n3A_856, %dma_start3A_1048] : memref<4x8x32x1024xf32, #tpu.memory_space<hbm>> -> memref<1x1x1x1024xf32, #tpu.memory_space<hbm>>
    %dma_start3A_1050 = tpu.memref_squeeze %dma_start3A_1049 : memref<1x1x1x1024xf32, #tpu.memory_space<hbm>> -> memref<1024xf32, #tpu.memory_space<hbm>>
    %dma_start3A_1051 = arith.constant 0 : i32
    %dma_start3A_1052 = tpu.memref_slice %arg6[%select_n3A_840, %dma_start3A_1045, %select_n3A_856, %dma_start3A_1051] : memref<4x8x32x1024xf32, #tpu.memory_space<hbm>> -> memref<1x1x1x1024xf32, #tpu.memory_space<hbm>>
    %dma_start3A_1053 = tpu.memref_squeeze %dma_start3A_1052 : memref<1x1x1x1024xf32, #tpu.memory_space<hbm>> -> memref<1024xf32, #tpu.memory_space<hbm>>
    %dma_start3A_1054 = arith.constant 7168 : i32
    %dma_start3A_1055 = tpu.memref_slice %arg11[%dma_start3A_1054] : memref<32768xf32, #tpu.memory_space<vmem>> -> memref<1024xf32, #tpu.memory_space<vmem>>
    tpu.enqueue_dma source(%dma_start3A_1055 : memref<1024xf32, #tpu.memory_space<vmem>>) target(%dma_start3A_1053 : memref<1024xf32, #tpu.memory_space<hbm>>) target_semaphore(%arg16 : memref<!tpu.dma_semaphore, #tpu.memory_space<semaphore_mem>>)
    %add3A_1056 = arith.constant 1 : i32
    %add3A_1057 = arith.addi %mul3A_2, %add3A_1056 : i32
    %jit3A_1058 = arith.constant 32 : i32
    %div3A_1059 = arith.divsi %add3A_1057, %jit3A_1058 : i32
    %sign3A_1060 = arith.constant 0 : i32
    %sign3A_1061 = arith.cmpi sgt, %add3A_1057, %sign3A_1060 : i32
    %sign3A_1062 = arith.extui %sign3A_1061 : i1 to i32
    %sign3A_1063 = arith.constant 0 : i32
    %sign3A_1064 = arith.cmpi slt, %add3A_1057, %sign3A_1063 : i32
    %sign3A_1065 = arith.extui %sign3A_1064 : i1 to i32
    %sign3A_1066 = arith.subi %sign3A_1062, %sign3A_1065 : i32
    %sign3A_1067 = arith.constant 0 : i32
    %sign3A_1068 = arith.cmpi sgt, %jit3A_1058, %sign3A_1067 : i32
    %sign3A_1069 = arith.extui %sign3A_1068 : i1 to i32
    %sign3A_1070 = arith.constant 0 : i32
    %sign3A_1071 = arith.cmpi slt, %jit3A_1058, %sign3A_1070 : i32
    %sign3A_1072 = arith.extui %sign3A_1071 : i1 to i32
    %sign3A_1073 = arith.subi %sign3A_1069, %sign3A_1072 : i32
    %ne3A_1074 = arith.cmpi ne, %sign3A_1066, %sign3A_1073 : i32
    %rem3A_1075 = arith.remsi %add3A_1057, %jit3A_1058 : i32
    %ne3A_1076 = arith.constant 0 : i32
    %ne3A_1077 = arith.cmpi ne, %rem3A_1075, %ne3A_1076 : i32
    %and3A_1078 = arith.andi %ne3A_1074, %ne3A_1077 : i1
    %sub3A_1079 = arith.constant 1 : i32
    %sub3A_1080 = arith.subi %div3A_1059, %sub3A_1079 : i32
    %select_n3A_1081 = arith.select %and3A_1078, %sub3A_1080, %div3A_1059 : i32
    %jit3A_1082 = arith.constant 32 : i32
    %eq3A_1083 = arith.constant 0 : i32
    %eq3A_1084 = arith.cmpi eq, %jit3A_1082, %eq3A_1083 : i32
    %jit3A_1085 = arith.constant 1 : i32
    %select_n3A_1086 = arith.select %eq3A_1084, %jit3A_1085, %jit3A_1082 : i32
    %rem3A_1087 = arith.remsi %add3A_1057, %select_n3A_1086 : i32
    %ne3A_1088 = arith.constant 0 : i32
    %ne3A_1089 = arith.cmpi ne, %rem3A_1087, %ne3A_1088 : i32
    %lt3A_1090 = arith.constant 0 : i32
    %lt3A_1091 = arith.cmpi slt, %rem3A_1087, %lt3A_1090 : i32
    %lt3A_1092 = arith.constant 0 : i32
    %lt3A_1093 = arith.cmpi slt, %select_n3A_1086, %lt3A_1092 : i32
    %ne3A_1094 = arith.xori %lt3A_1091, %lt3A_1093 : i1
    %and3A_1095 = arith.andi %ne3A_1094, %ne3A_1089 : i1
    %add3A_1096 = arith.addi %rem3A_1087, %select_n3A_1086 : i32
    %select_n3A_1097 = arith.select %and3A_1095, %add3A_1096, %rem3A_1087 : i32
    %dma_wait3A_1098 = arith.constant 8192 : i32
    %dma_wait3A_1099 = tpu.memref_slice %arg10[%dma_wait3A_1098] : memref<32768xf32, #tpu.memory_space<vmem>> -> memref<4096xf32, #tpu.memory_space<vmem>>
    %dma_wait3A_1100 = arith.constant 8192 : i32
    %dma_wait3A_1101 = tpu.memref_slice %arg9[%dma_wait3A_1100] : memref<32768xi32, #tpu.memory_space<vmem>> -> memref<4096xi32, #tpu.memory_space<vmem>>
    %dma_wait3A_1102 = arith.constant 0 : i32
    %dma_wait3A_1103 = tpu.memref_slice %arg2[%dma_wait3A_1102] : memref<8388608xf32, #tpu.memory_space<hbm>> -> memref<8388608xf32, #tpu.memory_space<hbm>>
    tpu.wait_indirect_dma semaphore(%arg13 : memref<!tpu.dma_semaphore, #tpu.memory_space<semaphore_mem>>) src(%dma_wait3A_1103 : memref<8388608xf32, #tpu.memory_space<hbm>>) dst(%dma_wait3A_1099 : memref<4096xf32, #tpu.memory_space<vmem>>)
    %dma_wait3A_1104 = arith.constant 8192 : i32
    %dma_wait3A_1105 = tpu.memref_slice %arg11[%dma_wait3A_1104] : memref<32768xf32, #tpu.memory_space<vmem>> -> memref<4096xf32, #tpu.memory_space<vmem>>
    %dma_wait3A_1106 = arith.constant 8192 : i32
    %dma_wait3A_1107 = tpu.memref_slice %arg9[%dma_wait3A_1106] : memref<32768xi32, #tpu.memory_space<vmem>> -> memref<4096xi32, #tpu.memory_space<vmem>>
    %dma_wait3A_1108 = arith.constant 0 : i32
    %dma_wait3A_1109 = tpu.memref_slice %arg3[%dma_wait3A_1108] : memref<8388608xf32, #tpu.memory_space<hbm>> -> memref<8388608xf32, #tpu.memory_space<hbm>>
    tpu.wait_indirect_dma semaphore(%arg13 : memref<!tpu.dma_semaphore, #tpu.memory_space<semaphore_mem>>) src(%dma_wait3A_1109 : memref<8388608xf32, #tpu.memory_space<hbm>>) dst(%dma_wait3A_1105 : memref<4096xf32, #tpu.memory_space<vmem>>)
    %dma_wait3A_1110 = arith.constant 12288 : i32
    %dma_wait3A_1111 = tpu.memref_slice %arg10[%dma_wait3A_1110] : memref<32768xf32, #tpu.memory_space<vmem>> -> memref<4096xf32, #tpu.memory_space<vmem>>
    %dma_wait3A_1112 = arith.constant 12288 : i32
    %dma_wait3A_1113 = tpu.memref_slice %arg9[%dma_wait3A_1112] : memref<32768xi32, #tpu.memory_space<vmem>> -> memref<4096xi32, #tpu.memory_space<vmem>>
    %dma_wait3A_1114 = arith.constant 0 : i32
    %dma_wait3A_1115 = tpu.memref_slice %arg2[%dma_wait3A_1114] : memref<8388608xf32, #tpu.memory_space<hbm>> -> memref<8388608xf32, #tpu.memory_space<hbm>>
    tpu.wait_indirect_dma semaphore(%arg13 : memref<!tpu.dma_semaphore, #tpu.memory_space<semaphore_mem>>) src(%dma_wait3A_1115 : memref<8388608xf32, #tpu.memory_space<hbm>>) dst(%dma_wait3A_1111 : memref<4096xf32, #tpu.memory_space<vmem>>)
    %dma_wait3A_1116 = arith.constant 12288 : i32
    %dma_wait3A_1117 = tpu.memref_slice %arg11[%dma_wait3A_1116] : memref<32768xf32, #tpu.memory_space<vmem>> -> memref<4096xf32, #tpu.memory_space<vmem>>
    %dma_wait3A_1118 = arith.constant 12288 : i32
    %dma_wait3A_1119 = tpu.memref_slice %arg9[%dma_wait3A_1118] : memref<32768xi32, #tpu.memory_space<vmem>> -> memref<4096xi32, #tpu.memory_space<vmem>>
    %dma_wait3A_1120 = arith.constant 0 : i32
    %dma_wait3A_1121 = tpu.memref_slice %arg3[%dma_wait3A_1120] : memref<8388608xf32, #tpu.memory_space<hbm>> -> memref<8388608xf32, #tpu.memory_space<hbm>>
    tpu.wait_indirect_dma semaphore(%arg13 : memref<!tpu.dma_semaphore, #tpu.memory_space<semaphore_mem>>) src(%dma_wait3A_1121 : memref<8388608xf32, #tpu.memory_space<hbm>>) dst(%dma_wait3A_1117 : memref<4096xf32, #tpu.memory_space<vmem>>)
    %dma_start3A_1122 = arith.constant 0 : i32
    %dma_start3A_1123 = arith.constant 8192 : i32
    %dma_start3A_1124 = tpu.memref_slice %arg10[%dma_start3A_1123] : memref<32768xf32, #tpu.memory_space<vmem>> -> memref<1024xf32, #tpu.memory_space<vmem>>
    %dma_start3A_1125 = arith.constant 0 : i32
    %dma_start3A_1126 = tpu.memref_slice %arg5[%select_n3A_1081, %dma_start3A_1122, %select_n3A_1097, %dma_start3A_1125] : memref<4x8x32x1024xf32, #tpu.memory_space<hbm>> -> memref<1x1x1x1024xf32, #tpu.memory_space<hbm>>
    %dma_start3A_1127 = tpu.memref_squeeze %dma_start3A_1126 : memref<1x1x1x1024xf32, #tpu.memory_space<hbm>> -> memref<1024xf32, #tpu.memory_space<hbm>>
    %dma_start3A_1128 = arith.constant 0 : i32
    %dma_start3A_1129 = tpu.memref_slice %arg5[%select_n3A_1081, %dma_start3A_1122, %select_n3A_1097, %dma_start3A_1128] : memref<4x8x32x1024xf32, #tpu.memory_space<hbm>> -> memref<1x1x1x1024xf32, #tpu.memory_space<hbm>>
    %dma_start3A_1130 = tpu.memref_squeeze %dma_start3A_1129 : memref<1x1x1x1024xf32, #tpu.memory_space<hbm>> -> memref<1024xf32, #tpu.memory_space<hbm>>
    %dma_start3A_1131 = arith.constant 8192 : i32
    %dma_start3A_1132 = tpu.memref_slice %arg10[%dma_start3A_1131] : memref<32768xf32, #tpu.memory_space<vmem>> -> memref<1024xf32, #tpu.memory_space<vmem>>
    tpu.enqueue_dma source(%dma_start3A_1132 : memref<1024xf32, #tpu.memory_space<vmem>>) target(%dma_start3A_1130 : memref<1024xf32, #tpu.memory_space<hbm>>) target_semaphore(%arg16 : memref<!tpu.dma_semaphore, #tpu.memory_space<semaphore_mem>>)
    %dma_start3A_1133 = arith.constant 0 : i32
    %dma_start3A_1134 = arith.constant 8192 : i32
    %dma_start3A_1135 = tpu.memref_slice %arg11[%dma_start3A_1134] : memref<32768xf32, #tpu.memory_space<vmem>> -> memref<1024xf32, #tpu.memory_space<vmem>>
    %dma_start3A_1136 = arith.constant 0 : i32
    %dma_start3A_1137 = tpu.memref_slice %arg6[%select_n3A_1081, %dma_start3A_1133, %select_n3A_1097, %dma_start3A_1136] : memref<4x8x32x1024xf32, #tpu.memory_space<hbm>> -> memref<1x1x1x1024xf32, #tpu.memory_space<hbm>>
    %dma_start3A_1138 = tpu.memref_squeeze %dma_start3A_1137 : memref<1x1x1x1024xf32, #tpu.memory_space<hbm>> -> memref<1024xf32, #tpu.memory_space<hbm>>
    %dma_start3A_1139 = arith.constant 0 : i32
    %dma_start3A_1140 = tpu.memref_slice %arg6[%select_n3A_1081, %dma_start3A_1133, %select_n3A_1097, %dma_start3A_1139] : memref<4x8x32x1024xf32, #tpu.memory_space<hbm>> -> memref<1x1x1x1024xf32, #tpu.memory_space<hbm>>
    %dma_start3A_1141 = tpu.memref_squeeze %dma_start3A_1140 : memref<1x1x1x1024xf32, #tpu.memory_space<hbm>> -> memref<1024xf32, #tpu.memory_space<hbm>>
    %dma_start3A_1142 = arith.constant 8192 : i32
    %dma_start3A_1143 = tpu.memref_slice %arg11[%dma_start3A_1142] : memref<32768xf32, #tpu.memory_space<vmem>> -> memref<1024xf32, #tpu.memory_space<vmem>>
    tpu.enqueue_dma source(%dma_start3A_1143 : memref<1024xf32, #tpu.memory_space<vmem>>) target(%dma_start3A_1141 : memref<1024xf32, #tpu.memory_space<hbm>>) target_semaphore(%arg16 : memref<!tpu.dma_semaphore, #tpu.memory_space<semaphore_mem>>)
    %dma_start3A_1144 = arith.constant 1 : i32
    %dma_start3A_1145 = arith.constant 9216 : i32
    %dma_start3A_1146 = tpu.memref_slice %arg10[%dma_start3A_1145] : memref<32768xf32, #tpu.memory_space<vmem>> -> memref<1024xf32, #tpu.memory_space<vmem>>
    %dma_start3A_1147 = arith.constant 0 : i32
    %dma_start3A_1148 = tpu.memref_slice %arg5[%select_n3A_1081, %dma_start3A_1144, %select_n3A_1097, %dma_start3A_1147] : memref<4x8x32x1024xf32, #tpu.memory_space<hbm>> -> memref<1x1x1x1024xf32, #tpu.memory_space<hbm>>
    %dma_start3A_1149 = tpu.memref_squeeze %dma_start3A_1148 : memref<1x1x1x1024xf32, #tpu.memory_space<hbm>> -> memref<1024xf32, #tpu.memory_space<hbm>>
    %dma_start3A_1150 = arith.constant 0 : i32
    %dma_start3A_1151 = tpu.memref_slice %arg5[%select_n3A_1081, %dma_start3A_1144, %select_n3A_1097, %dma_start3A_1150] : memref<4x8x32x1024xf32, #tpu.memory_space<hbm>> -> memref<1x1x1x1024xf32, #tpu.memory_space<hbm>>
    %dma_start3A_1152 = tpu.memref_squeeze %dma_start3A_1151 : memref<1x1x1x1024xf32, #tpu.memory_space<hbm>> -> memref<1024xf32, #tpu.memory_space<hbm>>
    %dma_start3A_1153 = arith.constant 9216 : i32
    %dma_start3A_1154 = tpu.memref_slice %arg10[%dma_start3A_1153] : memref<32768xf32, #tpu.memory_space<vmem>> -> memref<1024xf32, #tpu.memory_space<vmem>>
    tpu.enqueue_dma source(%dma_start3A_1154 : memref<1024xf32, #tpu.memory_space<vmem>>) target(%dma_start3A_1152 : memref<1024xf32, #tpu.memory_space<hbm>>) target_semaphore(%arg16 : memref<!tpu.dma_semaphore, #tpu.memory_space<semaphore_mem>>)
    %dma_start3A_1155 = arith.constant 1 : i32
    %dma_start3A_1156 = arith.constant 9216 : i32
    %dma_start3A_1157 = tpu.memref_slice %arg11[%dma_start3A_1156] : memref<32768xf32, #tpu.memory_space<vmem>> -> memref<1024xf32, #tpu.memory_space<vmem>>
    %dma_start3A_1158 = arith.constant 0 : i32
    %dma_start3A_1159 = tpu.memref_slice %arg6[%select_n3A_1081, %dma_start3A_1155, %select_n3A_1097, %dma_start3A_1158] : memref<4x8x32x1024xf32, #tpu.memory_space<hbm>> -> memref<1x1x1x1024xf32, #tpu.memory_space<hbm>>
    %dma_start3A_1160 = tpu.memref_squeeze %dma_start3A_1159 : memref<1x1x1x1024xf32, #tpu.memory_space<hbm>> -> memref<1024xf32, #tpu.memory_space<hbm>>
    %dma_start3A_1161 = arith.constant 0 : i32
    %dma_start3A_1162 = tpu.memref_slice %arg6[%select_n3A_1081, %dma_start3A_1155, %select_n3A_1097, %dma_start3A_1161] : memref<4x8x32x1024xf32, #tpu.memory_space<hbm>> -> memref<1x1x1x1024xf32, #tpu.memory_space<hbm>>
    %dma_start3A_1163 = tpu.memref_squeeze %dma_start3A_1162 : memref<1x1x1x1024xf32, #tpu.memory_space<hbm>> -> memref<1024xf32, #tpu.memory_space<hbm>>
    %dma_start3A_1164 = arith.constant 9216 : i32
    %dma_start3A_1165 = tpu.memref_slice %arg11[%dma_start3A_1164] : memref<32768xf32, #tpu.memory_space<vmem>> -> memref<1024xf32, #tpu.memory_space<vmem>>
    tpu.enqueue_dma source(%dma_start3A_1165 : memref<1024xf32, #tpu.memory_space<vmem>>) target(%dma_start3A_1163 : memref<1024xf32, #tpu.memory_space<hbm>>) target_semaphore(%arg16 : memref<!tpu.dma_semaphore, #tpu.memory_space<semaphore_mem>>)
    %dma_start3A_1166 = arith.constant 2 : i32
    %dma_start3A_1167 = arith.constant 10240 : i32
    %dma_start3A_1168 = tpu.memref_slice %arg10[%dma_start3A_1167] : memref<32768xf32, #tpu.memory_space<vmem>> -> memref<1024xf32, #tpu.memory_space<vmem>>
    %dma_start3A_1169 = arith.constant 0 : i32
    %dma_start3A_1170 = tpu.memref_slice %arg5[%select_n3A_1081, %dma_start3A_1166, %select_n3A_1097, %dma_start3A_1169] : memref<4x8x32x1024xf32, #tpu.memory_space<hbm>> -> memref<1x1x1x1024xf32, #tpu.memory_space<hbm>>
    %dma_start3A_1171 = tpu.memref_squeeze %dma_start3A_1170 : memref<1x1x1x1024xf32, #tpu.memory_space<hbm>> -> memref<1024xf32, #tpu.memory_space<hbm>>
    %dma_start3A_1172 = arith.constant 0 : i32
    %dma_start3A_1173 = tpu.memref_slice %arg5[%select_n3A_1081, %dma_start3A_1166, %select_n3A_1097, %dma_start3A_1172] : memref<4x8x32x1024xf32, #tpu.memory_space<hbm>> -> memref<1x1x1x1024xf32, #tpu.memory_space<hbm>>
    %dma_start3A_1174 = tpu.memref_squeeze %dma_start3A_1173 : memref<1x1x1x1024xf32, #tpu.memory_space<hbm>> -> memref<1024xf32, #tpu.memory_space<hbm>>
    %dma_start3A_1175 = arith.constant 10240 : i32
    %dma_start3A_1176 = tpu.memref_slice %arg10[%dma_start3A_1175] : memref<32768xf32, #tpu.memory_space<vmem>> -> memref<1024xf32, #tpu.memory_space<vmem>>
    tpu.enqueue_dma source(%dma_start3A_1176 : memref<1024xf32, #tpu.memory_space<vmem>>) target(%dma_start3A_1174 : memref<1024xf32, #tpu.memory_space<hbm>>) target_semaphore(%arg16 : memref<!tpu.dma_semaphore, #tpu.memory_space<semaphore_mem>>)
    %dma_start3A_1177 = arith.constant 2 : i32
    %dma_start3A_1178 = arith.constant 10240 : i32
    %dma_start3A_1179 = tpu.memref_slice %arg11[%dma_start3A_1178] : memref<32768xf32, #tpu.memory_space<vmem>> -> memref<1024xf32, #tpu.memory_space<vmem>>
    %dma_start3A_1180 = arith.constant 0 : i32
    %dma_start3A_1181 = tpu.memref_slice %arg6[%select_n3A_1081, %dma_start3A_1177, %select_n3A_1097, %dma_start3A_1180] : memref<4x8x32x1024xf32, #tpu.memory_space<hbm>> -> memref<1x1x1x1024xf32, #tpu.memory_space<hbm>>
    %dma_start3A_1182 = tpu.memref_squeeze %dma_start3A_1181 : memref<1x1x1x1024xf32, #tpu.memory_space<hbm>> -> memref<1024xf32, #tpu.memory_space<hbm>>
    %dma_start3A_1183 = arith.constant 0 : i32
    %dma_start3A_1184 = tpu.memref_slice %arg6[%select_n3A_1081, %dma_start3A_1177, %select_n3A_1097, %dma_start3A_1183] : memref<4x8x32x1024xf32, #tpu.memory_space<hbm>> -> memref<1x1x1x1024xf32, #tpu.memory_space<hbm>>
    %dma_start3A_1185 = tpu.memref_squeeze %dma_start3A_1184 : memref<1x1x1x1024xf32, #tpu.memory_space<hbm>> -> memref<1024xf32, #tpu.memory_space<hbm>>
    %dma_start3A_1186 = arith.constant 10240 : i32
    %dma_start3A_1187 = tpu.memref_slice %arg11[%dma_start3A_1186] : memref<32768xf32, #tpu.memory_space<vmem>> -> memref<1024xf32, #tpu.memory_space<vmem>>
    tpu.enqueue_dma source(%dma_start3A_1187 : memref<1024xf32, #tpu.memory_space<vmem>>) target(%dma_start3A_1185 : memref<1024xf32, #tpu.memory_space<hbm>>) target_semaphore(%arg16 : memref<!tpu.dma_semaphore, #tpu.memory_space<semaphore_mem>>)
    %dma_start3A_1188 = arith.constant 3 : i32
    %dma_start3A_1189 = arith.constant 11264 : i32
    %dma_start3A_1190 = tpu.memref_slice %arg10[%dma_start3A_1189] : memref<32768xf32, #tpu.memory_space<vmem>> -> memref<1024xf32, #tpu.memory_space<vmem>>
    %dma_start3A_1191 = arith.constant 0 : i32
    %dma_start3A_1192 = tpu.memref_slice %arg5[%select_n3A_1081, %dma_start3A_1188, %select_n3A_1097, %dma_start3A_1191] : memref<4x8x32x1024xf32, #tpu.memory_space<hbm>> -> memref<1x1x1x1024xf32, #tpu.memory_space<hbm>>
    %dma_start3A_1193 = tpu.memref_squeeze %dma_start3A_1192 : memref<1x1x1x1024xf32, #tpu.memory_space<hbm>> -> memref<1024xf32, #tpu.memory_space<hbm>>
    %dma_start3A_1194 = arith.constant 0 : i32
    %dma_start3A_1195 = tpu.memref_slice %arg5[%select_n3A_1081, %dma_start3A_1188, %select_n3A_1097, %dma_start3A_1194] : memref<4x8x32x1024xf32, #tpu.memory_space<hbm>> -> memref<1x1x1x1024xf32, #tpu.memory_space<hbm>>
    %dma_start3A_1196 = tpu.memref_squeeze %dma_start3A_1195 : memref<1x1x1x1024xf32, #tpu.memory_space<hbm>> -> memref<1024xf32, #tpu.memory_space<hbm>>
    %dma_start3A_1197 = arith.constant 11264 : i32
    %dma_start3A_1198 = tpu.memref_slice %arg10[%dma_start3A_1197] : memref<32768xf32, #tpu.memory_space<vmem>> -> memref<1024xf32, #tpu.memory_space<vmem>>
    tpu.enqueue_dma source(%dma_start3A_1198 : memref<1024xf32, #tpu.memory_space<vmem>>) target(%dma_start3A_1196 : memref<1024xf32, #tpu.memory_space<hbm>>) target_semaphore(%arg16 : memref<!tpu.dma_semaphore, #tpu.memory_space<semaphore_mem>>)
    %dma_start3A_1199 = arith.constant 3 : i32
    %dma_start3A_1200 = arith.constant 11264 : i32
    %dma_start3A_1201 = tpu.memref_slice %arg11[%dma_start3A_1200] : memref<32768xf32, #tpu.memory_space<vmem>> -> memref<1024xf32, #tpu.memory_space<vmem>>
    %dma_start3A_1202 = arith.constant 0 : i32
    %dma_start3A_1203 = tpu.memref_slice %arg6[%select_n3A_1081, %dma_start3A_1199, %select_n3A_1097, %dma_start3A_1202] : memref<4x8x32x1024xf32, #tpu.memory_space<hbm>> -> memref<1x1x1x1024xf32, #tpu.memory_space<hbm>>
    %dma_start3A_1204 = tpu.memref_squeeze %dma_start3A_1203 : memref<1x1x1x1024xf32, #tpu.memory_space<hbm>> -> memref<1024xf32, #tpu.memory_space<hbm>>
    %dma_start3A_1205 = arith.constant 0 : i32
    %dma_start3A_1206 = tpu.memref_slice %arg6[%select_n3A_1081, %dma_start3A_1199, %select_n3A_1097, %dma_start3A_1205] : memref<4x8x32x1024xf32, #tpu.memory_space<hbm>> -> memref<1x1x1x1024xf32, #tpu.memory_space<hbm>>
    %dma_start3A_1207 = tpu.memref_squeeze %dma_start3A_1206 : memref<1x1x1x1024xf32, #tpu.memory_space<hbm>> -> memref<1024xf32, #tpu.memory_space<hbm>>
    %dma_start3A_1208 = arith.constant 11264 : i32
    %dma_start3A_1209 = tpu.memref_slice %arg11[%dma_start3A_1208] : memref<32768xf32, #tpu.memory_space<vmem>> -> memref<1024xf32, #tpu.memory_space<vmem>>
    tpu.enqueue_dma source(%dma_start3A_1209 : memref<1024xf32, #tpu.memory_space<vmem>>) target(%dma_start3A_1207 : memref<1024xf32, #tpu.memory_space<hbm>>) target_semaphore(%arg16 : memref<!tpu.dma_semaphore, #tpu.memory_space<semaphore_mem>>)
    %dma_start3A_1210 = arith.constant 4 : i32
    %dma_start3A_1211 = arith.constant 12288 : i32
    %dma_start3A_1212 = tpu.memref_slice %arg10[%dma_start3A_1211] : memref<32768xf32, #tpu.memory_space<vmem>> -> memref<1024xf32, #tpu.memory_space<vmem>>
    %dma_start3A_1213 = arith.constant 0 : i32
    %dma_start3A_1214 = tpu.memref_slice %arg5[%select_n3A_1081, %dma_start3A_1210, %select_n3A_1097, %dma_start3A_1213] : memref<4x8x32x1024xf32, #tpu.memory_space<hbm>> -> memref<1x1x1x1024xf32, #tpu.memory_space<hbm>>
    %dma_start3A_1215 = tpu.memref_squeeze %dma_start3A_1214 : memref<1x1x1x1024xf32, #tpu.memory_space<hbm>> -> memref<1024xf32, #tpu.memory_space<hbm>>
    %dma_start3A_1216 = arith.constant 0 : i32
    %dma_start3A_1217 = tpu.memref_slice %arg5[%select_n3A_1081, %dma_start3A_1210, %select_n3A_1097, %dma_start3A_1216] : memref<4x8x32x1024xf32, #tpu.memory_space<hbm>> -> memref<1x1x1x1024xf32, #tpu.memory_space<hbm>>
    %dma_start3A_1218 = tpu.memref_squeeze %dma_start3A_1217 : memref<1x1x1x1024xf32, #tpu.memory_space<hbm>> -> memref<1024xf32, #tpu.memory_space<hbm>>
    %dma_start3A_1219 = arith.constant 12288 : i32
    %dma_start3A_1220 = tpu.memref_slice %arg10[%dma_start3A_1219] : memref<32768xf32, #tpu.memory_space<vmem>> -> memref<1024xf32, #tpu.memory_space<vmem>>
    tpu.enqueue_dma source(%dma_start3A_1220 : memref<1024xf32, #tpu.memory_space<vmem>>) target(%dma_start3A_1218 : memref<1024xf32, #tpu.memory_space<hbm>>) target_semaphore(%arg16 : memref<!tpu.dma_semaphore, #tpu.memory_space<semaphore_mem>>)
    %dma_start3A_1221 = arith.constant 4 : i32
    %dma_start3A_1222 = arith.constant 12288 : i32
    %dma_start3A_1223 = tpu.memref_slice %arg11[%dma_start3A_1222] : memref<32768xf32, #tpu.memory_space<vmem>> -> memref<1024xf32, #tpu.memory_space<vmem>>
    %dma_start3A_1224 = arith.constant 0 : i32
    %dma_start3A_1225 = tpu.memref_slice %arg6[%select_n3A_1081, %dma_start3A_1221, %select_n3A_1097, %dma_start3A_1224] : memref<4x8x32x1024xf32, #tpu.memory_space<hbm>> -> memref<1x1x1x1024xf32, #tpu.memory_space<hbm>>
    %dma_start3A_1226 = tpu.memref_squeeze %dma_start3A_1225 : memref<1x1x1x1024xf32, #tpu.memory_space<hbm>> -> memref<1024xf32, #tpu.memory_space<hbm>>
    %dma_start3A_1227 = arith.constant 0 : i32
    %dma_start3A_1228 = tpu.memref_slice %arg6[%select_n3A_1081, %dma_start3A_1221, %select_n3A_1097, %dma_start3A_1227] : memref<4x8x32x1024xf32, #tpu.memory_space<hbm>> -> memref<1x1x1x1024xf32, #tpu.memory_space<hbm>>
    %dma_start3A_1229 = tpu.memref_squeeze %dma_start3A_1228 : memref<1x1x1x1024xf32, #tpu.memory_space<hbm>> -> memref<1024xf32, #tpu.memory_space<hbm>>
    %dma_start3A_1230 = arith.constant 12288 : i32
    %dma_start3A_1231 = tpu.memref_slice %arg11[%dma_start3A_1230] : memref<32768xf32, #tpu.memory_space<vmem>> -> memref<1024xf32, #tpu.memory_space<vmem>>
    tpu.enqueue_dma source(%dma_start3A_1231 : memref<1024xf32, #tpu.memory_space<vmem>>) target(%dma_start3A_1229 : memref<1024xf32, #tpu.memory_space<hbm>>) target_semaphore(%arg16 : memref<!tpu.dma_semaphore, #tpu.memory_space<semaphore_mem>>)
    %dma_start3A_1232 = arith.constant 5 : i32
    %dma_start3A_1233 = arith.constant 13312 : i32
    %dma_start3A_1234 = tpu.memref_slice %arg10[%dma_start3A_1233] : memref<32768xf32, #tpu.memory_space<vmem>> -> memref<1024xf32, #tpu.memory_space<vmem>>
    %dma_start3A_1235 = arith.constant 0 : i32
    %dma_start3A_1236 = tpu.memref_slice %arg5[%select_n3A_1081, %dma_start3A_1232, %select_n3A_1097, %dma_start3A_1235] : memref<4x8x32x1024xf32, #tpu.memory_space<hbm>> -> memref<1x1x1x1024xf32, #tpu.memory_space<hbm>>
    %dma_start3A_1237 = tpu.memref_squeeze %dma_start3A_1236 : memref<1x1x1x1024xf32, #tpu.memory_space<hbm>> -> memref<1024xf32, #tpu.memory_space<hbm>>
    %dma_start3A_1238 = arith.constant 0 : i32
    %dma_start3A_1239 = tpu.memref_slice %arg5[%select_n3A_1081, %dma_start3A_1232, %select_n3A_1097, %dma_start3A_1238] : memref<4x8x32x1024xf32, #tpu.memory_space<hbm>> -> memref<1x1x1x1024xf32, #tpu.memory_space<hbm>>
    %dma_start3A_1240 = tpu.memref_squeeze %dma_start3A_1239 : memref<1x1x1x1024xf32, #tpu.memory_space<hbm>> -> memref<1024xf32, #tpu.memory_space<hbm>>
    %dma_start3A_1241 = arith.constant 13312 : i32
    %dma_start3A_1242 = tpu.memref_slice %arg10[%dma_start3A_1241] : memref<32768xf32, #tpu.memory_space<vmem>> -> memref<1024xf32, #tpu.memory_space<vmem>>
    tpu.enqueue_dma source(%dma_start3A_1242 : memref<1024xf32, #tpu.memory_space<vmem>>) target(%dma_start3A_1240 : memref<1024xf32, #tpu.memory_space<hbm>>) target_semaphore(%arg16 : memref<!tpu.dma_semaphore, #tpu.memory_space<semaphore_mem>>)
    %dma_start3A_1243 = arith.constant 5 : i32
    %dma_start3A_1244 = arith.constant 13312 : i32
    %dma_start3A_1245 = tpu.memref_slice %arg11[%dma_start3A_1244] : memref<32768xf32, #tpu.memory_space<vmem>> -> memref<1024xf32, #tpu.memory_space<vmem>>
    %dma_start3A_1246 = arith.constant 0 : i32
    %dma_start3A_1247 = tpu.memref_slice %arg6[%select_n3A_1081, %dma_start3A_1243, %select_n3A_1097, %dma_start3A_1246] : memref<4x8x32x1024xf32, #tpu.memory_space<hbm>> -> memref<1x1x1x1024xf32, #tpu.memory_space<hbm>>
    %dma_start3A_1248 = tpu.memref_squeeze %dma_start3A_1247 : memref<1x1x1x1024xf32, #tpu.memory_space<hbm>> -> memref<1024xf32, #tpu.memory_space<hbm>>
    %dma_start3A_1249 = arith.constant 0 : i32
    %dma_start3A_1250 = tpu.memref_slice %arg6[%select_n3A_1081, %dma_start3A_1243, %select_n3A_1097, %dma_start3A_1249] : memref<4x8x32x1024xf32, #tpu.memory_space<hbm>> -> memref<1x1x1x1024xf32, #tpu.memory_space<hbm>>
    %dma_start3A_1251 = tpu.memref_squeeze %dma_start3A_1250 : memref<1x1x1x1024xf32, #tpu.memory_space<hbm>> -> memref<1024xf32, #tpu.memory_space<hbm>>
    %dma_start3A_1252 = arith.constant 13312 : i32
    %dma_start3A_1253 = tpu.memref_slice %arg11[%dma_start3A_1252] : memref<32768xf32, #tpu.memory_space<vmem>> -> memref<1024xf32, #tpu.memory_space<vmem>>
    tpu.enqueue_dma source(%dma_start3A_1253 : memref<1024xf32, #tpu.memory_space<vmem>>) target(%dma_start3A_1251 : memref<1024xf32, #tpu.memory_space<hbm>>) target_semaphore(%arg16 : memref<!tpu.dma_semaphore, #tpu.memory_space<semaphore_mem>>)
    %dma_start3A_1254 = arith.constant 6 : i32
    %dma_start3A_1255 = arith.constant 14336 : i32
    %dma_start3A_1256 = tpu.memref_slice %arg10[%dma_start3A_1255] : memref<32768xf32, #tpu.memory_space<vmem>> -> memref<1024xf32, #tpu.memory_space<vmem>>
    %dma_start3A_1257 = arith.constant 0 : i32
    %dma_start3A_1258 = tpu.memref_slice %arg5[%select_n3A_1081, %dma_start3A_1254, %select_n3A_1097, %dma_start3A_1257] : memref<4x8x32x1024xf32, #tpu.memory_space<hbm>> -> memref<1x1x1x1024xf32, #tpu.memory_space<hbm>>
    %dma_start3A_1259 = tpu.memref_squeeze %dma_start3A_1258 : memref<1x1x1x1024xf32, #tpu.memory_space<hbm>> -> memref<1024xf32, #tpu.memory_space<hbm>>
    %dma_start3A_1260 = arith.constant 0 : i32
    %dma_start3A_1261 = tpu.memref_slice %arg5[%select_n3A_1081, %dma_start3A_1254, %select_n3A_1097, %dma_start3A_1260] : memref<4x8x32x1024xf32, #tpu.memory_space<hbm>> -> memref<1x1x1x1024xf32, #tpu.memory_space<hbm>>
    %dma_start3A_1262 = tpu.memref_squeeze %dma_start3A_1261 : memref<1x1x1x1024xf32, #tpu.memory_space<hbm>> -> memref<1024xf32, #tpu.memory_space<hbm>>
    %dma_start3A_1263 = arith.constant 14336 : i32
    %dma_start3A_1264 = tpu.memref_slice %arg10[%dma_start3A_1263] : memref<32768xf32, #tpu.memory_space<vmem>> -> memref<1024xf32, #tpu.memory_space<vmem>>
    tpu.enqueue_dma source(%dma_start3A_1264 : memref<1024xf32, #tpu.memory_space<vmem>>) target(%dma_start3A_1262 : memref<1024xf32, #tpu.memory_space<hbm>>) target_semaphore(%arg16 : memref<!tpu.dma_semaphore, #tpu.memory_space<semaphore_mem>>)
    %dma_start3A_1265 = arith.constant 6 : i32
    %dma_start3A_1266 = arith.constant 14336 : i32
    %dma_start3A_1267 = tpu.memref_slice %arg11[%dma_start3A_1266] : memref<32768xf32, #tpu.memory_space<vmem>> -> memref<1024xf32, #tpu.memory_space<vmem>>
    %dma_start3A_1268 = arith.constant 0 : i32
    %dma_start3A_1269 = tpu.memref_slice %arg6[%select_n3A_1081, %dma_start3A_1265, %select_n3A_1097, %dma_start3A_1268] : memref<4x8x32x1024xf32, #tpu.memory_space<hbm>> -> memref<1x1x1x1024xf32, #tpu.memory_space<hbm>>
    %dma_start3A_1270 = tpu.memref_squeeze %dma_start3A_1269 : memref<1x1x1x1024xf32, #tpu.memory_space<hbm>> -> memref<1024xf32, #tpu.memory_space<hbm>>
    %dma_start3A_1271 = arith.constant 0 : i32
    %dma_start3A_1272 = tpu.memref_slice %arg6[%select_n3A_1081, %dma_start3A_1265, %select_n3A_1097, %dma_start3A_1271] : memref<4x8x32x1024xf32, #tpu.memory_space<hbm>> -> memref<1x1x1x1024xf32, #tpu.memory_space<hbm>>
    %dma_start3A_1273 = tpu.memref_squeeze %dma_start3A_1272 : memref<1x1x1x1024xf32, #tpu.memory_space<hbm>> -> memref<1024xf32, #tpu.memory_space<hbm>>
    %dma_start3A_1274 = arith.constant 14336 : i32
    %dma_start3A_1275 = tpu.memref_slice %arg11[%dma_start3A_1274] : memref<32768xf32, #tpu.memory_space<vmem>> -> memref<1024xf32, #tpu.memory_space<vmem>>
    tpu.enqueue_dma source(%dma_start3A_1275 : memref<1024xf32, #tpu.memory_space<vmem>>) target(%dma_start3A_1273 : memref<1024xf32, #tpu.memory_space<hbm>>) target_semaphore(%arg16 : memref<!tpu.dma_semaphore, #tpu.memory_space<semaphore_mem>>)
    %dma_start3A_1276 = arith.constant 7 : i32
    %dma_start3A_1277 = arith.constant 15360 : i32
    %dma_start3A_1278 = tpu.memref_slice %arg10[%dma_start3A_1277] : memref<32768xf32, #tpu.memory_space<vmem>> -> memref<1024xf32, #tpu.memory_space<vmem>>
    %dma_start3A_1279 = arith.constant 0 : i32
    %dma_start3A_1280 = tpu.memref_slice %arg5[%select_n3A_1081, %dma_start3A_1276, %select_n3A_1097, %dma_start3A_1279] : memref<4x8x32x1024xf32, #tpu.memory_space<hbm>> -> memref<1x1x1x1024xf32, #tpu.memory_space<hbm>>
    %dma_start3A_1281 = tpu.memref_squeeze %dma_start3A_1280 : memref<1x1x1x1024xf32, #tpu.memory_space<hbm>> -> memref<1024xf32, #tpu.memory_space<hbm>>
    %dma_start3A_1282 = arith.constant 0 : i32
    %dma_start3A_1283 = tpu.memref_slice %arg5[%select_n3A_1081, %dma_start3A_1276, %select_n3A_1097, %dma_start3A_1282] : memref<4x8x32x1024xf32, #tpu.memory_space<hbm>> -> memref<1x1x1x1024xf32, #tpu.memory_space<hbm>>
    %dma_start3A_1284 = tpu.memref_squeeze %dma_start3A_1283 : memref<1x1x1x1024xf32, #tpu.memory_space<hbm>> -> memref<1024xf32, #tpu.memory_space<hbm>>
    %dma_start3A_1285 = arith.constant 15360 : i32
    %dma_start3A_1286 = tpu.memref_slice %arg10[%dma_start3A_1285] : memref<32768xf32, #tpu.memory_space<vmem>> -> memref<1024xf32, #tpu.memory_space<vmem>>
    tpu.enqueue_dma source(%dma_start3A_1286 : memref<1024xf32, #tpu.memory_space<vmem>>) target(%dma_start3A_1284 : memref<1024xf32, #tpu.memory_space<hbm>>) target_semaphore(%arg16 : memref<!tpu.dma_semaphore, #tpu.memory_space<semaphore_mem>>)
    %dma_start3A_1287 = arith.constant 7 : i32
    %dma_start3A_1288 = arith.constant 15360 : i32
    %dma_start3A_1289 = tpu.memref_slice %arg11[%dma_start3A_1288] : memref<32768xf32, #tpu.memory_space<vmem>> -> memref<1024xf32, #tpu.memory_space<vmem>>
    %dma_start3A_1290 = arith.constant 0 : i32
    %dma_start3A_1291 = tpu.memref_slice %arg6[%select_n3A_1081, %dma_start3A_1287, %select_n3A_1097, %dma_start3A_1290] : memref<4x8x32x1024xf32, #tpu.memory_space<hbm>> -> memref<1x1x1x1024xf32, #tpu.memory_space<hbm>>
    %dma_start3A_1292 = tpu.memref_squeeze %dma_start3A_1291 : memref<1x1x1x1024xf32, #tpu.memory_space<hbm>> -> memref<1024xf32, #tpu.memory_space<hbm>>
    %dma_start3A_1293 = arith.constant 0 : i32
    %dma_start3A_1294 = tpu.memref_slice %arg6[%select_n3A_1081, %dma_start3A_1287, %select_n3A_1097, %dma_start3A_1293] : memref<4x8x32x1024xf32, #tpu.memory_space<hbm>> -> memref<1x1x1x1024xf32, #tpu.memory_space<hbm>>
    %dma_start3A_1295 = tpu.memref_squeeze %dma_start3A_1294 : memref<1x1x1x1024xf32, #tpu.memory_space<hbm>> -> memref<1024xf32, #tpu.memory_space<hbm>>
    %dma_start3A_1296 = arith.constant 15360 : i32
    %dma_start3A_1297 = tpu.memref_slice %arg11[%dma_start3A_1296] : memref<32768xf32, #tpu.memory_space<vmem>> -> memref<1024xf32, #tpu.memory_space<vmem>>
    tpu.enqueue_dma source(%dma_start3A_1297 : memref<1024xf32, #tpu.memory_space<vmem>>) target(%dma_start3A_1295 : memref<1024xf32, #tpu.memory_space<hbm>>) target_semaphore(%arg16 : memref<!tpu.dma_semaphore, #tpu.memory_space<semaphore_mem>>)
    %add3A_1298 = arith.constant 2 : i32
    %add3A_1299 = arith.addi %mul3A_2, %add3A_1298 : i32
    %jit3A_1300 = arith.constant 32 : i32
    %div3A_1301 = arith.divsi %add3A_1299, %jit3A_1300 : i32
    %sign3A_1302 = arith.constant 0 : i32
    %sign3A_1303 = arith.cmpi sgt, %add3A_1299, %sign3A_1302 : i32
    %sign3A_1304 = arith.extui %sign3A_1303 : i1 to i32
    %sign3A_1305 = arith.constant 0 : i32
    %sign3A_1306 = arith.cmpi slt, %add3A_1299, %sign3A_1305 : i32
    %sign3A_1307 = arith.extui %sign3A_1306 : i1 to i32
    %sign3A_1308 = arith.subi %sign3A_1304, %sign3A_1307 : i32
    %sign3A_1309 = arith.constant 0 : i32
    %sign3A_1310 = arith.cmpi sgt, %jit3A_1300, %sign3A_1309 : i32
    %sign3A_1311 = arith.extui %sign3A_1310 : i1 to i32
    %sign3A_1312 = arith.constant 0 : i32
    %sign3A_1313 = arith.cmpi slt, %jit3A_1300, %sign3A_1312 : i32
    %sign3A_1314 = arith.extui %sign3A_1313 : i1 to i32
    %sign3A_1315 = arith.subi %sign3A_1311, %sign3A_1314 : i32
    %ne3A_1316 = arith.cmpi ne, %sign3A_1308, %sign3A_1315 : i32
    %rem3A_1317 = arith.remsi %add3A_1299, %jit3A_1300 : i32
    %ne3A_1318 = arith.constant 0 : i32
    %ne3A_1319 = arith.cmpi ne, %rem3A_1317, %ne3A_1318 : i32
    %and3A_1320 = arith.andi %ne3A_1316, %ne3A_1319 : i1
    %sub3A_1321 = arith.constant 1 : i32
    %sub3A_1322 = arith.subi %div3A_1301, %sub3A_1321 : i32
    %select_n3A_1323 = arith.select %and3A_1320, %sub3A_1322, %div3A_1301 : i32
    %jit3A_1324 = arith.constant 32 : i32
    %eq3A_1325 = arith.constant 0 : i32
    %eq3A_1326 = arith.cmpi eq, %jit3A_1324, %eq3A_1325 : i32
    %jit3A_1327 = arith.constant 1 : i32
    %select_n3A_1328 = arith.select %eq3A_1326, %jit3A_1327, %jit3A_1324 : i32
    %rem3A_1329 = arith.remsi %add3A_1299, %select_n3A_1328 : i32
    %ne3A_1330 = arith.constant 0 : i32
    %ne3A_1331 = arith.cmpi ne, %rem3A_1329, %ne3A_1330 : i32
    %lt3A_1332 = arith.constant 0 : i32
    %lt3A_1333 = arith.cmpi slt, %rem3A_1329, %lt3A_1332 : i32
    %lt3A_1334 = arith.constant 0 : i32
    %lt3A_1335 = arith.cmpi slt, %select_n3A_1328, %lt3A_1334 : i32
    %ne3A_1336 = arith.xori %lt3A_1333, %lt3A_1335 : i1
    %and3A_1337 = arith.andi %ne3A_1336, %ne3A_1331 : i1
    %add3A_1338 = arith.addi %rem3A_1329, %select_n3A_1328 : i32
    %select_n3A_1339 = arith.select %and3A_1337, %add3A_1338, %rem3A_1329 : i32
    %dma_wait3A_1340 = arith.constant 16384 : i32
    %dma_wait3A_1341 = tpu.memref_slice %arg10[%dma_wait3A_1340] : memref<32768xf32, #tpu.memory_space<vmem>> -> memref<4096xf32, #tpu.memory_space<vmem>>
    %dma_wait3A_1342 = arith.constant 16384 : i32
    %dma_wait3A_1343 = tpu.memref_slice %arg9[%dma_wait3A_1342] : memref<32768xi32, #tpu.memory_space<vmem>> -> memref<4096xi32, #tpu.memory_space<vmem>>
    %dma_wait3A_1344 = arith.constant 0 : i32
    %dma_wait3A_1345 = tpu.memref_slice %arg2[%dma_wait3A_1344] : memref<8388608xf32, #tpu.memory_space<hbm>> -> memref<8388608xf32, #tpu.memory_space<hbm>>
    tpu.wait_indirect_dma semaphore(%arg14 : memref<!tpu.dma_semaphore, #tpu.memory_space<semaphore_mem>>) src(%dma_wait3A_1345 : memref<8388608xf32, #tpu.memory_space<hbm>>) dst(%dma_wait3A_1341 : memref<4096xf32, #tpu.memory_space<vmem>>)
    %dma_wait3A_1346 = arith.constant 16384 : i32
    %dma_wait3A_1347 = tpu.memref_slice %arg11[%dma_wait3A_1346] : memref<32768xf32, #tpu.memory_space<vmem>> -> memref<4096xf32, #tpu.memory_space<vmem>>
    %dma_wait3A_1348 = arith.constant 16384 : i32
    %dma_wait3A_1349 = tpu.memref_slice %arg9[%dma_wait3A_1348] : memref<32768xi32, #tpu.memory_space<vmem>> -> memref<4096xi32, #tpu.memory_space<vmem>>
    %dma_wait3A_1350 = arith.constant 0 : i32
    %dma_wait3A_1351 = tpu.memref_slice %arg3[%dma_wait3A_1350] : memref<8388608xf32, #tpu.memory_space<hbm>> -> memref<8388608xf32, #tpu.memory_space<hbm>>
    tpu.wait_indirect_dma semaphore(%arg14 : memref<!tpu.dma_semaphore, #tpu.memory_space<semaphore_mem>>) src(%dma_wait3A_1351 : memref<8388608xf32, #tpu.memory_space<hbm>>) dst(%dma_wait3A_1347 : memref<4096xf32, #tpu.memory_space<vmem>>)
    %dma_wait3A_1352 = arith.constant 20480 : i32
    %dma_wait3A_1353 = tpu.memref_slice %arg10[%dma_wait3A_1352] : memref<32768xf32, #tpu.memory_space<vmem>> -> memref<4096xf32, #tpu.memory_space<vmem>>
    %dma_wait3A_1354 = arith.constant 20480 : i32
    %dma_wait3A_1355 = tpu.memref_slice %arg9[%dma_wait3A_1354] : memref<32768xi32, #tpu.memory_space<vmem>> -> memref<4096xi32, #tpu.memory_space<vmem>>
    %dma_wait3A_1356 = arith.constant 0 : i32
    %dma_wait3A_1357 = tpu.memref_slice %arg2[%dma_wait3A_1356] : memref<8388608xf32, #tpu.memory_space<hbm>> -> memref<8388608xf32, #tpu.memory_space<hbm>>
    tpu.wait_indirect_dma semaphore(%arg14 : memref<!tpu.dma_semaphore, #tpu.memory_space<semaphore_mem>>) src(%dma_wait3A_1357 : memref<8388608xf32, #tpu.memory_space<hbm>>) dst(%dma_wait3A_1353 : memref<4096xf32, #tpu.memory_space<vmem>>)
    %dma_wait3A_1358 = arith.constant 20480 : i32
    %dma_wait3A_1359 = tpu.memref_slice %arg11[%dma_wait3A_1358] : memref<32768xf32, #tpu.memory_space<vmem>> -> memref<4096xf32, #tpu.memory_space<vmem>>
    %dma_wait3A_1360 = arith.constant 20480 : i32
    %dma_wait3A_1361 = tpu.memref_slice %arg9[%dma_wait3A_1360] : memref<32768xi32, #tpu.memory_space<vmem>> -> memref<4096xi32, #tpu.memory_space<vmem>>
    %dma_wait3A_1362 = arith.constant 0 : i32
    %dma_wait3A_1363 = tpu.memref_slice %arg3[%dma_wait3A_1362] : memref<8388608xf32, #tpu.memory_space<hbm>> -> memref<8388608xf32, #tpu.memory_space<hbm>>
    tpu.wait_indirect_dma semaphore(%arg14 : memref<!tpu.dma_semaphore, #tpu.memory_space<semaphore_mem>>) src(%dma_wait3A_1363 : memref<8388608xf32, #tpu.memory_space<hbm>>) dst(%dma_wait3A_1359 : memref<4096xf32, #tpu.memory_space<vmem>>)
    %dma_start3A_1364 = arith.constant 0 : i32
    %dma_start3A_1365 = arith.constant 16384 : i32
    %dma_start3A_1366 = tpu.memref_slice %arg10[%dma_start3A_1365] : memref<32768xf32, #tpu.memory_space<vmem>> -> memref<1024xf32, #tpu.memory_space<vmem>>
    %dma_start3A_1367 = arith.constant 0 : i32
    %dma_start3A_1368 = tpu.memref_slice %arg5[%select_n3A_1323, %dma_start3A_1364, %select_n3A_1339, %dma_start3A_1367] : memref<4x8x32x1024xf32, #tpu.memory_space<hbm>> -> memref<1x1x1x1024xf32, #tpu.memory_space<hbm>>
    %dma_start3A_1369 = tpu.memref_squeeze %dma_start3A_1368 : memref<1x1x1x1024xf32, #tpu.memory_space<hbm>> -> memref<1024xf32, #tpu.memory_space<hbm>>
    %dma_start3A_1370 = arith.constant 0 : i32
    %dma_start3A_1371 = tpu.memref_slice %arg5[%select_n3A_1323, %dma_start3A_1364, %select_n3A_1339, %dma_start3A_1370] : memref<4x8x32x1024xf32, #tpu.memory_space<hbm>> -> memref<1x1x1x1024xf32, #tpu.memory_space<hbm>>
    %dma_start3A_1372 = tpu.memref_squeeze %dma_start3A_1371 : memref<1x1x1x1024xf32, #tpu.memory_space<hbm>> -> memref<1024xf32, #tpu.memory_space<hbm>>
    %dma_start3A_1373 = arith.constant 16384 : i32
    %dma_start3A_1374 = tpu.memref_slice %arg10[%dma_start3A_1373] : memref<32768xf32, #tpu.memory_space<vmem>> -> memref<1024xf32, #tpu.memory_space<vmem>>
    tpu.enqueue_dma source(%dma_start3A_1374 : memref<1024xf32, #tpu.memory_space<vmem>>) target(%dma_start3A_1372 : memref<1024xf32, #tpu.memory_space<hbm>>) target_semaphore(%arg16 : memref<!tpu.dma_semaphore, #tpu.memory_space<semaphore_mem>>)
    %dma_start3A_1375 = arith.constant 0 : i32
    %dma_start3A_1376 = arith.constant 16384 : i32
    %dma_start3A_1377 = tpu.memref_slice %arg11[%dma_start3A_1376] : memref<32768xf32, #tpu.memory_space<vmem>> -> memref<1024xf32, #tpu.memory_space<vmem>>
    %dma_start3A_1378 = arith.constant 0 : i32
    %dma_start3A_1379 = tpu.memref_slice %arg6[%select_n3A_1323, %dma_start3A_1375, %select_n3A_1339, %dma_start3A_1378] : memref<4x8x32x1024xf32, #tpu.memory_space<hbm>> -> memref<1x1x1x1024xf32, #tpu.memory_space<hbm>>
    %dma_start3A_1380 = tpu.memref_squeeze %dma_start3A_1379 : memref<1x1x1x1024xf32, #tpu.memory_space<hbm>> -> memref<1024xf32, #tpu.memory_space<hbm>>
    %dma_start3A_1381 = arith.constant 0 : i32
    %dma_start3A_1382 = tpu.memref_slice %arg6[%select_n3A_1323, %dma_start3A_1375, %select_n3A_1339, %dma_start3A_1381] : memref<4x8x32x1024xf32, #tpu.memory_space<hbm>> -> memref<1x1x1x1024xf32, #tpu.memory_space<hbm>>
    %dma_start3A_1383 = tpu.memref_squeeze %dma_start3A_1382 : memref<1x1x1x1024xf32, #tpu.memory_space<hbm>> -> memref<1024xf32, #tpu.memory_space<hbm>>
    %dma_start3A_1384 = arith.constant 16384 : i32
    %dma_start3A_1385 = tpu.memref_slice %arg11[%dma_start3A_1384] : memref<32768xf32, #tpu.memory_space<vmem>> -> memref<1024xf32, #tpu.memory_space<vmem>>
    tpu.enqueue_dma source(%dma_start3A_1385 : memref<1024xf32, #tpu.memory_space<vmem>>) target(%dma_start3A_1383 : memref<1024xf32, #tpu.memory_space<hbm>>) target_semaphore(%arg16 : memref<!tpu.dma_semaphore, #tpu.memory_space<semaphore_mem>>)
    %dma_start3A_1386 = arith.constant 1 : i32
    %dma_start3A_1387 = arith.constant 17408 : i32
    %dma_start3A_1388 = tpu.memref_slice %arg10[%dma_start3A_1387] : memref<32768xf32, #tpu.memory_space<vmem>> -> memref<1024xf32, #tpu.memory_space<vmem>>
    %dma_start3A_1389 = arith.constant 0 : i32
    %dma_start3A_1390 = tpu.memref_slice %arg5[%select_n3A_1323, %dma_start3A_1386, %select_n3A_1339, %dma_start3A_1389] : memref<4x8x32x1024xf32, #tpu.memory_space<hbm>> -> memref<1x1x1x1024xf32, #tpu.memory_space<hbm>>
    %dma_start3A_1391 = tpu.memref_squeeze %dma_start3A_1390 : memref<1x1x1x1024xf32, #tpu.memory_space<hbm>> -> memref<1024xf32, #tpu.memory_space<hbm>>
    %dma_start3A_1392 = arith.constant 0 : i32
    %dma_start3A_1393 = tpu.memref_slice %arg5[%select_n3A_1323, %dma_start3A_1386, %select_n3A_1339, %dma_start3A_1392] : memref<4x8x32x1024xf32, #tpu.memory_space<hbm>> -> memref<1x1x1x1024xf32, #tpu.memory_space<hbm>>
    %dma_start3A_1394 = tpu.memref_squeeze %dma_start3A_1393 : memref<1x1x1x1024xf32, #tpu.memory_space<hbm>> -> memref<1024xf32, #tpu.memory_space<hbm>>
    %dma_start3A_1395 = arith.constant 17408 : i32
    %dma_start3A_1396 = tpu.memref_slice %arg10[%dma_start3A_1395] : memref<32768xf32, #tpu.memory_space<vmem>> -> memref<1024xf32, #tpu.memory_space<vmem>>
    tpu.enqueue_dma source(%dma_start3A_1396 : memref<1024xf32, #tpu.memory_space<vmem>>) target(%dma_start3A_1394 : memref<1024xf32, #tpu.memory_space<hbm>>) target_semaphore(%arg16 : memref<!tpu.dma_semaphore, #tpu.memory_space<semaphore_mem>>)
    %dma_start3A_1397 = arith.constant 1 : i32
    %dma_start3A_1398 = arith.constant 17408 : i32
    %dma_start3A_1399 = tpu.memref_slice %arg11[%dma_start3A_1398] : memref<32768xf32, #tpu.memory_space<vmem>> -> memref<1024xf32, #tpu.memory_space<vmem>>
    %dma_start3A_1400 = arith.constant 0 : i32
    %dma_start3A_1401 = tpu.memref_slice %arg6[%select_n3A_1323, %dma_start3A_1397, %select_n3A_1339, %dma_start3A_1400] : memref<4x8x32x1024xf32, #tpu.memory_space<hbm>> -> memref<1x1x1x1024xf32, #tpu.memory_space<hbm>>
    %dma_start3A_1402 = tpu.memref_squeeze %dma_start3A_1401 : memref<1x1x1x1024xf32, #tpu.memory_space<hbm>> -> memref<1024xf32, #tpu.memory_space<hbm>>
    %dma_start3A_1403 = arith.constant 0 : i32
    %dma_start3A_1404 = tpu.memref_slice %arg6[%select_n3A_1323, %dma_start3A_1397, %select_n3A_1339, %dma_start3A_1403] : memref<4x8x32x1024xf32, #tpu.memory_space<hbm>> -> memref<1x1x1x1024xf32, #tpu.memory_space<hbm>>
    %dma_start3A_1405 = tpu.memref_squeeze %dma_start3A_1404 : memref<1x1x1x1024xf32, #tpu.memory_space<hbm>> -> memref<1024xf32, #tpu.memory_space<hbm>>
    %dma_start3A_1406 = arith.constant 17408 : i32
    %dma_start3A_1407 = tpu.memref_slice %arg11[%dma_start3A_1406] : memref<32768xf32, #tpu.memory_space<vmem>> -> memref<1024xf32, #tpu.memory_space<vmem>>
    tpu.enqueue_dma source(%dma_start3A_1407 : memref<1024xf32, #tpu.memory_space<vmem>>) target(%dma_start3A_1405 : memref<1024xf32, #tpu.memory_space<hbm>>) target_semaphore(%arg16 : memref<!tpu.dma_semaphore, #tpu.memory_space<semaphore_mem>>)
    %dma_start3A_1408 = arith.constant 2 : i32
    %dma_start3A_1409 = arith.constant 18432 : i32
    %dma_start3A_1410 = tpu.memref_slice %arg10[%dma_start3A_1409] : memref<32768xf32, #tpu.memory_space<vmem>> -> memref<1024xf32, #tpu.memory_space<vmem>>
    %dma_start3A_1411 = arith.constant 0 : i32
    %dma_start3A_1412 = tpu.memref_slice %arg5[%select_n3A_1323, %dma_start3A_1408, %select_n3A_1339, %dma_start3A_1411] : memref<4x8x32x1024xf32, #tpu.memory_space<hbm>> -> memref<1x1x1x1024xf32, #tpu.memory_space<hbm>>
    %dma_start3A_1413 = tpu.memref_squeeze %dma_start3A_1412 : memref<1x1x1x1024xf32, #tpu.memory_space<hbm>> -> memref<1024xf32, #tpu.memory_space<hbm>>
    %dma_start3A_1414 = arith.constant 0 : i32
    %dma_start3A_1415 = tpu.memref_slice %arg5[%select_n3A_1323, %dma_start3A_1408, %select_n3A_1339, %dma_start3A_1414] : memref<4x8x32x1024xf32, #tpu.memory_space<hbm>> -> memref<1x1x1x1024xf32, #tpu.memory_space<hbm>>
    %dma_start3A_1416 = tpu.memref_squeeze %dma_start3A_1415 : memref<1x1x1x1024xf32, #tpu.memory_space<hbm>> -> memref<1024xf32, #tpu.memory_space<hbm>>
    %dma_start3A_1417 = arith.constant 18432 : i32
    %dma_start3A_1418 = tpu.memref_slice %arg10[%dma_start3A_1417] : memref<32768xf32, #tpu.memory_space<vmem>> -> memref<1024xf32, #tpu.memory_space<vmem>>
    tpu.enqueue_dma source(%dma_start3A_1418 : memref<1024xf32, #tpu.memory_space<vmem>>) target(%dma_start3A_1416 : memref<1024xf32, #tpu.memory_space<hbm>>) target_semaphore(%arg16 : memref<!tpu.dma_semaphore, #tpu.memory_space<semaphore_mem>>)
    %dma_start3A_1419 = arith.constant 2 : i32
    %dma_start3A_1420 = arith.constant 18432 : i32
    %dma_start3A_1421 = tpu.memref_slice %arg11[%dma_start3A_1420] : memref<32768xf32, #tpu.memory_space<vmem>> -> memref<1024xf32, #tpu.memory_space<vmem>>
    %dma_start3A_1422 = arith.constant 0 : i32
    %dma_start3A_1423 = tpu.memref_slice %arg6[%select_n3A_1323, %dma_start3A_1419, %select_n3A_1339, %dma_start3A_1422] : memref<4x8x32x1024xf32, #tpu.memory_space<hbm>> -> memref<1x1x1x1024xf32, #tpu.memory_space<hbm>>
    %dma_start3A_1424 = tpu.memref_squeeze %dma_start3A_1423 : memref<1x1x1x1024xf32, #tpu.memory_space<hbm>> -> memref<1024xf32, #tpu.memory_space<hbm>>
    %dma_start3A_1425 = arith.constant 0 : i32
    %dma_start3A_1426 = tpu.memref_slice %arg6[%select_n3A_1323, %dma_start3A_1419, %select_n3A_1339, %dma_start3A_1425] : memref<4x8x32x1024xf32, #tpu.memory_space<hbm>> -> memref<1x1x1x1024xf32, #tpu.memory_space<hbm>>
    %dma_start3A_1427 = tpu.memref_squeeze %dma_start3A_1426 : memref<1x1x1x1024xf32, #tpu.memory_space<hbm>> -> memref<1024xf32, #tpu.memory_space<hbm>>
    %dma_start3A_1428 = arith.constant 18432 : i32
    %dma_start3A_1429 = tpu.memref_slice %arg11[%dma_start3A_1428] : memref<32768xf32, #tpu.memory_space<vmem>> -> memref<1024xf32, #tpu.memory_space<vmem>>
    tpu.enqueue_dma source(%dma_start3A_1429 : memref<1024xf32, #tpu.memory_space<vmem>>) target(%dma_start3A_1427 : memref<1024xf32, #tpu.memory_space<hbm>>) target_semaphore(%arg16 : memref<!tpu.dma_semaphore, #tpu.memory_space<semaphore_mem>>)
    %dma_start3A_1430 = arith.constant 3 : i32
    %dma_start3A_1431 = arith.constant 19456 : i32
    %dma_start3A_1432 = tpu.memref_slice %arg10[%dma_start3A_1431] : memref<32768xf32, #tpu.memory_space<vmem>> -> memref<1024xf32, #tpu.memory_space<vmem>>
    %dma_start3A_1433 = arith.constant 0 : i32
    %dma_start3A_1434 = tpu.memref_slice %arg5[%select_n3A_1323, %dma_start3A_1430, %select_n3A_1339, %dma_start3A_1433] : memref<4x8x32x1024xf32, #tpu.memory_space<hbm>> -> memref<1x1x1x1024xf32, #tpu.memory_space<hbm>>
    %dma_start3A_1435 = tpu.memref_squeeze %dma_start3A_1434 : memref<1x1x1x1024xf32, #tpu.memory_space<hbm>> -> memref<1024xf32, #tpu.memory_space<hbm>>
    %dma_start3A_1436 = arith.constant 0 : i32
    %dma_start3A_1437 = tpu.memref_slice %arg5[%select_n3A_1323, %dma_start3A_1430, %select_n3A_1339, %dma_start3A_1436] : memref<4x8x32x1024xf32, #tpu.memory_space<hbm>> -> memref<1x1x1x1024xf32, #tpu.memory_space<hbm>>
    %dma_start3A_1438 = tpu.memref_squeeze %dma_start3A_1437 : memref<1x1x1x1024xf32, #tpu.memory_space<hbm>> -> memref<1024xf32, #tpu.memory_space<hbm>>
    %dma_start3A_1439 = arith.constant 19456 : i32
    %dma_start3A_1440 = tpu.memref_slice %arg10[%dma_start3A_1439] : memref<32768xf32, #tpu.memory_space<vmem>> -> memref<1024xf32, #tpu.memory_space<vmem>>
    tpu.enqueue_dma source(%dma_start3A_1440 : memref<1024xf32, #tpu.memory_space<vmem>>) target(%dma_start3A_1438 : memref<1024xf32, #tpu.memory_space<hbm>>) target_semaphore(%arg16 : memref<!tpu.dma_semaphore, #tpu.memory_space<semaphore_mem>>)
    %dma_start3A_1441 = arith.constant 3 : i32
    %dma_start3A_1442 = arith.constant 19456 : i32
    %dma_start3A_1443 = tpu.memref_slice %arg11[%dma_start3A_1442] : memref<32768xf32, #tpu.memory_space<vmem>> -> memref<1024xf32, #tpu.memory_space<vmem>>
    %dma_start3A_1444 = arith.constant 0 : i32
    %dma_start3A_1445 = tpu.memref_slice %arg6[%select_n3A_1323, %dma_start3A_1441, %select_n3A_1339, %dma_start3A_1444] : memref<4x8x32x1024xf32, #tpu.memory_space<hbm>> -> memref<1x1x1x1024xf32, #tpu.memory_space<hbm>>
    %dma_start3A_1446 = tpu.memref_squeeze %dma_start3A_1445 : memref<1x1x1x1024xf32, #tpu.memory_space<hbm>> -> memref<1024xf32, #tpu.memory_space<hbm>>
    %dma_start3A_1447 = arith.constant 0 : i32
    %dma_start3A_1448 = tpu.memref_slice %arg6[%select_n3A_1323, %dma_start3A_1441, %select_n3A_1339, %dma_start3A_1447] : memref<4x8x32x1024xf32, #tpu.memory_space<hbm>> -> memref<1x1x1x1024xf32, #tpu.memory_space<hbm>>
    %dma_start3A_1449 = tpu.memref_squeeze %dma_start3A_1448 : memref<1x1x1x1024xf32, #tpu.memory_space<hbm>> -> memref<1024xf32, #tpu.memory_space<hbm>>
    %dma_start3A_1450 = arith.constant 19456 : i32
    %dma_start3A_1451 = tpu.memref_slice %arg11[%dma_start3A_1450] : memref<32768xf32, #tpu.memory_space<vmem>> -> memref<1024xf32, #tpu.memory_space<vmem>>
    tpu.enqueue_dma source(%dma_start3A_1451 : memref<1024xf32, #tpu.memory_space<vmem>>) target(%dma_start3A_1449 : memref<1024xf32, #tpu.memory_space<hbm>>) target_semaphore(%arg16 : memref<!tpu.dma_semaphore, #tpu.memory_space<semaphore_mem>>)
    %dma_start3A_1452 = arith.constant 4 : i32
    %dma_start3A_1453 = arith.constant 20480 : i32
    %dma_start3A_1454 = tpu.memref_slice %arg10[%dma_start3A_1453] : memref<32768xf32, #tpu.memory_space<vmem>> -> memref<1024xf32, #tpu.memory_space<vmem>>
    %dma_start3A_1455 = arith.constant 0 : i32
    %dma_start3A_1456 = tpu.memref_slice %arg5[%select_n3A_1323, %dma_start3A_1452, %select_n3A_1339, %dma_start3A_1455] : memref<4x8x32x1024xf32, #tpu.memory_space<hbm>> -> memref<1x1x1x1024xf32, #tpu.memory_space<hbm>>
    %dma_start3A_1457 = tpu.memref_squeeze %dma_start3A_1456 : memref<1x1x1x1024xf32, #tpu.memory_space<hbm>> -> memref<1024xf32, #tpu.memory_space<hbm>>
    %dma_start3A_1458 = arith.constant 0 : i32
    %dma_start3A_1459 = tpu.memref_slice %arg5[%select_n3A_1323, %dma_start3A_1452, %select_n3A_1339, %dma_start3A_1458] : memref<4x8x32x1024xf32, #tpu.memory_space<hbm>> -> memref<1x1x1x1024xf32, #tpu.memory_space<hbm>>
    %dma_start3A_1460 = tpu.memref_squeeze %dma_start3A_1459 : memref<1x1x1x1024xf32, #tpu.memory_space<hbm>> -> memref<1024xf32, #tpu.memory_space<hbm>>
    %dma_start3A_1461 = arith.constant 20480 : i32
    %dma_start3A_1462 = tpu.memref_slice %arg10[%dma_start3A_1461] : memref<32768xf32, #tpu.memory_space<vmem>> -> memref<1024xf32, #tpu.memory_space<vmem>>
    tpu.enqueue_dma source(%dma_start3A_1462 : memref<1024xf32, #tpu.memory_space<vmem>>) target(%dma_start3A_1460 : memref<1024xf32, #tpu.memory_space<hbm>>) target_semaphore(%arg16 : memref<!tpu.dma_semaphore, #tpu.memory_space<semaphore_mem>>)
    %dma_start3A_1463 = arith.constant 4 : i32
    %dma_start3A_1464 = arith.constant 20480 : i32
    %dma_start3A_1465 = tpu.memref_slice %arg11[%dma_start3A_1464] : memref<32768xf32, #tpu.memory_space<vmem>> -> memref<1024xf32, #tpu.memory_space<vmem>>
    %dma_start3A_1466 = arith.constant 0 : i32
    %dma_start3A_1467 = tpu.memref_slice %arg6[%select_n3A_1323, %dma_start3A_1463, %select_n3A_1339, %dma_start3A_1466] : memref<4x8x32x1024xf32, #tpu.memory_space<hbm>> -> memref<1x1x1x1024xf32, #tpu.memory_space<hbm>>
    %dma_start3A_1468 = tpu.memref_squeeze %dma_start3A_1467 : memref<1x1x1x1024xf32, #tpu.memory_space<hbm>> -> memref<1024xf32, #tpu.memory_space<hbm>>
    %dma_start3A_1469 = arith.constant 0 : i32
    %dma_start3A_1470 = tpu.memref_slice %arg6[%select_n3A_1323, %dma_start3A_1463, %select_n3A_1339, %dma_start3A_1469] : memref<4x8x32x1024xf32, #tpu.memory_space<hbm>> -> memref<1x1x1x1024xf32, #tpu.memory_space<hbm>>
    %dma_start3A_1471 = tpu.memref_squeeze %dma_start3A_1470 : memref<1x1x1x1024xf32, #tpu.memory_space<hbm>> -> memref<1024xf32, #tpu.memory_space<hbm>>
    %dma_start3A_1472 = arith.constant 20480 : i32
    %dma_start3A_1473 = tpu.memref_slice %arg11[%dma_start3A_1472] : memref<32768xf32, #tpu.memory_space<vmem>> -> memref<1024xf32, #tpu.memory_space<vmem>>
    tpu.enqueue_dma source(%dma_start3A_1473 : memref<1024xf32, #tpu.memory_space<vmem>>) target(%dma_start3A_1471 : memref<1024xf32, #tpu.memory_space<hbm>>) target_semaphore(%arg16 : memref<!tpu.dma_semaphore, #tpu.memory_space<semaphore_mem>>)
    %dma_start3A_1474 = arith.constant 5 : i32
    %dma_start3A_1475 = arith.constant 21504 : i32
    %dma_start3A_1476 = tpu.memref_slice %arg10[%dma_start3A_1475] : memref<32768xf32, #tpu.memory_space<vmem>> -> memref<1024xf32, #tpu.memory_space<vmem>>
    %dma_start3A_1477 = arith.constant 0 : i32
    %dma_start3A_1478 = tpu.memref_slice %arg5[%select_n3A_1323, %dma_start3A_1474, %select_n3A_1339, %dma_start3A_1477] : memref<4x8x32x1024xf32, #tpu.memory_space<hbm>> -> memref<1x1x1x1024xf32, #tpu.memory_space<hbm>>
    %dma_start3A_1479 = tpu.memref_squeeze %dma_start3A_1478 : memref<1x1x1x1024xf32, #tpu.memory_space<hbm>> -> memref<1024xf32, #tpu.memory_space<hbm>>
    %dma_start3A_1480 = arith.constant 0 : i32
    %dma_start3A_1481 = tpu.memref_slice %arg5[%select_n3A_1323, %dma_start3A_1474, %select_n3A_1339, %dma_start3A_1480] : memref<4x8x32x1024xf32, #tpu.memory_space<hbm>> -> memref<1x1x1x1024xf32, #tpu.memory_space<hbm>>
    %dma_start3A_1482 = tpu.memref_squeeze %dma_start3A_1481 : memref<1x1x1x1024xf32, #tpu.memory_space<hbm>> -> memref<1024xf32, #tpu.memory_space<hbm>>
    %dma_start3A_1483 = arith.constant 21504 : i32
    %dma_start3A_1484 = tpu.memref_slice %arg10[%dma_start3A_1483] : memref<32768xf32, #tpu.memory_space<vmem>> -> memref<1024xf32, #tpu.memory_space<vmem>>
    tpu.enqueue_dma source(%dma_start3A_1484 : memref<1024xf32, #tpu.memory_space<vmem>>) target(%dma_start3A_1482 : memref<1024xf32, #tpu.memory_space<hbm>>) target_semaphore(%arg16 : memref<!tpu.dma_semaphore, #tpu.memory_space<semaphore_mem>>)
    %dma_start3A_1485 = arith.constant 5 : i32
    %dma_start3A_1486 = arith.constant 21504 : i32
    %dma_start3A_1487 = tpu.memref_slice %arg11[%dma_start3A_1486] : memref<32768xf32, #tpu.memory_space<vmem>> -> memref<1024xf32, #tpu.memory_space<vmem>>
    %dma_start3A_1488 = arith.constant 0 : i32
    %dma_start3A_1489 = tpu.memref_slice %arg6[%select_n3A_1323, %dma_start3A_1485, %select_n3A_1339, %dma_start3A_1488] : memref<4x8x32x1024xf32, #tpu.memory_space<hbm>> -> memref<1x1x1x1024xf32, #tpu.memory_space<hbm>>
    %dma_start3A_1490 = tpu.memref_squeeze %dma_start3A_1489 : memref<1x1x1x1024xf32, #tpu.memory_space<hbm>> -> memref<1024xf32, #tpu.memory_space<hbm>>
    %dma_start3A_1491 = arith.constant 0 : i32
    %dma_start3A_1492 = tpu.memref_slice %arg6[%select_n3A_1323, %dma_start3A_1485, %select_n3A_1339, %dma_start3A_1491] : memref<4x8x32x1024xf32, #tpu.memory_space<hbm>> -> memref<1x1x1x1024xf32, #tpu.memory_space<hbm>>
    %dma_start3A_1493 = tpu.memref_squeeze %dma_start3A_1492 : memref<1x1x1x1024xf32, #tpu.memory_space<hbm>> -> memref<1024xf32, #tpu.memory_space<hbm>>
    %dma_start3A_1494 = arith.constant 21504 : i32
    %dma_start3A_1495 = tpu.memref_slice %arg11[%dma_start3A_1494] : memref<32768xf32, #tpu.memory_space<vmem>> -> memref<1024xf32, #tpu.memory_space<vmem>>
    tpu.enqueue_dma source(%dma_start3A_1495 : memref<1024xf32, #tpu.memory_space<vmem>>) target(%dma_start3A_1493 : memref<1024xf32, #tpu.memory_space<hbm>>) target_semaphore(%arg16 : memref<!tpu.dma_semaphore, #tpu.memory_space<semaphore_mem>>)
    %dma_start3A_1496 = arith.constant 6 : i32
    %dma_start3A_1497 = arith.constant 22528 : i32
    %dma_start3A_1498 = tpu.memref_slice %arg10[%dma_start3A_1497] : memref<32768xf32, #tpu.memory_space<vmem>> -> memref<1024xf32, #tpu.memory_space<vmem>>
    %dma_start3A_1499 = arith.constant 0 : i32
    %dma_start3A_1500 = tpu.memref_slice %arg5[%select_n3A_1323, %dma_start3A_1496, %select_n3A_1339, %dma_start3A_1499] : memref<4x8x32x1024xf32, #tpu.memory_space<hbm>> -> memref<1x1x1x1024xf32, #tpu.memory_space<hbm>>
    %dma_start3A_1501 = tpu.memref_squeeze %dma_start3A_1500 : memref<1x1x1x1024xf32, #tpu.memory_space<hbm>> -> memref<1024xf32, #tpu.memory_space<hbm>>
    %dma_start3A_1502 = arith.constant 0 : i32
    %dma_start3A_1503 = tpu.memref_slice %arg5[%select_n3A_1323, %dma_start3A_1496, %select_n3A_1339, %dma_start3A_1502] : memref<4x8x32x1024xf32, #tpu.memory_space<hbm>> -> memref<1x1x1x1024xf32, #tpu.memory_space<hbm>>
    %dma_start3A_1504 = tpu.memref_squeeze %dma_start3A_1503 : memref<1x1x1x1024xf32, #tpu.memory_space<hbm>> -> memref<1024xf32, #tpu.memory_space<hbm>>
    %dma_start3A_1505 = arith.constant 22528 : i32
    %dma_start3A_1506 = tpu.memref_slice %arg10[%dma_start3A_1505] : memref<32768xf32, #tpu.memory_space<vmem>> -> memref<1024xf32, #tpu.memory_space<vmem>>
    tpu.enqueue_dma source(%dma_start3A_1506 : memref<1024xf32, #tpu.memory_space<vmem>>) target(%dma_start3A_1504 : memref<1024xf32, #tpu.memory_space<hbm>>) target_semaphore(%arg16 : memref<!tpu.dma_semaphore, #tpu.memory_space<semaphore_mem>>)
    %dma_start3A_1507 = arith.constant 6 : i32
    %dma_start3A_1508 = arith.constant 22528 : i32
    %dma_start3A_1509 = tpu.memref_slice %arg11[%dma_start3A_1508] : memref<32768xf32, #tpu.memory_space<vmem>> -> memref<1024xf32, #tpu.memory_space<vmem>>
    %dma_start3A_1510 = arith.constant 0 : i32
    %dma_start3A_1511 = tpu.memref_slice %arg6[%select_n3A_1323, %dma_start3A_1507, %select_n3A_1339, %dma_start3A_1510] : memref<4x8x32x1024xf32, #tpu.memory_space<hbm>> -> memref<1x1x1x1024xf32, #tpu.memory_space<hbm>>
    %dma_start3A_1512 = tpu.memref_squeeze %dma_start3A_1511 : memref<1x1x1x1024xf32, #tpu.memory_space<hbm>> -> memref<1024xf32, #tpu.memory_space<hbm>>
    %dma_start3A_1513 = arith.constant 0 : i32
    %dma_start3A_1514 = tpu.memref_slice %arg6[%select_n3A_1323, %dma_start3A_1507, %select_n3A_1339, %dma_start3A_1513] : memref<4x8x32x1024xf32, #tpu.memory_space<hbm>> -> memref<1x1x1x1024xf32, #tpu.memory_space<hbm>>
    %dma_start3A_1515 = tpu.memref_squeeze %dma_start3A_1514 : memref<1x1x1x1024xf32, #tpu.memory_space<hbm>> -> memref<1024xf32, #tpu.memory_space<hbm>>
    %dma_start3A_1516 = arith.constant 22528 : i32
    %dma_start3A_1517 = tpu.memref_slice %arg11[%dma_start3A_1516] : memref<32768xf32, #tpu.memory_space<vmem>> -> memref<1024xf32, #tpu.memory_space<vmem>>
    tpu.enqueue_dma source(%dma_start3A_1517 : memref<1024xf32, #tpu.memory_space<vmem>>) target(%dma_start3A_1515 : memref<1024xf32, #tpu.memory_space<hbm>>) target_semaphore(%arg16 : memref<!tpu.dma_semaphore, #tpu.memory_space<semaphore_mem>>)
    %dma_start3A_1518 = arith.constant 7 : i32
    %dma_start3A_1519 = arith.constant 23552 : i32
    %dma_start3A_1520 = tpu.memref_slice %arg10[%dma_start3A_1519] : memref<32768xf32, #tpu.memory_space<vmem>> -> memref<1024xf32, #tpu.memory_space<vmem>>
    %dma_start3A_1521 = arith.constant 0 : i32
    %dma_start3A_1522 = tpu.memref_slice %arg5[%select_n3A_1323, %dma_start3A_1518, %select_n3A_1339, %dma_start3A_1521] : memref<4x8x32x1024xf32, #tpu.memory_space<hbm>> -> memref<1x1x1x1024xf32, #tpu.memory_space<hbm>>
    %dma_start3A_1523 = tpu.memref_squeeze %dma_start3A_1522 : memref<1x1x1x1024xf32, #tpu.memory_space<hbm>> -> memref<1024xf32, #tpu.memory_space<hbm>>
    %dma_start3A_1524 = arith.constant 0 : i32
    %dma_start3A_1525 = tpu.memref_slice %arg5[%select_n3A_1323, %dma_start3A_1518, %select_n3A_1339, %dma_start3A_1524] : memref<4x8x32x1024xf32, #tpu.memory_space<hbm>> -> memref<1x1x1x1024xf32, #tpu.memory_space<hbm>>
    %dma_start3A_1526 = tpu.memref_squeeze %dma_start3A_1525 : memref<1x1x1x1024xf32, #tpu.memory_space<hbm>> -> memref<1024xf32, #tpu.memory_space<hbm>>
    %dma_start3A_1527 = arith.constant 23552 : i32
    %dma_start3A_1528 = tpu.memref_slice %arg10[%dma_start3A_1527] : memref<32768xf32, #tpu.memory_space<vmem>> -> memref<1024xf32, #tpu.memory_space<vmem>>
    tpu.enqueue_dma source(%dma_start3A_1528 : memref<1024xf32, #tpu.memory_space<vmem>>) target(%dma_start3A_1526 : memref<1024xf32, #tpu.memory_space<hbm>>) target_semaphore(%arg16 : memref<!tpu.dma_semaphore, #tpu.memory_space<semaphore_mem>>)
    %dma_start3A_1529 = arith.constant 7 : i32
    %dma_start3A_1530 = arith.constant 23552 : i32
    %dma_start3A_1531 = tpu.memref_slice %arg11[%dma_start3A_1530] : memref<32768xf32, #tpu.memory_space<vmem>> -> memref<1024xf32, #tpu.memory_space<vmem>>
    %dma_start3A_1532 = arith.constant 0 : i32
    %dma_start3A_1533 = tpu.memref_slice %arg6[%select_n3A_1323, %dma_start3A_1529, %select_n3A_1339, %dma_start3A_1532] : memref<4x8x32x1024xf32, #tpu.memory_space<hbm>> -> memref<1x1x1x1024xf32, #tpu.memory_space<hbm>>
    %dma_start3A_1534 = tpu.memref_squeeze %dma_start3A_1533 : memref<1x1x1x1024xf32, #tpu.memory_space<hbm>> -> memref<1024xf32, #tpu.memory_space<hbm>>
    %dma_start3A_1535 = arith.constant 0 : i32
    %dma_start3A_1536 = tpu.memref_slice %arg6[%select_n3A_1323, %dma_start3A_1529, %select_n3A_1339, %dma_start3A_1535] : memref<4x8x32x1024xf32, #tpu.memory_space<hbm>> -> memref<1x1x1x1024xf32, #tpu.memory_space<hbm>>
    %dma_start3A_1537 = tpu.memref_squeeze %dma_start3A_1536 : memref<1x1x1x1024xf32, #tpu.memory_space<hbm>> -> memref<1024xf32, #tpu.memory_space<hbm>>
    %dma_start3A_1538 = arith.constant 23552 : i32
    %dma_start3A_1539 = tpu.memref_slice %arg11[%dma_start3A_1538] : memref<32768xf32, #tpu.memory_space<vmem>> -> memref<1024xf32, #tpu.memory_space<vmem>>
    tpu.enqueue_dma source(%dma_start3A_1539 : memref<1024xf32, #tpu.memory_space<vmem>>) target(%dma_start3A_1537 : memref<1024xf32, #tpu.memory_space<hbm>>) target_semaphore(%arg16 : memref<!tpu.dma_semaphore, #tpu.memory_space<semaphore_mem>>)
    %add3A_1540 = arith.constant 3 : i32
    %add3A_1541 = arith.addi %mul3A_2, %add3A_1540 : i32
    %jit3A_1542 = arith.constant 32 : i32
    %div3A_1543 = arith.divsi %add3A_1541, %jit3A_1542 : i32
    %sign3A_1544 = arith.constant 0 : i32
    %sign3A_1545 = arith.cmpi sgt, %add3A_1541, %sign3A_1544 : i32
    %sign3A_1546 = arith.extui %sign3A_1545 : i1 to i32
    %sign3A_1547 = arith.constant 0 : i32
    %sign3A_1548 = arith.cmpi slt, %add3A_1541, %sign3A_1547 : i32
    %sign3A_1549 = arith.extui %sign3A_1548 : i1 to i32
    %sign3A_1550 = arith.subi %sign3A_1546, %sign3A_1549 : i32
    %sign3A_1551 = arith.constant 0 : i32
    %sign3A_1552 = arith.cmpi sgt, %jit3A_1542, %sign3A_1551 : i32
    %sign3A_1553 = arith.extui %sign3A_1552 : i1 to i32
    %sign3A_1554 = arith.constant 0 : i32
    %sign3A_1555 = arith.cmpi slt, %jit3A_1542, %sign3A_1554 : i32
    %sign3A_1556 = arith.extui %sign3A_1555 : i1 to i32
    %sign3A_1557 = arith.subi %sign3A_1553, %sign3A_1556 : i32
    %ne3A_1558 = arith.cmpi ne, %sign3A_1550, %sign3A_1557 : i32
    %rem3A_1559 = arith.remsi %add3A_1541, %jit3A_1542 : i32
    %ne3A_1560 = arith.constant 0 : i32
    %ne3A_1561 = arith.cmpi ne, %rem3A_1559, %ne3A_1560 : i32
    %and3A_1562 = arith.andi %ne3A_1558, %ne3A_1561 : i1
    %sub3A_1563 = arith.constant 1 : i32
    %sub3A_1564 = arith.subi %div3A_1543, %sub3A_1563 : i32
    %select_n3A_1565 = arith.select %and3A_1562, %sub3A_1564, %div3A_1543 : i32
    %jit3A_1566 = arith.constant 32 : i32
    %eq3A_1567 = arith.constant 0 : i32
    %eq3A_1568 = arith.cmpi eq, %jit3A_1566, %eq3A_1567 : i32
    %jit3A_1569 = arith.constant 1 : i32
    %select_n3A_1570 = arith.select %eq3A_1568, %jit3A_1569, %jit3A_1566 : i32
    %rem3A_1571 = arith.remsi %add3A_1541, %select_n3A_1570 : i32
    %ne3A_1572 = arith.constant 0 : i32
    %ne3A_1573 = arith.cmpi ne, %rem3A_1571, %ne3A_1572 : i32
    %lt3A_1574 = arith.constant 0 : i32
    %lt3A_1575 = arith.cmpi slt, %rem3A_1571, %lt3A_1574 : i32
    %lt3A_1576 = arith.constant 0 : i32
    %lt3A_1577 = arith.cmpi slt, %select_n3A_1570, %lt3A_1576 : i32
    %ne3A_1578 = arith.xori %lt3A_1575, %lt3A_1577 : i1
    %and3A_1579 = arith.andi %ne3A_1578, %ne3A_1573 : i1
    %add3A_1580 = arith.addi %rem3A_1571, %select_n3A_1570 : i32
    %select_n3A_1581 = arith.select %and3A_1579, %add3A_1580, %rem3A_1571 : i32
    %dma_wait3A_1582 = arith.constant 24576 : i32
    %dma_wait3A_1583 = tpu.memref_slice %arg10[%dma_wait3A_1582] : memref<32768xf32, #tpu.memory_space<vmem>> -> memref<4096xf32, #tpu.memory_space<vmem>>
    %dma_wait3A_1584 = arith.constant 24576 : i32
    %dma_wait3A_1585 = tpu.memref_slice %arg9[%dma_wait3A_1584] : memref<32768xi32, #tpu.memory_space<vmem>> -> memref<4096xi32, #tpu.memory_space<vmem>>
    %dma_wait3A_1586 = arith.constant 0 : i32
    %dma_wait3A_1587 = tpu.memref_slice %arg2[%dma_wait3A_1586] : memref<8388608xf32, #tpu.memory_space<hbm>> -> memref<8388608xf32, #tpu.memory_space<hbm>>
    tpu.wait_indirect_dma semaphore(%arg15 : memref<!tpu.dma_semaphore, #tpu.memory_space<semaphore_mem>>) src(%dma_wait3A_1587 : memref<8388608xf32, #tpu.memory_space<hbm>>) dst(%dma_wait3A_1583 : memref<4096xf32, #tpu.memory_space<vmem>>)
    %dma_wait3A_1588 = arith.constant 24576 : i32
    %dma_wait3A_1589 = tpu.memref_slice %arg11[%dma_wait3A_1588] : memref<32768xf32, #tpu.memory_space<vmem>> -> memref<4096xf32, #tpu.memory_space<vmem>>
    %dma_wait3A_1590 = arith.constant 24576 : i32
    %dma_wait3A_1591 = tpu.memref_slice %arg9[%dma_wait3A_1590] : memref<32768xi32, #tpu.memory_space<vmem>> -> memref<4096xi32, #tpu.memory_space<vmem>>
    %dma_wait3A_1592 = arith.constant 0 : i32
    %dma_wait3A_1593 = tpu.memref_slice %arg3[%dma_wait3A_1592] : memref<8388608xf32, #tpu.memory_space<hbm>> -> memref<8388608xf32, #tpu.memory_space<hbm>>
    tpu.wait_indirect_dma semaphore(%arg15 : memref<!tpu.dma_semaphore, #tpu.memory_space<semaphore_mem>>) src(%dma_wait3A_1593 : memref<8388608xf32, #tpu.memory_space<hbm>>) dst(%dma_wait3A_1589 : memref<4096xf32, #tpu.memory_space<vmem>>)
    %dma_wait3A_1594 = arith.constant 28672 : i32
    %dma_wait3A_1595 = tpu.memref_slice %arg10[%dma_wait3A_1594] : memref<32768xf32, #tpu.memory_space<vmem>> -> memref<4096xf32, #tpu.memory_space<vmem>>
    %dma_wait3A_1596 = arith.constant 28672 : i32
    %dma_wait3A_1597 = tpu.memref_slice %arg9[%dma_wait3A_1596] : memref<32768xi32, #tpu.memory_space<vmem>> -> memref<4096xi32, #tpu.memory_space<vmem>>
    %dma_wait3A_1598 = arith.constant 0 : i32
    %dma_wait3A_1599 = tpu.memref_slice %arg2[%dma_wait3A_1598] : memref<8388608xf32, #tpu.memory_space<hbm>> -> memref<8388608xf32, #tpu.memory_space<hbm>>
    tpu.wait_indirect_dma semaphore(%arg15 : memref<!tpu.dma_semaphore, #tpu.memory_space<semaphore_mem>>) src(%dma_wait3A_1599 : memref<8388608xf32, #tpu.memory_space<hbm>>) dst(%dma_wait3A_1595 : memref<4096xf32, #tpu.memory_space<vmem>>)
    %dma_wait3A_1600 = arith.constant 28672 : i32
    %dma_wait3A_1601 = tpu.memref_slice %arg11[%dma_wait3A_1600] : memref<32768xf32, #tpu.memory_space<vmem>> -> memref<4096xf32, #tpu.memory_space<vmem>>
    %dma_wait3A_1602 = arith.constant 28672 : i32
    %dma_wait3A_1603 = tpu.memref_slice %arg9[%dma_wait3A_1602] : memref<32768xi32, #tpu.memory_space<vmem>> -> memref<4096xi32, #tpu.memory_space<vmem>>
    %dma_wait3A_1604 = arith.constant 0 : i32
    %dma_wait3A_1605 = tpu.memref_slice %arg3[%dma_wait3A_1604] : memref<8388608xf32, #tpu.memory_space<hbm>> -> memref<8388608xf32, #tpu.memory_space<hbm>>
    tpu.wait_indirect_dma semaphore(%arg15 : memref<!tpu.dma_semaphore, #tpu.memory_space<semaphore_mem>>) src(%dma_wait3A_1605 : memref<8388608xf32, #tpu.memory_space<hbm>>) dst(%dma_wait3A_1601 : memref<4096xf32, #tpu.memory_space<vmem>>)
    %dma_start3A_1606 = arith.constant 0 : i32
    %dma_start3A_1607 = arith.constant 24576 : i32
    %dma_start3A_1608 = tpu.memref_slice %arg10[%dma_start3A_1607] : memref<32768xf32, #tpu.memory_space<vmem>> -> memref<1024xf32, #tpu.memory_space<vmem>>
    %dma_start3A_1609 = arith.constant 0 : i32
    %dma_start3A_1610 = tpu.memref_slice %arg5[%select_n3A_1565, %dma_start3A_1606, %select_n3A_1581, %dma_start3A_1609] : memref<4x8x32x1024xf32, #tpu.memory_space<hbm>> -> memref<1x1x1x1024xf32, #tpu.memory_space<hbm>>
    %dma_start3A_1611 = tpu.memref_squeeze %dma_start3A_1610 : memref<1x1x1x1024xf32, #tpu.memory_space<hbm>> -> memref<1024xf32, #tpu.memory_space<hbm>>
    %dma_start3A_1612 = arith.constant 0 : i32
    %dma_start3A_1613 = tpu.memref_slice %arg5[%select_n3A_1565, %dma_start3A_1606, %select_n3A_1581, %dma_start3A_1612] : memref<4x8x32x1024xf32, #tpu.memory_space<hbm>> -> memref<1x1x1x1024xf32, #tpu.memory_space<hbm>>
    %dma_start3A_1614 = tpu.memref_squeeze %dma_start3A_1613 : memref<1x1x1x1024xf32, #tpu.memory_space<hbm>> -> memref<1024xf32, #tpu.memory_space<hbm>>
    %dma_start3A_1615 = arith.constant 24576 : i32
    %dma_start3A_1616 = tpu.memref_slice %arg10[%dma_start3A_1615] : memref<32768xf32, #tpu.memory_space<vmem>> -> memref<1024xf32, #tpu.memory_space<vmem>>
    tpu.enqueue_dma source(%dma_start3A_1616 : memref<1024xf32, #tpu.memory_space<vmem>>) target(%dma_start3A_1614 : memref<1024xf32, #tpu.memory_space<hbm>>) target_semaphore(%arg16 : memref<!tpu.dma_semaphore, #tpu.memory_space<semaphore_mem>>)
    %dma_start3A_1617 = arith.constant 0 : i32
    %dma_start3A_1618 = arith.constant 24576 : i32
    %dma_start3A_1619 = tpu.memref_slice %arg11[%dma_start3A_1618] : memref<32768xf32, #tpu.memory_space<vmem>> -> memref<1024xf32, #tpu.memory_space<vmem>>
    %dma_start3A_1620 = arith.constant 0 : i32
    %dma_start3A_1621 = tpu.memref_slice %arg6[%select_n3A_1565, %dma_start3A_1617, %select_n3A_1581, %dma_start3A_1620] : memref<4x8x32x1024xf32, #tpu.memory_space<hbm>> -> memref<1x1x1x1024xf32, #tpu.memory_space<hbm>>
    %dma_start3A_1622 = tpu.memref_squeeze %dma_start3A_1621 : memref<1x1x1x1024xf32, #tpu.memory_space<hbm>> -> memref<1024xf32, #tpu.memory_space<hbm>>
    %dma_start3A_1623 = arith.constant 0 : i32
    %dma_start3A_1624 = tpu.memref_slice %arg6[%select_n3A_1565, %dma_start3A_1617, %select_n3A_1581, %dma_start3A_1623] : memref<4x8x32x1024xf32, #tpu.memory_space<hbm>> -> memref<1x1x1x1024xf32, #tpu.memory_space<hbm>>
    %dma_start3A_1625 = tpu.memref_squeeze %dma_start3A_1624 : memref<1x1x1x1024xf32, #tpu.memory_space<hbm>> -> memref<1024xf32, #tpu.memory_space<hbm>>
    %dma_start3A_1626 = arith.constant 24576 : i32
    %dma_start3A_1627 = tpu.memref_slice %arg11[%dma_start3A_1626] : memref<32768xf32, #tpu.memory_space<vmem>> -> memref<1024xf32, #tpu.memory_space<vmem>>
    tpu.enqueue_dma source(%dma_start3A_1627 : memref<1024xf32, #tpu.memory_space<vmem>>) target(%dma_start3A_1625 : memref<1024xf32, #tpu.memory_space<hbm>>) target_semaphore(%arg16 : memref<!tpu.dma_semaphore, #tpu.memory_space<semaphore_mem>>)
    %dma_start3A_1628 = arith.constant 1 : i32
    %dma_start3A_1629 = arith.constant 25600 : i32
    %dma_start3A_1630 = tpu.memref_slice %arg10[%dma_start3A_1629] : memref<32768xf32, #tpu.memory_space<vmem>> -> memref<1024xf32, #tpu.memory_space<vmem>>
    %dma_start3A_1631 = arith.constant 0 : i32
    %dma_start3A_1632 = tpu.memref_slice %arg5[%select_n3A_1565, %dma_start3A_1628, %select_n3A_1581, %dma_start3A_1631] : memref<4x8x32x1024xf32, #tpu.memory_space<hbm>> -> memref<1x1x1x1024xf32, #tpu.memory_space<hbm>>
    %dma_start3A_1633 = tpu.memref_squeeze %dma_start3A_1632 : memref<1x1x1x1024xf32, #tpu.memory_space<hbm>> -> memref<1024xf32, #tpu.memory_space<hbm>>
    %dma_start3A_1634 = arith.constant 0 : i32
    %dma_start3A_1635 = tpu.memref_slice %arg5[%select_n3A_1565, %dma_start3A_1628, %select_n3A_1581, %dma_start3A_1634] : memref<4x8x32x1024xf32, #tpu.memory_space<hbm>> -> memref<1x1x1x1024xf32, #tpu.memory_space<hbm>>
    %dma_start3A_1636 = tpu.memref_squeeze %dma_start3A_1635 : memref<1x1x1x1024xf32, #tpu.memory_space<hbm>> -> memref<1024xf32, #tpu.memory_space<hbm>>
    %dma_start3A_1637 = arith.constant 25600 : i32
    %dma_start3A_1638 = tpu.memref_slice %arg10[%dma_start3A_1637] : memref<32768xf32, #tpu.memory_space<vmem>> -> memref<1024xf32, #tpu.memory_space<vmem>>
    tpu.enqueue_dma source(%dma_start3A_1638 : memref<1024xf32, #tpu.memory_space<vmem>>) target(%dma_start3A_1636 : memref<1024xf32, #tpu.memory_space<hbm>>) target_semaphore(%arg16 : memref<!tpu.dma_semaphore, #tpu.memory_space<semaphore_mem>>)
    %dma_start3A_1639 = arith.constant 1 : i32
    %dma_start3A_1640 = arith.constant 25600 : i32
    %dma_start3A_1641 = tpu.memref_slice %arg11[%dma_start3A_1640] : memref<32768xf32, #tpu.memory_space<vmem>> -> memref<1024xf32, #tpu.memory_space<vmem>>
    %dma_start3A_1642 = arith.constant 0 : i32
    %dma_start3A_1643 = tpu.memref_slice %arg6[%select_n3A_1565, %dma_start3A_1639, %select_n3A_1581, %dma_start3A_1642] : memref<4x8x32x1024xf32, #tpu.memory_space<hbm>> -> memref<1x1x1x1024xf32, #tpu.memory_space<hbm>>
    %dma_start3A_1644 = tpu.memref_squeeze %dma_start3A_1643 : memref<1x1x1x1024xf32, #tpu.memory_space<hbm>> -> memref<1024xf32, #tpu.memory_space<hbm>>
    %dma_start3A_1645 = arith.constant 0 : i32
    %dma_start3A_1646 = tpu.memref_slice %arg6[%select_n3A_1565, %dma_start3A_1639, %select_n3A_1581, %dma_start3A_1645] : memref<4x8x32x1024xf32, #tpu.memory_space<hbm>> -> memref<1x1x1x1024xf32, #tpu.memory_space<hbm>>
    %dma_start3A_1647 = tpu.memref_squeeze %dma_start3A_1646 : memref<1x1x1x1024xf32, #tpu.memory_space<hbm>> -> memref<1024xf32, #tpu.memory_space<hbm>>
    %dma_start3A_1648 = arith.constant 25600 : i32
    %dma_start3A_1649 = tpu.memref_slice %arg11[%dma_start3A_1648] : memref<32768xf32, #tpu.memory_space<vmem>> -> memref<1024xf32, #tpu.memory_space<vmem>>
    tpu.enqueue_dma source(%dma_start3A_1649 : memref<1024xf32, #tpu.memory_space<vmem>>) target(%dma_start3A_1647 : memref<1024xf32, #tpu.memory_space<hbm>>) target_semaphore(%arg16 : memref<!tpu.dma_semaphore, #tpu.memory_space<semaphore_mem>>)
    %dma_start3A_1650 = arith.constant 2 : i32
    %dma_start3A_1651 = arith.constant 26624 : i32
    %dma_start3A_1652 = tpu.memref_slice %arg10[%dma_start3A_1651] : memref<32768xf32, #tpu.memory_space<vmem>> -> memref<1024xf32, #tpu.memory_space<vmem>>
    %dma_start3A_1653 = arith.constant 0 : i32
    %dma_start3A_1654 = tpu.memref_slice %arg5[%select_n3A_1565, %dma_start3A_1650, %select_n3A_1581, %dma_start3A_1653] : memref<4x8x32x1024xf32, #tpu.memory_space<hbm>> -> memref<1x1x1x1024xf32, #tpu.memory_space<hbm>>
    %dma_start3A_1655 = tpu.memref_squeeze %dma_start3A_1654 : memref<1x1x1x1024xf32, #tpu.memory_space<hbm>> -> memref<1024xf32, #tpu.memory_space<hbm>>
    %dma_start3A_1656 = arith.constant 0 : i32
    %dma_start3A_1657 = tpu.memref_slice %arg5[%select_n3A_1565, %dma_start3A_1650, %select_n3A_1581, %dma_start3A_1656] : memref<4x8x32x1024xf32, #tpu.memory_space<hbm>> -> memref<1x1x1x1024xf32, #tpu.memory_space<hbm>>
    %dma_start3A_1658 = tpu.memref_squeeze %dma_start3A_1657 : memref<1x1x1x1024xf32, #tpu.memory_space<hbm>> -> memref<1024xf32, #tpu.memory_space<hbm>>
    %dma_start3A_1659 = arith.constant 26624 : i32
    %dma_start3A_1660 = tpu.memref_slice %arg10[%dma_start3A_1659] : memref<32768xf32, #tpu.memory_space<vmem>> -> memref<1024xf32, #tpu.memory_space<vmem>>
    tpu.enqueue_dma source(%dma_start3A_1660 : memref<1024xf32, #tpu.memory_space<vmem>>) target(%dma_start3A_1658 : memref<1024xf32, #tpu.memory_space<hbm>>) target_semaphore(%arg16 : memref<!tpu.dma_semaphore, #tpu.memory_space<semaphore_mem>>)
    %dma_start3A_1661 = arith.constant 2 : i32
    %dma_start3A_1662 = arith.constant 26624 : i32
    %dma_start3A_1663 = tpu.memref_slice %arg11[%dma_start3A_1662] : memref<32768xf32, #tpu.memory_space<vmem>> -> memref<1024xf32, #tpu.memory_space<vmem>>
    %dma_start3A_1664 = arith.constant 0 : i32
    %dma_start3A_1665 = tpu.memref_slice %arg6[%select_n3A_1565, %dma_start3A_1661, %select_n3A_1581, %dma_start3A_1664] : memref<4x8x32x1024xf32, #tpu.memory_space<hbm>> -> memref<1x1x1x1024xf32, #tpu.memory_space<hbm>>
    %dma_start3A_1666 = tpu.memref_squeeze %dma_start3A_1665 : memref<1x1x1x1024xf32, #tpu.memory_space<hbm>> -> memref<1024xf32, #tpu.memory_space<hbm>>
    %dma_start3A_1667 = arith.constant 0 : i32
    %dma_start3A_1668 = tpu.memref_slice %arg6[%select_n3A_1565, %dma_start3A_1661, %select_n3A_1581, %dma_start3A_1667] : memref<4x8x32x1024xf32, #tpu.memory_space<hbm>> -> memref<1x1x1x1024xf32, #tpu.memory_space<hbm>>
    %dma_start3A_1669 = tpu.memref_squeeze %dma_start3A_1668 : memref<1x1x1x1024xf32, #tpu.memory_space<hbm>> -> memref<1024xf32, #tpu.memory_space<hbm>>
    %dma_start3A_1670 = arith.constant 26624 : i32
    %dma_start3A_1671 = tpu.memref_slice %arg11[%dma_start3A_1670] : memref<32768xf32, #tpu.memory_space<vmem>> -> memref<1024xf32, #tpu.memory_space<vmem>>
    tpu.enqueue_dma source(%dma_start3A_1671 : memref<1024xf32, #tpu.memory_space<vmem>>) target(%dma_start3A_1669 : memref<1024xf32, #tpu.memory_space<hbm>>) target_semaphore(%arg16 : memref<!tpu.dma_semaphore, #tpu.memory_space<semaphore_mem>>)
    %dma_start3A_1672 = arith.constant 3 : i32
    %dma_start3A_1673 = arith.constant 27648 : i32
    %dma_start3A_1674 = tpu.memref_slice %arg10[%dma_start3A_1673] : memref<32768xf32, #tpu.memory_space<vmem>> -> memref<1024xf32, #tpu.memory_space<vmem>>
    %dma_start3A_1675 = arith.constant 0 : i32
    %dma_start3A_1676 = tpu.memref_slice %arg5[%select_n3A_1565, %dma_start3A_1672, %select_n3A_1581, %dma_start3A_1675] : memref<4x8x32x1024xf32, #tpu.memory_space<hbm>> -> memref<1x1x1x1024xf32, #tpu.memory_space<hbm>>
    %dma_start3A_1677 = tpu.memref_squeeze %dma_start3A_1676 : memref<1x1x1x1024xf32, #tpu.memory_space<hbm>> -> memref<1024xf32, #tpu.memory_space<hbm>>
    %dma_start3A_1678 = arith.constant 0 : i32
    %dma_start3A_1679 = tpu.memref_slice %arg5[%select_n3A_1565, %dma_start3A_1672, %select_n3A_1581, %dma_start3A_1678] : memref<4x8x32x1024xf32, #tpu.memory_space<hbm>> -> memref<1x1x1x1024xf32, #tpu.memory_space<hbm>>
    %dma_start3A_1680 = tpu.memref_squeeze %dma_start3A_1679 : memref<1x1x1x1024xf32, #tpu.memory_space<hbm>> -> memref<1024xf32, #tpu.memory_space<hbm>>
    %dma_start3A_1681 = arith.constant 27648 : i32
    %dma_start3A_1682 = tpu.memref_slice %arg10[%dma_start3A_1681] : memref<32768xf32, #tpu.memory_space<vmem>> -> memref<1024xf32, #tpu.memory_space<vmem>>
    tpu.enqueue_dma source(%dma_start3A_1682 : memref<1024xf32, #tpu.memory_space<vmem>>) target(%dma_start3A_1680 : memref<1024xf32, #tpu.memory_space<hbm>>) target_semaphore(%arg16 : memref<!tpu.dma_semaphore, #tpu.memory_space<semaphore_mem>>)
    %dma_start3A_1683 = arith.constant 3 : i32
    %dma_start3A_1684 = arith.constant 27648 : i32
    %dma_start3A_1685 = tpu.memref_slice %arg11[%dma_start3A_1684] : memref<32768xf32, #tpu.memory_space<vmem>> -> memref<1024xf32, #tpu.memory_space<vmem>>
    %dma_start3A_1686 = arith.constant 0 : i32
    %dma_start3A_1687 = tpu.memref_slice %arg6[%select_n3A_1565, %dma_start3A_1683, %select_n3A_1581, %dma_start3A_1686] : memref<4x8x32x1024xf32, #tpu.memory_space<hbm>> -> memref<1x1x1x1024xf32, #tpu.memory_space<hbm>>
    %dma_start3A_1688 = tpu.memref_squeeze %dma_start3A_1687 : memref<1x1x1x1024xf32, #tpu.memory_space<hbm>> -> memref<1024xf32, #tpu.memory_space<hbm>>
    %dma_start3A_1689 = arith.constant 0 : i32
    %dma_start3A_1690 = tpu.memref_slice %arg6[%select_n3A_1565, %dma_start3A_1683, %select_n3A_1581, %dma_start3A_1689] : memref<4x8x32x1024xf32, #tpu.memory_space<hbm>> -> memref<1x1x1x1024xf32, #tpu.memory_space<hbm>>
    %dma_start3A_1691 = tpu.memref_squeeze %dma_start3A_1690 : memref<1x1x1x1024xf32, #tpu.memory_space<hbm>> -> memref<1024xf32, #tpu.memory_space<hbm>>
    %dma_start3A_1692 = arith.constant 27648 : i32
    %dma_start3A_1693 = tpu.memref_slice %arg11[%dma_start3A_1692] : memref<32768xf32, #tpu.memory_space<vmem>> -> memref<1024xf32, #tpu.memory_space<vmem>>
    tpu.enqueue_dma source(%dma_start3A_1693 : memref<1024xf32, #tpu.memory_space<vmem>>) target(%dma_start3A_1691 : memref<1024xf32, #tpu.memory_space<hbm>>) target_semaphore(%arg16 : memref<!tpu.dma_semaphore, #tpu.memory_space<semaphore_mem>>)
    %dma_start3A_1694 = arith.constant 4 : i32
    %dma_start3A_1695 = arith.constant 28672 : i32
    %dma_start3A_1696 = tpu.memref_slice %arg10[%dma_start3A_1695] : memref<32768xf32, #tpu.memory_space<vmem>> -> memref<1024xf32, #tpu.memory_space<vmem>>
    %dma_start3A_1697 = arith.constant 0 : i32
    %dma_start3A_1698 = tpu.memref_slice %arg5[%select_n3A_1565, %dma_start3A_1694, %select_n3A_1581, %dma_start3A_1697] : memref<4x8x32x1024xf32, #tpu.memory_space<hbm>> -> memref<1x1x1x1024xf32, #tpu.memory_space<hbm>>
    %dma_start3A_1699 = tpu.memref_squeeze %dma_start3A_1698 : memref<1x1x1x1024xf32, #tpu.memory_space<hbm>> -> memref<1024xf32, #tpu.memory_space<hbm>>
    %dma_start3A_1700 = arith.constant 0 : i32
    %dma_start3A_1701 = tpu.memref_slice %arg5[%select_n3A_1565, %dma_start3A_1694, %select_n3A_1581, %dma_start3A_1700] : memref<4x8x32x1024xf32, #tpu.memory_space<hbm>> -> memref<1x1x1x1024xf32, #tpu.memory_space<hbm>>
    %dma_start3A_1702 = tpu.memref_squeeze %dma_start3A_1701 : memref<1x1x1x1024xf32, #tpu.memory_space<hbm>> -> memref<1024xf32, #tpu.memory_space<hbm>>
    %dma_start3A_1703 = arith.constant 28672 : i32
    %dma_start3A_1704 = tpu.memref_slice %arg10[%dma_start3A_1703] : memref<32768xf32, #tpu.memory_space<vmem>> -> memref<1024xf32, #tpu.memory_space<vmem>>
    tpu.enqueue_dma source(%dma_start3A_1704 : memref<1024xf32, #tpu.memory_space<vmem>>) target(%dma_start3A_1702 : memref<1024xf32, #tpu.memory_space<hbm>>) target_semaphore(%arg16 : memref<!tpu.dma_semaphore, #tpu.memory_space<semaphore_mem>>)
    %dma_start3A_1705 = arith.constant 4 : i32
    %dma_start3A_1706 = arith.constant 28672 : i32
    %dma_start3A_1707 = tpu.memref_slice %arg11[%dma_start3A_1706] : memref<32768xf32, #tpu.memory_space<vmem>> -> memref<1024xf32, #tpu.memory_space<vmem>>
    %dma_start3A_1708 = arith.constant 0 : i32
    %dma_start3A_1709 = tpu.memref_slice %arg6[%select_n3A_1565, %dma_start3A_1705, %select_n3A_1581, %dma_start3A_1708] : memref<4x8x32x1024xf32, #tpu.memory_space<hbm>> -> memref<1x1x1x1024xf32, #tpu.memory_space<hbm>>
    %dma_start3A_1710 = tpu.memref_squeeze %dma_start3A_1709 : memref<1x1x1x1024xf32, #tpu.memory_space<hbm>> -> memref<1024xf32, #tpu.memory_space<hbm>>
    %dma_start3A_1711 = arith.constant 0 : i32
    %dma_start3A_1712 = tpu.memref_slice %arg6[%select_n3A_1565, %dma_start3A_1705, %select_n3A_1581, %dma_start3A_1711] : memref<4x8x32x1024xf32, #tpu.memory_space<hbm>> -> memref<1x1x1x1024xf32, #tpu.memory_space<hbm>>
    %dma_start3A_1713 = tpu.memref_squeeze %dma_start3A_1712 : memref<1x1x1x1024xf32, #tpu.memory_space<hbm>> -> memref<1024xf32, #tpu.memory_space<hbm>>
    %dma_start3A_1714 = arith.constant 28672 : i32
    %dma_start3A_1715 = tpu.memref_slice %arg11[%dma_start3A_1714] : memref<32768xf32, #tpu.memory_space<vmem>> -> memref<1024xf32, #tpu.memory_space<vmem>>
    tpu.enqueue_dma source(%dma_start3A_1715 : memref<1024xf32, #tpu.memory_space<vmem>>) target(%dma_start3A_1713 : memref<1024xf32, #tpu.memory_space<hbm>>) target_semaphore(%arg16 : memref<!tpu.dma_semaphore, #tpu.memory_space<semaphore_mem>>)
    %dma_start3A_1716 = arith.constant 5 : i32
    %dma_start3A_1717 = arith.constant 29696 : i32
    %dma_start3A_1718 = tpu.memref_slice %arg10[%dma_start3A_1717] : memref<32768xf32, #tpu.memory_space<vmem>> -> memref<1024xf32, #tpu.memory_space<vmem>>
    %dma_start3A_1719 = arith.constant 0 : i32
    %dma_start3A_1720 = tpu.memref_slice %arg5[%select_n3A_1565, %dma_start3A_1716, %select_n3A_1581, %dma_start3A_1719] : memref<4x8x32x1024xf32, #tpu.memory_space<hbm>> -> memref<1x1x1x1024xf32, #tpu.memory_space<hbm>>
    %dma_start3A_1721 = tpu.memref_squeeze %dma_start3A_1720 : memref<1x1x1x1024xf32, #tpu.memory_space<hbm>> -> memref<1024xf32, #tpu.memory_space<hbm>>
    %dma_start3A_1722 = arith.constant 0 : i32
    %dma_start3A_1723 = tpu.memref_slice %arg5[%select_n3A_1565, %dma_start3A_1716, %select_n3A_1581, %dma_start3A_1722] : memref<4x8x32x1024xf32, #tpu.memory_space<hbm>> -> memref<1x1x1x1024xf32, #tpu.memory_space<hbm>>
    %dma_start3A_1724 = tpu.memref_squeeze %dma_start3A_1723 : memref<1x1x1x1024xf32, #tpu.memory_space<hbm>> -> memref<1024xf32, #tpu.memory_space<hbm>>
    %dma_start3A_1725 = arith.constant 29696 : i32
    %dma_start3A_1726 = tpu.memref_slice %arg10[%dma_start3A_1725] : memref<32768xf32, #tpu.memory_space<vmem>> -> memref<1024xf32, #tpu.memory_space<vmem>>
    tpu.enqueue_dma source(%dma_start3A_1726 : memref<1024xf32, #tpu.memory_space<vmem>>) target(%dma_start3A_1724 : memref<1024xf32, #tpu.memory_space<hbm>>) target_semaphore(%arg16 : memref<!tpu.dma_semaphore, #tpu.memory_space<semaphore_mem>>)
    %dma_start3A_1727 = arith.constant 5 : i32
    %dma_start3A_1728 = arith.constant 29696 : i32
    %dma_start3A_1729 = tpu.memref_slice %arg11[%dma_start3A_1728] : memref<32768xf32, #tpu.memory_space<vmem>> -> memref<1024xf32, #tpu.memory_space<vmem>>
    %dma_start3A_1730 = arith.constant 0 : i32
    %dma_start3A_1731 = tpu.memref_slice %arg6[%select_n3A_1565, %dma_start3A_1727, %select_n3A_1581, %dma_start3A_1730] : memref<4x8x32x1024xf32, #tpu.memory_space<hbm>> -> memref<1x1x1x1024xf32, #tpu.memory_space<hbm>>
    %dma_start3A_1732 = tpu.memref_squeeze %dma_start3A_1731 : memref<1x1x1x1024xf32, #tpu.memory_space<hbm>> -> memref<1024xf32, #tpu.memory_space<hbm>>
    %dma_start3A_1733 = arith.constant 0 : i32
    %dma_start3A_1734 = tpu.memref_slice %arg6[%select_n3A_1565, %dma_start3A_1727, %select_n3A_1581, %dma_start3A_1733] : memref<4x8x32x1024xf32, #tpu.memory_space<hbm>> -> memref<1x1x1x1024xf32, #tpu.memory_space<hbm>>
    %dma_start3A_1735 = tpu.memref_squeeze %dma_start3A_1734 : memref<1x1x1x1024xf32, #tpu.memory_space<hbm>> -> memref<1024xf32, #tpu.memory_space<hbm>>
    %dma_start3A_1736 = arith.constant 29696 : i32
    %dma_start3A_1737 = tpu.memref_slice %arg11[%dma_start3A_1736] : memref<32768xf32, #tpu.memory_space<vmem>> -> memref<1024xf32, #tpu.memory_space<vmem>>
    tpu.enqueue_dma source(%dma_start3A_1737 : memref<1024xf32, #tpu.memory_space<vmem>>) target(%dma_start3A_1735 : memref<1024xf32, #tpu.memory_space<hbm>>) target_semaphore(%arg16 : memref<!tpu.dma_semaphore, #tpu.memory_space<semaphore_mem>>)
    %dma_start3A_1738 = arith.constant 6 : i32
    %dma_start3A_1739 = arith.constant 30720 : i32
    %dma_start3A_1740 = tpu.memref_slice %arg10[%dma_start3A_1739] : memref<32768xf32, #tpu.memory_space<vmem>> -> memref<1024xf32, #tpu.memory_space<vmem>>
    %dma_start3A_1741 = arith.constant 0 : i32
    %dma_start3A_1742 = tpu.memref_slice %arg5[%select_n3A_1565, %dma_start3A_1738, %select_n3A_1581, %dma_start3A_1741] : memref<4x8x32x1024xf32, #tpu.memory_space<hbm>> -> memref<1x1x1x1024xf32, #tpu.memory_space<hbm>>
    %dma_start3A_1743 = tpu.memref_squeeze %dma_start3A_1742 : memref<1x1x1x1024xf32, #tpu.memory_space<hbm>> -> memref<1024xf32, #tpu.memory_space<hbm>>
    %dma_start3A_1744 = arith.constant 0 : i32
    %dma_start3A_1745 = tpu.memref_slice %arg5[%select_n3A_1565, %dma_start3A_1738, %select_n3A_1581, %dma_start3A_1744] : memref<4x8x32x1024xf32, #tpu.memory_space<hbm>> -> memref<1x1x1x1024xf32, #tpu.memory_space<hbm>>
    %dma_start3A_1746 = tpu.memref_squeeze %dma_start3A_1745 : memref<1x1x1x1024xf32, #tpu.memory_space<hbm>> -> memref<1024xf32, #tpu.memory_space<hbm>>
    %dma_start3A_1747 = arith.constant 30720 : i32
    %dma_start3A_1748 = tpu.memref_slice %arg10[%dma_start3A_1747] : memref<32768xf32, #tpu.memory_space<vmem>> -> memref<1024xf32, #tpu.memory_space<vmem>>
    tpu.enqueue_dma source(%dma_start3A_1748 : memref<1024xf32, #tpu.memory_space<vmem>>) target(%dma_start3A_1746 : memref<1024xf32, #tpu.memory_space<hbm>>) target_semaphore(%arg16 : memref<!tpu.dma_semaphore, #tpu.memory_space<semaphore_mem>>)
    %dma_start3A_1749 = arith.constant 6 : i32
    %dma_start3A_1750 = arith.constant 30720 : i32
    %dma_start3A_1751 = tpu.memref_slice %arg11[%dma_start3A_1750] : memref<32768xf32, #tpu.memory_space<vmem>> -> memref<1024xf32, #tpu.memory_space<vmem>>
    %dma_start3A_1752 = arith.constant 0 : i32
    %dma_start3A_1753 = tpu.memref_slice %arg6[%select_n3A_1565, %dma_start3A_1749, %select_n3A_1581, %dma_start3A_1752] : memref<4x8x32x1024xf32, #tpu.memory_space<hbm>> -> memref<1x1x1x1024xf32, #tpu.memory_space<hbm>>
    %dma_start3A_1754 = tpu.memref_squeeze %dma_start3A_1753 : memref<1x1x1x1024xf32, #tpu.memory_space<hbm>> -> memref<1024xf32, #tpu.memory_space<hbm>>
    %dma_start3A_1755 = arith.constant 0 : i32
    %dma_start3A_1756 = tpu.memref_slice %arg6[%select_n3A_1565, %dma_start3A_1749, %select_n3A_1581, %dma_start3A_1755] : memref<4x8x32x1024xf32, #tpu.memory_space<hbm>> -> memref<1x1x1x1024xf32, #tpu.memory_space<hbm>>
    %dma_start3A_1757 = tpu.memref_squeeze %dma_start3A_1756 : memref<1x1x1x1024xf32, #tpu.memory_space<hbm>> -> memref<1024xf32, #tpu.memory_space<hbm>>
    %dma_start3A_1758 = arith.constant 30720 : i32
    %dma_start3A_1759 = tpu.memref_slice %arg11[%dma_start3A_1758] : memref<32768xf32, #tpu.memory_space<vmem>> -> memref<1024xf32, #tpu.memory_space<vmem>>
    tpu.enqueue_dma source(%dma_start3A_1759 : memref<1024xf32, #tpu.memory_space<vmem>>) target(%dma_start3A_1757 : memref<1024xf32, #tpu.memory_space<hbm>>) target_semaphore(%arg16 : memref<!tpu.dma_semaphore, #tpu.memory_space<semaphore_mem>>)
    %dma_start3A_1760 = arith.constant 7 : i32
    %dma_start3A_1761 = arith.constant 31744 : i32
    %dma_start3A_1762 = tpu.memref_slice %arg10[%dma_start3A_1761] : memref<32768xf32, #tpu.memory_space<vmem>> -> memref<1024xf32, #tpu.memory_space<vmem>>
    %dma_start3A_1763 = arith.constant 0 : i32
    %dma_start3A_1764 = tpu.memref_slice %arg5[%select_n3A_1565, %dma_start3A_1760, %select_n3A_1581, %dma_start3A_1763] : memref<4x8x32x1024xf32, #tpu.memory_space<hbm>> -> memref<1x1x1x1024xf32, #tpu.memory_space<hbm>>
    %dma_start3A_1765 = tpu.memref_squeeze %dma_start3A_1764 : memref<1x1x1x1024xf32, #tpu.memory_space<hbm>> -> memref<1024xf32, #tpu.memory_space<hbm>>
    %dma_start3A_1766 = arith.constant 0 : i32
    %dma_start3A_1767 = tpu.memref_slice %arg5[%select_n3A_1565, %dma_start3A_1760, %select_n3A_1581, %dma_start3A_1766] : memref<4x8x32x1024xf32, #tpu.memory_space<hbm>> -> memref<1x1x1x1024xf32, #tpu.memory_space<hbm>>
    %dma_start3A_1768 = tpu.memref_squeeze %dma_start3A_1767 : memref<1x1x1x1024xf32, #tpu.memory_space<hbm>> -> memref<1024xf32, #tpu.memory_space<hbm>>
    %dma_start3A_1769 = arith.constant 31744 : i32
    %dma_start3A_1770 = tpu.memref_slice %arg10[%dma_start3A_1769] : memref<32768xf32, #tpu.memory_space<vmem>> -> memref<1024xf32, #tpu.memory_space<vmem>>
    tpu.enqueue_dma source(%dma_start3A_1770 : memref<1024xf32, #tpu.memory_space<vmem>>) target(%dma_start3A_1768 : memref<1024xf32, #tpu.memory_space<hbm>>) target_semaphore(%arg16 : memref<!tpu.dma_semaphore, #tpu.memory_space<semaphore_mem>>)
    %dma_start3A_1771 = arith.constant 7 : i32
    %dma_start3A_1772 = arith.constant 31744 : i32
    %dma_start3A_1773 = tpu.memref_slice %arg11[%dma_start3A_1772] : memref<32768xf32, #tpu.memory_space<vmem>> -> memref<1024xf32, #tpu.memory_space<vmem>>
    %dma_start3A_1774 = arith.constant 0 : i32
    %dma_start3A_1775 = tpu.memref_slice %arg6[%select_n3A_1565, %dma_start3A_1771, %select_n3A_1581, %dma_start3A_1774] : memref<4x8x32x1024xf32, #tpu.memory_space<hbm>> -> memref<1x1x1x1024xf32, #tpu.memory_space<hbm>>
    %dma_start3A_1776 = tpu.memref_squeeze %dma_start3A_1775 : memref<1x1x1x1024xf32, #tpu.memory_space<hbm>> -> memref<1024xf32, #tpu.memory_space<hbm>>
    %dma_start3A_1777 = arith.constant 0 : i32
    %dma_start3A_1778 = tpu.memref_slice %arg6[%select_n3A_1565, %dma_start3A_1771, %select_n3A_1581, %dma_start3A_1777] : memref<4x8x32x1024xf32, #tpu.memory_space<hbm>> -> memref<1x1x1x1024xf32, #tpu.memory_space<hbm>>
    %dma_start3A_1779 = tpu.memref_squeeze %dma_start3A_1778 : memref<1x1x1x1024xf32, #tpu.memory_space<hbm>> -> memref<1024xf32, #tpu.memory_space<hbm>>
    %dma_start3A_1780 = arith.constant 31744 : i32
    %dma_start3A_1781 = tpu.memref_slice %arg11[%dma_start3A_1780] : memref<32768xf32, #tpu.memory_space<vmem>> -> memref<1024xf32, #tpu.memory_space<vmem>>
    tpu.enqueue_dma source(%dma_start3A_1781 : memref<1024xf32, #tpu.memory_space<vmem>>) target(%dma_start3A_1779 : memref<1024xf32, #tpu.memory_space<hbm>>) target_semaphore(%arg16 : memref<!tpu.dma_semaphore, #tpu.memory_space<semaphore_mem>>)
    %dma_wait3A_1782 = arith.constant 0 : i32
    %dma_wait3A_1783 = arith.constant 0 : i32
    %dma_wait3A_1784 = tpu.memref_slice %arg10[%dma_wait3A_1783] : memref<32768xf32, #tpu.memory_space<vmem>> -> memref<1024xf32, #tpu.memory_space<vmem>>
    %dma_wait3A_1785 = arith.constant 0 : i32
    %dma_wait3A_1786 = tpu.memref_slice %arg5[%select_n3A_840, %dma_wait3A_1782, %select_n3A_856, %dma_wait3A_1785] : memref<4x8x32x1024xf32, #tpu.memory_space<hbm>> -> memref<1x1x1x1024xf32, #tpu.memory_space<hbm>>
    %dma_wait3A_1787 = tpu.memref_squeeze %dma_wait3A_1786 : memref<1x1x1x1024xf32, #tpu.memory_space<hbm>> -> memref<1024xf32, #tpu.memory_space<hbm>>
    %dma_wait3A_1788 = arith.constant 0 : i32
    %dma_wait3A_1789 = tpu.memref_slice %arg5[%select_n3A_840, %dma_wait3A_1782, %select_n3A_856, %dma_wait3A_1788] : memref<4x8x32x1024xf32, #tpu.memory_space<hbm>> -> memref<1x1x1x1024xf32, #tpu.memory_space<hbm>>
    %dma_wait3A_1790 = tpu.memref_squeeze %dma_wait3A_1789 : memref<1x1x1x1024xf32, #tpu.memory_space<hbm>> -> memref<1024xf32, #tpu.memory_space<hbm>>
    %dma_wait3A_1791 = arith.constant 0 : i32
    %dma_wait3A_1792 = tpu.memref_slice %arg10[%dma_wait3A_1791] : memref<32768xf32, #tpu.memory_space<vmem>> -> memref<1024xf32, #tpu.memory_space<vmem>>
    tpu.wait_dma2 semaphore(%arg16 : memref<!tpu.dma_semaphore, #tpu.memory_space<semaphore_mem>>) src(%dma_wait3A_1792 : memref<1024xf32, #tpu.memory_space<vmem>>) dst(%dma_wait3A_1790 : memref<1024xf32, #tpu.memory_space<hbm>>)
    %dma_wait3A_1793 = arith.constant 0 : i32
    %dma_wait3A_1794 = arith.constant 0 : i32
    %dma_wait3A_1795 = tpu.memref_slice %arg11[%dma_wait3A_1794] : memref<32768xf32, #tpu.memory_space<vmem>> -> memref<1024xf32, #tpu.memory_space<vmem>>
    %dma_wait3A_1796 = arith.constant 0 : i32
    %dma_wait3A_1797 = tpu.memref_slice %arg6[%select_n3A_840, %dma_wait3A_1793, %select_n3A_856, %dma_wait3A_1796] : memref<4x8x32x1024xf32, #tpu.memory_space<hbm>> -> memref<1x1x1x1024xf32, #tpu.memory_space<hbm>>
    %dma_wait3A_1798 = tpu.memref_squeeze %dma_wait3A_1797 : memref<1x1x1x1024xf32, #tpu.memory_space<hbm>> -> memref<1024xf32, #tpu.memory_space<hbm>>
    %dma_wait3A_1799 = arith.constant 0 : i32
    %dma_wait3A_1800 = tpu.memref_slice %arg6[%select_n3A_840, %dma_wait3A_1793, %select_n3A_856, %dma_wait3A_1799] : memref<4x8x32x1024xf32, #tpu.memory_space<hbm>> -> memref<1x1x1x1024xf32, #tpu.memory_space<hbm>>
    %dma_wait3A_1801 = tpu.memref_squeeze %dma_wait3A_1800 : memref<1x1x1x1024xf32, #tpu.memory_space<hbm>> -> memref<1024xf32, #tpu.memory_space<hbm>>
    %dma_wait3A_1802 = arith.constant 0 : i32
    %dma_wait3A_1803 = tpu.memref_slice %arg11[%dma_wait3A_1802] : memref<32768xf32, #tpu.memory_space<vmem>> -> memref<1024xf32, #tpu.memory_space<vmem>>
    tpu.wait_dma2 semaphore(%arg16 : memref<!tpu.dma_semaphore, #tpu.memory_space<semaphore_mem>>) src(%dma_wait3A_1803 : memref<1024xf32, #tpu.memory_space<vmem>>) dst(%dma_wait3A_1801 : memref<1024xf32, #tpu.memory_space<hbm>>)
    %dma_wait3A_1804 = arith.constant 1 : i32
    %dma_wait3A_1805 = arith.constant 1024 : i32
    %dma_wait3A_1806 = tpu.memref_slice %arg10[%dma_wait3A_1805] : memref<32768xf32, #tpu.memory_space<vmem>> -> memref<1024xf32, #tpu.memory_space<vmem>>
    %dma_wait3A_1807 = arith.constant 0 : i32
    %dma_wait3A_1808 = tpu.memref_slice %arg5[%select_n3A_840, %dma_wait3A_1804, %select_n3A_856, %dma_wait3A_1807] : memref<4x8x32x1024xf32, #tpu.memory_space<hbm>> -> memref<1x1x1x1024xf32, #tpu.memory_space<hbm>>
    %dma_wait3A_1809 = tpu.memref_squeeze %dma_wait3A_1808 : memref<1x1x1x1024xf32, #tpu.memory_space<hbm>> -> memref<1024xf32, #tpu.memory_space<hbm>>
    %dma_wait3A_1810 = arith.constant 0 : i32
    %dma_wait3A_1811 = tpu.memref_slice %arg5[%select_n3A_840, %dma_wait3A_1804, %select_n3A_856, %dma_wait3A_1810] : memref<4x8x32x1024xf32, #tpu.memory_space<hbm>> -> memref<1x1x1x1024xf32, #tpu.memory_space<hbm>>
    %dma_wait3A_1812 = tpu.memref_squeeze %dma_wait3A_1811 : memref<1x1x1x1024xf32, #tpu.memory_space<hbm>> -> memref<1024xf32, #tpu.memory_space<hbm>>
    %dma_wait3A_1813 = arith.constant 1024 : i32
    %dma_wait3A_1814 = tpu.memref_slice %arg10[%dma_wait3A_1813] : memref<32768xf32, #tpu.memory_space<vmem>> -> memref<1024xf32, #tpu.memory_space<vmem>>
    tpu.wait_dma2 semaphore(%arg16 : memref<!tpu.dma_semaphore, #tpu.memory_space<semaphore_mem>>) src(%dma_wait3A_1814 : memref<1024xf32, #tpu.memory_space<vmem>>) dst(%dma_wait3A_1812 : memref<1024xf32, #tpu.memory_space<hbm>>)
    %dma_wait3A_1815 = arith.constant 1 : i32
    %dma_wait3A_1816 = arith.constant 1024 : i32
    %dma_wait3A_1817 = tpu.memref_slice %arg11[%dma_wait3A_1816] : memref<32768xf32, #tpu.memory_space<vmem>> -> memref<1024xf32, #tpu.memory_space<vmem>>
    %dma_wait3A_1818 = arith.constant 0 : i32
    %dma_wait3A_1819 = tpu.memref_slice %arg6[%select_n3A_840, %dma_wait3A_1815, %select_n3A_856, %dma_wait3A_1818] : memref<4x8x32x1024xf32, #tpu.memory_space<hbm>> -> memref<1x1x1x1024xf32, #tpu.memory_space<hbm>>
    %dma_wait3A_1820 = tpu.memref_squeeze %dma_wait3A_1819 : memref<1x1x1x1024xf32, #tpu.memory_space<hbm>> -> memref<1024xf32, #tpu.memory_space<hbm>>
    %dma_wait3A_1821 = arith.constant 0 : i32
    %dma_wait3A_1822 = tpu.memref_slice %arg6[%select_n3A_840, %dma_wait3A_1815, %select_n3A_856, %dma_wait3A_1821] : memref<4x8x32x1024xf32, #tpu.memory_space<hbm>> -> memref<1x1x1x1024xf32, #tpu.memory_space<hbm>>
    %dma_wait3A_1823 = tpu.memref_squeeze %dma_wait3A_1822 : memref<1x1x1x1024xf32, #tpu.memory_space<hbm>> -> memref<1024xf32, #tpu.memory_space<hbm>>
    %dma_wait3A_1824 = arith.constant 1024 : i32
    %dma_wait3A_1825 = tpu.memref_slice %arg11[%dma_wait3A_1824] : memref<32768xf32, #tpu.memory_space<vmem>> -> memref<1024xf32, #tpu.memory_space<vmem>>
    tpu.wait_dma2 semaphore(%arg16 : memref<!tpu.dma_semaphore, #tpu.memory_space<semaphore_mem>>) src(%dma_wait3A_1825 : memref<1024xf32, #tpu.memory_space<vmem>>) dst(%dma_wait3A_1823 : memref<1024xf32, #tpu.memory_space<hbm>>)
    %dma_wait3A_1826 = arith.constant 2 : i32
    %dma_wait3A_1827 = arith.constant 2048 : i32
    %dma_wait3A_1828 = tpu.memref_slice %arg10[%dma_wait3A_1827] : memref<32768xf32, #tpu.memory_space<vmem>> -> memref<1024xf32, #tpu.memory_space<vmem>>
    %dma_wait3A_1829 = arith.constant 0 : i32
    %dma_wait3A_1830 = tpu.memref_slice %arg5[%select_n3A_840, %dma_wait3A_1826, %select_n3A_856, %dma_wait3A_1829] : memref<4x8x32x1024xf32, #tpu.memory_space<hbm>> -> memref<1x1x1x1024xf32, #tpu.memory_space<hbm>>
    %dma_wait3A_1831 = tpu.memref_squeeze %dma_wait3A_1830 : memref<1x1x1x1024xf32, #tpu.memory_space<hbm>> -> memref<1024xf32, #tpu.memory_space<hbm>>
    %dma_wait3A_1832 = arith.constant 0 : i32
    %dma_wait3A_1833 = tpu.memref_slice %arg5[%select_n3A_840, %dma_wait3A_1826, %select_n3A_856, %dma_wait3A_1832] : memref<4x8x32x1024xf32, #tpu.memory_space<hbm>> -> memref<1x1x1x1024xf32, #tpu.memory_space<hbm>>
    %dma_wait3A_1834 = tpu.memref_squeeze %dma_wait3A_1833 : memref<1x1x1x1024xf32, #tpu.memory_space<hbm>> -> memref<1024xf32, #tpu.memory_space<hbm>>
    %dma_wait3A_1835 = arith.constant 2048 : i32
    %dma_wait3A_1836 = tpu.memref_slice %arg10[%dma_wait3A_1835] : memref<32768xf32, #tpu.memory_space<vmem>> -> memref<1024xf32, #tpu.memory_space<vmem>>
    tpu.wait_dma2 semaphore(%arg16 : memref<!tpu.dma_semaphore, #tpu.memory_space<semaphore_mem>>) src(%dma_wait3A_1836 : memref<1024xf32, #tpu.memory_space<vmem>>) dst(%dma_wait3A_1834 : memref<1024xf32, #tpu.memory_space<hbm>>)
    %dma_wait3A_1837 = arith.constant 2 : i32
    %dma_wait3A_1838 = arith.constant 2048 : i32
    %dma_wait3A_1839 = tpu.memref_slice %arg11[%dma_wait3A_1838] : memref<32768xf32, #tpu.memory_space<vmem>> -> memref<1024xf32, #tpu.memory_space<vmem>>
    %dma_wait3A_1840 = arith.constant 0 : i32
    %dma_wait3A_1841 = tpu.memref_slice %arg6[%select_n3A_840, %dma_wait3A_1837, %select_n3A_856, %dma_wait3A_1840] : memref<4x8x32x1024xf32, #tpu.memory_space<hbm>> -> memref<1x1x1x1024xf32, #tpu.memory_space<hbm>>
    %dma_wait3A_1842 = tpu.memref_squeeze %dma_wait3A_1841 : memref<1x1x1x1024xf32, #tpu.memory_space<hbm>> -> memref<1024xf32, #tpu.memory_space<hbm>>
    %dma_wait3A_1843 = arith.constant 0 : i32
    %dma_wait3A_1844 = tpu.memref_slice %arg6[%select_n3A_840, %dma_wait3A_1837, %select_n3A_856, %dma_wait3A_1843] : memref<4x8x32x1024xf32, #tpu.memory_space<hbm>> -> memref<1x1x1x1024xf32, #tpu.memory_space<hbm>>
    %dma_wait3A_1845 = tpu.memref_squeeze %dma_wait3A_1844 : memref<1x1x1x1024xf32, #tpu.memory_space<hbm>> -> memref<1024xf32, #tpu.memory_space<hbm>>
    %dma_wait3A_1846 = arith.constant 2048 : i32
    %dma_wait3A_1847 = tpu.memref_slice %arg11[%dma_wait3A_1846] : memref<32768xf32, #tpu.memory_space<vmem>> -> memref<1024xf32, #tpu.memory_space<vmem>>
    tpu.wait_dma2 semaphore(%arg16 : memref<!tpu.dma_semaphore, #tpu.memory_space<semaphore_mem>>) src(%dma_wait3A_1847 : memref<1024xf32, #tpu.memory_space<vmem>>) dst(%dma_wait3A_1845 : memref<1024xf32, #tpu.memory_space<hbm>>)
    %dma_wait3A_1848 = arith.constant 3 : i32
    %dma_wait3A_1849 = arith.constant 3072 : i32
    %dma_wait3A_1850 = tpu.memref_slice %arg10[%dma_wait3A_1849] : memref<32768xf32, #tpu.memory_space<vmem>> -> memref<1024xf32, #tpu.memory_space<vmem>>
    %dma_wait3A_1851 = arith.constant 0 : i32
    %dma_wait3A_1852 = tpu.memref_slice %arg5[%select_n3A_840, %dma_wait3A_1848, %select_n3A_856, %dma_wait3A_1851] : memref<4x8x32x1024xf32, #tpu.memory_space<hbm>> -> memref<1x1x1x1024xf32, #tpu.memory_space<hbm>>
    %dma_wait3A_1853 = tpu.memref_squeeze %dma_wait3A_1852 : memref<1x1x1x1024xf32, #tpu.memory_space<hbm>> -> memref<1024xf32, #tpu.memory_space<hbm>>
    %dma_wait3A_1854 = arith.constant 0 : i32
    %dma_wait3A_1855 = tpu.memref_slice %arg5[%select_n3A_840, %dma_wait3A_1848, %select_n3A_856, %dma_wait3A_1854] : memref<4x8x32x1024xf32, #tpu.memory_space<hbm>> -> memref<1x1x1x1024xf32, #tpu.memory_space<hbm>>
    %dma_wait3A_1856 = tpu.memref_squeeze %dma_wait3A_1855 : memref<1x1x1x1024xf32, #tpu.memory_space<hbm>> -> memref<1024xf32, #tpu.memory_space<hbm>>
    %dma_wait3A_1857 = arith.constant 3072 : i32
    %dma_wait3A_1858 = tpu.memref_slice %arg10[%dma_wait3A_1857] : memref<32768xf32, #tpu.memory_space<vmem>> -> memref<1024xf32, #tpu.memory_space<vmem>>
    tpu.wait_dma2 semaphore(%arg16 : memref<!tpu.dma_semaphore, #tpu.memory_space<semaphore_mem>>) src(%dma_wait3A_1858 : memref<1024xf32, #tpu.memory_space<vmem>>) dst(%dma_wait3A_1856 : memref<1024xf32, #tpu.memory_space<hbm>>)
    %dma_wait3A_1859 = arith.constant 3 : i32
    %dma_wait3A_1860 = arith.constant 3072 : i32
    %dma_wait3A_1861 = tpu.memref_slice %arg11[%dma_wait3A_1860] : memref<32768xf32, #tpu.memory_space<vmem>> -> memref<1024xf32, #tpu.memory_space<vmem>>
    %dma_wait3A_1862 = arith.constant 0 : i32
    %dma_wait3A_1863 = tpu.memref_slice %arg6[%select_n3A_840, %dma_wait3A_1859, %select_n3A_856, %dma_wait3A_1862] : memref<4x8x32x1024xf32, #tpu.memory_space<hbm>> -> memref<1x1x1x1024xf32, #tpu.memory_space<hbm>>
    %dma_wait3A_1864 = tpu.memref_squeeze %dma_wait3A_1863 : memref<1x1x1x1024xf32, #tpu.memory_space<hbm>> -> memref<1024xf32, #tpu.memory_space<hbm>>
    %dma_wait3A_1865 = arith.constant 0 : i32
    %dma_wait3A_1866 = tpu.memref_slice %arg6[%select_n3A_840, %dma_wait3A_1859, %select_n3A_856, %dma_wait3A_1865] : memref<4x8x32x1024xf32, #tpu.memory_space<hbm>> -> memref<1x1x1x1024xf32, #tpu.memory_space<hbm>>
    %dma_wait3A_1867 = tpu.memref_squeeze %dma_wait3A_1866 : memref<1x1x1x1024xf32, #tpu.memory_space<hbm>> -> memref<1024xf32, #tpu.memory_space<hbm>>
    %dma_wait3A_1868 = arith.constant 3072 : i32
    %dma_wait3A_1869 = tpu.memref_slice %arg11[%dma_wait3A_1868] : memref<32768xf32, #tpu.memory_space<vmem>> -> memref<1024xf32, #tpu.memory_space<vmem>>
    tpu.wait_dma2 semaphore(%arg16 : memref<!tpu.dma_semaphore, #tpu.memory_space<semaphore_mem>>) src(%dma_wait3A_1869 : memref<1024xf32, #tpu.memory_space<vmem>>) dst(%dma_wait3A_1867 : memref<1024xf32, #tpu.memory_space<hbm>>)
    %dma_wait3A_1870 = arith.constant 4 : i32
    %dma_wait3A_1871 = arith.constant 4096 : i32
    %dma_wait3A_1872 = tpu.memref_slice %arg10[%dma_wait3A_1871] : memref<32768xf32, #tpu.memory_space<vmem>> -> memref<1024xf32, #tpu.memory_space<vmem>>
    %dma_wait3A_1873 = arith.constant 0 : i32
    %dma_wait3A_1874 = tpu.memref_slice %arg5[%select_n3A_840, %dma_wait3A_1870, %select_n3A_856, %dma_wait3A_1873] : memref<4x8x32x1024xf32, #tpu.memory_space<hbm>> -> memref<1x1x1x1024xf32, #tpu.memory_space<hbm>>
    %dma_wait3A_1875 = tpu.memref_squeeze %dma_wait3A_1874 : memref<1x1x1x1024xf32, #tpu.memory_space<hbm>> -> memref<1024xf32, #tpu.memory_space<hbm>>
    %dma_wait3A_1876 = arith.constant 0 : i32
    %dma_wait3A_1877 = tpu.memref_slice %arg5[%select_n3A_840, %dma_wait3A_1870, %select_n3A_856, %dma_wait3A_1876] : memref<4x8x32x1024xf32, #tpu.memory_space<hbm>> -> memref<1x1x1x1024xf32, #tpu.memory_space<hbm>>
    %dma_wait3A_1878 = tpu.memref_squeeze %dma_wait3A_1877 : memref<1x1x1x1024xf32, #tpu.memory_space<hbm>> -> memref<1024xf32, #tpu.memory_space<hbm>>
    %dma_wait3A_1879 = arith.constant 4096 : i32
    %dma_wait3A_1880 = tpu.memref_slice %arg10[%dma_wait3A_1879] : memref<32768xf32, #tpu.memory_space<vmem>> -> memref<1024xf32, #tpu.memory_space<vmem>>
    tpu.wait_dma2 semaphore(%arg16 : memref<!tpu.dma_semaphore, #tpu.memory_space<semaphore_mem>>) src(%dma_wait3A_1880 : memref<1024xf32, #tpu.memory_space<vmem>>) dst(%dma_wait3A_1878 : memref<1024xf32, #tpu.memory_space<hbm>>)
    %dma_wait3A_1881 = arith.constant 4 : i32
    %dma_wait3A_1882 = arith.constant 4096 : i32
    %dma_wait3A_1883 = tpu.memref_slice %arg11[%dma_wait3A_1882] : memref<32768xf32, #tpu.memory_space<vmem>> -> memref<1024xf32, #tpu.memory_space<vmem>>
    %dma_wait3A_1884 = arith.constant 0 : i32
    %dma_wait3A_1885 = tpu.memref_slice %arg6[%select_n3A_840, %dma_wait3A_1881, %select_n3A_856, %dma_wait3A_1884] : memref<4x8x32x1024xf32, #tpu.memory_space<hbm>> -> memref<1x1x1x1024xf32, #tpu.memory_space<hbm>>
    %dma_wait3A_1886 = tpu.memref_squeeze %dma_wait3A_1885 : memref<1x1x1x1024xf32, #tpu.memory_space<hbm>> -> memref<1024xf32, #tpu.memory_space<hbm>>
    %dma_wait3A_1887 = arith.constant 0 : i32
    %dma_wait3A_1888 = tpu.memref_slice %arg6[%select_n3A_840, %dma_wait3A_1881, %select_n3A_856, %dma_wait3A_1887] : memref<4x8x32x1024xf32, #tpu.memory_space<hbm>> -> memref<1x1x1x1024xf32, #tpu.memory_space<hbm>>
    %dma_wait3A_1889 = tpu.memref_squeeze %dma_wait3A_1888 : memref<1x1x1x1024xf32, #tpu.memory_space<hbm>> -> memref<1024xf32, #tpu.memory_space<hbm>>
    %dma_wait3A_1890 = arith.constant 4096 : i32
    %dma_wait3A_1891 = tpu.memref_slice %arg11[%dma_wait3A_1890] : memref<32768xf32, #tpu.memory_space<vmem>> -> memref<1024xf32, #tpu.memory_space<vmem>>
    tpu.wait_dma2 semaphore(%arg16 : memref<!tpu.dma_semaphore, #tpu.memory_space<semaphore_mem>>) src(%dma_wait3A_1891 : memref<1024xf32, #tpu.memory_space<vmem>>) dst(%dma_wait3A_1889 : memref<1024xf32, #tpu.memory_space<hbm>>)
    %dma_wait3A_1892 = arith.constant 5 : i32
    %dma_wait3A_1893 = arith.constant 5120 : i32
    %dma_wait3A_1894 = tpu.memref_slice %arg10[%dma_wait3A_1893] : memref<32768xf32, #tpu.memory_space<vmem>> -> memref<1024xf32, #tpu.memory_space<vmem>>
    %dma_wait3A_1895 = arith.constant 0 : i32
    %dma_wait3A_1896 = tpu.memref_slice %arg5[%select_n3A_840, %dma_wait3A_1892, %select_n3A_856, %dma_wait3A_1895] : memref<4x8x32x1024xf32, #tpu.memory_space<hbm>> -> memref<1x1x1x1024xf32, #tpu.memory_space<hbm>>
    %dma_wait3A_1897 = tpu.memref_squeeze %dma_wait3A_1896 : memref<1x1x1x1024xf32, #tpu.memory_space<hbm>> -> memref<1024xf32, #tpu.memory_space<hbm>>
    %dma_wait3A_1898 = arith.constant 0 : i32
    %dma_wait3A_1899 = tpu.memref_slice %arg5[%select_n3A_840, %dma_wait3A_1892, %select_n3A_856, %dma_wait3A_1898] : memref<4x8x32x1024xf32, #tpu.memory_space<hbm>> -> memref<1x1x1x1024xf32, #tpu.memory_space<hbm>>
    %dma_wait3A_1900 = tpu.memref_squeeze %dma_wait3A_1899 : memref<1x1x1x1024xf32, #tpu.memory_space<hbm>> -> memref<1024xf32, #tpu.memory_space<hbm>>
    %dma_wait3A_1901 = arith.constant 5120 : i32
    %dma_wait3A_1902 = tpu.memref_slice %arg10[%dma_wait3A_1901] : memref<32768xf32, #tpu.memory_space<vmem>> -> memref<1024xf32, #tpu.memory_space<vmem>>
    tpu.wait_dma2 semaphore(%arg16 : memref<!tpu.dma_semaphore, #tpu.memory_space<semaphore_mem>>) src(%dma_wait3A_1902 : memref<1024xf32, #tpu.memory_space<vmem>>) dst(%dma_wait3A_1900 : memref<1024xf32, #tpu.memory_space<hbm>>)
    %dma_wait3A_1903 = arith.constant 5 : i32
    %dma_wait3A_1904 = arith.constant 5120 : i32
    %dma_wait3A_1905 = tpu.memref_slice %arg11[%dma_wait3A_1904] : memref<32768xf32, #tpu.memory_space<vmem>> -> memref<1024xf32, #tpu.memory_space<vmem>>
    %dma_wait3A_1906 = arith.constant 0 : i32
    %dma_wait3A_1907 = tpu.memref_slice %arg6[%select_n3A_840, %dma_wait3A_1903, %select_n3A_856, %dma_wait3A_1906] : memref<4x8x32x1024xf32, #tpu.memory_space<hbm>> -> memref<1x1x1x1024xf32, #tpu.memory_space<hbm>>
    %dma_wait3A_1908 = tpu.memref_squeeze %dma_wait3A_1907 : memref<1x1x1x1024xf32, #tpu.memory_space<hbm>> -> memref<1024xf32, #tpu.memory_space<hbm>>
    %dma_wait3A_1909 = arith.constant 0 : i32
    %dma_wait3A_1910 = tpu.memref_slice %arg6[%select_n3A_840, %dma_wait3A_1903, %select_n3A_856, %dma_wait3A_1909] : memref<4x8x32x1024xf32, #tpu.memory_space<hbm>> -> memref<1x1x1x1024xf32, #tpu.memory_space<hbm>>
    %dma_wait3A_1911 = tpu.memref_squeeze %dma_wait3A_1910 : memref<1x1x1x1024xf32, #tpu.memory_space<hbm>> -> memref<1024xf32, #tpu.memory_space<hbm>>
    %dma_wait3A_1912 = arith.constant 5120 : i32
    %dma_wait3A_1913 = tpu.memref_slice %arg11[%dma_wait3A_1912] : memref<32768xf32, #tpu.memory_space<vmem>> -> memref<1024xf32, #tpu.memory_space<vmem>>
    tpu.wait_dma2 semaphore(%arg16 : memref<!tpu.dma_semaphore, #tpu.memory_space<semaphore_mem>>) src(%dma_wait3A_1913 : memref<1024xf32, #tpu.memory_space<vmem>>) dst(%dma_wait3A_1911 : memref<1024xf32, #tpu.memory_space<hbm>>)
    %dma_wait3A_1914 = arith.constant 6 : i32
    %dma_wait3A_1915 = arith.constant 6144 : i32
    %dma_wait3A_1916 = tpu.memref_slice %arg10[%dma_wait3A_1915] : memref<32768xf32, #tpu.memory_space<vmem>> -> memref<1024xf32, #tpu.memory_space<vmem>>
    %dma_wait3A_1917 = arith.constant 0 : i32
    %dma_wait3A_1918 = tpu.memref_slice %arg5[%select_n3A_840, %dma_wait3A_1914, %select_n3A_856, %dma_wait3A_1917] : memref<4x8x32x1024xf32, #tpu.memory_space<hbm>> -> memref<1x1x1x1024xf32, #tpu.memory_space<hbm>>
    %dma_wait3A_1919 = tpu.memref_squeeze %dma_wait3A_1918 : memref<1x1x1x1024xf32, #tpu.memory_space<hbm>> -> memref<1024xf32, #tpu.memory_space<hbm>>
    %dma_wait3A_1920 = arith.constant 0 : i32
    %dma_wait3A_1921 = tpu.memref_slice %arg5[%select_n3A_840, %dma_wait3A_1914, %select_n3A_856, %dma_wait3A_1920] : memref<4x8x32x1024xf32, #tpu.memory_space<hbm>> -> memref<1x1x1x1024xf32, #tpu.memory_space<hbm>>
    %dma_wait3A_1922 = tpu.memref_squeeze %dma_wait3A_1921 : memref<1x1x1x1024xf32, #tpu.memory_space<hbm>> -> memref<1024xf32, #tpu.memory_space<hbm>>
    %dma_wait3A_1923 = arith.constant 6144 : i32
    %dma_wait3A_1924 = tpu.memref_slice %arg10[%dma_wait3A_1923] : memref<32768xf32, #tpu.memory_space<vmem>> -> memref<1024xf32, #tpu.memory_space<vmem>>
    tpu.wait_dma2 semaphore(%arg16 : memref<!tpu.dma_semaphore, #tpu.memory_space<semaphore_mem>>) src(%dma_wait3A_1924 : memref<1024xf32, #tpu.memory_space<vmem>>) dst(%dma_wait3A_1922 : memref<1024xf32, #tpu.memory_space<hbm>>)
    %dma_wait3A_1925 = arith.constant 6 : i32
    %dma_wait3A_1926 = arith.constant 6144 : i32
    %dma_wait3A_1927 = tpu.memref_slice %arg11[%dma_wait3A_1926] : memref<32768xf32, #tpu.memory_space<vmem>> -> memref<1024xf32, #tpu.memory_space<vmem>>
    %dma_wait3A_1928 = arith.constant 0 : i32
    %dma_wait3A_1929 = tpu.memref_slice %arg6[%select_n3A_840, %dma_wait3A_1925, %select_n3A_856, %dma_wait3A_1928] : memref<4x8x32x1024xf32, #tpu.memory_space<hbm>> -> memref<1x1x1x1024xf32, #tpu.memory_space<hbm>>
    %dma_wait3A_1930 = tpu.memref_squeeze %dma_wait3A_1929 : memref<1x1x1x1024xf32, #tpu.memory_space<hbm>> -> memref<1024xf32, #tpu.memory_space<hbm>>
    %dma_wait3A_1931 = arith.constant 0 : i32
    %dma_wait3A_1932 = tpu.memref_slice %arg6[%select_n3A_840, %dma_wait3A_1925, %select_n3A_856, %dma_wait3A_1931] : memref<4x8x32x1024xf32, #tpu.memory_space<hbm>> -> memref<1x1x1x1024xf32, #tpu.memory_space<hbm>>
    %dma_wait3A_1933 = tpu.memref_squeeze %dma_wait3A_1932 : memref<1x1x1x1024xf32, #tpu.memory_space<hbm>> -> memref<1024xf32, #tpu.memory_space<hbm>>
    %dma_wait3A_1934 = arith.constant 6144 : i32
    %dma_wait3A_1935 = tpu.memref_slice %arg11[%dma_wait3A_1934] : memref<32768xf32, #tpu.memory_space<vmem>> -> memref<1024xf32, #tpu.memory_space<vmem>>
    tpu.wait_dma2 semaphore(%arg16 : memref<!tpu.dma_semaphore, #tpu.memory_space<semaphore_mem>>) src(%dma_wait3A_1935 : memref<1024xf32, #tpu.memory_space<vmem>>) dst(%dma_wait3A_1933 : memref<1024xf32, #tpu.memory_space<hbm>>)
    %dma_wait3A_1936 = arith.constant 7 : i32
    %dma_wait3A_1937 = arith.constant 7168 : i32
    %dma_wait3A_1938 = tpu.memref_slice %arg10[%dma_wait3A_1937] : memref<32768xf32, #tpu.memory_space<vmem>> -> memref<1024xf32, #tpu.memory_space<vmem>>
    %dma_wait3A_1939 = arith.constant 0 : i32
    %dma_wait3A_1940 = tpu.memref_slice %arg5[%select_n3A_840, %dma_wait3A_1936, %select_n3A_856, %dma_wait3A_1939] : memref<4x8x32x1024xf32, #tpu.memory_space<hbm>> -> memref<1x1x1x1024xf32, #tpu.memory_space<hbm>>
    %dma_wait3A_1941 = tpu.memref_squeeze %dma_wait3A_1940 : memref<1x1x1x1024xf32, #tpu.memory_space<hbm>> -> memref<1024xf32, #tpu.memory_space<hbm>>
    %dma_wait3A_1942 = arith.constant 0 : i32
    %dma_wait3A_1943 = tpu.memref_slice %arg5[%select_n3A_840, %dma_wait3A_1936, %select_n3A_856, %dma_wait3A_1942] : memref<4x8x32x1024xf32, #tpu.memory_space<hbm>> -> memref<1x1x1x1024xf32, #tpu.memory_space<hbm>>
    %dma_wait3A_1944 = tpu.memref_squeeze %dma_wait3A_1943 : memref<1x1x1x1024xf32, #tpu.memory_space<hbm>> -> memref<1024xf32, #tpu.memory_space<hbm>>
    %dma_wait3A_1945 = arith.constant 7168 : i32
    %dma_wait3A_1946 = tpu.memref_slice %arg10[%dma_wait3A_1945] : memref<32768xf32, #tpu.memory_space<vmem>> -> memref<1024xf32, #tpu.memory_space<vmem>>
    tpu.wait_dma2 semaphore(%arg16 : memref<!tpu.dma_semaphore, #tpu.memory_space<semaphore_mem>>) src(%dma_wait3A_1946 : memref<1024xf32, #tpu.memory_space<vmem>>) dst(%dma_wait3A_1944 : memref<1024xf32, #tpu.memory_space<hbm>>)
    %dma_wait3A_1947 = arith.constant 7 : i32
    %dma_wait3A_1948 = arith.constant 7168 : i32
    %dma_wait3A_1949 = tpu.memref_slice %arg11[%dma_wait3A_1948] : memref<32768xf32, #tpu.memory_space<vmem>> -> memref<1024xf32, #tpu.memory_space<vmem>>
    %dma_wait3A_1950 = arith.constant 0 : i32
    %dma_wait3A_1951 = tpu.memref_slice %arg6[%select_n3A_840, %dma_wait3A_1947, %select_n3A_856, %dma_wait3A_1950] : memref<4x8x32x1024xf32, #tpu.memory_space<hbm>> -> memref<1x1x1x1024xf32, #tpu.memory_space<hbm>>
    %dma_wait3A_1952 = tpu.memref_squeeze %dma_wait3A_1951 : memref<1x1x1x1024xf32, #tpu.memory_space<hbm>> -> memref<1024xf32, #tpu.memory_space<hbm>>
    %dma_wait3A_1953 = arith.constant 0 : i32
    %dma_wait3A_1954 = tpu.memref_slice %arg6[%select_n3A_840, %dma_wait3A_1947, %select_n3A_856, %dma_wait3A_1953] : memref<4x8x32x1024xf32, #tpu.memory_space<hbm>> -> memref<1x1x1x1024xf32, #tpu.memory_space<hbm>>
    %dma_wait3A_1955 = tpu.memref_squeeze %dma_wait3A_1954 : memref<1x1x1x1024xf32, #tpu.memory_space<hbm>> -> memref<1024xf32, #tpu.memory_space<hbm>>
    %dma_wait3A_1956 = arith.constant 7168 : i32
    %dma_wait3A_1957 = tpu.memref_slice %arg11[%dma_wait3A_1956] : memref<32768xf32, #tpu.memory_space<vmem>> -> memref<1024xf32, #tpu.memory_space<vmem>>
    tpu.wait_dma2 semaphore(%arg16 : memref<!tpu.dma_semaphore, #tpu.memory_space<semaphore_mem>>) src(%dma_wait3A_1957 : memref<1024xf32, #tpu.memory_space<vmem>>) dst(%dma_wait3A_1955 : memref<1024xf32, #tpu.memory_space<hbm>>)
    %dma_wait3A_1958 = arith.constant 0 : i32
    %dma_wait3A_1959 = arith.constant 8192 : i32
    %dma_wait3A_1960 = tpu.memref_slice %arg10[%dma_wait3A_1959] : memref<32768xf32, #tpu.memory_space<vmem>> -> memref<1024xf32, #tpu.memory_space<vmem>>
    %dma_wait3A_1961 = arith.constant 0 : i32
    %dma_wait3A_1962 = tpu.memref_slice %arg5[%select_n3A_1081, %dma_wait3A_1958, %select_n3A_1097, %dma_wait3A_1961] : memref<4x8x32x1024xf32, #tpu.memory_space<hbm>> -> memref<1x1x1x1024xf32, #tpu.memory_space<hbm>>
    %dma_wait3A_1963 = tpu.memref_squeeze %dma_wait3A_1962 : memref<1x1x1x1024xf32, #tpu.memory_space<hbm>> -> memref<1024xf32, #tpu.memory_space<hbm>>
    %dma_wait3A_1964 = arith.constant 0 : i32
    %dma_wait3A_1965 = tpu.memref_slice %arg5[%select_n3A_1081, %dma_wait3A_1958, %select_n3A_1097, %dma_wait3A_1964] : memref<4x8x32x1024xf32, #tpu.memory_space<hbm>> -> memref<1x1x1x1024xf32, #tpu.memory_space<hbm>>
    %dma_wait3A_1966 = tpu.memref_squeeze %dma_wait3A_1965 : memref<1x1x1x1024xf32, #tpu.memory_space<hbm>> -> memref<1024xf32, #tpu.memory_space<hbm>>
    %dma_wait3A_1967 = arith.constant 8192 : i32
    %dma_wait3A_1968 = tpu.memref_slice %arg10[%dma_wait3A_1967] : memref<32768xf32, #tpu.memory_space<vmem>> -> memref<1024xf32, #tpu.memory_space<vmem>>
    tpu.wait_dma2 semaphore(%arg16 : memref<!tpu.dma_semaphore, #tpu.memory_space<semaphore_mem>>) src(%dma_wait3A_1968 : memref<1024xf32, #tpu.memory_space<vmem>>) dst(%dma_wait3A_1966 : memref<1024xf32, #tpu.memory_space<hbm>>)
    %dma_wait3A_1969 = arith.constant 0 : i32
    %dma_wait3A_1970 = arith.constant 8192 : i32
    %dma_wait3A_1971 = tpu.memref_slice %arg11[%dma_wait3A_1970] : memref<32768xf32, #tpu.memory_space<vmem>> -> memref<1024xf32, #tpu.memory_space<vmem>>
    %dma_wait3A_1972 = arith.constant 0 : i32
    %dma_wait3A_1973 = tpu.memref_slice %arg6[%select_n3A_1081, %dma_wait3A_1969, %select_n3A_1097, %dma_wait3A_1972] : memref<4x8x32x1024xf32, #tpu.memory_space<hbm>> -> memref<1x1x1x1024xf32, #tpu.memory_space<hbm>>
    %dma_wait3A_1974 = tpu.memref_squeeze %dma_wait3A_1973 : memref<1x1x1x1024xf32, #tpu.memory_space<hbm>> -> memref<1024xf32, #tpu.memory_space<hbm>>
    %dma_wait3A_1975 = arith.constant 0 : i32
    %dma_wait3A_1976 = tpu.memref_slice %arg6[%select_n3A_1081, %dma_wait3A_1969, %select_n3A_1097, %dma_wait3A_1975] : memref<4x8x32x1024xf32, #tpu.memory_space<hbm>> -> memref<1x1x1x1024xf32, #tpu.memory_space<hbm>>
    %dma_wait3A_1977 = tpu.memref_squeeze %dma_wait3A_1976 : memref<1x1x1x1024xf32, #tpu.memory_space<hbm>> -> memref<1024xf32, #tpu.memory_space<hbm>>
    %dma_wait3A_1978 = arith.constant 8192 : i32
    %dma_wait3A_1979 = tpu.memref_slice %arg11[%dma_wait3A_1978] : memref<32768xf32, #tpu.memory_space<vmem>> -> memref<1024xf32, #tpu.memory_space<vmem>>
    tpu.wait_dma2 semaphore(%arg16 : memref<!tpu.dma_semaphore, #tpu.memory_space<semaphore_mem>>) src(%dma_wait3A_1979 : memref<1024xf32, #tpu.memory_space<vmem>>) dst(%dma_wait3A_1977 : memref<1024xf32, #tpu.memory_space<hbm>>)
    %dma_wait3A_1980 = arith.constant 1 : i32
    %dma_wait3A_1981 = arith.constant 9216 : i32
    %dma_wait3A_1982 = tpu.memref_slice %arg10[%dma_wait3A_1981] : memref<32768xf32, #tpu.memory_space<vmem>> -> memref<1024xf32, #tpu.memory_space<vmem>>
    %dma_wait3A_1983 = arith.constant 0 : i32
    %dma_wait3A_1984 = tpu.memref_slice %arg5[%select_n3A_1081, %dma_wait3A_1980, %select_n3A_1097, %dma_wait3A_1983] : memref<4x8x32x1024xf32, #tpu.memory_space<hbm>> -> memref<1x1x1x1024xf32, #tpu.memory_space<hbm>>
    %dma_wait3A_1985 = tpu.memref_squeeze %dma_wait3A_1984 : memref<1x1x1x1024xf32, #tpu.memory_space<hbm>> -> memref<1024xf32, #tpu.memory_space<hbm>>
    %dma_wait3A_1986 = arith.constant 0 : i32
    %dma_wait3A_1987 = tpu.memref_slice %arg5[%select_n3A_1081, %dma_wait3A_1980, %select_n3A_1097, %dma_wait3A_1986] : memref<4x8x32x1024xf32, #tpu.memory_space<hbm>> -> memref<1x1x1x1024xf32, #tpu.memory_space<hbm>>
    %dma_wait3A_1988 = tpu.memref_squeeze %dma_wait3A_1987 : memref<1x1x1x1024xf32, #tpu.memory_space<hbm>> -> memref<1024xf32, #tpu.memory_space<hbm>>
    %dma_wait3A_1989 = arith.constant 9216 : i32
    %dma_wait3A_1990 = tpu.memref_slice %arg10[%dma_wait3A_1989] : memref<32768xf32, #tpu.memory_space<vmem>> -> memref<1024xf32, #tpu.memory_space<vmem>>
    tpu.wait_dma2 semaphore(%arg16 : memref<!tpu.dma_semaphore, #tpu.memory_space<semaphore_mem>>) src(%dma_wait3A_1990 : memref<1024xf32, #tpu.memory_space<vmem>>) dst(%dma_wait3A_1988 : memref<1024xf32, #tpu.memory_space<hbm>>)
    %dma_wait3A_1991 = arith.constant 1 : i32
    %dma_wait3A_1992 = arith.constant 9216 : i32
    %dma_wait3A_1993 = tpu.memref_slice %arg11[%dma_wait3A_1992] : memref<32768xf32, #tpu.memory_space<vmem>> -> memref<1024xf32, #tpu.memory_space<vmem>>
    %dma_wait3A_1994 = arith.constant 0 : i32
    %dma_wait3A_1995 = tpu.memref_slice %arg6[%select_n3A_1081, %dma_wait3A_1991, %select_n3A_1097, %dma_wait3A_1994] : memref<4x8x32x1024xf32, #tpu.memory_space<hbm>> -> memref<1x1x1x1024xf32, #tpu.memory_space<hbm>>
    %dma_wait3A_1996 = tpu.memref_squeeze %dma_wait3A_1995 : memref<1x1x1x1024xf32, #tpu.memory_space<hbm>> -> memref<1024xf32, #tpu.memory_space<hbm>>
    %dma_wait3A_1997 = arith.constant 0 : i32
    %dma_wait3A_1998 = tpu.memref_slice %arg6[%select_n3A_1081, %dma_wait3A_1991, %select_n3A_1097, %dma_wait3A_1997] : memref<4x8x32x1024xf32, #tpu.memory_space<hbm>> -> memref<1x1x1x1024xf32, #tpu.memory_space<hbm>>
    %dma_wait3A_1999 = tpu.memref_squeeze %dma_wait3A_1998 : memref<1x1x1x1024xf32, #tpu.memory_space<hbm>> -> memref<1024xf32, #tpu.memory_space<hbm>>
    %dma_wait3A_2000 = arith.constant 9216 : i32
    %dma_wait3A_2001 = tpu.memref_slice %arg11[%dma_wait3A_2000] : memref<32768xf32, #tpu.memory_space<vmem>> -> memref<1024xf32, #tpu.memory_space<vmem>>
    tpu.wait_dma2 semaphore(%arg16 : memref<!tpu.dma_semaphore, #tpu.memory_space<semaphore_mem>>) src(%dma_wait3A_2001 : memref<1024xf32, #tpu.memory_space<vmem>>) dst(%dma_wait3A_1999 : memref<1024xf32, #tpu.memory_space<hbm>>)
    %dma_wait3A_2002 = arith.constant 2 : i32
    %dma_wait3A_2003 = arith.constant 10240 : i32
    %dma_wait3A_2004 = tpu.memref_slice %arg10[%dma_wait3A_2003] : memref<32768xf32, #tpu.memory_space<vmem>> -> memref<1024xf32, #tpu.memory_space<vmem>>
    %dma_wait3A_2005 = arith.constant 0 : i32
    %dma_wait3A_2006 = tpu.memref_slice %arg5[%select_n3A_1081, %dma_wait3A_2002, %select_n3A_1097, %dma_wait3A_2005] : memref<4x8x32x1024xf32, #tpu.memory_space<hbm>> -> memref<1x1x1x1024xf32, #tpu.memory_space<hbm>>
    %dma_wait3A_2007 = tpu.memref_squeeze %dma_wait3A_2006 : memref<1x1x1x1024xf32, #tpu.memory_space<hbm>> -> memref<1024xf32, #tpu.memory_space<hbm>>
    %dma_wait3A_2008 = arith.constant 0 : i32
    %dma_wait3A_2009 = tpu.memref_slice %arg5[%select_n3A_1081, %dma_wait3A_2002, %select_n3A_1097, %dma_wait3A_2008] : memref<4x8x32x1024xf32, #tpu.memory_space<hbm>> -> memref<1x1x1x1024xf32, #tpu.memory_space<hbm>>
    %dma_wait3A_2010 = tpu.memref_squeeze %dma_wait3A_2009 : memref<1x1x1x1024xf32, #tpu.memory_space<hbm>> -> memref<1024xf32, #tpu.memory_space<hbm>>
    %dma_wait3A_2011 = arith.constant 10240 : i32
    %dma_wait3A_2012 = tpu.memref_slice %arg10[%dma_wait3A_2011] : memref<32768xf32, #tpu.memory_space<vmem>> -> memref<1024xf32, #tpu.memory_space<vmem>>
    tpu.wait_dma2 semaphore(%arg16 : memref<!tpu.dma_semaphore, #tpu.memory_space<semaphore_mem>>) src(%dma_wait3A_2012 : memref<1024xf32, #tpu.memory_space<vmem>>) dst(%dma_wait3A_2010 : memref<1024xf32, #tpu.memory_space<hbm>>)
    %dma_wait3A_2013 = arith.constant 2 : i32
    %dma_wait3A_2014 = arith.constant 10240 : i32
    %dma_wait3A_2015 = tpu.memref_slice %arg11[%dma_wait3A_2014] : memref<32768xf32, #tpu.memory_space<vmem>> -> memref<1024xf32, #tpu.memory_space<vmem>>
    %dma_wait3A_2016 = arith.constant 0 : i32
    %dma_wait3A_2017 = tpu.memref_slice %arg6[%select_n3A_1081, %dma_wait3A_2013, %select_n3A_1097, %dma_wait3A_2016] : memref<4x8x32x1024xf32, #tpu.memory_space<hbm>> -> memref<1x1x1x1024xf32, #tpu.memory_space<hbm>>
    %dma_wait3A_2018 = tpu.memref_squeeze %dma_wait3A_2017 : memref<1x1x1x1024xf32, #tpu.memory_space<hbm>> -> memref<1024xf32, #tpu.memory_space<hbm>>
    %dma_wait3A_2019 = arith.constant 0 : i32
    %dma_wait3A_2020 = tpu.memref_slice %arg6[%select_n3A_1081, %dma_wait3A_2013, %select_n3A_1097, %dma_wait3A_2019] : memref<4x8x32x1024xf32, #tpu.memory_space<hbm>> -> memref<1x1x1x1024xf32, #tpu.memory_space<hbm>>
    %dma_wait3A_2021 = tpu.memref_squeeze %dma_wait3A_2020 : memref<1x1x1x1024xf32, #tpu.memory_space<hbm>> -> memref<1024xf32, #tpu.memory_space<hbm>>
    %dma_wait3A_2022 = arith.constant 10240 : i32
    %dma_wait3A_2023 = tpu.memref_slice %arg11[%dma_wait3A_2022] : memref<32768xf32, #tpu.memory_space<vmem>> -> memref<1024xf32, #tpu.memory_space<vmem>>
    tpu.wait_dma2 semaphore(%arg16 : memref<!tpu.dma_semaphore, #tpu.memory_space<semaphore_mem>>) src(%dma_wait3A_2023 : memref<1024xf32, #tpu.memory_space<vmem>>) dst(%dma_wait3A_2021 : memref<1024xf32, #tpu.memory_space<hbm>>)
    %dma_wait3A_2024 = arith.constant 3 : i32
    %dma_wait3A_2025 = arith.constant 11264 : i32
    %dma_wait3A_2026 = tpu.memref_slice %arg10[%dma_wait3A_2025] : memref<32768xf32, #tpu.memory_space<vmem>> -> memref<1024xf32, #tpu.memory_space<vmem>>
    %dma_wait3A_2027 = arith.constant 0 : i32
    %dma_wait3A_2028 = tpu.memref_slice %arg5[%select_n3A_1081, %dma_wait3A_2024, %select_n3A_1097, %dma_wait3A_2027] : memref<4x8x32x1024xf32, #tpu.memory_space<hbm>> -> memref<1x1x1x1024xf32, #tpu.memory_space<hbm>>
    %dma_wait3A_2029 = tpu.memref_squeeze %dma_wait3A_2028 : memref<1x1x1x1024xf32, #tpu.memory_space<hbm>> -> memref<1024xf32, #tpu.memory_space<hbm>>
    %dma_wait3A_2030 = arith.constant 0 : i32
    %dma_wait3A_2031 = tpu.memref_slice %arg5[%select_n3A_1081, %dma_wait3A_2024, %select_n3A_1097, %dma_wait3A_2030] : memref<4x8x32x1024xf32, #tpu.memory_space<hbm>> -> memref<1x1x1x1024xf32, #tpu.memory_space<hbm>>
    %dma_wait3A_2032 = tpu.memref_squeeze %dma_wait3A_2031 : memref<1x1x1x1024xf32, #tpu.memory_space<hbm>> -> memref<1024xf32, #tpu.memory_space<hbm>>
    %dma_wait3A_2033 = arith.constant 11264 : i32
    %dma_wait3A_2034 = tpu.memref_slice %arg10[%dma_wait3A_2033] : memref<32768xf32, #tpu.memory_space<vmem>> -> memref<1024xf32, #tpu.memory_space<vmem>>
    tpu.wait_dma2 semaphore(%arg16 : memref<!tpu.dma_semaphore, #tpu.memory_space<semaphore_mem>>) src(%dma_wait3A_2034 : memref<1024xf32, #tpu.memory_space<vmem>>) dst(%dma_wait3A_2032 : memref<1024xf32, #tpu.memory_space<hbm>>)
    %dma_wait3A_2035 = arith.constant 3 : i32
    %dma_wait3A_2036 = arith.constant 11264 : i32
    %dma_wait3A_2037 = tpu.memref_slice %arg11[%dma_wait3A_2036] : memref<32768xf32, #tpu.memory_space<vmem>> -> memref<1024xf32, #tpu.memory_space<vmem>>
    %dma_wait3A_2038 = arith.constant 0 : i32
    %dma_wait3A_2039 = tpu.memref_slice %arg6[%select_n3A_1081, %dma_wait3A_2035, %select_n3A_1097, %dma_wait3A_2038] : memref<4x8x32x1024xf32, #tpu.memory_space<hbm>> -> memref<1x1x1x1024xf32, #tpu.memory_space<hbm>>
    %dma_wait3A_2040 = tpu.memref_squeeze %dma_wait3A_2039 : memref<1x1x1x1024xf32, #tpu.memory_space<hbm>> -> memref<1024xf32, #tpu.memory_space<hbm>>
    %dma_wait3A_2041 = arith.constant 0 : i32
    %dma_wait3A_2042 = tpu.memref_slice %arg6[%select_n3A_1081, %dma_wait3A_2035, %select_n3A_1097, %dma_wait3A_2041] : memref<4x8x32x1024xf32, #tpu.memory_space<hbm>> -> memref<1x1x1x1024xf32, #tpu.memory_space<hbm>>
    %dma_wait3A_2043 = tpu.memref_squeeze %dma_wait3A_2042 : memref<1x1x1x1024xf32, #tpu.memory_space<hbm>> -> memref<1024xf32, #tpu.memory_space<hbm>>
    %dma_wait3A_2044 = arith.constant 11264 : i32
    %dma_wait3A_2045 = tpu.memref_slice %arg11[%dma_wait3A_2044] : memref<32768xf32, #tpu.memory_space<vmem>> -> memref<1024xf32, #tpu.memory_space<vmem>>
    tpu.wait_dma2 semaphore(%arg16 : memref<!tpu.dma_semaphore, #tpu.memory_space<semaphore_mem>>) src(%dma_wait3A_2045 : memref<1024xf32, #tpu.memory_space<vmem>>) dst(%dma_wait3A_2043 : memref<1024xf32, #tpu.memory_space<hbm>>)
    %dma_wait3A_2046 = arith.constant 4 : i32
    %dma_wait3A_2047 = arith.constant 12288 : i32
    %dma_wait3A_2048 = tpu.memref_slice %arg10[%dma_wait3A_2047] : memref<32768xf32, #tpu.memory_space<vmem>> -> memref<1024xf32, #tpu.memory_space<vmem>>
    %dma_wait3A_2049 = arith.constant 0 : i32
    %dma_wait3A_2050 = tpu.memref_slice %arg5[%select_n3A_1081, %dma_wait3A_2046, %select_n3A_1097, %dma_wait3A_2049] : memref<4x8x32x1024xf32, #tpu.memory_space<hbm>> -> memref<1x1x1x1024xf32, #tpu.memory_space<hbm>>
    %dma_wait3A_2051 = tpu.memref_squeeze %dma_wait3A_2050 : memref<1x1x1x1024xf32, #tpu.memory_space<hbm>> -> memref<1024xf32, #tpu.memory_space<hbm>>
    %dma_wait3A_2052 = arith.constant 0 : i32
    %dma_wait3A_2053 = tpu.memref_slice %arg5[%select_n3A_1081, %dma_wait3A_2046, %select_n3A_1097, %dma_wait3A_2052] : memref<4x8x32x1024xf32, #tpu.memory_space<hbm>> -> memref<1x1x1x1024xf32, #tpu.memory_space<hbm>>
    %dma_wait3A_2054 = tpu.memref_squeeze %dma_wait3A_2053 : memref<1x1x1x1024xf32, #tpu.memory_space<hbm>> -> memref<1024xf32, #tpu.memory_space<hbm>>
    %dma_wait3A_2055 = arith.constant 12288 : i32
    %dma_wait3A_2056 = tpu.memref_slice %arg10[%dma_wait3A_2055] : memref<32768xf32, #tpu.memory_space<vmem>> -> memref<1024xf32, #tpu.memory_space<vmem>>
    tpu.wait_dma2 semaphore(%arg16 : memref<!tpu.dma_semaphore, #tpu.memory_space<semaphore_mem>>) src(%dma_wait3A_2056 : memref<1024xf32, #tpu.memory_space<vmem>>) dst(%dma_wait3A_2054 : memref<1024xf32, #tpu.memory_space<hbm>>)
    %dma_wait3A_2057 = arith.constant 4 : i32
    %dma_wait3A_2058 = arith.constant 12288 : i32
    %dma_wait3A_2059 = tpu.memref_slice %arg11[%dma_wait3A_2058] : memref<32768xf32, #tpu.memory_space<vmem>> -> memref<1024xf32, #tpu.memory_space<vmem>>
    %dma_wait3A_2060 = arith.constant 0 : i32
    %dma_wait3A_2061 = tpu.memref_slice %arg6[%select_n3A_1081, %dma_wait3A_2057, %select_n3A_1097, %dma_wait3A_2060] : memref<4x8x32x1024xf32, #tpu.memory_space<hbm>> -> memref<1x1x1x1024xf32, #tpu.memory_space<hbm>>
    %dma_wait3A_2062 = tpu.memref_squeeze %dma_wait3A_2061 : memref<1x1x1x1024xf32, #tpu.memory_space<hbm>> -> memref<1024xf32, #tpu.memory_space<hbm>>
    %dma_wait3A_2063 = arith.constant 0 : i32
    %dma_wait3A_2064 = tpu.memref_slice %arg6[%select_n3A_1081, %dma_wait3A_2057, %select_n3A_1097, %dma_wait3A_2063] : memref<4x8x32x1024xf32, #tpu.memory_space<hbm>> -> memref<1x1x1x1024xf32, #tpu.memory_space<hbm>>
    %dma_wait3A_2065 = tpu.memref_squeeze %dma_wait3A_2064 : memref<1x1x1x1024xf32, #tpu.memory_space<hbm>> -> memref<1024xf32, #tpu.memory_space<hbm>>
    %dma_wait3A_2066 = arith.constant 12288 : i32
    %dma_wait3A_2067 = tpu.memref_slice %arg11[%dma_wait3A_2066] : memref<32768xf32, #tpu.memory_space<vmem>> -> memref<1024xf32, #tpu.memory_space<vmem>>
    tpu.wait_dma2 semaphore(%arg16 : memref<!tpu.dma_semaphore, #tpu.memory_space<semaphore_mem>>) src(%dma_wait3A_2067 : memref<1024xf32, #tpu.memory_space<vmem>>) dst(%dma_wait3A_2065 : memref<1024xf32, #tpu.memory_space<hbm>>)
    %dma_wait3A_2068 = arith.constant 5 : i32
    %dma_wait3A_2069 = arith.constant 13312 : i32
    %dma_wait3A_2070 = tpu.memref_slice %arg10[%dma_wait3A_2069] : memref<32768xf32, #tpu.memory_space<vmem>> -> memref<1024xf32, #tpu.memory_space<vmem>>
    %dma_wait3A_2071 = arith.constant 0 : i32
    %dma_wait3A_2072 = tpu.memref_slice %arg5[%select_n3A_1081, %dma_wait3A_2068, %select_n3A_1097, %dma_wait3A_2071] : memref<4x8x32x1024xf32, #tpu.memory_space<hbm>> -> memref<1x1x1x1024xf32, #tpu.memory_space<hbm>>
    %dma_wait3A_2073 = tpu.memref_squeeze %dma_wait3A_2072 : memref<1x1x1x1024xf32, #tpu.memory_space<hbm>> -> memref<1024xf32, #tpu.memory_space<hbm>>
    %dma_wait3A_2074 = arith.constant 0 : i32
    %dma_wait3A_2075 = tpu.memref_slice %arg5[%select_n3A_1081, %dma_wait3A_2068, %select_n3A_1097, %dma_wait3A_2074] : memref<4x8x32x1024xf32, #tpu.memory_space<hbm>> -> memref<1x1x1x1024xf32, #tpu.memory_space<hbm>>
    %dma_wait3A_2076 = tpu.memref_squeeze %dma_wait3A_2075 : memref<1x1x1x1024xf32, #tpu.memory_space<hbm>> -> memref<1024xf32, #tpu.memory_space<hbm>>
    %dma_wait3A_2077 = arith.constant 13312 : i32
    %dma_wait3A_2078 = tpu.memref_slice %arg10[%dma_wait3A_2077] : memref<32768xf32, #tpu.memory_space<vmem>> -> memref<1024xf32, #tpu.memory_space<vmem>>
    tpu.wait_dma2 semaphore(%arg16 : memref<!tpu.dma_semaphore, #tpu.memory_space<semaphore_mem>>) src(%dma_wait3A_2078 : memref<1024xf32, #tpu.memory_space<vmem>>) dst(%dma_wait3A_2076 : memref<1024xf32, #tpu.memory_space<hbm>>)
    %dma_wait3A_2079 = arith.constant 5 : i32
    %dma_wait3A_2080 = arith.constant 13312 : i32
    %dma_wait3A_2081 = tpu.memref_slice %arg11[%dma_wait3A_2080] : memref<32768xf32, #tpu.memory_space<vmem>> -> memref<1024xf32, #tpu.memory_space<vmem>>
    %dma_wait3A_2082 = arith.constant 0 : i32
    %dma_wait3A_2083 = tpu.memref_slice %arg6[%select_n3A_1081, %dma_wait3A_2079, %select_n3A_1097, %dma_wait3A_2082] : memref<4x8x32x1024xf32, #tpu.memory_space<hbm>> -> memref<1x1x1x1024xf32, #tpu.memory_space<hbm>>
    %dma_wait3A_2084 = tpu.memref_squeeze %dma_wait3A_2083 : memref<1x1x1x1024xf32, #tpu.memory_space<hbm>> -> memref<1024xf32, #tpu.memory_space<hbm>>
    %dma_wait3A_2085 = arith.constant 0 : i32
    %dma_wait3A_2086 = tpu.memref_slice %arg6[%select_n3A_1081, %dma_wait3A_2079, %select_n3A_1097, %dma_wait3A_2085] : memref<4x8x32x1024xf32, #tpu.memory_space<hbm>> -> memref<1x1x1x1024xf32, #tpu.memory_space<hbm>>
    %dma_wait3A_2087 = tpu.memref_squeeze %dma_wait3A_2086 : memref<1x1x1x1024xf32, #tpu.memory_space<hbm>> -> memref<1024xf32, #tpu.memory_space<hbm>>
    %dma_wait3A_2088 = arith.constant 13312 : i32
    %dma_wait3A_2089 = tpu.memref_slice %arg11[%dma_wait3A_2088] : memref<32768xf32, #tpu.memory_space<vmem>> -> memref<1024xf32, #tpu.memory_space<vmem>>
    tpu.wait_dma2 semaphore(%arg16 : memref<!tpu.dma_semaphore, #tpu.memory_space<semaphore_mem>>) src(%dma_wait3A_2089 : memref<1024xf32, #tpu.memory_space<vmem>>) dst(%dma_wait3A_2087 : memref<1024xf32, #tpu.memory_space<hbm>>)
    %dma_wait3A_2090 = arith.constant 6 : i32
    %dma_wait3A_2091 = arith.constant 14336 : i32
    %dma_wait3A_2092 = tpu.memref_slice %arg10[%dma_wait3A_2091] : memref<32768xf32, #tpu.memory_space<vmem>> -> memref<1024xf32, #tpu.memory_space<vmem>>
    %dma_wait3A_2093 = arith.constant 0 : i32
    %dma_wait3A_2094 = tpu.memref_slice %arg5[%select_n3A_1081, %dma_wait3A_2090, %select_n3A_1097, %dma_wait3A_2093] : memref<4x8x32x1024xf32, #tpu.memory_space<hbm>> -> memref<1x1x1x1024xf32, #tpu.memory_space<hbm>>
    %dma_wait3A_2095 = tpu.memref_squeeze %dma_wait3A_2094 : memref<1x1x1x1024xf32, #tpu.memory_space<hbm>> -> memref<1024xf32, #tpu.memory_space<hbm>>
    %dma_wait3A_2096 = arith.constant 0 : i32
    %dma_wait3A_2097 = tpu.memref_slice %arg5[%select_n3A_1081, %dma_wait3A_2090, %select_n3A_1097, %dma_wait3A_2096] : memref<4x8x32x1024xf32, #tpu.memory_space<hbm>> -> memref<1x1x1x1024xf32, #tpu.memory_space<hbm>>
    %dma_wait3A_2098 = tpu.memref_squeeze %dma_wait3A_2097 : memref<1x1x1x1024xf32, #tpu.memory_space<hbm>> -> memref<1024xf32, #tpu.memory_space<hbm>>
    %dma_wait3A_2099 = arith.constant 14336 : i32
    %dma_wait3A_2100 = tpu.memref_slice %arg10[%dma_wait3A_2099] : memref<32768xf32, #tpu.memory_space<vmem>> -> memref<1024xf32, #tpu.memory_space<vmem>>
    tpu.wait_dma2 semaphore(%arg16 : memref<!tpu.dma_semaphore, #tpu.memory_space<semaphore_mem>>) src(%dma_wait3A_2100 : memref<1024xf32, #tpu.memory_space<vmem>>) dst(%dma_wait3A_2098 : memref<1024xf32, #tpu.memory_space<hbm>>)
    %dma_wait3A_2101 = arith.constant 6 : i32
    %dma_wait3A_2102 = arith.constant 14336 : i32
    %dma_wait3A_2103 = tpu.memref_slice %arg11[%dma_wait3A_2102] : memref<32768xf32, #tpu.memory_space<vmem>> -> memref<1024xf32, #tpu.memory_space<vmem>>
    %dma_wait3A_2104 = arith.constant 0 : i32
    %dma_wait3A_2105 = tpu.memref_slice %arg6[%select_n3A_1081, %dma_wait3A_2101, %select_n3A_1097, %dma_wait3A_2104] : memref<4x8x32x1024xf32, #tpu.memory_space<hbm>> -> memref<1x1x1x1024xf32, #tpu.memory_space<hbm>>
    %dma_wait3A_2106 = tpu.memref_squeeze %dma_wait3A_2105 : memref<1x1x1x1024xf32, #tpu.memory_space<hbm>> -> memref<1024xf32, #tpu.memory_space<hbm>>
    %dma_wait3A_2107 = arith.constant 0 : i32
    %dma_wait3A_2108 = tpu.memref_slice %arg6[%select_n3A_1081, %dma_wait3A_2101, %select_n3A_1097, %dma_wait3A_2107] : memref<4x8x32x1024xf32, #tpu.memory_space<hbm>> -> memref<1x1x1x1024xf32, #tpu.memory_space<hbm>>
    %dma_wait3A_2109 = tpu.memref_squeeze %dma_wait3A_2108 : memref<1x1x1x1024xf32, #tpu.memory_space<hbm>> -> memref<1024xf32, #tpu.memory_space<hbm>>
    %dma_wait3A_2110 = arith.constant 14336 : i32
    %dma_wait3A_2111 = tpu.memref_slice %arg11[%dma_wait3A_2110] : memref<32768xf32, #tpu.memory_space<vmem>> -> memref<1024xf32, #tpu.memory_space<vmem>>
    tpu.wait_dma2 semaphore(%arg16 : memref<!tpu.dma_semaphore, #tpu.memory_space<semaphore_mem>>) src(%dma_wait3A_2111 : memref<1024xf32, #tpu.memory_space<vmem>>) dst(%dma_wait3A_2109 : memref<1024xf32, #tpu.memory_space<hbm>>)
    %dma_wait3A_2112 = arith.constant 7 : i32
    %dma_wait3A_2113 = arith.constant 15360 : i32
    %dma_wait3A_2114 = tpu.memref_slice %arg10[%dma_wait3A_2113] : memref<32768xf32, #tpu.memory_space<vmem>> -> memref<1024xf32, #tpu.memory_space<vmem>>
    %dma_wait3A_2115 = arith.constant 0 : i32
    %dma_wait3A_2116 = tpu.memref_slice %arg5[%select_n3A_1081, %dma_wait3A_2112, %select_n3A_1097, %dma_wait3A_2115] : memref<4x8x32x1024xf32, #tpu.memory_space<hbm>> -> memref<1x1x1x1024xf32, #tpu.memory_space<hbm>>
    %dma_wait3A_2117 = tpu.memref_squeeze %dma_wait3A_2116 : memref<1x1x1x1024xf32, #tpu.memory_space<hbm>> -> memref<1024xf32, #tpu.memory_space<hbm>>
    %dma_wait3A_2118 = arith.constant 0 : i32
    %dma_wait3A_2119 = tpu.memref_slice %arg5[%select_n3A_1081, %dma_wait3A_2112, %select_n3A_1097, %dma_wait3A_2118] : memref<4x8x32x1024xf32, #tpu.memory_space<hbm>> -> memref<1x1x1x1024xf32, #tpu.memory_space<hbm>>
    %dma_wait3A_2120 = tpu.memref_squeeze %dma_wait3A_2119 : memref<1x1x1x1024xf32, #tpu.memory_space<hbm>> -> memref<1024xf32, #tpu.memory_space<hbm>>
    %dma_wait3A_2121 = arith.constant 15360 : i32
    %dma_wait3A_2122 = tpu.memref_slice %arg10[%dma_wait3A_2121] : memref<32768xf32, #tpu.memory_space<vmem>> -> memref<1024xf32, #tpu.memory_space<vmem>>
    tpu.wait_dma2 semaphore(%arg16 : memref<!tpu.dma_semaphore, #tpu.memory_space<semaphore_mem>>) src(%dma_wait3A_2122 : memref<1024xf32, #tpu.memory_space<vmem>>) dst(%dma_wait3A_2120 : memref<1024xf32, #tpu.memory_space<hbm>>)
    %dma_wait3A_2123 = arith.constant 7 : i32
    %dma_wait3A_2124 = arith.constant 15360 : i32
    %dma_wait3A_2125 = tpu.memref_slice %arg11[%dma_wait3A_2124] : memref<32768xf32, #tpu.memory_space<vmem>> -> memref<1024xf32, #tpu.memory_space<vmem>>
    %dma_wait3A_2126 = arith.constant 0 : i32
    %dma_wait3A_2127 = tpu.memref_slice %arg6[%select_n3A_1081, %dma_wait3A_2123, %select_n3A_1097, %dma_wait3A_2126] : memref<4x8x32x1024xf32, #tpu.memory_space<hbm>> -> memref<1x1x1x1024xf32, #tpu.memory_space<hbm>>
    %dma_wait3A_2128 = tpu.memref_squeeze %dma_wait3A_2127 : memref<1x1x1x1024xf32, #tpu.memory_space<hbm>> -> memref<1024xf32, #tpu.memory_space<hbm>>
    %dma_wait3A_2129 = arith.constant 0 : i32
    %dma_wait3A_2130 = tpu.memref_slice %arg6[%select_n3A_1081, %dma_wait3A_2123, %select_n3A_1097, %dma_wait3A_2129] : memref<4x8x32x1024xf32, #tpu.memory_space<hbm>> -> memref<1x1x1x1024xf32, #tpu.memory_space<hbm>>
    %dma_wait3A_2131 = tpu.memref_squeeze %dma_wait3A_2130 : memref<1x1x1x1024xf32, #tpu.memory_space<hbm>> -> memref<1024xf32, #tpu.memory_space<hbm>>
    %dma_wait3A_2132 = arith.constant 15360 : i32
    %dma_wait3A_2133 = tpu.memref_slice %arg11[%dma_wait3A_2132] : memref<32768xf32, #tpu.memory_space<vmem>> -> memref<1024xf32, #tpu.memory_space<vmem>>
    tpu.wait_dma2 semaphore(%arg16 : memref<!tpu.dma_semaphore, #tpu.memory_space<semaphore_mem>>) src(%dma_wait3A_2133 : memref<1024xf32, #tpu.memory_space<vmem>>) dst(%dma_wait3A_2131 : memref<1024xf32, #tpu.memory_space<hbm>>)
    %dma_wait3A_2134 = arith.constant 0 : i32
    %dma_wait3A_2135 = arith.constant 16384 : i32
    %dma_wait3A_2136 = tpu.memref_slice %arg10[%dma_wait3A_2135] : memref<32768xf32, #tpu.memory_space<vmem>> -> memref<1024xf32, #tpu.memory_space<vmem>>
    %dma_wait3A_2137 = arith.constant 0 : i32
    %dma_wait3A_2138 = tpu.memref_slice %arg5[%select_n3A_1323, %dma_wait3A_2134, %select_n3A_1339, %dma_wait3A_2137] : memref<4x8x32x1024xf32, #tpu.memory_space<hbm>> -> memref<1x1x1x1024xf32, #tpu.memory_space<hbm>>
    %dma_wait3A_2139 = tpu.memref_squeeze %dma_wait3A_2138 : memref<1x1x1x1024xf32, #tpu.memory_space<hbm>> -> memref<1024xf32, #tpu.memory_space<hbm>>
    %dma_wait3A_2140 = arith.constant 0 : i32
    %dma_wait3A_2141 = tpu.memref_slice %arg5[%select_n3A_1323, %dma_wait3A_2134, %select_n3A_1339, %dma_wait3A_2140] : memref<4x8x32x1024xf32, #tpu.memory_space<hbm>> -> memref<1x1x1x1024xf32, #tpu.memory_space<hbm>>
    %dma_wait3A_2142 = tpu.memref_squeeze %dma_wait3A_2141 : memref<1x1x1x1024xf32, #tpu.memory_space<hbm>> -> memref<1024xf32, #tpu.memory_space<hbm>>
    %dma_wait3A_2143 = arith.constant 16384 : i32
    %dma_wait3A_2144 = tpu.memref_slice %arg10[%dma_wait3A_2143] : memref<32768xf32, #tpu.memory_space<vmem>> -> memref<1024xf32, #tpu.memory_space<vmem>>
    tpu.wait_dma2 semaphore(%arg16 : memref<!tpu.dma_semaphore, #tpu.memory_space<semaphore_mem>>) src(%dma_wait3A_2144 : memref<1024xf32, #tpu.memory_space<vmem>>) dst(%dma_wait3A_2142 : memref<1024xf32, #tpu.memory_space<hbm>>)
    %dma_wait3A_2145 = arith.constant 0 : i32
    %dma_wait3A_2146 = arith.constant 16384 : i32
    %dma_wait3A_2147 = tpu.memref_slice %arg11[%dma_wait3A_2146] : memref<32768xf32, #tpu.memory_space<vmem>> -> memref<1024xf32, #tpu.memory_space<vmem>>
    %dma_wait3A_2148 = arith.constant 0 : i32
    %dma_wait3A_2149 = tpu.memref_slice %arg6[%select_n3A_1323, %dma_wait3A_2145, %select_n3A_1339, %dma_wait3A_2148] : memref<4x8x32x1024xf32, #tpu.memory_space<hbm>> -> memref<1x1x1x1024xf32, #tpu.memory_space<hbm>>
    %dma_wait3A_2150 = tpu.memref_squeeze %dma_wait3A_2149 : memref<1x1x1x1024xf32, #tpu.memory_space<hbm>> -> memref<1024xf32, #tpu.memory_space<hbm>>
    %dma_wait3A_2151 = arith.constant 0 : i32
    %dma_wait3A_2152 = tpu.memref_slice %arg6[%select_n3A_1323, %dma_wait3A_2145, %select_n3A_1339, %dma_wait3A_2151] : memref<4x8x32x1024xf32, #tpu.memory_space<hbm>> -> memref<1x1x1x1024xf32, #tpu.memory_space<hbm>>
    %dma_wait3A_2153 = tpu.memref_squeeze %dma_wait3A_2152 : memref<1x1x1x1024xf32, #tpu.memory_space<hbm>> -> memref<1024xf32, #tpu.memory_space<hbm>>
    %dma_wait3A_2154 = arith.constant 16384 : i32
    %dma_wait3A_2155 = tpu.memref_slice %arg11[%dma_wait3A_2154] : memref<32768xf32, #tpu.memory_space<vmem>> -> memref<1024xf32, #tpu.memory_space<vmem>>
    tpu.wait_dma2 semaphore(%arg16 : memref<!tpu.dma_semaphore, #tpu.memory_space<semaphore_mem>>) src(%dma_wait3A_2155 : memref<1024xf32, #tpu.memory_space<vmem>>) dst(%dma_wait3A_2153 : memref<1024xf32, #tpu.memory_space<hbm>>)
    %dma_wait3A_2156 = arith.constant 1 : i32
    %dma_wait3A_2157 = arith.constant 17408 : i32
    %dma_wait3A_2158 = tpu.memref_slice %arg10[%dma_wait3A_2157] : memref<32768xf32, #tpu.memory_space<vmem>> -> memref<1024xf32, #tpu.memory_space<vmem>>
    %dma_wait3A_2159 = arith.constant 0 : i32
    %dma_wait3A_2160 = tpu.memref_slice %arg5[%select_n3A_1323, %dma_wait3A_2156, %select_n3A_1339, %dma_wait3A_2159] : memref<4x8x32x1024xf32, #tpu.memory_space<hbm>> -> memref<1x1x1x1024xf32, #tpu.memory_space<hbm>>
    %dma_wait3A_2161 = tpu.memref_squeeze %dma_wait3A_2160 : memref<1x1x1x1024xf32, #tpu.memory_space<hbm>> -> memref<1024xf32, #tpu.memory_space<hbm>>
    %dma_wait3A_2162 = arith.constant 0 : i32
    %dma_wait3A_2163 = tpu.memref_slice %arg5[%select_n3A_1323, %dma_wait3A_2156, %select_n3A_1339, %dma_wait3A_2162] : memref<4x8x32x1024xf32, #tpu.memory_space<hbm>> -> memref<1x1x1x1024xf32, #tpu.memory_space<hbm>>
    %dma_wait3A_2164 = tpu.memref_squeeze %dma_wait3A_2163 : memref<1x1x1x1024xf32, #tpu.memory_space<hbm>> -> memref<1024xf32, #tpu.memory_space<hbm>>
    %dma_wait3A_2165 = arith.constant 17408 : i32
    %dma_wait3A_2166 = tpu.memref_slice %arg10[%dma_wait3A_2165] : memref<32768xf32, #tpu.memory_space<vmem>> -> memref<1024xf32, #tpu.memory_space<vmem>>
    tpu.wait_dma2 semaphore(%arg16 : memref<!tpu.dma_semaphore, #tpu.memory_space<semaphore_mem>>) src(%dma_wait3A_2166 : memref<1024xf32, #tpu.memory_space<vmem>>) dst(%dma_wait3A_2164 : memref<1024xf32, #tpu.memory_space<hbm>>)
    %dma_wait3A_2167 = arith.constant 1 : i32
    %dma_wait3A_2168 = arith.constant 17408 : i32
    %dma_wait3A_2169 = tpu.memref_slice %arg11[%dma_wait3A_2168] : memref<32768xf32, #tpu.memory_space<vmem>> -> memref<1024xf32, #tpu.memory_space<vmem>>
    %dma_wait3A_2170 = arith.constant 0 : i32
    %dma_wait3A_2171 = tpu.memref_slice %arg6[%select_n3A_1323, %dma_wait3A_2167, %select_n3A_1339, %dma_wait3A_2170] : memref<4x8x32x1024xf32, #tpu.memory_space<hbm>> -> memref<1x1x1x1024xf32, #tpu.memory_space<hbm>>
    %dma_wait3A_2172 = tpu.memref_squeeze %dma_wait3A_2171 : memref<1x1x1x1024xf32, #tpu.memory_space<hbm>> -> memref<1024xf32, #tpu.memory_space<hbm>>
    %dma_wait3A_2173 = arith.constant 0 : i32
    %dma_wait3A_2174 = tpu.memref_slice %arg6[%select_n3A_1323, %dma_wait3A_2167, %select_n3A_1339, %dma_wait3A_2173] : memref<4x8x32x1024xf32, #tpu.memory_space<hbm>> -> memref<1x1x1x1024xf32, #tpu.memory_space<hbm>>
    %dma_wait3A_2175 = tpu.memref_squeeze %dma_wait3A_2174 : memref<1x1x1x1024xf32, #tpu.memory_space<hbm>> -> memref<1024xf32, #tpu.memory_space<hbm>>
    %dma_wait3A_2176 = arith.constant 17408 : i32
    %dma_wait3A_2177 = tpu.memref_slice %arg11[%dma_wait3A_2176] : memref<32768xf32, #tpu.memory_space<vmem>> -> memref<1024xf32, #tpu.memory_space<vmem>>
    tpu.wait_dma2 semaphore(%arg16 : memref<!tpu.dma_semaphore, #tpu.memory_space<semaphore_mem>>) src(%dma_wait3A_2177 : memref<1024xf32, #tpu.memory_space<vmem>>) dst(%dma_wait3A_2175 : memref<1024xf32, #tpu.memory_space<hbm>>)
    %dma_wait3A_2178 = arith.constant 2 : i32
    %dma_wait3A_2179 = arith.constant 18432 : i32
    %dma_wait3A_2180 = tpu.memref_slice %arg10[%dma_wait3A_2179] : memref<32768xf32, #tpu.memory_space<vmem>> -> memref<1024xf32, #tpu.memory_space<vmem>>
    %dma_wait3A_2181 = arith.constant 0 : i32
    %dma_wait3A_2182 = tpu.memref_slice %arg5[%select_n3A_1323, %dma_wait3A_2178, %select_n3A_1339, %dma_wait3A_2181] : memref<4x8x32x1024xf32, #tpu.memory_space<hbm>> -> memref<1x1x1x1024xf32, #tpu.memory_space<hbm>>
    %dma_wait3A_2183 = tpu.memref_squeeze %dma_wait3A_2182 : memref<1x1x1x1024xf32, #tpu.memory_space<hbm>> -> memref<1024xf32, #tpu.memory_space<hbm>>
    %dma_wait3A_2184 = arith.constant 0 : i32
    %dma_wait3A_2185 = tpu.memref_slice %arg5[%select_n3A_1323, %dma_wait3A_2178, %select_n3A_1339, %dma_wait3A_2184] : memref<4x8x32x1024xf32, #tpu.memory_space<hbm>> -> memref<1x1x1x1024xf32, #tpu.memory_space<hbm>>
    %dma_wait3A_2186 = tpu.memref_squeeze %dma_wait3A_2185 : memref<1x1x1x1024xf32, #tpu.memory_space<hbm>> -> memref<1024xf32, #tpu.memory_space<hbm>>
    %dma_wait3A_2187 = arith.constant 18432 : i32
    %dma_wait3A_2188 = tpu.memref_slice %arg10[%dma_wait3A_2187] : memref<32768xf32, #tpu.memory_space<vmem>> -> memref<1024xf32, #tpu.memory_space<vmem>>
    tpu.wait_dma2 semaphore(%arg16 : memref<!tpu.dma_semaphore, #tpu.memory_space<semaphore_mem>>) src(%dma_wait3A_2188 : memref<1024xf32, #tpu.memory_space<vmem>>) dst(%dma_wait3A_2186 : memref<1024xf32, #tpu.memory_space<hbm>>)
    %dma_wait3A_2189 = arith.constant 2 : i32
    %dma_wait3A_2190 = arith.constant 18432 : i32
    %dma_wait3A_2191 = tpu.memref_slice %arg11[%dma_wait3A_2190] : memref<32768xf32, #tpu.memory_space<vmem>> -> memref<1024xf32, #tpu.memory_space<vmem>>
    %dma_wait3A_2192 = arith.constant 0 : i32
    %dma_wait3A_2193 = tpu.memref_slice %arg6[%select_n3A_1323, %dma_wait3A_2189, %select_n3A_1339, %dma_wait3A_2192] : memref<4x8x32x1024xf32, #tpu.memory_space<hbm>> -> memref<1x1x1x1024xf32, #tpu.memory_space<hbm>>
    %dma_wait3A_2194 = tpu.memref_squeeze %dma_wait3A_2193 : memref<1x1x1x1024xf32, #tpu.memory_space<hbm>> -> memref<1024xf32, #tpu.memory_space<hbm>>
    %dma_wait3A_2195 = arith.constant 0 : i32
    %dma_wait3A_2196 = tpu.memref_slice %arg6[%select_n3A_1323, %dma_wait3A_2189, %select_n3A_1339, %dma_wait3A_2195] : memref<4x8x32x1024xf32, #tpu.memory_space<hbm>> -> memref<1x1x1x1024xf32, #tpu.memory_space<hbm>>
    %dma_wait3A_2197 = tpu.memref_squeeze %dma_wait3A_2196 : memref<1x1x1x1024xf32, #tpu.memory_space<hbm>> -> memref<1024xf32, #tpu.memory_space<hbm>>
    %dma_wait3A_2198 = arith.constant 18432 : i32
    %dma_wait3A_2199 = tpu.memref_slice %arg11[%dma_wait3A_2198] : memref<32768xf32, #tpu.memory_space<vmem>> -> memref<1024xf32, #tpu.memory_space<vmem>>
    tpu.wait_dma2 semaphore(%arg16 : memref<!tpu.dma_semaphore, #tpu.memory_space<semaphore_mem>>) src(%dma_wait3A_2199 : memref<1024xf32, #tpu.memory_space<vmem>>) dst(%dma_wait3A_2197 : memref<1024xf32, #tpu.memory_space<hbm>>)
    %dma_wait3A_2200 = arith.constant 3 : i32
    %dma_wait3A_2201 = arith.constant 19456 : i32
    %dma_wait3A_2202 = tpu.memref_slice %arg10[%dma_wait3A_2201] : memref<32768xf32, #tpu.memory_space<vmem>> -> memref<1024xf32, #tpu.memory_space<vmem>>
    %dma_wait3A_2203 = arith.constant 0 : i32
    %dma_wait3A_2204 = tpu.memref_slice %arg5[%select_n3A_1323, %dma_wait3A_2200, %select_n3A_1339, %dma_wait3A_2203] : memref<4x8x32x1024xf32, #tpu.memory_space<hbm>> -> memref<1x1x1x1024xf32, #tpu.memory_space<hbm>>
    %dma_wait3A_2205 = tpu.memref_squeeze %dma_wait3A_2204 : memref<1x1x1x1024xf32, #tpu.memory_space<hbm>> -> memref<1024xf32, #tpu.memory_space<hbm>>
    %dma_wait3A_2206 = arith.constant 0 : i32
    %dma_wait3A_2207 = tpu.memref_slice %arg5[%select_n3A_1323, %dma_wait3A_2200, %select_n3A_1339, %dma_wait3A_2206] : memref<4x8x32x1024xf32, #tpu.memory_space<hbm>> -> memref<1x1x1x1024xf32, #tpu.memory_space<hbm>>
    %dma_wait3A_2208 = tpu.memref_squeeze %dma_wait3A_2207 : memref<1x1x1x1024xf32, #tpu.memory_space<hbm>> -> memref<1024xf32, #tpu.memory_space<hbm>>
    %dma_wait3A_2209 = arith.constant 19456 : i32
    %dma_wait3A_2210 = tpu.memref_slice %arg10[%dma_wait3A_2209] : memref<32768xf32, #tpu.memory_space<vmem>> -> memref<1024xf32, #tpu.memory_space<vmem>>
    tpu.wait_dma2 semaphore(%arg16 : memref<!tpu.dma_semaphore, #tpu.memory_space<semaphore_mem>>) src(%dma_wait3A_2210 : memref<1024xf32, #tpu.memory_space<vmem>>) dst(%dma_wait3A_2208 : memref<1024xf32, #tpu.memory_space<hbm>>)
    %dma_wait3A_2211 = arith.constant 3 : i32
    %dma_wait3A_2212 = arith.constant 19456 : i32
    %dma_wait3A_2213 = tpu.memref_slice %arg11[%dma_wait3A_2212] : memref<32768xf32, #tpu.memory_space<vmem>> -> memref<1024xf32, #tpu.memory_space<vmem>>
    %dma_wait3A_2214 = arith.constant 0 : i32
    %dma_wait3A_2215 = tpu.memref_slice %arg6[%select_n3A_1323, %dma_wait3A_2211, %select_n3A_1339, %dma_wait3A_2214] : memref<4x8x32x1024xf32, #tpu.memory_space<hbm>> -> memref<1x1x1x1024xf32, #tpu.memory_space<hbm>>
    %dma_wait3A_2216 = tpu.memref_squeeze %dma_wait3A_2215 : memref<1x1x1x1024xf32, #tpu.memory_space<hbm>> -> memref<1024xf32, #tpu.memory_space<hbm>>
    %dma_wait3A_2217 = arith.constant 0 : i32
    %dma_wait3A_2218 = tpu.memref_slice %arg6[%select_n3A_1323, %dma_wait3A_2211, %select_n3A_1339, %dma_wait3A_2217] : memref<4x8x32x1024xf32, #tpu.memory_space<hbm>> -> memref<1x1x1x1024xf32, #tpu.memory_space<hbm>>
    %dma_wait3A_2219 = tpu.memref_squeeze %dma_wait3A_2218 : memref<1x1x1x1024xf32, #tpu.memory_space<hbm>> -> memref<1024xf32, #tpu.memory_space<hbm>>
    %dma_wait3A_2220 = arith.constant 19456 : i32
    %dma_wait3A_2221 = tpu.memref_slice %arg11[%dma_wait3A_2220] : memref<32768xf32, #tpu.memory_space<vmem>> -> memref<1024xf32, #tpu.memory_space<vmem>>
    tpu.wait_dma2 semaphore(%arg16 : memref<!tpu.dma_semaphore, #tpu.memory_space<semaphore_mem>>) src(%dma_wait3A_2221 : memref<1024xf32, #tpu.memory_space<vmem>>) dst(%dma_wait3A_2219 : memref<1024xf32, #tpu.memory_space<hbm>>)
    %dma_wait3A_2222 = arith.constant 4 : i32
    %dma_wait3A_2223 = arith.constant 20480 : i32
    %dma_wait3A_2224 = tpu.memref_slice %arg10[%dma_wait3A_2223] : memref<32768xf32, #tpu.memory_space<vmem>> -> memref<1024xf32, #tpu.memory_space<vmem>>
    %dma_wait3A_2225 = arith.constant 0 : i32
    %dma_wait3A_2226 = tpu.memref_slice %arg5[%select_n3A_1323, %dma_wait3A_2222, %select_n3A_1339, %dma_wait3A_2225] : memref<4x8x32x1024xf32, #tpu.memory_space<hbm>> -> memref<1x1x1x1024xf32, #tpu.memory_space<hbm>>
    %dma_wait3A_2227 = tpu.memref_squeeze %dma_wait3A_2226 : memref<1x1x1x1024xf32, #tpu.memory_space<hbm>> -> memref<1024xf32, #tpu.memory_space<hbm>>
    %dma_wait3A_2228 = arith.constant 0 : i32
    %dma_wait3A_2229 = tpu.memref_slice %arg5[%select_n3A_1323, %dma_wait3A_2222, %select_n3A_1339, %dma_wait3A_2228] : memref<4x8x32x1024xf32, #tpu.memory_space<hbm>> -> memref<1x1x1x1024xf32, #tpu.memory_space<hbm>>
    %dma_wait3A_2230 = tpu.memref_squeeze %dma_wait3A_2229 : memref<1x1x1x1024xf32, #tpu.memory_space<hbm>> -> memref<1024xf32, #tpu.memory_space<hbm>>
    %dma_wait3A_2231 = arith.constant 20480 : i32
    %dma_wait3A_2232 = tpu.memref_slice %arg10[%dma_wait3A_2231] : memref<32768xf32, #tpu.memory_space<vmem>> -> memref<1024xf32, #tpu.memory_space<vmem>>
    tpu.wait_dma2 semaphore(%arg16 : memref<!tpu.dma_semaphore, #tpu.memory_space<semaphore_mem>>) src(%dma_wait3A_2232 : memref<1024xf32, #tpu.memory_space<vmem>>) dst(%dma_wait3A_2230 : memref<1024xf32, #tpu.memory_space<hbm>>)
    %dma_wait3A_2233 = arith.constant 4 : i32
    %dma_wait3A_2234 = arith.constant 20480 : i32
    %dma_wait3A_2235 = tpu.memref_slice %arg11[%dma_wait3A_2234] : memref<32768xf32, #tpu.memory_space<vmem>> -> memref<1024xf32, #tpu.memory_space<vmem>>
    %dma_wait3A_2236 = arith.constant 0 : i32
    %dma_wait3A_2237 = tpu.memref_slice %arg6[%select_n3A_1323, %dma_wait3A_2233, %select_n3A_1339, %dma_wait3A_2236] : memref<4x8x32x1024xf32, #tpu.memory_space<hbm>> -> memref<1x1x1x1024xf32, #tpu.memory_space<hbm>>
    %dma_wait3A_2238 = tpu.memref_squeeze %dma_wait3A_2237 : memref<1x1x1x1024xf32, #tpu.memory_space<hbm>> -> memref<1024xf32, #tpu.memory_space<hbm>>
    %dma_wait3A_2239 = arith.constant 0 : i32
    %dma_wait3A_2240 = tpu.memref_slice %arg6[%select_n3A_1323, %dma_wait3A_2233, %select_n3A_1339, %dma_wait3A_2239] : memref<4x8x32x1024xf32, #tpu.memory_space<hbm>> -> memref<1x1x1x1024xf32, #tpu.memory_space<hbm>>
    %dma_wait3A_2241 = tpu.memref_squeeze %dma_wait3A_2240 : memref<1x1x1x1024xf32, #tpu.memory_space<hbm>> -> memref<1024xf32, #tpu.memory_space<hbm>>
    %dma_wait3A_2242 = arith.constant 20480 : i32
    %dma_wait3A_2243 = tpu.memref_slice %arg11[%dma_wait3A_2242] : memref<32768xf32, #tpu.memory_space<vmem>> -> memref<1024xf32, #tpu.memory_space<vmem>>
    tpu.wait_dma2 semaphore(%arg16 : memref<!tpu.dma_semaphore, #tpu.memory_space<semaphore_mem>>) src(%dma_wait3A_2243 : memref<1024xf32, #tpu.memory_space<vmem>>) dst(%dma_wait3A_2241 : memref<1024xf32, #tpu.memory_space<hbm>>)
    %dma_wait3A_2244 = arith.constant 5 : i32
    %dma_wait3A_2245 = arith.constant 21504 : i32
    %dma_wait3A_2246 = tpu.memref_slice %arg10[%dma_wait3A_2245] : memref<32768xf32, #tpu.memory_space<vmem>> -> memref<1024xf32, #tpu.memory_space<vmem>>
    %dma_wait3A_2247 = arith.constant 0 : i32
    %dma_wait3A_2248 = tpu.memref_slice %arg5[%select_n3A_1323, %dma_wait3A_2244, %select_n3A_1339, %dma_wait3A_2247] : memref<4x8x32x1024xf32, #tpu.memory_space<hbm>> -> memref<1x1x1x1024xf32, #tpu.memory_space<hbm>>
    %dma_wait3A_2249 = tpu.memref_squeeze %dma_wait3A_2248 : memref<1x1x1x1024xf32, #tpu.memory_space<hbm>> -> memref<1024xf32, #tpu.memory_space<hbm>>
    %dma_wait3A_2250 = arith.constant 0 : i32
    %dma_wait3A_2251 = tpu.memref_slice %arg5[%select_n3A_1323, %dma_wait3A_2244, %select_n3A_1339, %dma_wait3A_2250] : memref<4x8x32x1024xf32, #tpu.memory_space<hbm>> -> memref<1x1x1x1024xf32, #tpu.memory_space<hbm>>
    %dma_wait3A_2252 = tpu.memref_squeeze %dma_wait3A_2251 : memref<1x1x1x1024xf32, #tpu.memory_space<hbm>> -> memref<1024xf32, #tpu.memory_space<hbm>>
    %dma_wait3A_2253 = arith.constant 21504 : i32
    %dma_wait3A_2254 = tpu.memref_slice %arg10[%dma_wait3A_2253] : memref<32768xf32, #tpu.memory_space<vmem>> -> memref<1024xf32, #tpu.memory_space<vmem>>
    tpu.wait_dma2 semaphore(%arg16 : memref<!tpu.dma_semaphore, #tpu.memory_space<semaphore_mem>>) src(%dma_wait3A_2254 : memref<1024xf32, #tpu.memory_space<vmem>>) dst(%dma_wait3A_2252 : memref<1024xf32, #tpu.memory_space<hbm>>)
    %dma_wait3A_2255 = arith.constant 5 : i32
    %dma_wait3A_2256 = arith.constant 21504 : i32
    %dma_wait3A_2257 = tpu.memref_slice %arg11[%dma_wait3A_2256] : memref<32768xf32, #tpu.memory_space<vmem>> -> memref<1024xf32, #tpu.memory_space<vmem>>
    %dma_wait3A_2258 = arith.constant 0 : i32
    %dma_wait3A_2259 = tpu.memref_slice %arg6[%select_n3A_1323, %dma_wait3A_2255, %select_n3A_1339, %dma_wait3A_2258] : memref<4x8x32x1024xf32, #tpu.memory_space<hbm>> -> memref<1x1x1x1024xf32, #tpu.memory_space<hbm>>
    %dma_wait3A_2260 = tpu.memref_squeeze %dma_wait3A_2259 : memref<1x1x1x1024xf32, #tpu.memory_space<hbm>> -> memref<1024xf32, #tpu.memory_space<hbm>>
    %dma_wait3A_2261 = arith.constant 0 : i32
    %dma_wait3A_2262 = tpu.memref_slice %arg6[%select_n3A_1323, %dma_wait3A_2255, %select_n3A_1339, %dma_wait3A_2261] : memref<4x8x32x1024xf32, #tpu.memory_space<hbm>> -> memref<1x1x1x1024xf32, #tpu.memory_space<hbm>>
    %dma_wait3A_2263 = tpu.memref_squeeze %dma_wait3A_2262 : memref<1x1x1x1024xf32, #tpu.memory_space<hbm>> -> memref<1024xf32, #tpu.memory_space<hbm>>
    %dma_wait3A_2264 = arith.constant 21504 : i32
    %dma_wait3A_2265 = tpu.memref_slice %arg11[%dma_wait3A_2264] : memref<32768xf32, #tpu.memory_space<vmem>> -> memref<1024xf32, #tpu.memory_space<vmem>>
    tpu.wait_dma2 semaphore(%arg16 : memref<!tpu.dma_semaphore, #tpu.memory_space<semaphore_mem>>) src(%dma_wait3A_2265 : memref<1024xf32, #tpu.memory_space<vmem>>) dst(%dma_wait3A_2263 : memref<1024xf32, #tpu.memory_space<hbm>>)
    %dma_wait3A_2266 = arith.constant 6 : i32
    %dma_wait3A_2267 = arith.constant 22528 : i32
    %dma_wait3A_2268 = tpu.memref_slice %arg10[%dma_wait3A_2267] : memref<32768xf32, #tpu.memory_space<vmem>> -> memref<1024xf32, #tpu.memory_space<vmem>>
    %dma_wait3A_2269 = arith.constant 0 : i32
    %dma_wait3A_2270 = tpu.memref_slice %arg5[%select_n3A_1323, %dma_wait3A_2266, %select_n3A_1339, %dma_wait3A_2269] : memref<4x8x32x1024xf32, #tpu.memory_space<hbm>> -> memref<1x1x1x1024xf32, #tpu.memory_space<hbm>>
    %dma_wait3A_2271 = tpu.memref_squeeze %dma_wait3A_2270 : memref<1x1x1x1024xf32, #tpu.memory_space<hbm>> -> memref<1024xf32, #tpu.memory_space<hbm>>
    %dma_wait3A_2272 = arith.constant 0 : i32
    %dma_wait3A_2273 = tpu.memref_slice %arg5[%select_n3A_1323, %dma_wait3A_2266, %select_n3A_1339, %dma_wait3A_2272] : memref<4x8x32x1024xf32, #tpu.memory_space<hbm>> -> memref<1x1x1x1024xf32, #tpu.memory_space<hbm>>
    %dma_wait3A_2274 = tpu.memref_squeeze %dma_wait3A_2273 : memref<1x1x1x1024xf32, #tpu.memory_space<hbm>> -> memref<1024xf32, #tpu.memory_space<hbm>>
    %dma_wait3A_2275 = arith.constant 22528 : i32
    %dma_wait3A_2276 = tpu.memref_slice %arg10[%dma_wait3A_2275] : memref<32768xf32, #tpu.memory_space<vmem>> -> memref<1024xf32, #tpu.memory_space<vmem>>
    tpu.wait_dma2 semaphore(%arg16 : memref<!tpu.dma_semaphore, #tpu.memory_space<semaphore_mem>>) src(%dma_wait3A_2276 : memref<1024xf32, #tpu.memory_space<vmem>>) dst(%dma_wait3A_2274 : memref<1024xf32, #tpu.memory_space<hbm>>)
    %dma_wait3A_2277 = arith.constant 6 : i32
    %dma_wait3A_2278 = arith.constant 22528 : i32
    %dma_wait3A_2279 = tpu.memref_slice %arg11[%dma_wait3A_2278] : memref<32768xf32, #tpu.memory_space<vmem>> -> memref<1024xf32, #tpu.memory_space<vmem>>
    %dma_wait3A_2280 = arith.constant 0 : i32
    %dma_wait3A_2281 = tpu.memref_slice %arg6[%select_n3A_1323, %dma_wait3A_2277, %select_n3A_1339, %dma_wait3A_2280] : memref<4x8x32x1024xf32, #tpu.memory_space<hbm>> -> memref<1x1x1x1024xf32, #tpu.memory_space<hbm>>
    %dma_wait3A_2282 = tpu.memref_squeeze %dma_wait3A_2281 : memref<1x1x1x1024xf32, #tpu.memory_space<hbm>> -> memref<1024xf32, #tpu.memory_space<hbm>>
    %dma_wait3A_2283 = arith.constant 0 : i32
    %dma_wait3A_2284 = tpu.memref_slice %arg6[%select_n3A_1323, %dma_wait3A_2277, %select_n3A_1339, %dma_wait3A_2283] : memref<4x8x32x1024xf32, #tpu.memory_space<hbm>> -> memref<1x1x1x1024xf32, #tpu.memory_space<hbm>>
    %dma_wait3A_2285 = tpu.memref_squeeze %dma_wait3A_2284 : memref<1x1x1x1024xf32, #tpu.memory_space<hbm>> -> memref<1024xf32, #tpu.memory_space<hbm>>
    %dma_wait3A_2286 = arith.constant 22528 : i32
    %dma_wait3A_2287 = tpu.memref_slice %arg11[%dma_wait3A_2286] : memref<32768xf32, #tpu.memory_space<vmem>> -> memref<1024xf32, #tpu.memory_space<vmem>>
    tpu.wait_dma2 semaphore(%arg16 : memref<!tpu.dma_semaphore, #tpu.memory_space<semaphore_mem>>) src(%dma_wait3A_2287 : memref<1024xf32, #tpu.memory_space<vmem>>) dst(%dma_wait3A_2285 : memref<1024xf32, #tpu.memory_space<hbm>>)
    %dma_wait3A_2288 = arith.constant 7 : i32
    %dma_wait3A_2289 = arith.constant 23552 : i32
    %dma_wait3A_2290 = tpu.memref_slice %arg10[%dma_wait3A_2289] : memref<32768xf32, #tpu.memory_space<vmem>> -> memref<1024xf32, #tpu.memory_space<vmem>>
    %dma_wait3A_2291 = arith.constant 0 : i32
    %dma_wait3A_2292 = tpu.memref_slice %arg5[%select_n3A_1323, %dma_wait3A_2288, %select_n3A_1339, %dma_wait3A_2291] : memref<4x8x32x1024xf32, #tpu.memory_space<hbm>> -> memref<1x1x1x1024xf32, #tpu.memory_space<hbm>>
    %dma_wait3A_2293 = tpu.memref_squeeze %dma_wait3A_2292 : memref<1x1x1x1024xf32, #tpu.memory_space<hbm>> -> memref<1024xf32, #tpu.memory_space<hbm>>
    %dma_wait3A_2294 = arith.constant 0 : i32
    %dma_wait3A_2295 = tpu.memref_slice %arg5[%select_n3A_1323, %dma_wait3A_2288, %select_n3A_1339, %dma_wait3A_2294] : memref<4x8x32x1024xf32, #tpu.memory_space<hbm>> -> memref<1x1x1x1024xf32, #tpu.memory_space<hbm>>
    %dma_wait3A_2296 = tpu.memref_squeeze %dma_wait3A_2295 : memref<1x1x1x1024xf32, #tpu.memory_space<hbm>> -> memref<1024xf32, #tpu.memory_space<hbm>>
    %dma_wait3A_2297 = arith.constant 23552 : i32
    %dma_wait3A_2298 = tpu.memref_slice %arg10[%dma_wait3A_2297] : memref<32768xf32, #tpu.memory_space<vmem>> -> memref<1024xf32, #tpu.memory_space<vmem>>
    tpu.wait_dma2 semaphore(%arg16 : memref<!tpu.dma_semaphore, #tpu.memory_space<semaphore_mem>>) src(%dma_wait3A_2298 : memref<1024xf32, #tpu.memory_space<vmem>>) dst(%dma_wait3A_2296 : memref<1024xf32, #tpu.memory_space<hbm>>)
    %dma_wait3A_2299 = arith.constant 7 : i32
    %dma_wait3A_2300 = arith.constant 23552 : i32
    %dma_wait3A_2301 = tpu.memref_slice %arg11[%dma_wait3A_2300] : memref<32768xf32, #tpu.memory_space<vmem>> -> memref<1024xf32, #tpu.memory_space<vmem>>
    %dma_wait3A_2302 = arith.constant 0 : i32
    %dma_wait3A_2303 = tpu.memref_slice %arg6[%select_n3A_1323, %dma_wait3A_2299, %select_n3A_1339, %dma_wait3A_2302] : memref<4x8x32x1024xf32, #tpu.memory_space<hbm>> -> memref<1x1x1x1024xf32, #tpu.memory_space<hbm>>
    %dma_wait3A_2304 = tpu.memref_squeeze %dma_wait3A_2303 : memref<1x1x1x1024xf32, #tpu.memory_space<hbm>> -> memref<1024xf32, #tpu.memory_space<hbm>>
    %dma_wait3A_2305 = arith.constant 0 : i32
    %dma_wait3A_2306 = tpu.memref_slice %arg6[%select_n3A_1323, %dma_wait3A_2299, %select_n3A_1339, %dma_wait3A_2305] : memref<4x8x32x1024xf32, #tpu.memory_space<hbm>> -> memref<1x1x1x1024xf32, #tpu.memory_space<hbm>>
    %dma_wait3A_2307 = tpu.memref_squeeze %dma_wait3A_2306 : memref<1x1x1x1024xf32, #tpu.memory_space<hbm>> -> memref<1024xf32, #tpu.memory_space<hbm>>
    %dma_wait3A_2308 = arith.constant 23552 : i32
    %dma_wait3A_2309 = tpu.memref_slice %arg11[%dma_wait3A_2308] : memref<32768xf32, #tpu.memory_space<vmem>> -> memref<1024xf32, #tpu.memory_space<vmem>>
    tpu.wait_dma2 semaphore(%arg16 : memref<!tpu.dma_semaphore, #tpu.memory_space<semaphore_mem>>) src(%dma_wait3A_2309 : memref<1024xf32, #tpu.memory_space<vmem>>) dst(%dma_wait3A_2307 : memref<1024xf32, #tpu.memory_space<hbm>>)
    %dma_wait3A_2310 = arith.constant 0 : i32
    %dma_wait3A_2311 = arith.constant 24576 : i32
    %dma_wait3A_2312 = tpu.memref_slice %arg10[%dma_wait3A_2311] : memref<32768xf32, #tpu.memory_space<vmem>> -> memref<1024xf32, #tpu.memory_space<vmem>>
    %dma_wait3A_2313 = arith.constant 0 : i32
    %dma_wait3A_2314 = tpu.memref_slice %arg5[%select_n3A_1565, %dma_wait3A_2310, %select_n3A_1581, %dma_wait3A_2313] : memref<4x8x32x1024xf32, #tpu.memory_space<hbm>> -> memref<1x1x1x1024xf32, #tpu.memory_space<hbm>>
    %dma_wait3A_2315 = tpu.memref_squeeze %dma_wait3A_2314 : memref<1x1x1x1024xf32, #tpu.memory_space<hbm>> -> memref<1024xf32, #tpu.memory_space<hbm>>
    %dma_wait3A_2316 = arith.constant 0 : i32
    %dma_wait3A_2317 = tpu.memref_slice %arg5[%select_n3A_1565, %dma_wait3A_2310, %select_n3A_1581, %dma_wait3A_2316] : memref<4x8x32x1024xf32, #tpu.memory_space<hbm>> -> memref<1x1x1x1024xf32, #tpu.memory_space<hbm>>
    %dma_wait3A_2318 = tpu.memref_squeeze %dma_wait3A_2317 : memref<1x1x1x1024xf32, #tpu.memory_space<hbm>> -> memref<1024xf32, #tpu.memory_space<hbm>>
    %dma_wait3A_2319 = arith.constant 24576 : i32
    %dma_wait3A_2320 = tpu.memref_slice %arg10[%dma_wait3A_2319] : memref<32768xf32, #tpu.memory_space<vmem>> -> memref<1024xf32, #tpu.memory_space<vmem>>
    tpu.wait_dma2 semaphore(%arg16 : memref<!tpu.dma_semaphore, #tpu.memory_space<semaphore_mem>>) src(%dma_wait3A_2320 : memref<1024xf32, #tpu.memory_space<vmem>>) dst(%dma_wait3A_2318 : memref<1024xf32, #tpu.memory_space<hbm>>)
    %dma_wait3A_2321 = arith.constant 0 : i32
    %dma_wait3A_2322 = arith.constant 24576 : i32
    %dma_wait3A_2323 = tpu.memref_slice %arg11[%dma_wait3A_2322] : memref<32768xf32, #tpu.memory_space<vmem>> -> memref<1024xf32, #tpu.memory_space<vmem>>
    %dma_wait3A_2324 = arith.constant 0 : i32
    %dma_wait3A_2325 = tpu.memref_slice %arg6[%select_n3A_1565, %dma_wait3A_2321, %select_n3A_1581, %dma_wait3A_2324] : memref<4x8x32x1024xf32, #tpu.memory_space<hbm>> -> memref<1x1x1x1024xf32, #tpu.memory_space<hbm>>
    %dma_wait3A_2326 = tpu.memref_squeeze %dma_wait3A_2325 : memref<1x1x1x1024xf32, #tpu.memory_space<hbm>> -> memref<1024xf32, #tpu.memory_space<hbm>>
    %dma_wait3A_2327 = arith.constant 0 : i32
    %dma_wait3A_2328 = tpu.memref_slice %arg6[%select_n3A_1565, %dma_wait3A_2321, %select_n3A_1581, %dma_wait3A_2327] : memref<4x8x32x1024xf32, #tpu.memory_space<hbm>> -> memref<1x1x1x1024xf32, #tpu.memory_space<hbm>>
    %dma_wait3A_2329 = tpu.memref_squeeze %dma_wait3A_2328 : memref<1x1x1x1024xf32, #tpu.memory_space<hbm>> -> memref<1024xf32, #tpu.memory_space<hbm>>
    %dma_wait3A_2330 = arith.constant 24576 : i32
    %dma_wait3A_2331 = tpu.memref_slice %arg11[%dma_wait3A_2330] : memref<32768xf32, #tpu.memory_space<vmem>> -> memref<1024xf32, #tpu.memory_space<vmem>>
    tpu.wait_dma2 semaphore(%arg16 : memref<!tpu.dma_semaphore, #tpu.memory_space<semaphore_mem>>) src(%dma_wait3A_2331 : memref<1024xf32, #tpu.memory_space<vmem>>) dst(%dma_wait3A_2329 : memref<1024xf32, #tpu.memory_space<hbm>>)
    %dma_wait3A_2332 = arith.constant 1 : i32
    %dma_wait3A_2333 = arith.constant 25600 : i32
    %dma_wait3A_2334 = tpu.memref_slice %arg10[%dma_wait3A_2333] : memref<32768xf32, #tpu.memory_space<vmem>> -> memref<1024xf32, #tpu.memory_space<vmem>>
    %dma_wait3A_2335 = arith.constant 0 : i32
    %dma_wait3A_2336 = tpu.memref_slice %arg5[%select_n3A_1565, %dma_wait3A_2332, %select_n3A_1581, %dma_wait3A_2335] : memref<4x8x32x1024xf32, #tpu.memory_space<hbm>> -> memref<1x1x1x1024xf32, #tpu.memory_space<hbm>>
    %dma_wait3A_2337 = tpu.memref_squeeze %dma_wait3A_2336 : memref<1x1x1x1024xf32, #tpu.memory_space<hbm>> -> memref<1024xf32, #tpu.memory_space<hbm>>
    %dma_wait3A_2338 = arith.constant 0 : i32
    %dma_wait3A_2339 = tpu.memref_slice %arg5[%select_n3A_1565, %dma_wait3A_2332, %select_n3A_1581, %dma_wait3A_2338] : memref<4x8x32x1024xf32, #tpu.memory_space<hbm>> -> memref<1x1x1x1024xf32, #tpu.memory_space<hbm>>
    %dma_wait3A_2340 = tpu.memref_squeeze %dma_wait3A_2339 : memref<1x1x1x1024xf32, #tpu.memory_space<hbm>> -> memref<1024xf32, #tpu.memory_space<hbm>>
    %dma_wait3A_2341 = arith.constant 25600 : i32
    %dma_wait3A_2342 = tpu.memref_slice %arg10[%dma_wait3A_2341] : memref<32768xf32, #tpu.memory_space<vmem>> -> memref<1024xf32, #tpu.memory_space<vmem>>
    tpu.wait_dma2 semaphore(%arg16 : memref<!tpu.dma_semaphore, #tpu.memory_space<semaphore_mem>>) src(%dma_wait3A_2342 : memref<1024xf32, #tpu.memory_space<vmem>>) dst(%dma_wait3A_2340 : memref<1024xf32, #tpu.memory_space<hbm>>)
    %dma_wait3A_2343 = arith.constant 1 : i32
    %dma_wait3A_2344 = arith.constant 25600 : i32
    %dma_wait3A_2345 = tpu.memref_slice %arg11[%dma_wait3A_2344] : memref<32768xf32, #tpu.memory_space<vmem>> -> memref<1024xf32, #tpu.memory_space<vmem>>
    %dma_wait3A_2346 = arith.constant 0 : i32
    %dma_wait3A_2347 = tpu.memref_slice %arg6[%select_n3A_1565, %dma_wait3A_2343, %select_n3A_1581, %dma_wait3A_2346] : memref<4x8x32x1024xf32, #tpu.memory_space<hbm>> -> memref<1x1x1x1024xf32, #tpu.memory_space<hbm>>
    %dma_wait3A_2348 = tpu.memref_squeeze %dma_wait3A_2347 : memref<1x1x1x1024xf32, #tpu.memory_space<hbm>> -> memref<1024xf32, #tpu.memory_space<hbm>>
    %dma_wait3A_2349 = arith.constant 0 : i32
    %dma_wait3A_2350 = tpu.memref_slice %arg6[%select_n3A_1565, %dma_wait3A_2343, %select_n3A_1581, %dma_wait3A_2349] : memref<4x8x32x1024xf32, #tpu.memory_space<hbm>> -> memref<1x1x1x1024xf32, #tpu.memory_space<hbm>>
    %dma_wait3A_2351 = tpu.memref_squeeze %dma_wait3A_2350 : memref<1x1x1x1024xf32, #tpu.memory_space<hbm>> -> memref<1024xf32, #tpu.memory_space<hbm>>
    %dma_wait3A_2352 = arith.constant 25600 : i32
    %dma_wait3A_2353 = tpu.memref_slice %arg11[%dma_wait3A_2352] : memref<32768xf32, #tpu.memory_space<vmem>> -> memref<1024xf32, #tpu.memory_space<vmem>>
    tpu.wait_dma2 semaphore(%arg16 : memref<!tpu.dma_semaphore, #tpu.memory_space<semaphore_mem>>) src(%dma_wait3A_2353 : memref<1024xf32, #tpu.memory_space<vmem>>) dst(%dma_wait3A_2351 : memref<1024xf32, #tpu.memory_space<hbm>>)
    %dma_wait3A_2354 = arith.constant 2 : i32
    %dma_wait3A_2355 = arith.constant 26624 : i32
    %dma_wait3A_2356 = tpu.memref_slice %arg10[%dma_wait3A_2355] : memref<32768xf32, #tpu.memory_space<vmem>> -> memref<1024xf32, #tpu.memory_space<vmem>>
    %dma_wait3A_2357 = arith.constant 0 : i32
    %dma_wait3A_2358 = tpu.memref_slice %arg5[%select_n3A_1565, %dma_wait3A_2354, %select_n3A_1581, %dma_wait3A_2357] : memref<4x8x32x1024xf32, #tpu.memory_space<hbm>> -> memref<1x1x1x1024xf32, #tpu.memory_space<hbm>>
    %dma_wait3A_2359 = tpu.memref_squeeze %dma_wait3A_2358 : memref<1x1x1x1024xf32, #tpu.memory_space<hbm>> -> memref<1024xf32, #tpu.memory_space<hbm>>
    %dma_wait3A_2360 = arith.constant 0 : i32
    %dma_wait3A_2361 = tpu.memref_slice %arg5[%select_n3A_1565, %dma_wait3A_2354, %select_n3A_1581, %dma_wait3A_2360] : memref<4x8x32x1024xf32, #tpu.memory_space<hbm>> -> memref<1x1x1x1024xf32, #tpu.memory_space<hbm>>
    %dma_wait3A_2362 = tpu.memref_squeeze %dma_wait3A_2361 : memref<1x1x1x1024xf32, #tpu.memory_space<hbm>> -> memref<1024xf32, #tpu.memory_space<hbm>>
    %dma_wait3A_2363 = arith.constant 26624 : i32
    %dma_wait3A_2364 = tpu.memref_slice %arg10[%dma_wait3A_2363] : memref<32768xf32, #tpu.memory_space<vmem>> -> memref<1024xf32, #tpu.memory_space<vmem>>
    tpu.wait_dma2 semaphore(%arg16 : memref<!tpu.dma_semaphore, #tpu.memory_space<semaphore_mem>>) src(%dma_wait3A_2364 : memref<1024xf32, #tpu.memory_space<vmem>>) dst(%dma_wait3A_2362 : memref<1024xf32, #tpu.memory_space<hbm>>)
    %dma_wait3A_2365 = arith.constant 2 : i32
    %dma_wait3A_2366 = arith.constant 26624 : i32
    %dma_wait3A_2367 = tpu.memref_slice %arg11[%dma_wait3A_2366] : memref<32768xf32, #tpu.memory_space<vmem>> -> memref<1024xf32, #tpu.memory_space<vmem>>
    %dma_wait3A_2368 = arith.constant 0 : i32
    %dma_wait3A_2369 = tpu.memref_slice %arg6[%select_n3A_1565, %dma_wait3A_2365, %select_n3A_1581, %dma_wait3A_2368] : memref<4x8x32x1024xf32, #tpu.memory_space<hbm>> -> memref<1x1x1x1024xf32, #tpu.memory_space<hbm>>
    %dma_wait3A_2370 = tpu.memref_squeeze %dma_wait3A_2369 : memref<1x1x1x1024xf32, #tpu.memory_space<hbm>> -> memref<1024xf32, #tpu.memory_space<hbm>>
    %dma_wait3A_2371 = arith.constant 0 : i32
    %dma_wait3A_2372 = tpu.memref_slice %arg6[%select_n3A_1565, %dma_wait3A_2365, %select_n3A_1581, %dma_wait3A_2371] : memref<4x8x32x1024xf32, #tpu.memory_space<hbm>> -> memref<1x1x1x1024xf32, #tpu.memory_space<hbm>>
    %dma_wait3A_2373 = tpu.memref_squeeze %dma_wait3A_2372 : memref<1x1x1x1024xf32, #tpu.memory_space<hbm>> -> memref<1024xf32, #tpu.memory_space<hbm>>
    %dma_wait3A_2374 = arith.constant 26624 : i32
    %dma_wait3A_2375 = tpu.memref_slice %arg11[%dma_wait3A_2374] : memref<32768xf32, #tpu.memory_space<vmem>> -> memref<1024xf32, #tpu.memory_space<vmem>>
    tpu.wait_dma2 semaphore(%arg16 : memref<!tpu.dma_semaphore, #tpu.memory_space<semaphore_mem>>) src(%dma_wait3A_2375 : memref<1024xf32, #tpu.memory_space<vmem>>) dst(%dma_wait3A_2373 : memref<1024xf32, #tpu.memory_space<hbm>>)
    %dma_wait3A_2376 = arith.constant 3 : i32
    %dma_wait3A_2377 = arith.constant 27648 : i32
    %dma_wait3A_2378 = tpu.memref_slice %arg10[%dma_wait3A_2377] : memref<32768xf32, #tpu.memory_space<vmem>> -> memref<1024xf32, #tpu.memory_space<vmem>>
    %dma_wait3A_2379 = arith.constant 0 : i32
    %dma_wait3A_2380 = tpu.memref_slice %arg5[%select_n3A_1565, %dma_wait3A_2376, %select_n3A_1581, %dma_wait3A_2379] : memref<4x8x32x1024xf32, #tpu.memory_space<hbm>> -> memref<1x1x1x1024xf32, #tpu.memory_space<hbm>>
    %dma_wait3A_2381 = tpu.memref_squeeze %dma_wait3A_2380 : memref<1x1x1x1024xf32, #tpu.memory_space<hbm>> -> memref<1024xf32, #tpu.memory_space<hbm>>
    %dma_wait3A_2382 = arith.constant 0 : i32
    %dma_wait3A_2383 = tpu.memref_slice %arg5[%select_n3A_1565, %dma_wait3A_2376, %select_n3A_1581, %dma_wait3A_2382] : memref<4x8x32x1024xf32, #tpu.memory_space<hbm>> -> memref<1x1x1x1024xf32, #tpu.memory_space<hbm>>
    %dma_wait3A_2384 = tpu.memref_squeeze %dma_wait3A_2383 : memref<1x1x1x1024xf32, #tpu.memory_space<hbm>> -> memref<1024xf32, #tpu.memory_space<hbm>>
    %dma_wait3A_2385 = arith.constant 27648 : i32
    %dma_wait3A_2386 = tpu.memref_slice %arg10[%dma_wait3A_2385] : memref<32768xf32, #tpu.memory_space<vmem>> -> memref<1024xf32, #tpu.memory_space<vmem>>
    tpu.wait_dma2 semaphore(%arg16 : memref<!tpu.dma_semaphore, #tpu.memory_space<semaphore_mem>>) src(%dma_wait3A_2386 : memref<1024xf32, #tpu.memory_space<vmem>>) dst(%dma_wait3A_2384 : memref<1024xf32, #tpu.memory_space<hbm>>)
    %dma_wait3A_2387 = arith.constant 3 : i32
    %dma_wait3A_2388 = arith.constant 27648 : i32
    %dma_wait3A_2389 = tpu.memref_slice %arg11[%dma_wait3A_2388] : memref<32768xf32, #tpu.memory_space<vmem>> -> memref<1024xf32, #tpu.memory_space<vmem>>
    %dma_wait3A_2390 = arith.constant 0 : i32
    %dma_wait3A_2391 = tpu.memref_slice %arg6[%select_n3A_1565, %dma_wait3A_2387, %select_n3A_1581, %dma_wait3A_2390] : memref<4x8x32x1024xf32, #tpu.memory_space<hbm>> -> memref<1x1x1x1024xf32, #tpu.memory_space<hbm>>
    %dma_wait3A_2392 = tpu.memref_squeeze %dma_wait3A_2391 : memref<1x1x1x1024xf32, #tpu.memory_space<hbm>> -> memref<1024xf32, #tpu.memory_space<hbm>>
    %dma_wait3A_2393 = arith.constant 0 : i32
    %dma_wait3A_2394 = tpu.memref_slice %arg6[%select_n3A_1565, %dma_wait3A_2387, %select_n3A_1581, %dma_wait3A_2393] : memref<4x8x32x1024xf32, #tpu.memory_space<hbm>> -> memref<1x1x1x1024xf32, #tpu.memory_space<hbm>>
    %dma_wait3A_2395 = tpu.memref_squeeze %dma_wait3A_2394 : memref<1x1x1x1024xf32, #tpu.memory_space<hbm>> -> memref<1024xf32, #tpu.memory_space<hbm>>
    %dma_wait3A_2396 = arith.constant 27648 : i32
    %dma_wait3A_2397 = tpu.memref_slice %arg11[%dma_wait3A_2396] : memref<32768xf32, #tpu.memory_space<vmem>> -> memref<1024xf32, #tpu.memory_space<vmem>>
    tpu.wait_dma2 semaphore(%arg16 : memref<!tpu.dma_semaphore, #tpu.memory_space<semaphore_mem>>) src(%dma_wait3A_2397 : memref<1024xf32, #tpu.memory_space<vmem>>) dst(%dma_wait3A_2395 : memref<1024xf32, #tpu.memory_space<hbm>>)
    %dma_wait3A_2398 = arith.constant 4 : i32
    %dma_wait3A_2399 = arith.constant 28672 : i32
    %dma_wait3A_2400 = tpu.memref_slice %arg10[%dma_wait3A_2399] : memref<32768xf32, #tpu.memory_space<vmem>> -> memref<1024xf32, #tpu.memory_space<vmem>>
    %dma_wait3A_2401 = arith.constant 0 : i32
    %dma_wait3A_2402 = tpu.memref_slice %arg5[%select_n3A_1565, %dma_wait3A_2398, %select_n3A_1581, %dma_wait3A_2401] : memref<4x8x32x1024xf32, #tpu.memory_space<hbm>> -> memref<1x1x1x1024xf32, #tpu.memory_space<hbm>>
    %dma_wait3A_2403 = tpu.memref_squeeze %dma_wait3A_2402 : memref<1x1x1x1024xf32, #tpu.memory_space<hbm>> -> memref<1024xf32, #tpu.memory_space<hbm>>
    %dma_wait3A_2404 = arith.constant 0 : i32
    %dma_wait3A_2405 = tpu.memref_slice %arg5[%select_n3A_1565, %dma_wait3A_2398, %select_n3A_1581, %dma_wait3A_2404] : memref<4x8x32x1024xf32, #tpu.memory_space<hbm>> -> memref<1x1x1x1024xf32, #tpu.memory_space<hbm>>
    %dma_wait3A_2406 = tpu.memref_squeeze %dma_wait3A_2405 : memref<1x1x1x1024xf32, #tpu.memory_space<hbm>> -> memref<1024xf32, #tpu.memory_space<hbm>>
    %dma_wait3A_2407 = arith.constant 28672 : i32
    %dma_wait3A_2408 = tpu.memref_slice %arg10[%dma_wait3A_2407] : memref<32768xf32, #tpu.memory_space<vmem>> -> memref<1024xf32, #tpu.memory_space<vmem>>
    tpu.wait_dma2 semaphore(%arg16 : memref<!tpu.dma_semaphore, #tpu.memory_space<semaphore_mem>>) src(%dma_wait3A_2408 : memref<1024xf32, #tpu.memory_space<vmem>>) dst(%dma_wait3A_2406 : memref<1024xf32, #tpu.memory_space<hbm>>)
    %dma_wait3A_2409 = arith.constant 4 : i32
    %dma_wait3A_2410 = arith.constant 28672 : i32
    %dma_wait3A_2411 = tpu.memref_slice %arg11[%dma_wait3A_2410] : memref<32768xf32, #tpu.memory_space<vmem>> -> memref<1024xf32, #tpu.memory_space<vmem>>
    %dma_wait3A_2412 = arith.constant 0 : i32
    %dma_wait3A_2413 = tpu.memref_slice %arg6[%select_n3A_1565, %dma_wait3A_2409, %select_n3A_1581, %dma_wait3A_2412] : memref<4x8x32x1024xf32, #tpu.memory_space<hbm>> -> memref<1x1x1x1024xf32, #tpu.memory_space<hbm>>
    %dma_wait3A_2414 = tpu.memref_squeeze %dma_wait3A_2413 : memref<1x1x1x1024xf32, #tpu.memory_space<hbm>> -> memref<1024xf32, #tpu.memory_space<hbm>>
    %dma_wait3A_2415 = arith.constant 0 : i32
    %dma_wait3A_2416 = tpu.memref_slice %arg6[%select_n3A_1565, %dma_wait3A_2409, %select_n3A_1581, %dma_wait3A_2415] : memref<4x8x32x1024xf32, #tpu.memory_space<hbm>> -> memref<1x1x1x1024xf32, #tpu.memory_space<hbm>>
    %dma_wait3A_2417 = tpu.memref_squeeze %dma_wait3A_2416 : memref<1x1x1x1024xf32, #tpu.memory_space<hbm>> -> memref<1024xf32, #tpu.memory_space<hbm>>
    %dma_wait3A_2418 = arith.constant 28672 : i32
    %dma_wait3A_2419 = tpu.memref_slice %arg11[%dma_wait3A_2418] : memref<32768xf32, #tpu.memory_space<vmem>> -> memref<1024xf32, #tpu.memory_space<vmem>>
    tpu.wait_dma2 semaphore(%arg16 : memref<!tpu.dma_semaphore, #tpu.memory_space<semaphore_mem>>) src(%dma_wait3A_2419 : memref<1024xf32, #tpu.memory_space<vmem>>) dst(%dma_wait3A_2417 : memref<1024xf32, #tpu.memory_space<hbm>>)
    %dma_wait3A_2420 = arith.constant 5 : i32
    %dma_wait3A_2421 = arith.constant 29696 : i32
    %dma_wait3A_2422 = tpu.memref_slice %arg10[%dma_wait3A_2421] : memref<32768xf32, #tpu.memory_space<vmem>> -> memref<1024xf32, #tpu.memory_space<vmem>>
    %dma_wait3A_2423 = arith.constant 0 : i32
    %dma_wait3A_2424 = tpu.memref_slice %arg5[%select_n3A_1565, %dma_wait3A_2420, %select_n3A_1581, %dma_wait3A_2423] : memref<4x8x32x1024xf32, #tpu.memory_space<hbm>> -> memref<1x1x1x1024xf32, #tpu.memory_space<hbm>>
    %dma_wait3A_2425 = tpu.memref_squeeze %dma_wait3A_2424 : memref<1x1x1x1024xf32, #tpu.memory_space<hbm>> -> memref<1024xf32, #tpu.memory_space<hbm>>
    %dma_wait3A_2426 = arith.constant 0 : i32
    %dma_wait3A_2427 = tpu.memref_slice %arg5[%select_n3A_1565, %dma_wait3A_2420, %select_n3A_1581, %dma_wait3A_2426] : memref<4x8x32x1024xf32, #tpu.memory_space<hbm>> -> memref<1x1x1x1024xf32, #tpu.memory_space<hbm>>
    %dma_wait3A_2428 = tpu.memref_squeeze %dma_wait3A_2427 : memref<1x1x1x1024xf32, #tpu.memory_space<hbm>> -> memref<1024xf32, #tpu.memory_space<hbm>>
    %dma_wait3A_2429 = arith.constant 29696 : i32
    %dma_wait3A_2430 = tpu.memref_slice %arg10[%dma_wait3A_2429] : memref<32768xf32, #tpu.memory_space<vmem>> -> memref<1024xf32, #tpu.memory_space<vmem>>
    tpu.wait_dma2 semaphore(%arg16 : memref<!tpu.dma_semaphore, #tpu.memory_space<semaphore_mem>>) src(%dma_wait3A_2430 : memref<1024xf32, #tpu.memory_space<vmem>>) dst(%dma_wait3A_2428 : memref<1024xf32, #tpu.memory_space<hbm>>)
    %dma_wait3A_2431 = arith.constant 5 : i32
    %dma_wait3A_2432 = arith.constant 29696 : i32
    %dma_wait3A_2433 = tpu.memref_slice %arg11[%dma_wait3A_2432] : memref<32768xf32, #tpu.memory_space<vmem>> -> memref<1024xf32, #tpu.memory_space<vmem>>
    %dma_wait3A_2434 = arith.constant 0 : i32
    %dma_wait3A_2435 = tpu.memref_slice %arg6[%select_n3A_1565, %dma_wait3A_2431, %select_n3A_1581, %dma_wait3A_2434] : memref<4x8x32x1024xf32, #tpu.memory_space<hbm>> -> memref<1x1x1x1024xf32, #tpu.memory_space<hbm>>
    %dma_wait3A_2436 = tpu.memref_squeeze %dma_wait3A_2435 : memref<1x1x1x1024xf32, #tpu.memory_space<hbm>> -> memref<1024xf32, #tpu.memory_space<hbm>>
    %dma_wait3A_2437 = arith.constant 0 : i32
    %dma_wait3A_2438 = tpu.memref_slice %arg6[%select_n3A_1565, %dma_wait3A_2431, %select_n3A_1581, %dma_wait3A_2437] : memref<4x8x32x1024xf32, #tpu.memory_space<hbm>> -> memref<1x1x1x1024xf32, #tpu.memory_space<hbm>>
    %dma_wait3A_2439 = tpu.memref_squeeze %dma_wait3A_2438 : memref<1x1x1x1024xf32, #tpu.memory_space<hbm>> -> memref<1024xf32, #tpu.memory_space<hbm>>
    %dma_wait3A_2440 = arith.constant 29696 : i32
    %dma_wait3A_2441 = tpu.memref_slice %arg11[%dma_wait3A_2440] : memref<32768xf32, #tpu.memory_space<vmem>> -> memref<1024xf32, #tpu.memory_space<vmem>>
    tpu.wait_dma2 semaphore(%arg16 : memref<!tpu.dma_semaphore, #tpu.memory_space<semaphore_mem>>) src(%dma_wait3A_2441 : memref<1024xf32, #tpu.memory_space<vmem>>) dst(%dma_wait3A_2439 : memref<1024xf32, #tpu.memory_space<hbm>>)
    %dma_wait3A_2442 = arith.constant 6 : i32
    %dma_wait3A_2443 = arith.constant 30720 : i32
    %dma_wait3A_2444 = tpu.memref_slice %arg10[%dma_wait3A_2443] : memref<32768xf32, #tpu.memory_space<vmem>> -> memref<1024xf32, #tpu.memory_space<vmem>>
    %dma_wait3A_2445 = arith.constant 0 : i32
    %dma_wait3A_2446 = tpu.memref_slice %arg5[%select_n3A_1565, %dma_wait3A_2442, %select_n3A_1581, %dma_wait3A_2445] : memref<4x8x32x1024xf32, #tpu.memory_space<hbm>> -> memref<1x1x1x1024xf32, #tpu.memory_space<hbm>>
    %dma_wait3A_2447 = tpu.memref_squeeze %dma_wait3A_2446 : memref<1x1x1x1024xf32, #tpu.memory_space<hbm>> -> memref<1024xf32, #tpu.memory_space<hbm>>
    %dma_wait3A_2448 = arith.constant 0 : i32
    %dma_wait3A_2449 = tpu.memref_slice %arg5[%select_n3A_1565, %dma_wait3A_2442, %select_n3A_1581, %dma_wait3A_2448] : memref<4x8x32x1024xf32, #tpu.memory_space<hbm>> -> memref<1x1x1x1024xf32, #tpu.memory_space<hbm>>
    %dma_wait3A_2450 = tpu.memref_squeeze %dma_wait3A_2449 : memref<1x1x1x1024xf32, #tpu.memory_space<hbm>> -> memref<1024xf32, #tpu.memory_space<hbm>>
    %dma_wait3A_2451 = arith.constant 30720 : i32
    %dma_wait3A_2452 = tpu.memref_slice %arg10[%dma_wait3A_2451] : memref<32768xf32, #tpu.memory_space<vmem>> -> memref<1024xf32, #tpu.memory_space<vmem>>
    tpu.wait_dma2 semaphore(%arg16 : memref<!tpu.dma_semaphore, #tpu.memory_space<semaphore_mem>>) src(%dma_wait3A_2452 : memref<1024xf32, #tpu.memory_space<vmem>>) dst(%dma_wait3A_2450 : memref<1024xf32, #tpu.memory_space<hbm>>)
    %dma_wait3A_2453 = arith.constant 6 : i32
    %dma_wait3A_2454 = arith.constant 30720 : i32
    %dma_wait3A_2455 = tpu.memref_slice %arg11[%dma_wait3A_2454] : memref<32768xf32, #tpu.memory_space<vmem>> -> memref<1024xf32, #tpu.memory_space<vmem>>
    %dma_wait3A_2456 = arith.constant 0 : i32
    %dma_wait3A_2457 = tpu.memref_slice %arg6[%select_n3A_1565, %dma_wait3A_2453, %select_n3A_1581, %dma_wait3A_2456] : memref<4x8x32x1024xf32, #tpu.memory_space<hbm>> -> memref<1x1x1x1024xf32, #tpu.memory_space<hbm>>
    %dma_wait3A_2458 = tpu.memref_squeeze %dma_wait3A_2457 : memref<1x1x1x1024xf32, #tpu.memory_space<hbm>> -> memref<1024xf32, #tpu.memory_space<hbm>>
    %dma_wait3A_2459 = arith.constant 0 : i32
    %dma_wait3A_2460 = tpu.memref_slice %arg6[%select_n3A_1565, %dma_wait3A_2453, %select_n3A_1581, %dma_wait3A_2459] : memref<4x8x32x1024xf32, #tpu.memory_space<hbm>> -> memref<1x1x1x1024xf32, #tpu.memory_space<hbm>>
    %dma_wait3A_2461 = tpu.memref_squeeze %dma_wait3A_2460 : memref<1x1x1x1024xf32, #tpu.memory_space<hbm>> -> memref<1024xf32, #tpu.memory_space<hbm>>
    %dma_wait3A_2462 = arith.constant 30720 : i32
    %dma_wait3A_2463 = tpu.memref_slice %arg11[%dma_wait3A_2462] : memref<32768xf32, #tpu.memory_space<vmem>> -> memref<1024xf32, #tpu.memory_space<vmem>>
    tpu.wait_dma2 semaphore(%arg16 : memref<!tpu.dma_semaphore, #tpu.memory_space<semaphore_mem>>) src(%dma_wait3A_2463 : memref<1024xf32, #tpu.memory_space<vmem>>) dst(%dma_wait3A_2461 : memref<1024xf32, #tpu.memory_space<hbm>>)
    %dma_wait3A_2464 = arith.constant 7 : i32
    %dma_wait3A_2465 = arith.constant 31744 : i32
    %dma_wait3A_2466 = tpu.memref_slice %arg10[%dma_wait3A_2465] : memref<32768xf32, #tpu.memory_space<vmem>> -> memref<1024xf32, #tpu.memory_space<vmem>>
    %dma_wait3A_2467 = arith.constant 0 : i32
    %dma_wait3A_2468 = tpu.memref_slice %arg5[%select_n3A_1565, %dma_wait3A_2464, %select_n3A_1581, %dma_wait3A_2467] : memref<4x8x32x1024xf32, #tpu.memory_space<hbm>> -> memref<1x1x1x1024xf32, #tpu.memory_space<hbm>>
    %dma_wait3A_2469 = tpu.memref_squeeze %dma_wait3A_2468 : memref<1x1x1x1024xf32, #tpu.memory_space<hbm>> -> memref<1024xf32, #tpu.memory_space<hbm>>
    %dma_wait3A_2470 = arith.constant 0 : i32
    %dma_wait3A_2471 = tpu.memref_slice %arg5[%select_n3A_1565, %dma_wait3A_2464, %select_n3A_1581, %dma_wait3A_2470] : memref<4x8x32x1024xf32, #tpu.memory_space<hbm>> -> memref<1x1x1x1024xf32, #tpu.memory_space<hbm>>
    %dma_wait3A_2472 = tpu.memref_squeeze %dma_wait3A_2471 : memref<1x1x1x1024xf32, #tpu.memory_space<hbm>> -> memref<1024xf32, #tpu.memory_space<hbm>>
    %dma_wait3A_2473 = arith.constant 31744 : i32
    %dma_wait3A_2474 = tpu.memref_slice %arg10[%dma_wait3A_2473] : memref<32768xf32, #tpu.memory_space<vmem>> -> memref<1024xf32, #tpu.memory_space<vmem>>
    tpu.wait_dma2 semaphore(%arg16 : memref<!tpu.dma_semaphore, #tpu.memory_space<semaphore_mem>>) src(%dma_wait3A_2474 : memref<1024xf32, #tpu.memory_space<vmem>>) dst(%dma_wait3A_2472 : memref<1024xf32, #tpu.memory_space<hbm>>)
    %dma_wait3A_2475 = arith.constant 7 : i32
    %dma_wait3A_2476 = arith.constant 31744 : i32
    %dma_wait3A_2477 = tpu.memref_slice %arg11[%dma_wait3A_2476] : memref<32768xf32, #tpu.memory_space<vmem>> -> memref<1024xf32, #tpu.memory_space<vmem>>
    %dma_wait3A_2478 = arith.constant 0 : i32
    %dma_wait3A_2479 = tpu.memref_slice %arg6[%select_n3A_1565, %dma_wait3A_2475, %select_n3A_1581, %dma_wait3A_2478] : memref<4x8x32x1024xf32, #tpu.memory_space<hbm>> -> memref<1x1x1x1024xf32, #tpu.memory_space<hbm>>
    %dma_wait3A_2480 = tpu.memref_squeeze %dma_wait3A_2479 : memref<1x1x1x1024xf32, #tpu.memory_space<hbm>> -> memref<1024xf32, #tpu.memory_space<hbm>>
    %dma_wait3A_2481 = arith.constant 0 : i32
    %dma_wait3A_2482 = tpu.memref_slice %arg6[%select_n3A_1565, %dma_wait3A_2475, %select_n3A_1581, %dma_wait3A_2481] : memref<4x8x32x1024xf32, #tpu.memory_space<hbm>> -> memref<1x1x1x1024xf32, #tpu.memory_space<hbm>>
    %dma_wait3A_2483 = tpu.memref_squeeze %dma_wait3A_2482 : memref<1x1x1x1024xf32, #tpu.memory_space<hbm>> -> memref<1024xf32, #tpu.memory_space<hbm>>
    %dma_wait3A_2484 = arith.constant 31744 : i32
    %dma_wait3A_2485 = tpu.memref_slice %arg11[%dma_wait3A_2484] : memref<32768xf32, #tpu.memory_space<vmem>> -> memref<1024xf32, #tpu.memory_space<vmem>>
    tpu.wait_dma2 semaphore(%arg16 : memref<!tpu.dma_semaphore, #tpu.memory_space<semaphore_mem>>) src(%dma_wait3A_2485 : memref<1024xf32, #tpu.memory_space<vmem>>) dst(%dma_wait3A_2483 : memref<1024xf32, #tpu.memory_space<hbm>>)
    return
  }
}

</mosaic_0001>

<sc_bundles>
// kernel: kernel.3.cloned.1.call-start
scs
__scs_entry_jumppad:
0x0: {  	(pc) =	sbr.rel $0x88, $3  }
0x1: {  	(tag) =	ssettag $0x0;
	lr =	simm.s32 $0x1  }
0x2: {  	[smem:$0x3F9E] =	sst lr;
	_ =	strace $0xD0000000  }
0x3: {  	_ = 	snop  }
0x4: {  	_ = 	snop  }
0x5: {  	_ = 	snop  }
0x6: {  	_ = 	snop  }
0x7: {  	_ = 	snop  }
__scs_overlays_trampoline_lowered:
0x8: {  	[smem:$0x3FAD] =	sst s0  }
0x9: {  	[smem:$0x3FAE] =	sst s1  }
0xa: {  	[smem:$0x3FAF] =	sst s2  }
0xb: {  	[smem:$0x3FB0] =	sst s3  }
0xc: {  	[smem:$0x3FB1] =	sst s4  }
0xd: {  	[smem:$0x3FB2] =	sst s5  }
0xe: {  	[smem:$0x3FB3] =	sst s6  }
0xf: {  	[smem:$0x3FB4] =	sst s7  }
0x10: {  	[smem:$0x3FB5] =	sst s8  }
0x11: {  	[smem:$0x3FB6] =	sst s9;
	s0 =	simm.s32 @!p0 $0x0  }
0x12: {  	s1 =	sld [smem:$0x3F9C];
	s0 =	simm.s32 @p0 $0x1  }
0x13: {  	[smem:$0x3FB7] =	sst s0;
	s0 =	simm.s32 @!p1 $0x0  }
0x14: {  	s2 =	sld [smem:$0x3F9B];
	s0 =	simm.s32 @p1 $0x1  }
0x15: {  	[smem:$0x3FB8] =	sst s0;
	s0 =	simm.s32 @!p2 $0x0  }
0x16: {  	s3 =	sld [smem:$0x3FDB];
	s0 =	simm.s32 @p2 $0x1  }
0x17: {  	s4 =	simm.s32 $0x1BF5;
	[smem:$0x3FBA] =	sst s0  }
0x18: {  	s0 =	sld [smem:$0x3F9D];
	_ =	swait.ge [sflag:s4], $0x0  }
0x19: {  	s7 =	sld [smem:$0x3F9E]  }
0x1a: {  	s8 =	sadd.s32 $0xFFFFE003, lr  }
0x1b: {  	s9 =	sadd.s32 $0xFFFFFEF7, lr;
	s5 =	simm.s32 $0xFFFFFFFF;
	p2 =	slt.u32 s8, $0xFFFFF086  }
0x1c: {  	p1 =	slt.u32 s9, $0xF7A;
	s5 =	simm.s32 @!p2 $0x0  }
0x1d: {  	s5 =	simm.s32 @p1 $0x1;
	p0 =	seq.s32 s7, s2  }
0x1e: {  	s7 =	smul.u32 @!p0 $0xF7A, s2;
	p2 =	seq.s32 @!p0 s5, $0x0  }
0x1f: {  	s9 =	smul.u32 $0xF7A, s1;
	s8 =	simm.s32 @!p0 $0x1BF5;
	p2 =	por !p2, p0  }
0x20: {  	[sflag:s8] =	ssyncset.s32 @!p0 $0xFFFFF086;
	s6 =	sadd.s32 @!p0 s3, s7;
	s7 =	simm.s32 @!p0 $0x108  }
0x21: {  	s3 =	sadd.s32 s3, s9;
	s6 =	sadd.s32 @!p0 $0x88, s6;
	s7 =	simm.s32 @p2 $0x1082  }
0x22: {  	[simem:s7], [sflag:s8] =	dma.local @!p0 [hbm:s6], $0xF7A  }
0x23: {  	s9 =	sor.u32 $0xD0000000, s2;
	s6 =	simm.s32 $0x108;
	_ =	swait.ge @!p0 [sflag:s8], $0x0  }
0x24: {  	s3 =	sadd.s32 $0x88, s3;
	s6 =	simm.s32 @!p1 $0x1082;
	[sflag:s4] =	ssyncset.s32 $0xFFFFF086  }
0x25: {  	[simem:s6], [sflag:s4] =	dma.local [hbm:s3], $0xF7A  }
0x26: {  	[smem:$0x3F9E] =	sst s1;
	(tag) =	ssettag s2;
	_ =	strace s9  }
0x27: {  	s1 =	sld [smem:$0x3FAE]  }
0x28: {  	s2 =	sld [smem:$0x3FAF]  }
0x29: {  	s4 =	sld [smem:$0x3FB1]  }
0x2a: {  	p0 =	seq.s32 s5, $0x0;
	s5 =	sld [smem:$0x3FB2]  }
0x2b: {  	s6 =	sld [smem:$0x3FB3]  }
0x2c: {  	s7 =	sld [smem:$0x3FB4]  }
0x2d: {  	s3 =	simm.s32 $0x108;
	s8 =	sld [smem:$0x3FB5]  }
0x2e: {  	s3 =	simm.s32 @!p0 $0x1082;
	s9 =	sld [smem:$0x3FB6]  }
0x2f: {  	lr =	sadd.s32 s0, s3;
	s0 =	sld [smem:$0x3FAD]  }
0x30: {  	s3 =	sld [smem:$0x3FB0]  }
0x31: {  	[smem:$0x3FB9] =	sst s10  }
0x32: {  	s10 =	sld [smem:$0x3FB7];
	_ =	sdelay $0x3  }
0x33: {  	p0 =	seq.s32 s10, $0x1;
	s10 =	sld [smem:$0x3FB9];
	_ =	sdelay $0x3  }
0x34: {  	[smem:$0x3FB9] =	sst s10  }
0x35: {  	s10 =	sld [smem:$0x3FB8];
	_ =	sdelay $0x3  }
0x36: {  	p1 =	seq.s32 s10, $0x1;
	s10 =	sld [smem:$0x3FB9];
	_ =	sdelay $0x3  }
0x37: {  	[smem:$0x3FB9] =	sst s10  }
0x38: {  	s10 =	sld [smem:$0x3FBA]  }
0x39: {  	_ = 	snop;
	(pc) =	sbr.ind lr, $3  }
0x3a: {  	_ = 	snop  }
0x3b: {  	_ = 	snop  }
0x3c: {  	p2 =	seq.s32 s10, $0x1;
	s10 =	sld [smem:$0x3FB9]  }
0x3d: {  	_ =	shalt  }
0x3e: {  	_ =	shalt  }
0x3f: {  	_ =	shalt  }
0x40: {  	_ =	shalt  }
0x41: {  	_ =	shalt  }
0x42: {  	_ =	shalt  }
0x43: {  	_ =	shalt  }
0x44: {  	_ =	shalt  }
0x45: {  	_ =	shalt  }
0x46: {  	_ =	shalt  }
0x47: {  	_ =	shalt  }
0x48: {  	_ =	shalt  }
0x49: {  	_ =	shalt  }
0x4a: {  	_ =	shalt  }
0x4b: {  	_ =	shalt  }
0x4c: {  	_ =	shalt  }
0x4d: {  	_ =	shalt  }
0x4e: {  	_ =	shalt  }
0x4f: {  	_ =	shalt  }
0x50: {  	_ =	shalt  }
0x51: {  	_ =	shalt  }
0x52: {  	_ =	shalt  }
0x53: {  	_ =	shalt  }
0x54: {  	_ =	shalt  }
0x55: {  	_ =	shalt  }
0x56: {  	_ =	shalt  }
0x57: {  	_ =	shalt  }
0x58: {  	_ =	shalt  }
0x59: {  	_ =	shalt  }
0x5a: {  	_ =	shalt  }
0x5b: {  	_ =	shalt  }
0x5c: {  	_ =	shalt  }
0x5d: {  	_ =	shalt  }
0x5e: {  	_ =	shalt  }
0x5f: {  	_ =	shalt  }
0x60: {  	_ =	shalt  }
0x61: {  	_ =	shalt  }
0x62: {  	_ =	shalt  }
0x63: {  	_ =	shalt  }
0x64: {  	_ =	shalt  }
0x65: {  	_ =	shalt  }
0x66: {  	_ =	shalt  }
0x67: {  	_ =	shalt  }
0x68: {  	_ =	shalt  }
0x69: {  	_ =	shalt  }
0x6a: {  	_ =	shalt  }
0x6b: {  	_ =	shalt  }
0x6c: {  	_ =	shalt  }
0x6d: {  	_ =	shalt  }
0x6e: {  	_ =	shalt  }
0x6f: {  	_ =	shalt  }
0x70: {  	_ =	shalt  }
0x71: {  	_ =	shalt  }
0x72: {  	_ =	shalt  }
0x73: {  	_ =	shalt  }
0x74: {  	_ =	shalt  }
0x75: {  	_ =	shalt  }
0x76: {  	_ =	shalt  }
0x77: {  	_ =	shalt  }
0x78: {  	_ =	shalt  }
0x79: {  	_ =	shalt  }
0x7a: {  	_ =	shalt  }
0x7b: {  	_ =	shalt  }
0x7c: {  	_ =	shalt  }
0x7d: {  	_ =	shalt  }
0x7e: {  	_ =	shalt  }
0x7f: {  	_ =	shalt  }
0x80: {  	_ =	shalt  }
0x81: {  	_ =	shalt  }
0x82: {  	_ =	shalt  }
0x83: {  	_ =	shalt  }
0x84: {  	_ =	shalt  }
0x85: {  	_ =	shalt  }
0x86: {  	_ =	shalt  }
0x87: {  	_ =	shalt  }
.Lfunc_end0:
.L_simem_size_0:
called_computation_lowered:
.L_overlay_start_0:
0x88: {  	s2 =	sld [smem:$0x3FD9]  }
0x89: {  	s3 =	sld [smem:$0x3FFE];
	_ =	sdelay $0x1  }
0x8a: {  	s1 =	srdreg.scid  }
0x8b: {  	s0 =	sand.u32 $0x1, s1  }
0x8c: {  	s15 =	sshll.u32 s0, $0xA;
	s2 =	sadd.s32 s3, s2  }
0x8d: {  	s2 =	sadd.s32 s2, s15  }
0x8e: {  	[smem:$0x3FC5] =	sst s2  }
0x8f: {  	_ = 	snop  }
0x90: {  	s2 =	sld [smem:$0x3FD0]  }
0x91: {  	s16 =	sld [smem:$0x3FC9]  }
0x92: {  	s4 =	sld [smem:$0x3FC8]  }
0x93: {  	s6 =	simm.s32 $0xA;
	s7 =	simm.s32 $0x10;
	s5 =	sld [smem:$0x3FC7]  }
0x94: {  	[smem:s7], [sflag:s6] =	dma.local [hbm:s2], $0x1  }
0x95: {  	_ =	swait.eq [sflag:s6], $0x1  }
0x96: {  	[sflag:s6] =	ssyncset.done $0x0  }
0x97: {  	s17 =	sld [smem:$0x10];
	[sflag:s6] =	ssyncadd.s32 $0xFFFFFFFF  }
0x98: {  	s18 =	sld [smem:$0x11];
	(tm) =	ssettm $0x1  }
0x99: {  	s19 =	sld [smem:$0x3FFB];
	_ =	sdelay $0x3  }
0x9a: {  	_ =	strace s19  }
0x9b: {  	s7 =	sld [smem:$0x3FFC];
	_ =	sdelay $0x3  }
0x9c: {  	_ =	strace s7  }
0x9d: {  	s7 =	sld [smem:$0x3FFD];
	_ =	sdelay $0x3  }
0x9e: {  	_ =	strace s7  }
0x9f: {  	_ =	strace $0x8FFFFFFF  }
0xa0: {  	s20 =	sld [smem:$0x3FDB];
	_ =	sdelay $0x1  }
0xa1: {  	s8 =	simm.s32 $_scs_section_size  }
0xa2: {  	s9 =	simm.s32 $_size__tile_overlayer_lowered;
	s10 =	simm.s32 $_tile_overlayer_lowered  }
0xa3: {  	s23 =	simm.s32 $0x1BFF;
	s22 =	sshll.u32 s10, $0x1;
	s7 =	sadd.s32 s8, s20  }
0xa4: {  	s11 =	simm.s32 $0x0;
	s21 =	sshll.u32 s9, $0x1;
	s9 =	sadd.s32 s22, s7  }
0xa5: {  	[timem:s11], [sflag:s23] =	dma.local [hbm:s9], s21  }
0xa6: {  	_ =	swait.ge [sflag:s23], s21  }
0xa7: {  	s8 =	ssub.s32 $0x0, s21;
	[sflag:s23] =	ssyncset.done $0x0  }
0xa8: {  	[sflag:s23] =	ssyncadd.s32 s8;
	_ =	sdelay $0x1  }
0xa9: {  	s24 =	simm.s32 $0x1B8B  }
0xaa: {  	_ =	swait.ge [sflag:s24], $0x1  }
0xab: {  	[sflag:s24] =	ssyncset.done $0x0  }
0xac: {  	s25 =	simm.s32 $0x1B8E;
	[sflag:s24] =	ssyncadd.s32 $0xFFFFFFFF  }
0xad: {  	s26 =	simm.s32 $execute0_lowered;
	[smem:$0x3FD2] =	sst s25  }
0xae: {  	s8 =	sshll.u32 s26, $0x1;
	_ =	strace $0x80000046;
	[dreg:$0x1] =	wrdreg $0xFFFFFFFF  }
0xaf: {  	s28 =	simm.s32 $_size_execute0_lowered;
	s7 =	sadd.s32 s7, s8;
	[dreg:$0x0] =	wrdreg $0x0  }
0xb0: {  	s8 =	sshll.u32 s28, $0x1;
	[dreg:$0x2] =	wrdreg s7  }
0xb1: {  	[dreg:$0x3] =	wrdreg s8  }
0xb2: {  	[dreg:$0x4] =	wrdreg $0xC0  }
0xb3: {  	_ =	task [dreg:s11], $0x5FFFF  }
0xb4: {  	[dreg:$0x1] =	wrdreg $0xFFFFFFFF  }
0xb5: {  	[dreg:$0x0] =	wrdreg $0x60  }
0xb6: {  	[dreg:$0x2] =	wrdreg s4  }
0xb7: {  	[dreg:$0x3] =	wrdreg s5  }
0xb8: {  	[dreg:$0x4] =	wrdreg s16  }
0xb9: {  	[dreg:$0x5] =	wrdreg s17  }
0xba: {  	[dreg:$0x6] =	wrdreg s18  }
0xbb: {  	[dreg:$0x7] =	wrdreg $0x9  }
0xbc: {  	_ =	task.clear_ibuf [dreg:s11], $0x8FFFF;
	_ =	strace $0x90000046  }
0xbd: {  	s29 =	simm.s32 $0x9;
	_ =	strace $0x80000048  }
0xbe: {  	_ =	swait.ge [sflag:s29], $0x1  }
0xbf: {  	[sflag:s29] =	ssyncadd.s32 $0xFFFFFFFF  }
0xc0: {  	_ =	strace $0x90000048  }
0xc1: {  	_ =	sfence  }
0xc2: {  	s30 =	sld [smem:$0x0];
	_ =	sdelay $0x2  }
0xc3: {  	s31 =	sshll.u32 s1, $0xD;
	s1 =	sshrl.u32 s1, $0x2  }
0xc4: {  	s3 =	sand.u32 $0x4000, s31;
	s1 =	sadd.s32 s1, s30  }
0xc5: {  	s0 =	sor.u32 s3, s0;
	s1 =	sshll.u32 s1, $0x11  }
0xc6: {  	s0 =	sor.u32 s1, s0  }
0xc7: {  	s0 =	sadd.s32 $0x8F2B, s0  }
0xc8: {  	[sflag:s0] =	ssyncadd.remote.s32 $0x1  }
0xc9: {  	_ =	sfence.sel $0xFFFF  }
0xca: {  	[dreg:$0x0] =	wrdreg $0xFFFFFFFF;
	(pc) =	sbr.abs _section_cstart, $3  }
0xcb: {  	[dreg:$0x1] =	wrdreg $0xFFFFFFFF  }
0xcc: {  	_ =	task.clear_ibuf [dreg:s11], $0x2FFFF;
	_ =	strace $0x9FFFFFFF  }
0xcd: {  	(tm) =	ssettm $0x7FFFFFFF  }
tec
execute0_lowered:
.L_overlay_start_1:
0x0: {  	(tag) =	ssettag $0x1  }
0x1: {  	s4 =	rddreg [dreg:$0x2]  }
0x2: {  	s0 =	rddreg [dreg:$0x3];
	s1 =	srdreg.scid  }
0x3: {  	s7 =	stileid.u32;
	s2 =	rddreg [dreg:$0x4]  }
0x4: {  	s3 =	sand.u32 $0x1, s1;
	s5 =	sshll.u32 s7, $0x3;
	s1 =	simm.s32 $0x0  }
0x5: {  	s7 =	sshrl.u32 s7, $0x2;
	s6 =	sshll.u32 s3, $0x2;
	s5 =	sand.u32 $0x18, s5  }
0x6: {  	[smem:$0x7FF] =	sst s1;
	s3 =	ssub.s32 $0x2, s3;
	s5 =	sor.u32 s6, s5  }
0x7: {  	s8 =	sshll.u32 s7, $0x7;
	s7 =	sshll.u32 s7, $0x12;
	s6 =	sshll.u32 s5, $0x9  }
0x8: {  	s10 =	sor.u32 $0x1, s5;
	s16 =	sor.u32 $0x2, s5;
	s12 =	sor.u32 $0x3, s5  }
0x9: {  	s5 =	sshll.u32 s5, $0xA;
	s6 =	sor.u32 s8, s6;
	s14 =	sshll.u32 s10, $0x9  }
0xa: {  	s11 =	sshll.u32 s16, $0x9;
	s5 =	sor.u32 s7, s5;
	s6 =	sshrl.u32 s6, $0x3  }
0xb: {  	s18 =	sshll.u32 s12, $0x9;
	s19 =	sshrl.u32 s5, $0x3;
	s6 =	sadd.s32 s4, s6  }
0xc: {  	s15 =	sor.u32 s8, s14;
	s5 =	sadd.s32 s0, s19;
	[dreg:$0x6] =	wrdreg s6  }
0xd: {  	s20 =	sadd.s32 s2, s19;
	s21 =	sor.u32 $0x1000, s19;
	[dreg:$0xa] =	wrdreg s5  }
0xe: {  	s17 =	sor.u32 s8, s11;
	[dreg:$0xb] =	wrdreg s20;
	s22 =	sadd.s32 s0, s21  }
0xf: {  	s23 =	sor.u32 $0x2000, s19;
	s5 =	sadd.s32 s2, s21;
	[dreg:$0xc] =	wrdreg s22  }
0x10: {  	s25 =	sor.u32 $0x3000, s19;
	s24 =	sadd.s32 s0, s23;
	[dreg:$0xd] =	wrdreg s5  }
0x11: {  	s11 =	sor.u32 $0x5000, s19;
	s26 =	sadd.s32 s0, s25;
	[dreg:$0xe] =	wrdreg s24  }
0x12: {  	s6 =	sshrl.u32 s15, $0x3;
	s13 =	sadd.s32 s0, s11;
	[dreg:$0x10] =	wrdreg s26  }
0x13: {  	s8 =	sor.u32 s8, s18;
	s6 =	sadd.s32 s4, s6;
	[dreg:$0x14] =	wrdreg s13  }
0x14: {  	s14 =	sshll.u32 s10, $0xA;
	s5 =	sadd.s32 s2, s23;
	[dreg:$0x7] =	wrdreg s6  }
0x15: {  	s6 =	sshrl.u32 s17, $0x3;
	[dreg:$0xf] =	wrdreg s5;
	s5 =	sadd.s32 s2, s25  }
0x16: {  	s8 =	sshrl.u32 s8, $0x3;
	s6 =	sadd.s32 s4, s6;
	[dreg:$0x11] =	wrdreg s5  }
0x17: {  	s28 =	sor.u32 $0x4000, s19;
	s4 =	sadd.s32 s4, s8;
	[dreg:$0x8] =	wrdreg s6  }
0x18: {  	s15 =	sshll.u32 s16, $0xA;
	s8 =	sadd.s32 s0, s28;
	[dreg:$0x9] =	wrdreg s4  }
0x19: {  	s17 =	sor.u32 $0x6000, s19;
	s5 =	sadd.s32 s2, s28;
	[dreg:$0x12] =	wrdreg s8  }
0x1a: {  	s16 =	sshll.u32 s12, $0xA;
	s18 =	sadd.s32 s0, s17;
	[dreg:$0x13] =	wrdreg s5  }
0x1b: {  	s5 =	sadd.s32 s2, s11;
	s6 =	sor.u32 s7, s15;
	[dreg:$0x16] =	wrdreg s18  }
0x1c: {  	s4 =	sor.u32 $0x7000, s19;
	s8 =	sadd.s32 s2, s17;
	[dreg:$0x15] =	wrdreg s5  }
0x1d: {  	s5 =	sor.u32 s7, s14;
	[dreg:$0x17] =	wrdreg s8;
	s19 =	sadd.s32 s0, s4  }
0x1e: {  	s4 =	sadd.s32 s2, s4;
	s5 =	sshrl.u32 s5, $0x3;
	[dreg:$0x18] =	wrdreg s19  }
0x1f: {  	s6 =	sshrl.u32 s6, $0x3;
	[dreg:$0x19] =	wrdreg s4;
	s12 =	sadd.s32 s0, s5  }
0x20: {  	s17 =	sor.u32 $0x1000, s6;
	s13 =	sadd.s32 s2, s5;
	[smem:$0x7DA] =	sst s12  }
0x21: {  	s20 =	sor.u32 $0x1000, s5;
	s18 =	sadd.s32 s0, s17;
	[smem:$0x7DB] =	sst s13  }
0x22: {  	s9 =	sshrl.u32 s3, $0x1;
	s21 =	sadd.s32 s0, s20;
	[smem:$0x7E0] =	sst s18  }
0x23: {  	s22 =	sor.u32 $0x2000, s5;
	s8 =	sadd.s32 s2, s20;
	[dreg:$0x1a] =	wrdreg s21  }
0x24: {  	s3 =	ssub.s32 s3, s9;
	s23 =	sadd.s32 s0, s22;
	[dreg:$0x1b] =	wrdreg s8  }
0x25: {  	s24 =	sor.u32 $0x3000, s5;
	s4 =	sadd.s32 s2, s22;
	[dreg:$0x1c] =	wrdreg s23  }
0x26: {  	s26 =	sor.u32 $0x4000, s5;
	s25 =	sadd.s32 s0, s24;
	[dreg:$0x1d] =	wrdreg s4  }
0x27: {  	s9 =	sor.u32 $0x5000, s5;
	s28 =	sadd.s32 s0, s26;
	[dreg:$0x1e] =	wrdreg s25  }
0x28: {  	s10 =	sadd.s32 s0, s9;
	[smem:$0x7D6] =	sst s28  }
0x29: {  	s14 =	sor.u32 $0x6000, s5;
	s11 =	sadd.s32 s2, s9;
	[smem:$0x7D8] =	sst s10  }
0x2a: {  	s5 =	sor.u32 $0x7000, s5;
	s15 =	sadd.s32 s0, s14;
	[smem:$0x7D9] =	sst s11  }
0x2b: {  	s7 =	sor.u32 s7, s16;
	s16 =	sadd.s32 s0, s5;
	[smem:$0x7DC] =	sst s15  }
0x2c: {  	s19 =	sor.u32 $0x2000, s6;
	s5 =	sadd.s32 s2, s5;
	[smem:$0x7DE] =	sst s16  }
0x2d: {  	s20 =	sadd.s32 s0, s19;
	[smem:$0x7DF] =	sst s5  }
0x2e: {  	s29 =	simm.s32 $0xC100;
	[smem:$0x7E2] =	sst s20  }
0x2f: {  	s8 =	sadd.s32 s2, s24;
	s10 =	sshrl.u32 s7, $0x3;
	s7 =	rddreg [dreg:$0x1]  }
0x30: {  	s30 =	simm.s32 $0x14100;
	s4 =	sadd.s32 s2, s26;
	[dreg:$0x1f] =	wrdreg s8  }
0x31: {  	s31 =	simm.s32 $0x5100;
	s5 =	sadd.s32 s2, s19;
	[smem:$0x7D7] =	sst s4  }
0x32: {  	s9 =	sor.u32 $0x7000, s6;
	s28 =	sadd.s32 s0, s6;
	[smem:$0x7E3] =	sst s5  }
0x33: {  	s21 =	sor.u32 $0x3000, s6;
	s12 =	sadd.s32 s0, s9;
	[smem:$0x7EA] =	sst s28  }
0x34: {  	s23 =	sor.u32 $0x4000, s6;
	s4 =	sadd.s32 s2, s14;
	[smem:$0x7EE] =	sst s12  }
0x35: {  	s25 =	sor.u32 $0x5000, s6;
	s22 =	sadd.s32 s0, s21;
	[smem:$0x7DD] =	sst s4  }
0x36: {  	s24 =	sadd.s32 s0, s23;
	s5 =	sadd.s32 s2, s23;
	[smem:$0x7E4] =	sst s22  }
0x37: {  	s26 =	sadd.s32 s0, s25;
	s8 =	sor.u32 $0x6000, s6;
	[smem:$0x7E6] =	sst s24  }
0x38: {  	s13 =	sor.u32 $0x1000, s10;
	s15 =	sor.u32 $0x2000, s10;
	[smem:$0x7E7] =	sst s5  }
0x39: {  	s19 =	sor.u32 $0x4000, s10;
	s4 =	sadd.s32 s2, s17;
	[smem:$0x7E8] =	sst s26  }
0x3a: {  	s23 =	sor.u32 $0x6000, s10;
	s5 =	sadd.s32 s2, s6;
	[smem:$0x7E1] =	sst s4  }
0x3b: {  	s28 =	sor.u32 $0x7000, s10;
	s11 =	sadd.s32 s0, s8;
	[smem:$0x7EB] =	sst s5  }
0x3c: {  	s12 =	smax.u32 s3, $0x1;
	s14 =	sadd.s32 s0, s13;
	[smem:$0x7EC] =	sst s11  }
0x3d: {  	s3 =	simm.s32 $0x17100;
	s16 =	sadd.s32 s0, s15;
	[smem:$0x7F0] =	sst s14  }
0x3e: {  	s17 =	sor.u32 $0x3000, s10;
	s20 =	sadd.s32 s0, s19;
	[smem:$0x7F2] =	sst s16  }
0x3f: {  	s24 =	sadd.s32 s0, s23;
	s26 =	sadd.s32 s2, s10;
	[smem:$0x7F6] =	sst s20  }
0x40: {  	s6 =	simm.s32 $0x5;
	s4 =	sadd.s32 s2, s21;
	[smem:$0x7FA] =	sst s24  }
0x41: {  	s5 =	sadd.s32 s2, s9;
	s18 =	sadd.s32 s0, s17;
	[smem:$0x7FD] =	sst s26  }
0x42: {  	s21 =	sor.u32 $0x5000, s10;
	s11 =	sadd.s32 s2, s28;
	[smem:$0x7E5] =	sst s4  }
0x43: {  	s14 =	simm.s32 $0x1000;
	s16 =	simm.s32 $0x15100;
	[smem:$0x7EF] =	sst s5  }
0x44: {  	s20 =	simm.s32 $0x1;
	s4 =	sadd.s32 s2, s25;
	[smem:$0x7F4] =	sst s18  }
0x45: {  	s5 =	sadd.s32 s2, s15;
	s22 =	sadd.s32 s0, s21;
	[smem:$0x7E9] =	sst s4  }
0x46: {  	s25 =	sadd.s32 s0, s10;
	s10 =	sadd.s32 s0, s28;
	[smem:$0x7F3] =	sst s5  }
0x47: {  	s15 =	simm.s32 $0xD100;
	s0 =	simm.s32 $0x6100;
	[smem:$0x7F8] =	sst s22  }
0x48: {  	s18 =	simm.s32 $0x7100;
	s4 =	sadd.s32 s2, s8;
	[smem:$0x7FC] =	sst s25  }
0x49: {  	s5 =	sadd.s32 s2, s19;
	s19 =	simm.s32 $0xF100;
	[smem:$0x7ED] =	sst s4  }
0x4a: {  	s22 =	simm.s32 $0x4;
	s4 =	sadd.s32 s2, s13;
	[smem:$0x7F7] =	sst s5  }
0x4b: {  	s5 =	sadd.s32 s2, s23;
	s13 =	simm.s32 $0x6;
	[smem:$0x7F1] =	sst s4  }
0x4c: {  	s23 =	simm.s32 $0x0;
	s4 =	sadd.s32 s2, s17;
	[smem:$0x7FB] =	sst s5  }
0x4d: {  	s17 =	simm.s32 $0xE100;
	[smem:$0x7F5] =	sst s4;
	s4 =	sadd.s32 s2, s21  }
0x4e: {  	s5 =	simm.s32 $0x3;
	s2 =	simm.s32 $0x16100;
	[smem:$0x7F9] =	sst s4  }
0x4f: {  	s21 =	simm.s32 $0x2;
	s4 =	rddreg [dreg:$0x0];
	_ =	strace $0x80000047  }
.LBB2_1:
0x50: {  	s8 =	rddreg [dreg:$0x6]  }
0x51: {  	[tilespmem:s1], [sflag:$0x6] =	stream.linear.gather [hbm4b:s8+s1], $0x80, $0x38;
	[tilespmem:$0x18100] =	vst v63  }
0x52: {  	_ =	swait.ge [sflag:s13], $0x80  }
0x53: {  	[sflag:s13] =	ssyncset.done $0x0  }
0x54: {  	[sflag:s13] =	ssyncadd.s32 $0xFFFFFF80  }
0x55: {  	v0 =	vld [tilespmem:$0x0]  }
0x56: {  	v1 =	vld [tilespmem:$0x10]  }
0x57: {  	v2 =	vld [tilespmem:$0x20]  }
0x58: {  	v3 =	vld [tilespmem:$0x30]  }
0x59: {  	v5 =	vld [tilespmem:$0x40]  }
0x5a: {  	v7 =	vld [tilespmem:$0x50]  }
0x5b: {  	v4 =	vshll.u32 v0, $0x3  }
0x5c: {  	v0 =	vand.u32 $0x7F, v0;
	v6 =	vshll.u32 v1, $0x3;
	v58 =	vshll.u32 v2, $0x3  }
0x5d: {  	v1 =	vand.u32 $0x7F, v1;
	v2 =	vand.u32 $0x7F, v2;
	v59 =	vshll.u32 v3, $0x3  }
0x5e: {  	v8 =	vld [tilespmem:$0x60];
	v3 =	vand.u32 $0x7F, v3;
	v61 =	vshll.u32 v5, $0x3;
	v4 =	vand.u32 $0xFFFFFC00, v4  }
0x5f: {  	v60 =	vld [tilespmem:$0x70];
	v62 =	vand.u32 $0x7F, v7;
	v57 =	vand.u32 $0xFFFFFC00, v6;
	v0 =	vor.u32 v0, v4  }
0x60: {  	v6 =	vand.u32 $0xFFFFFC00, v58;
	v1 =	vor.u32 v1, v57;
	[tilespmem:$0x80] =	vst v0;
	v0 =	vand.u32 $0xFFFFFC00, v59  }
0x61: {  	v2 =	vor.u32 v2, v6;
	[tilespmem:$0x90] =	vst v1;
	v0 =	vor.u32 v3, v0;
	v3 =	vshll.u32 v7, $0x3  }
0x62: {  	v1 =	vand.u32 $0xFFFFFC00, v61;
	[tilespmem:$0xA0] =	vst v2;
	v2 =	vand.u32 $0x7F, v5;
	v63 =	vld [tilespmem:$0x80];
	v3 =	vand.u32 $0xFFFFFC00, v3  }
0x63: {  	[tilespmem:$0xB0] =	vst v0;
	v0 =	vor.u32 v2, v1;
	v2 =	vshll.u32 v8, $0x3;
	v1 =	vor.u32 v62, v3  }
0x64: {  	[tilespmem:$0xC0] =	vst v0;
	v0 =	vand.u32 $0xFFFFFC00, v2;
	v2 =	vand.u32 $0x7F, v8;
	v3 =	vshll.u32 v60, $0x3  }
0x65: {  	s28 =	sand.u32 $0x700000, s1;
	s9 =	sand.u32 $0x380, s1;
	[tilespmem:$0xD0] =	vst v1;
	v0 =	vor.u32 v2, v0;
	v1 =	vand.u32 $0xFFFFFC00, v3;
	v2 =	vand.u32 $0x7F, v60  }
0x66: {  	s8 =	sor.u32 s9, s28;
	[tilespmem:$0xE0] =	vst v0;
	v0 =	vor.u32 v2, v1  }
0x67: {  	s24 =	simm.s32 $0x140;
	[tilespmem:$0xF0] =	vst v0;
	v0 =	vadd.s32 s8, v63  }
0x68: {  	[tilespmem:s24+$0xFFFFFFC0] =	vst v0  }
0x69: {  	v0 =	vld [tilespmem:$0x90];
	_ =	sdelay $0x4  }
0x6a: {  	v0 =	vadd.s32 s8, v0  }
0x6b: {  	[tilespmem:s24+$0xFFFFFFD0] =	vst v0  }
0x6c: {  	v0 =	vld [tilespmem:$0xA0];
	_ =	sdelay $0x4  }
0x6d: {  	v0 =	vadd.s32 s8, v0  }
0x6e: {  	[tilespmem:s24+$0xFFFFFFE0] =	vst v0  }
0x6f: {  	v0 =	vld [tilespmem:$0xB0];
	_ =	sdelay $0x4  }
0x70: {  	v0 =	vadd.s32 s8, v0  }
0x71: {  	[tilespmem:s24+$0xFFFFFFF0] =	vst v0  }
0x72: {  	v0 =	vld [tilespmem:$0xC0];
	_ =	sdelay $0x4  }
0x73: {  	v0 =	vadd.s32 s8, v0  }
0x74: {  	[tilespmem:s24+$0x0] =	vst v0  }
0x75: {  	v0 =	vld [tilespmem:$0xD0];
	_ =	sdelay $0x4  }
0x76: {  	v0 =	vadd.s32 s8, v0  }
0x77: {  	[tilespmem:s24+$0x10] =	vst v0  }
0x78: {  	v0 =	vld [tilespmem:$0xE0];
	_ =	sdelay $0x4  }
0x79: {  	v0 =	vadd.s32 s8, v0  }
0x7a: {  	[tilespmem:s24+$0x20] =	vst v0  }
0x7b: {  	v0 =	vld [tilespmem:$0xF0];
	_ =	sdelay $0x4  }
0x7c: {  	v0 =	vadd.s32 s8, v0  }
0x7d: {  	[tilespmem:s24+$0x30] =	vst v0  }
0x7e: {  	s25 =	simm.s32 $0x100;
	s9 =	simm.s32 $0x0;
	s8 =	simm.s32 $0x80;
	v0 =	vld [tilespmem:$0x80]  }
.LBB2_2:
0x7f: {  	p0 =	sne.s32 s25, $0x1F80  }
0x80: {  	s9 =	sadd.s32 $0x20000, s9  }
0x81: {  	s28 =	sand.u32 $0x380, s8;
	s8 =	smov.u32 s25;
	s26 =	sand.u32 $0x700000, s9  }
0x82: {  	s26 =	sor.u32 s28, s26  }
0x83: {  	s24 =	sadd.s32 $0x80, s24;
	v0 =	vadd.s32 s26, v0  }
0x84: {  	[tilespmem:s24+$0xFFFFFFC0] =	vst v0  }
0x85: {  	v0 =	vld [tilespmem:$0x90];
	_ =	sdelay $0x4  }
0x86: {  	v0 =	vadd.s32 s26, v0  }
0x87: {  	[tilespmem:s24+$0xFFFFFFD0] =	vst v0  }
0x88: {  	v0 =	vld [tilespmem:$0xA0];
	_ =	sdelay $0x4  }
0x89: {  	v0 =	vadd.s32 s26, v0  }
0x8a: {  	[tilespmem:s24+$0xFFFFFFE0] =	vst v0  }
0x8b: {  	v0 =	vld [tilespmem:$0xB0];
	_ =	sdelay $0x4  }
0x8c: {  	v0 =	vadd.s32 s26, v0  }
0x8d: {  	[tilespmem:s24+$0xFFFFFFF0] =	vst v0  }
0x8e: {  	v0 =	vld [tilespmem:$0xC0];
	_ =	sdelay $0x4  }
0x8f: {  	v0 =	vadd.s32 s26, v0  }
0x90: {  	[tilespmem:s24+$0x0] =	vst v0  }
0x91: {  	v0 =	vld [tilespmem:$0xD0];
	_ =	sdelay $0x4  }
0x92: {  	v0 =	vadd.s32 s26, v0  }
0x93: {  	[tilespmem:s24+$0x10] =	vst v0  }
0x94: {  	v0 =	vld [tilespmem:$0xE0];
	_ =	sdelay $0x4  }
0x95: {  	v0 =	vadd.s32 s26, v0  }
0x96: {  	[tilespmem:s24+$0x20] =	vst v0  }
0x97: {  	v0 =	vld [tilespmem:$0xF0];
	_ =	sdelay $0x2  }
.Ltmp0:
0x98: {  	(pc) =	sbr.rel @p0 .LBB2_2-.Ltmp0, $4  }
0x99: {  	_ = 	snop  }
0x9a: {  	v0 =	vadd.s32 s26, v0  }
0x9b: {  	[tilespmem:s24+$0x30] =	vst v0  }
0x9c: {  	s25 =	sadd.s32 $0x80, s25;
	v0 =	vld [tilespmem:$0x80]  }
0x9d: {  	_ = 	snop  }
0x9e: {  	s9 =	sadd.s32 $0x20000, s9  }
0x9f: {  	s8 =	sand.u32 $0x380, s8;
	s9 =	sand.u32 $0x700000, s9  }
0xa0: {  	s8 =	sor.u32 s8, s9  }
0xa1: {  	s26 =	sadd.s32 $0x80, s24;
	v0 =	vadd.s32 s8, v0  }
0xa2: {  	[tilespmem:s26+$0xFFFFFFC0] =	vst v0  }
0xa3: {  	v0 =	vld [tilespmem:$0x90];
	_ =	sdelay $0x4  }
0xa4: {  	v0 =	vadd.s32 s8, v0  }
0xa5: {  	[tilespmem:s26+$0xFFFFFFD0] =	vst v0  }
0xa6: {  	v0 =	vld [tilespmem:$0xA0];
	_ =	sdelay $0x4  }
0xa7: {  	v0 =	vadd.s32 s8, v0  }
0xa8: {  	[tilespmem:s26+$0xFFFFFFE0] =	vst v0  }
0xa9: {  	v0 =	vld [tilespmem:$0xB0];
	_ =	sdelay $0x4  }
0xaa: {  	v0 =	vadd.s32 s8, v0  }
0xab: {  	[tilespmem:s26+$0xFFFFFFF0] =	vst v0  }
0xac: {  	v0 =	vld [tilespmem:$0xC0];
	_ =	sdelay $0x4  }
0xad: {  	v0 =	vadd.s32 s8, v0  }
0xae: {  	[tilespmem:s26+$0x0] =	vst v0  }
0xaf: {  	v0 =	vld [tilespmem:$0xD0];
	_ =	sdelay $0x4  }
0xb0: {  	v0 =	vadd.s32 s8, v0  }
0xb1: {  	[tilespmem:s26+$0x10] =	vst v0  }
0xb2: {  	v0 =	vld [tilespmem:$0xE0];
	_ =	sdelay $0x4  }
0xb3: {  	v0 =	vadd.s32 s8, v0  }
0xb4: {  	[tilespmem:s26+$0x20] =	vst v0  }
0xb5: {  	v0 =	vld [tilespmem:$0xF0];
	_ =	sdelay $0x4  }
0xb6: {  	v0 =	vadd.s32 s8, v0  }
0xb7: {  	s28 =	simm.s32 $0x100;
	s24 =	simm.s32 $0x8100;
	[tilespmem:s26+$0x30] =	vst v0  }
0xb8: {  	[tilespmem:s24], [sflag:$0x1] =	stream.indirect.gather [hbm4b:s4+s14], $0x1, s28, s14, $0xb8;
	[tilespmem:$0x18100] =	vst v63  }
0xb9: {  	s25 =	simm.s32 $0x10100  }
0xba: {  	[tilespmem:s25], [sflag:$0x1] =	stream.indirect.gather [hbm4b:s7+s14], $0x1, s28, s14, $0xb8;
	[tilespmem:$0x18100] =	vst v63  }
0xbb: {  	s26 =	simm.s32 $0x1100;
	s28 =	simm.s32 $0x9100  }
0xbc: {  	[tilespmem:s28], [sflag:$0x1] =	stream.indirect.gather [hbm4b:s4+s14], $0x1, s26, s14, $0xb8;
	[tilespmem:$0x18100] =	vst v63  }
0xbd: {  	s24 =	simm.s32 $0x11100  }
0xbe: {  	[tilespmem:s24], [sflag:$0x1] =	stream.indirect.gather [hbm4b:s7+s14], $0x1, s26, s14, $0xb8;
	[tilespmem:$0x18100] =	vst v63  }
0xbf: {  	s25 =	rddreg [dreg:$0x7];
	s24 =	simm.s32 $0x0  }
0xc0: {  	[tilespmem:s24], [sflag:$0x6] =	stream.linear.gather [hbm4b:s25+s24], $0x80, $0x38;
	[tilespmem:$0x18100] =	vst v63  }
0xc1: {  	_ =	swait.ge [sflag:s13], $0x80  }
0xc2: {  	[sflag:s13] =	ssyncset.done $0x0  }
0xc3: {  	[sflag:s13] =	ssyncadd.s32 $0xFFFFFF80  }
0xc4: {  	v0 =	vld [tilespmem:$0x0]  }
0xc5: {  	v1 =	vld [tilespmem:$0x10]  }
0xc6: {  	v2 =	vld [tilespmem:$0x20]  }
0xc7: {  	v3 =	vld [tilespmem:$0x30]  }
0xc8: {  	v5 =	vld [tilespmem:$0x40]  }
0xc9: {  	v7 =	vld [tilespmem:$0x50]  }
0xca: {  	v4 =	vshll.u32 v0, $0x3  }
0xcb: {  	v0 =	vand.u32 $0x7F, v0;
	v6 =	vshll.u32 v1, $0x3;
	v58 =	vshll.u32 v2, $0x3  }
0xcc: {  	v1 =	vand.u32 $0x7F, v1;
	v2 =	vand.u32 $0x7F, v2;
	v59 =	vshll.u32 v3, $0x3  }
0xcd: {  	v8 =	vld [tilespmem:$0x60];
	v3 =	vand.u32 $0x7F, v3;
	v61 =	vshll.u32 v5, $0x3;
	v4 =	vand.u32 $0xFFFFFC00, v4  }
0xce: {  	v60 =	vld [tilespmem:$0x70];
	v62 =	vand.u32 $0x7F, v7;
	v57 =	vand.u32 $0xFFFFFC00, v6;
	v0 =	vor.u32 v0, v4  }
0xcf: {  	v6 =	vand.u32 $0xFFFFFC00, v58;
	v1 =	vor.u32 v1, v57;
	[tilespmem:$0x80] =	vst v0;
	v0 =	vand.u32 $0xFFFFFC00, v59  }
0xd0: {  	v2 =	vor.u32 v2, v6;
	[tilespmem:$0x90] =	vst v1;
	v0 =	vor.u32 v3, v0;
	v3 =	vshll.u32 v7, $0x3  }
0xd1: {  	v1 =	vand.u32 $0xFFFFFC00, v61;
	[tilespmem:$0xA0] =	vst v2;
	v2 =	vand.u32 $0x7F, v5;
	v63 =	vld [tilespmem:$0x80];
	v3 =	vand.u32 $0xFFFFFC00, v3  }
0xd2: {  	[tilespmem:$0xB0] =	vst v0;
	v0 =	vor.u32 v2, v1;
	v2 =	vshll.u32 v8, $0x3;
	v1 =	vor.u32 v62, v3  }
0xd3: {  	[tilespmem:$0xC0] =	vst v0;
	v0 =	vand.u32 $0xFFFFFC00, v2;
	v2 =	vand.u32 $0x7F, v8;
	v3 =	vshll.u32 v60, $0x3  }
0xd4: {  	s26 =	sand.u32 $0x700000, s24;
	s28 =	sand.u32 $0x380, s24;
	[tilespmem:$0xD0] =	vst v1;
	v0 =	vor.u32 v2, v0;
	v1 =	vand.u32 $0xFFFFFC00, v3;
	v2 =	vand.u32 $0x7F, v60  }
0xd5: {  	s9 =	sor.u32 s28, s26;
	[tilespmem:$0xE0] =	vst v0;
	v0 =	vor.u32 v2, v1  }
0xd6: {  	s8 =	simm.s32 $0x2170;
	[tilespmem:$0xF0] =	vst v0;
	v0 =	vadd.s32 s9, v63  }
0xd7: {  	[tilespmem:s8+$0xFFFFFF90] =	vst v0  }
0xd8: {  	v0 =	vld [tilespmem:$0x90];
	_ =	sdelay $0x4  }
0xd9: {  	v0 =	vadd.s32 s9, v0  }
0xda: {  	[tilespmem:s8+$0xFFFFFFA0] =	vst v0  }
0xdb: {  	v0 =	vld [tilespmem:$0xA0];
	_ =	sdelay $0x4  }
0xdc: {  	v0 =	vadd.s32 s9, v0  }
0xdd: {  	[tilespmem:s8+$0xFFFFFFB0] =	vst v0  }
0xde: {  	v0 =	vld [tilespmem:$0xB0];
	_ =	sdelay $0x4  }
0xdf: {  	v0 =	vadd.s32 s9, v0  }
0xe0: {  	[tilespmem:s8+$0xFFFFFFC0] =	vst v0  }
0xe1: {  	v0 =	vld [tilespmem:$0xC0];
	_ =	sdelay $0x4  }
0xe2: {  	v0 =	vadd.s32 s9, v0  }
0xe3: {  	[tilespmem:s8+$0xFFFFFFD0] =	vst v0  }
0xe4: {  	v0 =	vld [tilespmem:$0xD0];
	_ =	sdelay $0x4  }
0xe5: {  	v0 =	vadd.s32 s9, v0  }
0xe6: {  	[tilespmem:s8+$0xFFFFFFE0] =	vst v0  }
0xe7: {  	v0 =	vld [tilespmem:$0xE0];
	_ =	sdelay $0x4  }
0xe8: {  	v0 =	vadd.s32 s9, v0  }
0xe9: {  	[tilespmem:s8+$0xFFFFFFF0] =	vst v0  }
0xea: {  	v0 =	vld [tilespmem:$0xF0];
	_ =	sdelay $0x4  }
0xeb: {  	v0 =	vadd.s32 s9, v0  }
0xec: {  	[tilespmem:s8+$0x0] =	vst v0  }
0xed: {  	s25 =	simm.s32 $0x80;
	s9 =	simm.s32 $0x100;
	v0 =	vld [tilespmem:$0x80]  }
.LBB2_4:
0xee: {  	p0 =	sne.s32 s9, $0x1F80  }
0xef: {  	s24 =	sadd.s32 $0x20000, s24  }
0xf0: {  	s28 =	sand.u32 $0x380, s25;
	s25 =	smov.u32 s9;
	s26 =	sand.u32 $0x700000, s24  }
0xf1: {  	s26 =	sor.u32 s28, s26  }
0xf2: {  	s8 =	sadd.s32 $0x80, s8;
	v0 =	vadd.s32 s26, v0  }
0xf3: {  	[tilespmem:s8+$0xFFFFFF90] =	vst v0  }
0xf4: {  	v0 =	vld [tilespmem:$0x90];
	_ =	sdelay $0x4  }
0xf5: {  	v0 =	vadd.s32 s26, v0  }
0xf6: {  	[tilespmem:s8+$0xFFFFFFA0] =	vst v0  }
0xf7: {  	v0 =	vld [tilespmem:$0xA0];
	_ =	sdelay $0x4  }
0xf8: {  	v0 =	vadd.s32 s26, v0  }
0xf9: {  	[tilespmem:s8+$0xFFFFFFB0] =	vst v0  }
0xfa: {  	v0 =	vld [tilespmem:$0xB0];
	_ =	sdelay $0x4  }
0xfb: {  	v0 =	vadd.s32 s26, v0  }
0xfc: {  	[tilespmem:s8+$0xFFFFFFC0] =	vst v0  }
0xfd: {  	v0 =	vld [tilespmem:$0xC0];
	_ =	sdelay $0x4  }
0xfe: {  	v0 =	vadd.s32 s26, v0  }
0xff: {  	[tilespmem:s8+$0xFFFFFFD0] =	vst v0  }
0x100: {  	v0 =	vld [tilespmem:$0xD0];
	_ =	sdelay $0x4  }
0x101: {  	v0 =	vadd.s32 s26, v0  }
0x102: {  	[tilespmem:s8+$0xFFFFFFE0] =	vst v0  }
0x103: {  	v0 =	vld [tilespmem:$0xE0];
	_ =	sdelay $0x4  }
0x104: {  	v0 =	vadd.s32 s26, v0  }
0x105: {  	[tilespmem:s8+$0xFFFFFFF0] =	vst v0  }
0x106: {  	v0 =	vld [tilespmem:$0xF0];
	_ =	sdelay $0x2  }
.Ltmp1:
0x107: {  	(pc) =	sbr.rel @p0 .LBB2_4-.Ltmp1, $4  }
0x108: {  	_ = 	snop  }
0x109: {  	v0 =	vadd.s32 s26, v0  }
0x10a: {  	[tilespmem:s8+$0x0] =	vst v0  }
0x10b: {  	s9 =	sadd.s32 $0x80, s9;
	v0 =	vld [tilespmem:$0x80]  }
0x10c: {  	_ = 	snop  }
0x10d: {  	s9 =	sadd.s32 $0x20000, s24  }
0x10e: {  	s25 =	sand.u32 $0x380, s25;
	s9 =	sand.u32 $0x700000, s9  }
0x10f: {  	s9 =	sor.u32 s25, s9  }
0x110: {  	s8 =	sadd.s32 $0x80, s8;
	v0 =	vadd.s32 s9, v0  }
0x111: {  	[tilespmem:s8+$0xFFFFFF90] =	vst v0  }
0x112: {  	v0 =	vld [tilespmem:$0x90];
	_ =	sdelay $0x4  }
0x113: {  	v0 =	vadd.s32 s9, v0  }
0x114: {  	[tilespmem:s8+$0xFFFFFFA0] =	vst v0  }
0x115: {  	v0 =	vld [tilespmem:$0xA0];
	_ =	sdelay $0x4  }
0x116: {  	v0 =	vadd.s32 s9, v0  }
0x117: {  	[tilespmem:s8+$0xFFFFFFB0] =	vst v0  }
0x118: {  	v0 =	vld [tilespmem:$0xB0];
	_ =	sdelay $0x4  }
0x119: {  	v0 =	vadd.s32 s9, v0  }
0x11a: {  	[tilespmem:s8+$0xFFFFFFC0] =	vst v0  }
0x11b: {  	v0 =	vld [tilespmem:$0xC0];
	_ =	sdelay $0x4  }
0x11c: {  	v0 =	vadd.s32 s9, v0  }
0x11d: {  	[tilespmem:s8+$0xFFFFFFD0] =	vst v0  }
0x11e: {  	v0 =	vld [tilespmem:$0xD0];
	_ =	sdelay $0x4  }
0x11f: {  	v0 =	vadd.s32 s9, v0  }
0x120: {  	[tilespmem:s8+$0xFFFFFFE0] =	vst v0  }
0x121: {  	v0 =	vld [tilespmem:$0xE0];
	_ =	sdelay $0x4  }
0x122: {  	v0 =	vadd.s32 s9, v0  }
0x123: {  	[tilespmem:s8+$0xFFFFFFF0] =	vst v0  }
0x124: {  	v0 =	vld [tilespmem:$0xF0];
	_ =	sdelay $0x4  }
0x125: {  	v0 =	vadd.s32 s9, v0  }
0x126: {  	s26 =	simm.s32 $0x2100;
	s28 =	simm.s32 $0xA100;
	[tilespmem:s8+$0x0] =	vst v0  }
0x127: {  	[tilespmem:s28], [sflag:$0x2] =	stream.indirect.gather [hbm4b:s4+s14], $0x1, s26, s14, $0xb8;
	[tilespmem:$0x18100] =	vst v63  }
0x128: {  	s24 =	simm.s32 $0x12100  }
0x129: {  	[tilespmem:s24], [sflag:$0x2] =	stream.indirect.gather [hbm4b:s7+s14], $0x1, s26, s14, $0xb8;
	[tilespmem:$0x18100] =	vst v63  }
0x12a: {  	s25 =	simm.s32 $0x3100;
	s26 =	simm.s32 $0xB100  }
0x12b: {  	[tilespmem:s26], [sflag:$0x2] =	stream.indirect.gather [hbm4b:s4+s14], $0x1, s25, s14, $0xb8;
	[tilespmem:$0x18100] =	vst v63  }
0x12c: {  	s28 =	simm.s32 $0x13100  }
0x12d: {  	[tilespmem:s28], [sflag:$0x2] =	stream.indirect.gather [hbm4b:s7+s14], $0x1, s25, s14, $0xb8;
	[tilespmem:$0x18100] =	vst v63  }
0x12e: {  	s9 =	rddreg [dreg:$0x8];
	s24 =	simm.s32 $0x0  }
0x12f: {  	[tilespmem:s24], [sflag:$0x6] =	stream.linear.gather [hbm4b:s9+s24], $0x80, $0x38;
	[tilespmem:$0x18100] =	vst v63  }
0x130: {  	_ =	swait.ge [sflag:s13], $0x80  }
0x131: {  	[sflag:s13] =	ssyncset.done $0x0  }
0x132: {  	[sflag:s13] =	ssyncadd.s32 $0xFFFFFF80  }
0x133: {  	v0 =	vld [tilespmem:$0x0]  }
0x134: {  	v1 =	vld [tilespmem:$0x10]  }
0x135: {  	v2 =	vld [tilespmem:$0x20]  }
0x136: {  	v3 =	vld [tilespmem:$0x30]  }
0x137: {  	v5 =	vld [tilespmem:$0x40]  }
0x138: {  	v7 =	vld [tilespmem:$0x50]  }
0x139: {  	v4 =	vshll.u32 v0, $0x3  }
0x13a: {  	v0 =	vand.u32 $0x7F, v0;
	v6 =	vshll.u32 v1, $0x3;
	v58 =	vshll.u32 v2, $0x3  }
0x13b: {  	v1 =	vand.u32 $0x7F, v1;
	v2 =	vand.u32 $0x7F, v2;
	v59 =	vshll.u32 v3, $0x3  }
0x13c: {  	v8 =	vld [tilespmem:$0x60];
	v3 =	vand.u32 $0x7F, v3;
	v61 =	vshll.u32 v5, $0x3;
	v4 =	vand.u32 $0xFFFFFC00, v4  }
0x13d: {  	v60 =	vld [tilespmem:$0x70];
	v62 =	vand.u32 $0x7F, v7;
	v57 =	vand.u32 $0xFFFFFC00, v6;
	v0 =	vor.u32 v0, v4  }
0x13e: {  	v6 =	vand.u32 $0xFFFFFC00, v58;
	v1 =	vor.u32 v1, v57;
	[tilespmem:$0x80] =	vst v0;
	v0 =	vand.u32 $0xFFFFFC00, v59  }
0x13f: {  	v2 =	vor.u32 v2, v6;
	[tilespmem:$0x90] =	vst v1;
	v0 =	vor.u32 v3, v0;
	v3 =	vshll.u32 v7, $0x3  }
0x140: {  	v1 =	vand.u32 $0xFFFFFC00, v61;
	[tilespmem:$0xA0] =	vst v2;
	v2 =	vand.u32 $0x7F, v5;
	v63 =	vld [tilespmem:$0x80];
	v3 =	vand.u32 $0xFFFFFC00, v3  }
0x141: {  	[tilespmem:$0xB0] =	vst v0;
	v0 =	vor.u32 v2, v1;
	v2 =	vshll.u32 v8, $0x3;
	v1 =	vor.u32 v62, v3  }
0x142: {  	[tilespmem:$0xC0] =	vst v0;
	v0 =	vand.u32 $0xFFFFFC00, v2;
	v2 =	vand.u32 $0x7F, v8;
	v3 =	vshll.u32 v60, $0x3  }
0x143: {  	s26 =	sand.u32 $0x380, s24;
	s25 =	sand.u32 $0x700000, s24;
	[tilespmem:$0xD0] =	vst v1;
	v0 =	vor.u32 v2, v0;
	v1 =	vand.u32 $0xFFFFFC00, v3;
	v2 =	vand.u32 $0x7F, v60  }
0x144: {  	s8 =	sor.u32 s26, s25;
	[tilespmem:$0xE0] =	vst v0;
	v0 =	vor.u32 v2, v1  }
0x145: {  	s28 =	simm.s32 $0x0;
	[tilespmem:$0xF0] =	vst v0;
	v0 =	vadd.s32 s8, v63  }
0x146: {  	[tilespmem:s28+$0x4100] =	vst v0  }
0x147: {  	v0 =	vld [tilespmem:$0x90];
	_ =	sdelay $0x4  }
0x148: {  	v0 =	vadd.s32 s8, v0  }
0x149: {  	[tilespmem:s28+$0x4110] =	vst v0  }
0x14a: {  	v0 =	vld [tilespmem:$0xA0];
	_ =	sdelay $0x4  }
0x14b: {  	v0 =	vadd.s32 s8, v0  }
0x14c: {  	[tilespmem:s28+$0x4120] =	vst v0  }
0x14d: {  	v0 =	vld [tilespmem:$0xB0];
	_ =	sdelay $0x4  }
0x14e: {  	v0 =	vadd.s32 s8, v0  }
0x14f: {  	[tilespmem:s28+$0x4130] =	vst v0  }
0x150: {  	v0 =	vld [tilespmem:$0xC0];
	_ =	sdelay $0x4  }
0x151: {  	v0 =	vadd.s32 s8, v0  }
0x152: {  	[tilespmem:s28+$0x4140] =	vst v0  }
0x153: {  	v0 =	vld [tilespmem:$0xD0];
	_ =	sdelay $0x4  }
0x154: {  	v0 =	vadd.s32 s8, v0  }
0x155: {  	[tilespmem:s28+$0x4150] =	vst v0  }
0x156: {  	v0 =	vld [tilespmem:$0xE0];
	_ =	sdelay $0x4  }
0x157: {  	v0 =	vadd.s32 s8, v0  }
0x158: {  	[tilespmem:s28+$0x4160] =	vst v0  }
0x159: {  	v0 =	vld [tilespmem:$0xF0];
	_ =	sdelay $0x4  }
0x15a: {  	v0 =	vadd.s32 s8, v0  }
0x15b: {  	[tilespmem:s28+$0x4170] =	vst v0  }
0x15c: {  	s25 =	simm.s32 $0x0;
	s9 =	simm.s32 $0x400;
	s8 =	simm.s32 $0x200;
	v0 =	vld [tilespmem:$0x80]  }
.LBB2_6:
0x15d: {  	p0 =	sne.s32 s9, $0x7E00  }
0x15e: {  	s24 =	sadd.s32 $0x20000, s24;
	s25 =	sadd.s32 $0x80, s25  }
0x15f: {  	s26 =	sand.u32 $0x700000, s24;
	s28 =	sand.u32 $0x380, s25  }
0x160: {  	s26 =	sor.u32 s28, s26  }
0x161: {  	s28 =	sshra.s32 s8, $0x2;
	s8 =	smov.u32 s9;
	v0 =	vadd.s32 s26, v0  }
0x162: {  	[tilespmem:s28+$0x4100] =	vst v0  }
0x163: {  	v0 =	vld [tilespmem:$0x90];
	_ =	sdelay $0x4  }
0x164: {  	v0 =	vadd.s32 s26, v0  }
0x165: {  	[tilespmem:s28+$0x4110] =	vst v0  }
0x166: {  	v0 =	vld [tilespmem:$0xA0];
	_ =	sdelay $0x4  }
0x167: {  	v0 =	vadd.s32 s26, v0  }
0x168: {  	[tilespmem:s28+$0x4120] =	vst v0  }
0x169: {  	v0 =	vld [tilespmem:$0xB0];
	_ =	sdelay $0x4  }
0x16a: {  	v0 =	vadd.s32 s26, v0  }
0x16b: {  	[tilespmem:s28+$0x4130] =	vst v0  }
0x16c: {  	v0 =	vld [tilespmem:$0xC0];
	_ =	sdelay $0x4  }
0x16d: {  	v0 =	vadd.s32 s26, v0  }
0x16e: {  	[tilespmem:s28+$0x4140] =	vst v0  }
0x16f: {  	v0 =	vld [tilespmem:$0xD0];
	_ =	sdelay $0x4  }
0x170: {  	v0 =	vadd.s32 s26, v0  }
0x171: {  	[tilespmem:s28+$0x4150] =	vst v0  }
0x172: {  	v0 =	vld [tilespmem:$0xE0];
	_ =	sdelay $0x4  }
0x173: {  	v0 =	vadd.s32 s26, v0  }
0x174: {  	[tilespmem:s28+$0x4160] =	vst v0  }
0x175: {  	v0 =	vld [tilespmem:$0xF0];
	_ =	sdelay $0x2  }
.Ltmp2:
0x176: {  	(pc) =	sbr.rel @p0 .LBB2_6-.Ltmp2, $4  }
0x177: {  	_ = 	snop  }
0x178: {  	v0 =	vadd.s32 s26, v0  }
0x179: {  	[tilespmem:s28+$0x4170] =	vst v0  }
0x17a: {  	s9 =	sadd.s32 $0x200, s9;
	v0 =	vld [tilespmem:$0x80]  }
0x17b: {  	_ = 	snop  }
0x17c: {  	s9 =	sadd.s32 $0x20000, s24;
	s26 =	sadd.s32 $0x80, s25  }
0x17d: {  	s9 =	sand.u32 $0x700000, s9;
	s24 =	sand.u32 $0x380, s26  }
0x17e: {  	s9 =	sor.u32 s24, s9  }
0x17f: {  	s8 =	sshra.s32 s8, $0x2;
	v0 =	vadd.s32 s9, v0  }
0x180: {  	[tilespmem:s8+$0x4100] =	vst v0  }
0x181: {  	v0 =	vld [tilespmem:$0x90];
	_ =	sdelay $0x4  }
0x182: {  	v0 =	vadd.s32 s9, v0  }
0x183: {  	[tilespmem:s8+$0x4110] =	vst v0  }
0x184: {  	v0 =	vld [tilespmem:$0xA0];
	_ =	sdelay $0x4  }
0x185: {  	v0 =	vadd.s32 s9, v0  }
0x186: {  	[tilespmem:s8+$0x4120] =	vst v0  }
0x187: {  	v0 =	vld [tilespmem:$0xB0];
	_ =	sdelay $0x4  }
0x188: {  	v0 =	vadd.s32 s9, v0  }
0x189: {  	[tilespmem:s8+$0x4130] =	vst v0  }
0x18a: {  	v0 =	vld [tilespmem:$0xC0];
	_ =	sdelay $0x4  }
0x18b: {  	v0 =	vadd.s32 s9, v0  }
0x18c: {  	[tilespmem:s8+$0x4140] =	vst v0  }
0x18d: {  	v0 =	vld [tilespmem:$0xD0];
	_ =	sdelay $0x4  }
0x18e: {  	v0 =	vadd.s32 s9, v0  }
0x18f: {  	[tilespmem:s8+$0x4150] =	vst v0  }
0x190: {  	v0 =	vld [tilespmem:$0xE0];
	_ =	sdelay $0x4  }
0x191: {  	v0 =	vadd.s32 s9, v0  }
0x192: {  	[tilespmem:s8+$0x4160] =	vst v0  }
0x193: {  	v0 =	vld [tilespmem:$0xF0];
	_ =	sdelay $0x4  }
0x194: {  	v0 =	vadd.s32 s9, v0  }
0x195: {  	s28 =	simm.s32 $0x4100;
	[tilespmem:s8+$0x4170] =	vst v0  }
0x196: {  	[tilespmem:s29], [sflag:$0x3] =	stream.indirect.gather [hbm4b:s4+s14], $0x1, s28, s14, $0xb8;
	[tilespmem:$0x18100] =	vst v63  }
0x197: {  	_ = 	snop  }
0x198: {  	[tilespmem:s30], [sflag:$0x3] =	stream.indirect.gather [hbm4b:s7+s14], $0x1, s28, s14, $0xb8;
	[tilespmem:$0x18100] =	vst v63  }
0x199: {  	_ = 	snop  }
0x19a: {  	[tilespmem:s15], [sflag:$0x3] =	stream.indirect.gather [hbm4b:s4+s14], $0x1, s31, s14, $0xb8;
	[tilespmem:$0x18100] =	vst v63  }
0x19b: {  	_ = 	snop  }
0x19c: {  	[tilespmem:s16], [sflag:$0x3] =	stream.indirect.gather [hbm4b:s7+s14], $0x1, s31, s14, $0xb8;
	[tilespmem:$0x18100] =	vst v63  }
0x19d: {  	s24 =	simm.s32 $0x0;
	s9 =	rddreg [dreg:$0x9]  }
0x19e: {  	[tilespmem:s24], [sflag:$0x6] =	stream.linear.gather [hbm4b:s9+s24], $0x80, $0x38;
	[tilespmem:$0x18100] =	vst v63  }
0x19f: {  	_ =	swait.ge [sflag:s13], $0x80  }
0x1a0: {  	[sflag:s13] =	ssyncset.done $0x0  }
0x1a1: {  	[sflag:s13] =	ssyncadd.s32 $0xFFFFFF80  }
0x1a2: {  	v0 =	vld [tilespmem:$0x0]  }
0x1a3: {  	v1 =	vld [tilespmem:$0x10]  }
0x1a4: {  	v2 =	vld [tilespmem:$0x20]  }
0x1a5: {  	v3 =	vld [tilespmem:$0x30]  }
0x1a6: {  	v5 =	vld [tilespmem:$0x40]  }
0x1a7: {  	v7 =	vld [tilespmem:$0x50]  }
0x1a8: {  	v4 =	vshll.u32 v0, $0x3  }
0x1a9: {  	v0 =	vand.u32 $0x7F, v0;
	v6 =	vshll.u32 v1, $0x3;
	v58 =	vshll.u32 v2, $0x3  }
0x1aa: {  	v1 =	vand.u32 $0x7F, v1;
	v2 =	vand.u32 $0x7F, v2;
	v59 =	vshll.u32 v3, $0x3  }
0x1ab: {  	v8 =	vld [tilespmem:$0x60];
	v3 =	vand.u32 $0x7F, v3;
	v61 =	vshll.u32 v5, $0x3;
	v4 =	vand.u32 $0xFFFFFC00, v4  }
0x1ac: {  	v60 =	vld [tilespmem:$0x70];
	v62 =	vand.u32 $0x7F, v7;
	v57 =	vand.u32 $0xFFFFFC00, v6;
	v0 =	vor.u32 v0, v4  }
0x1ad: {  	v6 =	vand.u32 $0xFFFFFC00, v58;
	v1 =	vor.u32 v1, v57;
	[tilespmem:$0x80] =	vst v0;
	v0 =	vand.u32 $0xFFFFFC00, v59  }
0x1ae: {  	v2 =	vor.u32 v2, v6;
	[tilespmem:$0x90] =	vst v1;
	v0 =	vor.u32 v3, v0;
	v3 =	vshll.u32 v7, $0x3  }
0x1af: {  	v1 =	vand.u32 $0xFFFFFC00, v61;
	[tilespmem:$0xA0] =	vst v2;
	v2 =	vand.u32 $0x7F, v5;
	v63 =	vld [tilespmem:$0x80];
	v3 =	vand.u32 $0xFFFFFC00, v3  }
0x1b0: {  	[tilespmem:$0xB0] =	vst v0;
	v0 =	vor.u32 v2, v1;
	v2 =	vshll.u32 v8, $0x3;
	v1 =	vor.u32 v62, v3  }
0x1b1: {  	[tilespmem:$0xC0] =	vst v0;
	v0 =	vand.u32 $0xFFFFFC00, v2;
	v2 =	vand.u32 $0x7F, v8;
	v3 =	vshll.u32 v60, $0x3  }
0x1b2: {  	s25 =	sand.u32 $0x700000, s24;
	s26 =	sand.u32 $0x380, s24;
	[tilespmem:$0xD0] =	vst v1;
	v0 =	vor.u32 v2, v0;
	v1 =	vand.u32 $0xFFFFFC00, v3;
	v2 =	vand.u32 $0x7F, v60  }
0x1b3: {  	s8 =	sor.u32 s26, s25;
	[tilespmem:$0xE0] =	vst v0;
	v0 =	vor.u32 v2, v1  }
0x1b4: {  	s28 =	simm.s32 $0x0;
	[tilespmem:$0xF0] =	vst v0;
	v0 =	vadd.s32 s8, v63  }
0x1b5: {  	[tilespmem:s28+$0x6100] =	vst v0  }
0x1b6: {  	v0 =	vld [tilespmem:$0x90];
	_ =	sdelay $0x4  }
0x1b7: {  	v0 =	vadd.s32 s8, v0  }
0x1b8: {  	[tilespmem:s28+$0x6110] =	vst v0  }
0x1b9: {  	v0 =	vld [tilespmem:$0xA0];
	_ =	sdelay $0x4  }
0x1ba: {  	v0 =	vadd.s32 s8, v0  }
0x1bb: {  	[tilespmem:s28+$0x6120] =	vst v0  }
0x1bc: {  	v0 =	vld [tilespmem:$0xB0];
	_ =	sdelay $0x4  }
0x1bd: {  	v0 =	vadd.s32 s8, v0  }
0x1be: {  	[tilespmem:s28+$0x6130] =	vst v0  }
0x1bf: {  	v0 =	vld [tilespmem:$0xC0];
	_ =	sdelay $0x4  }
0x1c0: {  	v0 =	vadd.s32 s8, v0  }
0x1c1: {  	[tilespmem:s28+$0x6140] =	vst v0  }
0x1c2: {  	v0 =	vld [tilespmem:$0xD0];
	_ =	sdelay $0x4  }
0x1c3: {  	v0 =	vadd.s32 s8, v0  }
0x1c4: {  	[tilespmem:s28+$0x6150] =	vst v0  }
0x1c5: {  	v0 =	vld [tilespmem:$0xE0];
	_ =	sdelay $0x4  }
0x1c6: {  	v0 =	vadd.s32 s8, v0  }
0x1c7: {  	[tilespmem:s28+$0x6160] =	vst v0  }
0x1c8: {  	v0 =	vld [tilespmem:$0xF0];
	_ =	sdelay $0x4  }
0x1c9: {  	v0 =	vadd.s32 s8, v0  }
0x1ca: {  	[tilespmem:s28+$0x6170] =	vst v0  }
0x1cb: {  	s25 =	simm.s32 $0x0;
	s9 =	simm.s32 $0x400;
	s8 =	simm.s32 $0x200;
	v0 =	vld [tilespmem:$0x80]  }
.LBB2_8:
0x1cc: {  	p0 =	sne.s32 s9, $0x7E00  }
0x1cd: {  	s24 =	sadd.s32 $0x20000, s24;
	s25 =	sadd.s32 $0x80, s25  }
0x1ce: {  	s26 =	sand.u32 $0x700000, s24;
	s28 =	sand.u32 $0x380, s25  }
0x1cf: {  	s26 =	sor.u32 s28, s26  }
0x1d0: {  	s28 =	sshra.s32 s8, $0x2;
	s8 =	smov.u32 s9;
	v0 =	vadd.s32 s26, v0  }
0x1d1: {  	[tilespmem:s28+$0x6100] =	vst v0  }
0x1d2: {  	v0 =	vld [tilespmem:$0x90];
	_ =	sdelay $0x4  }
0x1d3: {  	v0 =	vadd.s32 s26, v0  }
0x1d4: {  	[tilespmem:s28+$0x6110] =	vst v0  }
0x1d5: {  	v0 =	vld [tilespmem:$0xA0];
	_ =	sdelay $0x4  }
0x1d6: {  	v0 =	vadd.s32 s26, v0  }
0x1d7: {  	[tilespmem:s28+$0x6120] =	vst v0  }
0x1d8: {  	v0 =	vld [tilespmem:$0xB0];
	_ =	sdelay $0x4  }
0x1d9: {  	v0 =	vadd.s32 s26, v0  }
0x1da: {  	[tilespmem:s28+$0x6130] =	vst v0  }
0x1db: {  	v0 =	vld [tilespmem:$0xC0];
	_ =	sdelay $0x4  }
0x1dc: {  	v0 =	vadd.s32 s26, v0  }
0x1dd: {  	[tilespmem:s28+$0x6140] =	vst v0  }
0x1de: {  	v0 =	vld [tilespmem:$0xD0];
	_ =	sdelay $0x4  }
0x1df: {  	v0 =	vadd.s32 s26, v0  }
0x1e0: {  	[tilespmem:s28+$0x6150] =	vst v0  }
0x1e1: {  	v0 =	vld [tilespmem:$0xE0];
	_ =	sdelay $0x4  }
0x1e2: {  	v0 =	vadd.s32 s26, v0  }
0x1e3: {  	[tilespmem:s28+$0x6160] =	vst v0  }
0x1e4: {  	v0 =	vld [tilespmem:$0xF0];
	_ =	sdelay $0x2  }
.Ltmp3:
0x1e5: {  	(pc) =	sbr.rel @p0 .LBB2_8-.Ltmp3, $4  }
0x1e6: {  	_ = 	snop  }
0x1e7: {  	v0 =	vadd.s32 s26, v0  }
0x1e8: {  	[tilespmem:s28+$0x6170] =	vst v0  }
0x1e9: {  	s9 =	sadd.s32 $0x200, s9;
	v0 =	vld [tilespmem:$0x80]  }
0x1ea: {  	_ = 	snop  }
0x1eb: {  	s9 =	sadd.s32 $0x20000, s24;
	s28 =	sadd.s32 $0x80, s25  }
0x1ec: {  	s9 =	sand.u32 $0x700000, s9;
	s24 =	sand.u32 $0x380, s28  }
0x1ed: {  	s9 =	sor.u32 s24, s9  }
0x1ee: {  	s8 =	sshra.s32 s8, $0x2;
	v0 =	vadd.s32 s9, v0  }
0x1ef: {  	[tilespmem:s8+$0x6100] =	vst v0  }
0x1f0: {  	v0 =	vld [tilespmem:$0x90];
	_ =	sdelay $0x4  }
0x1f1: {  	v0 =	vadd.s32 s9, v0  }
0x1f2: {  	[tilespmem:s8+$0x6110] =	vst v0  }
0x1f3: {  	v0 =	vld [tilespmem:$0xA0];
	_ =	sdelay $0x4  }
0x1f4: {  	v0 =	vadd.s32 s9, v0  }
0x1f5: {  	[tilespmem:s8+$0x6120] =	vst v0  }
0x1f6: {  	v0 =	vld [tilespmem:$0xB0];
	_ =	sdelay $0x4  }
0x1f7: {  	v0 =	vadd.s32 s9, v0  }
0x1f8: {  	[tilespmem:s8+$0x6130] =	vst v0  }
0x1f9: {  	v0 =	vld [tilespmem:$0xC0];
	_ =	sdelay $0x4  }
0x1fa: {  	v0 =	vadd.s32 s9, v0  }
0x1fb: {  	[tilespmem:s8+$0x6140] =	vst v0  }
0x1fc: {  	v0 =	vld [tilespmem:$0xD0];
	_ =	sdelay $0x4  }
0x1fd: {  	v0 =	vadd.s32 s9, v0  }
0x1fe: {  	[tilespmem:s8+$0x6150] =	vst v0  }
0x1ff: {  	v0 =	vld [tilespmem:$0xE0];
	_ =	sdelay $0x4  }
0x200: {  	v0 =	vadd.s32 s9, v0  }
0x201: {  	[tilespmem:s8+$0x6160] =	vst v0  }
0x202: {  	v0 =	vld [tilespmem:$0xF0];
	_ =	sdelay $0x4  }
0x203: {  	v0 =	vadd.s32 s9, v0  }
0x204: {  	[tilespmem:s8+$0x6170] =	vst v0  }
0x205: {  	[tilespmem:s17], [sflag:$0x4] =	stream.indirect.gather [hbm4b:s4+s14], $0x1, s0, s14, $0xb8;
	[tilespmem:$0x18100] =	vst v63  }
0x206: {  	_ = 	snop  }
0x207: {  	[tilespmem:s2], [sflag:$0x4] =	stream.indirect.gather [hbm4b:s7+s14], $0x1, s0, s14, $0xb8;
	[tilespmem:$0x18100] =	vst v63  }
0x208: {  	_ = 	snop  }
0x209: {  	[tilespmem:s19], [sflag:$0x4] =	stream.indirect.gather [hbm4b:s4+s14], $0x1, s18, s14, $0xb8;
	[tilespmem:$0x18100] =	vst v63  }
0x20a: {  	_ = 	snop  }
0x20b: {  	[tilespmem:s3], [sflag:$0x4] =	stream.indirect.gather [hbm4b:s7+s14], $0x1, s18, s14, $0xb8;
	[tilespmem:$0x18100] =	vst v63  }
0x20c: {  	_ =	swait.ge [sflag:s20], $0x1000  }
0x20d: {  	[sflag:s20] =	ssyncset.done $0x0  }
0x20e: {  	[sflag:s20] =	ssyncadd.s32 $0xFFFFF000  }
0x20f: {  	_ =	swait.ge [sflag:s20], $0x1000  }
0x210: {  	[sflag:s20] =	ssyncset.done $0x0  }
0x211: {  	[sflag:s20] =	ssyncadd.s32 $0xFFFFF000  }
0x212: {  	_ =	swait.ge [sflag:s20], $0x1000  }
0x213: {  	[sflag:s20] =	ssyncset.done $0x0  }
0x214: {  	[sflag:s20] =	ssyncadd.s32 $0xFFFFF000  }
0x215: {  	_ =	swait.ge [sflag:s20], $0x1000  }
0x216: {  	[sflag:s20] =	ssyncset.done $0x0  }
0x217: {  	s25 =	simm.s32 $0x8100;
	s24 =	rddreg [dreg:$0xa];
	[sflag:s20] =	ssyncadd.s32 $0xFFFFF000  }
0x218: {  	[hbm4b:s24+s1] =	stream.linear.scatter [tilespmem:s25], [sflag:$0x5], $0x400, $0x38;
	[tilespmem:$0x18100] =	vst v63  }
0x219: {  	s28 =	simm.s32 $0x10100;
	s26 =	rddreg [dreg:$0xb]  }
0x21a: {  	[hbm4b:s26+s1] =	stream.linear.scatter [tilespmem:s28], [sflag:$0x5], $0x400, $0x38;
	[tilespmem:$0x18100] =	vst v63  }
0x21b: {  	s24 =	rddreg [dreg:$0xc];
	s25 =	simm.s32 $0x8500  }
0x21c: {  	[hbm4b:s24+s1] =	stream.linear.scatter [tilespmem:s25], [sflag:$0x5], $0x400, $0x38;
	[tilespmem:$0x18100] =	vst v63  }
0x21d: {  	s26 =	rddreg [dreg:$0xd];
	s28 =	simm.s32 $0x10500  }
0x21e: {  	[hbm4b:s26+s1] =	stream.linear.scatter [tilespmem:s28], [sflag:$0x5], $0x400, $0x38;
	[tilespmem:$0x18100] =	vst v63  }
0x21f: {  	s24 =	rddreg [dreg:$0xe];
	s25 =	simm.s32 $0x8900  }
0x220: {  	[hbm4b:s24+s1] =	stream.linear.scatter [tilespmem:s25], [sflag:$0x5], $0x400, $0x38;
	[tilespmem:$0x18100] =	vst v63  }
0x221: {  	s26 =	rddreg [dreg:$0xf];
	s28 =	simm.s32 $0x10900  }
0x222: {  	[hbm4b:s26+s1] =	stream.linear.scatter [tilespmem:s28], [sflag:$0x5], $0x400, $0x38;
	[tilespmem:$0x18100] =	vst v63  }
0x223: {  	s24 =	rddreg [dreg:$0x10];
	s25 =	simm.s32 $0x8D00  }
0x224: {  	[hbm4b:s24+s1] =	stream.linear.scatter [tilespmem:s25], [sflag:$0x5], $0x400, $0x38;
	[tilespmem:$0x18100] =	vst v63  }
0x225: {  	s26 =	rddreg [dreg:$0x11];
	s28 =	simm.s32 $0x10D00  }
0x226: {  	[hbm4b:s26+s1] =	stream.linear.scatter [tilespmem:s28], [sflag:$0x5], $0x400, $0x38;
	[tilespmem:$0x18100] =	vst v63  }
0x227: {  	s24 =	rddreg [dreg:$0x12];
	s25 =	simm.s32 $0x9100  }
0x228: {  	[hbm4b:s24+s1] =	stream.linear.scatter [tilespmem:s25], [sflag:$0x5], $0x400, $0x38;
	[tilespmem:$0x18100] =	vst v63  }
0x229: {  	s26 =	rddreg [dreg:$0x13];
	s28 =	simm.s32 $0x11100  }
0x22a: {  	[hbm4b:s26+s1] =	stream.linear.scatter [tilespmem:s28], [sflag:$0x5], $0x400, $0x38;
	[tilespmem:$0x18100] =	vst v63  }
0x22b: {  	s24 =	rddreg [dreg:$0x14];
	s25 =	simm.s32 $0x9500  }
0x22c: {  	[hbm4b:s24+s1] =	stream.linear.scatter [tilespmem:s25], [sflag:$0x5], $0x400, $0x38;
	[tilespmem:$0x18100] =	vst v63  }
0x22d: {  	s26 =	rddreg [dreg:$0x15];
	s28 =	simm.s32 $0x11500  }
0x22e: {  	[hbm4b:s26+s1] =	stream.linear.scatter [tilespmem:s28], [sflag:$0x5], $0x400, $0x38;
	[tilespmem:$0x18100] =	vst v63  }
0x22f: {  	s24 =	rddreg [dreg:$0x16];
	s25 =	simm.s32 $0x9900  }
0x230: {  	[hbm4b:s24+s1] =	stream.linear.scatter [tilespmem:s25], [sflag:$0x5], $0x400, $0x38;
	[tilespmem:$0x18100] =	vst v63  }
0x231: {  	s26 =	rddreg [dreg:$0x17];
	s28 =	simm.s32 $0x11900  }
0x232: {  	[hbm4b:s26+s1] =	stream.linear.scatter [tilespmem:s28], [sflag:$0x5], $0x400, $0x38;
	[tilespmem:$0x18100] =	vst v63  }
0x233: {  	s24 =	rddreg [dreg:$0x18];
	s25 =	simm.s32 $0x9D00  }
0x234: {  	[hbm4b:s24+s1] =	stream.linear.scatter [tilespmem:s25], [sflag:$0x5], $0x400, $0x38;
	[tilespmem:$0x18100] =	vst v63  }
0x235: {  	s26 =	rddreg [dreg:$0x19];
	s28 =	simm.s32 $0x11D00  }
0x236: {  	[hbm4b:s26+s1] =	stream.linear.scatter [tilespmem:s28], [sflag:$0x5], $0x400, $0x38;
	[tilespmem:$0x18100] =	vst v63  }
0x237: {  	_ =	swait.ge [sflag:s21], $0x1000  }
0x238: {  	[sflag:s21] =	ssyncset.done $0x0  }
0x239: {  	[sflag:s21] =	ssyncadd.s32 $0xFFFFF000  }
0x23a: {  	_ =	swait.ge [sflag:s21], $0x1000  }
0x23b: {  	[sflag:s21] =	ssyncset.done $0x0  }
0x23c: {  	[sflag:s21] =	ssyncadd.s32 $0xFFFFF000  }
0x23d: {  	_ =	swait.ge [sflag:s21], $0x1000  }
0x23e: {  	[sflag:s21] =	ssyncset.done $0x0  }
0x23f: {  	[sflag:s21] =	ssyncadd.s32 $0xFFFFF000  }
0x240: {  	_ =	swait.ge [sflag:s21], $0x1000  }
0x241: {  	s24 =	sld [smem:$0x7DA]  }
0x242: {  	[sflag:s21] =	ssyncset.done $0x0  }
0x243: {  	s25 =	simm.s32 $0xA100;
	s26 =	sld [smem:$0x7DB];
	[sflag:s21] =	ssyncadd.s32 $0xFFFFF000  }
0x244: {  	[hbm4b:s24+s1] =	stream.linear.scatter [tilespmem:s25], [sflag:$0x5], $0x400, $0x38;
	[tilespmem:$0x18100] =	vst v63  }
0x245: {  	s28 =	simm.s32 $0x12100;
	s24 =	rddreg [dreg:$0x1a]  }
0x246: {  	[hbm4b:s26+s1] =	stream.linear.scatter [tilespmem:s28], [sflag:$0x5], $0x400, $0x38;
	[tilespmem:$0x18100] =	vst v63  }
0x247: {  	s25 =	simm.s32 $0xA500;
	s26 =	rddreg [dreg:$0x1b]  }
0x248: {  	[hbm4b:s24+s1] =	stream.linear.scatter [tilespmem:s25], [sflag:$0x5], $0x400, $0x38;
	[tilespmem:$0x18100] =	vst v63  }
0x249: {  	s28 =	simm.s32 $0x12500;
	s24 =	rddreg [dreg:$0x1c]  }
0x24a: {  	[hbm4b:s26+s1] =	stream.linear.scatter [tilespmem:s28], [sflag:$0x5], $0x400, $0x38;
	[tilespmem:$0x18100] =	vst v63  }
0x24b: {  	s25 =	simm.s32 $0xA900;
	s26 =	rddreg [dreg:$0x1d]  }
0x24c: {  	[hbm4b:s24+s1] =	stream.linear.scatter [tilespmem:s25], [sflag:$0x5], $0x400, $0x38;
	[tilespmem:$0x18100] =	vst v63  }
0x24d: {  	s28 =	simm.s32 $0x12900;
	s24 =	rddreg [dreg:$0x1e]  }
0x24e: {  	[hbm4b:s26+s1] =	stream.linear.scatter [tilespmem:s28], [sflag:$0x5], $0x400, $0x38;
	[tilespmem:$0x18100] =	vst v63  }
0x24f: {  	s25 =	simm.s32 $0xAD00;
	s26 =	rddreg [dreg:$0x1f]  }
0x250: {  	[hbm4b:s24+s1] =	stream.linear.scatter [tilespmem:s25], [sflag:$0x5], $0x400, $0x38;
	[tilespmem:$0x18100] =	vst v63  }
0x251: {  	s28 =	simm.s32 $0x12D00;
	s24 =	sld [smem:$0x7D6]  }
0x252: {  	[hbm4b:s26+s1] =	stream.linear.scatter [tilespmem:s28], [sflag:$0x5], $0x400, $0x38;
	[tilespmem:$0x18100] =	vst v63  }
0x253: {  	s25 =	simm.s32 $0xB100;
	s26 =	sld [smem:$0x7D7]  }
0x254: {  	[hbm4b:s24+s1] =	stream.linear.scatter [tilespmem:s25], [sflag:$0x5], $0x400, $0x38;
	[tilespmem:$0x18100] =	vst v63  }
0x255: {  	s28 =	simm.s32 $0x13100;
	s24 =	sld [smem:$0x7D8]  }
0x256: {  	[hbm4b:s26+s1] =	stream.linear.scatter [tilespmem:s28], [sflag:$0x5], $0x400, $0x38;
	[tilespmem:$0x18100] =	vst v63  }
0x257: {  	s25 =	simm.s32 $0xB500;
	s26 =	sld [smem:$0x7D9]  }
0x258: {  	[hbm4b:s24+s1] =	stream.linear.scatter [tilespmem:s25], [sflag:$0x5], $0x400, $0x38;
	[tilespmem:$0x18100] =	vst v63  }
0x259: {  	s28 =	simm.s32 $0x13500;
	s24 =	sld [smem:$0x7DC]  }
0x25a: {  	[hbm4b:s26+s1] =	stream.linear.scatter [tilespmem:s28], [sflag:$0x5], $0x400, $0x38;
	[tilespmem:$0x18100] =	vst v63  }
0x25b: {  	s25 =	simm.s32 $0xB900;
	s26 =	sld [smem:$0x7DD]  }
0x25c: {  	[hbm4b:s24+s1] =	stream.linear.scatter [tilespmem:s25], [sflag:$0x5], $0x400, $0x38;
	[tilespmem:$0x18100] =	vst v63  }
0x25d: {  	s9 =	sld [smem:$0x7DE];
	s28 =	simm.s32 $0x13900  }
0x25e: {  	[hbm4b:s26+s1] =	stream.linear.scatter [tilespmem:s28], [sflag:$0x5], $0x400, $0x38;
	[tilespmem:$0x18100] =	vst v63  }
0x25f: {  	s24 =	simm.s32 $0xBD00;
	s25 =	sld [smem:$0x7DF]  }
0x260: {  	[hbm4b:s9+s1] =	stream.linear.scatter [tilespmem:s24], [sflag:$0x5], $0x400, $0x38;
	[tilespmem:$0x18100] =	vst v63  }
0x261: {  	s26 =	simm.s32 $0x13D00  }
0x262: {  	[hbm4b:s25+s1] =	stream.linear.scatter [tilespmem:s26], [sflag:$0x5], $0x400, $0x38;
	[tilespmem:$0x18100] =	vst v63  }
0x263: {  	_ =	swait.ge [sflag:s5], $0x1000  }
0x264: {  	[sflag:s5] =	ssyncset.done $0x0  }
0x265: {  	[sflag:s5] =	ssyncadd.s32 $0xFFFFF000  }
0x266: {  	_ =	swait.ge [sflag:s5], $0x1000  }
0x267: {  	[sflag:s5] =	ssyncset.done $0x0  }
0x268: {  	[sflag:s5] =	ssyncadd.s32 $0xFFFFF000  }
0x269: {  	_ =	swait.ge [sflag:s5], $0x1000  }
0x26a: {  	[sflag:s5] =	ssyncset.done $0x0  }
0x26b: {  	[sflag:s5] =	ssyncadd.s32 $0xFFFFF000  }
0x26c: {  	_ =	swait.ge [sflag:s5], $0x1000  }
0x26d: {  	s28 =	sld [smem:$0x7EA]  }
0x26e: {  	[sflag:s5] =	ssyncset.done $0x0  }
0x26f: {  	s9 =	sld [smem:$0x7EB];
	[sflag:s5] =	ssyncadd.s32 $0xFFFFF000  }
0x270: {  	[hbm4b:s28+s1] =	stream.linear.scatter [tilespmem:s29], [sflag:$0x5], $0x400, $0x38;
	[tilespmem:$0x18100] =	vst v63  }
0x271: {  	s24 =	sld [smem:$0x7E0]  }
0x272: {  	[hbm4b:s9+s1] =	stream.linear.scatter [tilespmem:s30], [sflag:$0x5], $0x400, $0x38;
	[tilespmem:$0x18100] =	vst v63  }
0x273: {  	s25 =	simm.s32 $0xC500;
	s26 =	sld [smem:$0x7E1]  }
0x274: {  	[hbm4b:s24+s1] =	stream.linear.scatter [tilespmem:s25], [sflag:$0x5], $0x400, $0x38;
	[tilespmem:$0x18100] =	vst v63  }
0x275: {  	s28 =	simm.s32 $0x14500;
	s24 =	sld [smem:$0x7E2]  }
0x276: {  	[hbm4b:s26+s1] =	stream.linear.scatter [tilespmem:s28], [sflag:$0x5], $0x400, $0x38;
	[tilespmem:$0x18100] =	vst v63  }
0x277: {  	s25 =	simm.s32 $0xC900;
	s26 =	sld [smem:$0x7E3]  }
0x278: {  	[hbm4b:s24+s1] =	stream.linear.scatter [tilespmem:s25], [sflag:$0x5], $0x400, $0x38;
	[tilespmem:$0x18100] =	vst v63  }
0x279: {  	s9 =	sld [smem:$0x7E4];
	s28 =	simm.s32 $0x14900  }
0x27a: {  	[hbm4b:s26+s1] =	stream.linear.scatter [tilespmem:s28], [sflag:$0x5], $0x400, $0x38;
	[tilespmem:$0x18100] =	vst v63  }
0x27b: {  	s24 =	simm.s32 $0xCD00;
	s25 =	sld [smem:$0x7E5]  }
0x27c: {  	[hbm4b:s9+s1] =	stream.linear.scatter [tilespmem:s24], [sflag:$0x5], $0x400, $0x38;
	[tilespmem:$0x18100] =	vst v63  }
0x27d: {  	s26 =	simm.s32 $0x14D00;
	s28 =	sld [smem:$0x7E6]  }
0x27e: {  	[hbm4b:s25+s1] =	stream.linear.scatter [tilespmem:s26], [sflag:$0x5], $0x400, $0x38;
	[tilespmem:$0x18100] =	vst v63  }
0x27f: {  	s9 =	sld [smem:$0x7E7]  }
0x280: {  	[hbm4b:s28+s1] =	stream.linear.scatter [tilespmem:s15], [sflag:$0x5], $0x400, $0x38;
	[tilespmem:$0x18100] =	vst v63  }
0x281: {  	s24 =	sld [smem:$0x7E8]  }
0x282: {  	[hbm4b:s9+s1] =	stream.linear.scatter [tilespmem:s16], [sflag:$0x5], $0x400, $0x38;
	[tilespmem:$0x18100] =	vst v63  }
0x283: {  	s25 =	simm.s32 $0xD500;
	s26 =	sld [smem:$0x7E9]  }
0x284: {  	[hbm4b:s24+s1] =	stream.linear.scatter [tilespmem:s25], [sflag:$0x5], $0x400, $0x38;
	[tilespmem:$0x18100] =	vst v63  }
0x285: {  	s28 =	simm.s32 $0x15500;
	s24 =	sld [smem:$0x7EC]  }
0x286: {  	[hbm4b:s26+s1] =	stream.linear.scatter [tilespmem:s28], [sflag:$0x5], $0x400, $0x38;
	[tilespmem:$0x18100] =	vst v63  }
0x287: {  	s25 =	simm.s32 $0xD900;
	s26 =	sld [smem:$0x7ED]  }
0x288: {  	[hbm4b:s24+s1] =	stream.linear.scatter [tilespmem:s25], [sflag:$0x5], $0x400, $0x38;
	[tilespmem:$0x18100] =	vst v63  }
0x289: {  	s9 =	sld [smem:$0x7EE];
	s28 =	simm.s32 $0x15900  }
0x28a: {  	[hbm4b:s26+s1] =	stream.linear.scatter [tilespmem:s28], [sflag:$0x5], $0x400, $0x38;
	[tilespmem:$0x18100] =	vst v63  }
0x28b: {  	s24 =	simm.s32 $0xDD00;
	s25 =	sld [smem:$0x7EF]  }
0x28c: {  	[hbm4b:s9+s1] =	stream.linear.scatter [tilespmem:s24], [sflag:$0x5], $0x400, $0x38;
	[tilespmem:$0x18100] =	vst v63  }
0x28d: {  	s26 =	simm.s32 $0x15D00  }
0x28e: {  	[hbm4b:s25+s1] =	stream.linear.scatter [tilespmem:s26], [sflag:$0x5], $0x400, $0x38;
	[tilespmem:$0x18100] =	vst v63  }
0x28f: {  	_ =	swait.ge [sflag:s22], $0x1000  }
0x290: {  	[sflag:s22] =	ssyncset.done $0x0  }
0x291: {  	[sflag:s22] =	ssyncadd.s32 $0xFFFFF000  }
0x292: {  	_ =	swait.ge [sflag:s22], $0x1000  }
0x293: {  	[sflag:s22] =	ssyncset.done $0x0  }
0x294: {  	[sflag:s22] =	ssyncadd.s32 $0xFFFFF000  }
0x295: {  	_ =	swait.ge [sflag:s22], $0x1000  }
0x296: {  	[sflag:s22] =	ssyncset.done $0x0  }
0x297: {  	[sflag:s22] =	ssyncadd.s32 $0xFFFFF000  }
0x298: {  	_ =	swait.ge [sflag:s22], $0x1000  }
0x299: {  	s28 =	sld [smem:$0x7FC]  }
0x29a: {  	[sflag:s22] =	ssyncset.done $0x0  }
0x29b: {  	s9 =	sld [smem:$0x7FD];
	[sflag:s22] =	ssyncadd.s32 $0xFFFFF000  }
0x29c: {  	[hbm4b:s28+s1] =	stream.linear.scatter [tilespmem:s17], [sflag:$0x5], $0x400, $0x38;
	[tilespmem:$0x18100] =	vst v63  }
0x29d: {  	s24 =	sld [smem:$0x7F0]  }
0x29e: {  	[hbm4b:s9+s1] =	stream.linear.scatter [tilespmem:s2], [sflag:$0x5], $0x400, $0x38;
	[tilespmem:$0x18100] =	vst v63  }
0x29f: {  	s25 =	simm.s32 $0xE500;
	s26 =	sld [smem:$0x7F1]  }
0x2a0: {  	[hbm4b:s24+s1] =	stream.linear.scatter [tilespmem:s25], [sflag:$0x5], $0x400, $0x38;
	[tilespmem:$0x18100] =	vst v63  }
0x2a1: {  	s28 =	simm.s32 $0x16500;
	s24 =	sld [smem:$0x7F2]  }
0x2a2: {  	[hbm4b:s26+s1] =	stream.linear.scatter [tilespmem:s28], [sflag:$0x5], $0x400, $0x38;
	[tilespmem:$0x18100] =	vst v63  }
0x2a3: {  	s25 =	simm.s32 $0xE900;
	s26 =	sld [smem:$0x7F3]  }
0x2a4: {  	[hbm4b:s24+s1] =	stream.linear.scatter [tilespmem:s25], [sflag:$0x5], $0x400, $0x38;
	[tilespmem:$0x18100] =	vst v63  }
0x2a5: {  	s28 =	simm.s32 $0x16900;
	s24 =	sld [smem:$0x7F4]  }
0x2a6: {  	[hbm4b:s26+s1] =	stream.linear.scatter [tilespmem:s28], [sflag:$0x5], $0x400, $0x38;
	[tilespmem:$0x18100] =	vst v63  }
0x2a7: {  	s25 =	simm.s32 $0xED00;
	s26 =	sld [smem:$0x7F5]  }
0x2a8: {  	[hbm4b:s24+s1] =	stream.linear.scatter [tilespmem:s25], [sflag:$0x5], $0x400, $0x38;
	[tilespmem:$0x18100] =	vst v63  }
0x2a9: {  	s28 =	simm.s32 $0x16D00;
	s24 =	sld [smem:$0x7F6]  }
0x2aa: {  	[hbm4b:s26+s1] =	stream.linear.scatter [tilespmem:s28], [sflag:$0x5], $0x400, $0x38;
	[tilespmem:$0x18100] =	vst v63  }
0x2ab: {  	s25 =	sld [smem:$0x7F7]  }
0x2ac: {  	[hbm4b:s24+s1] =	stream.linear.scatter [tilespmem:s19], [sflag:$0x5], $0x400, $0x38;
	[tilespmem:$0x18100] =	vst v63  }
0x2ad: {  	s26 =	sld [smem:$0x7F8]  }
0x2ae: {  	[hbm4b:s25+s1] =	stream.linear.scatter [tilespmem:s3], [sflag:$0x5], $0x400, $0x38;
	[tilespmem:$0x18100] =	vst v63  }
0x2af: {  	s28 =	simm.s32 $0xF500;
	s24 =	sld [smem:$0x7F9]  }
0x2b0: {  	[hbm4b:s26+s1] =	stream.linear.scatter [tilespmem:s28], [sflag:$0x5], $0x400, $0x38;
	[tilespmem:$0x18100] =	vst v63  }
0x2b1: {  	s25 =	simm.s32 $0x17500;
	s26 =	sld [smem:$0x7FA]  }
0x2b2: {  	[hbm4b:s24+s1] =	stream.linear.scatter [tilespmem:s25], [sflag:$0x5], $0x400, $0x38;
	[tilespmem:$0x18100] =	vst v63  }
0x2b3: {  	s28 =	simm.s32 $0xF900;
	s24 =	sld [smem:$0x7FB]  }
0x2b4: {  	[hbm4b:s26+s1] =	stream.linear.scatter [tilespmem:s28], [sflag:$0x5], $0x400, $0x38;
	[tilespmem:$0x18100] =	vst v63  }
0x2b5: {  	s25 =	simm.s32 $0x17900  }
0x2b6: {  	[hbm4b:s24+s1] =	stream.linear.scatter [tilespmem:s25], [sflag:$0x5], $0x400, $0x38;
	[tilespmem:$0x18100] =	vst v63  }
0x2b7: {  	s26 =	simm.s32 $0xFD00  }
0x2b8: {  	[hbm4b:s10+s1] =	stream.linear.scatter [tilespmem:s26], [sflag:$0x5], $0x400, $0x38;
	[tilespmem:$0x18100] =	vst v63  }
0x2b9: {  	s28 =	simm.s32 $0x17D00  }
0x2ba: {  	[hbm4b:s11+s1] =	stream.linear.scatter [tilespmem:s28], [sflag:$0x5], $0x400, $0x38;
	[tilespmem:$0x18100] =	vst v63  }
0x2bb: {  	_ =	swait.ge [sflag:s6], $0x400  }
0x2bc: {  	[sflag:s6] =	ssyncset.done $0x0  }
0x2bd: {  	[sflag:s6] =	ssyncadd.s32 $0xFFFFFC00  }
0x2be: {  	_ =	swait.ge [sflag:s6], $0x400  }
0x2bf: {  	[sflag:s6] =	ssyncset.done $0x0  }
0x2c0: {  	[sflag:s6] =	ssyncadd.s32 $0xFFFFFC00  }
0x2c1: {  	_ =	swait.ge [sflag:s6], $0x400  }
0x2c2: {  	[sflag:s6] =	ssyncset.done $0x0  }
0x2c3: {  	[sflag:s6] =	ssyncadd.s32 $0xFFFFFC00  }
0x2c4: {  	_ =	swait.ge [sflag:s6], $0x400  }
0x2c5: {  	[sflag:s6] =	ssyncset.done $0x0  }
0x2c6: {  	[sflag:s6] =	ssyncadd.s32 $0xFFFFFC00  }
0x2c7: {  	_ =	swait.ge [sflag:s6], $0x400  }
0x2c8: {  	[sflag:s6] =	ssyncset.done $0x0  }
0x2c9: {  	[sflag:s6] =	ssyncadd.s32 $0xFFFFFC00  }
0x2ca: {  	_ =	swait.ge [sflag:s6], $0x400  }
0x2cb: {  	[sflag:s6] =	ssyncset.done $0x0  }
0x2cc: {  	[sflag:s6] =	ssyncadd.s32 $0xFFFFFC00  }
0x2cd: {  	_ =	swait.ge [sflag:s6], $0x400  }
0x2ce: {  	[sflag:s6] =	ssyncset.done $0x0  }
0x2cf: {  	[sflag:s6] =	ssyncadd.s32 $0xFFFFFC00  }
0x2d0: {  	_ =	swait.ge [sflag:s6], $0x400  }
0x2d1: {  	[sflag:s6] =	ssyncset.done $0x0  }
0x2d2: {  	[sflag:s6] =	ssyncadd.s32 $0xFFFFFC00  }
0x2d3: {  	_ =	swait.ge [sflag:s6], $0x400  }
0x2d4: {  	[sflag:s6] =	ssyncset.done $0x0  }
0x2d5: {  	[sflag:s6] =	ssyncadd.s32 $0xFFFFFC00  }
0x2d6: {  	_ =	swait.ge [sflag:s6], $0x400  }
0x2d7: {  	[sflag:s6] =	ssyncset.done $0x0  }
0x2d8: {  	[sflag:s6] =	ssyncadd.s32 $0xFFFFFC00  }
0x2d9: {  	_ =	swait.ge [sflag:s6], $0x400  }
0x2da: {  	[sflag:s6] =	ssyncset.done $0x0  }
0x2db: {  	[sflag:s6] =	ssyncadd.s32 $0xFFFFFC00  }
0x2dc: {  	_ =	swait.ge [sflag:s6], $0x400  }
0x2dd: {  	[sflag:s6] =	ssyncset.done $0x0  }
0x2de: {  	[sflag:s6] =	ssyncadd.s32 $0xFFFFFC00  }
0x2df: {  	_ =	swait.ge [sflag:s6], $0x400  }
0x2e0: {  	[sflag:s6] =	ssyncset.done $0x0  }
0x2e1: {  	[sflag:s6] =	ssyncadd.s32 $0xFFFFFC00  }
0x2e2: {  	_ =	swait.ge [sflag:s6], $0x400  }
0x2e3: {  	[sflag:s6] =	ssyncset.done $0x0  }
0x2e4: {  	[sflag:s6] =	ssyncadd.s32 $0xFFFFFC00  }
0x2e5: {  	_ =	swait.ge [sflag:s6], $0x400  }
0x2e6: {  	[sflag:s6] =	ssyncset.done $0x0  }
0x2e7: {  	[sflag:s6] =	ssyncadd.s32 $0xFFFFFC00  }
0x2e8: {  	_ =	swait.ge [sflag:s6], $0x400  }
0x2e9: {  	[sflag:s6] =	ssyncset.done $0x0  }
0x2ea: {  	[sflag:s6] =	ssyncadd.s32 $0xFFFFFC00  }
0x2eb: {  	_ =	swait.ge [sflag:s6], $0x400  }
0x2ec: {  	[sflag:s6] =	ssyncset.done $0x0  }
0x2ed: {  	[sflag:s6] =	ssyncadd.s32 $0xFFFFFC00  }
0x2ee: {  	_ =	swait.ge [sflag:s6], $0x400  }
0x2ef: {  	[sflag:s6] =	ssyncset.done $0x0  }
0x2f0: {  	[sflag:s6] =	ssyncadd.s32 $0xFFFFFC00  }
0x2f1: {  	_ =	swait.ge [sflag:s6], $0x400  }
0x2f2: {  	[sflag:s6] =	ssyncset.done $0x0  }
0x2f3: {  	[sflag:s6] =	ssyncadd.s32 $0xFFFFFC00  }
0x2f4: {  	_ =	swait.ge [sflag:s6], $0x400  }
0x2f5: {  	[sflag:s6] =	ssyncset.done $0x0  }
0x2f6: {  	[sflag:s6] =	ssyncadd.s32 $0xFFFFFC00  }
0x2f7: {  	_ =	swait.ge [sflag:s6], $0x400  }
0x2f8: {  	[sflag:s6] =	ssyncset.done $0x0  }
0x2f9: {  	[sflag:s6] =	ssyncadd.s32 $0xFFFFFC00  }
0x2fa: {  	_ =	swait.ge [sflag:s6], $0x400  }
0x2fb: {  	[sflag:s6] =	ssyncset.done $0x0  }
0x2fc: {  	[sflag:s6] =	ssyncadd.s32 $0xFFFFFC00  }
0x2fd: {  	_ =	swait.ge [sflag:s6], $0x400  }
0x2fe: {  	[sflag:s6] =	ssyncset.done $0x0  }
0x2ff: {  	[sflag:s6] =	ssyncadd.s32 $0xFFFFFC00  }
0x300: {  	_ =	swait.ge [sflag:s6], $0x400  }
0x301: {  	[sflag:s6] =	ssyncset.done $0x0  }
0x302: {  	[sflag:s6] =	ssyncadd.s32 $0xFFFFFC00  }
0x303: {  	_ =	swait.ge [sflag:s6], $0x400  }
0x304: {  	[sflag:s6] =	ssyncset.done $0x0  }
0x305: {  	[sflag:s6] =	ssyncadd.s32 $0xFFFFFC00  }
0x306: {  	_ =	swait.ge [sflag:s6], $0x400  }
0x307: {  	[sflag:s6] =	ssyncset.done $0x0  }
0x308: {  	[sflag:s6] =	ssyncadd.s32 $0xFFFFFC00  }
0x309: {  	_ =	swait.ge [sflag:s6], $0x400  }
0x30a: {  	[sflag:s6] =	ssyncset.done $0x0  }
0x30b: {  	[sflag:s6] =	ssyncadd.s32 $0xFFFFFC00  }
0x30c: {  	_ =	swait.ge [sflag:s6], $0x400  }
0x30d: {  	[sflag:s6] =	ssyncset.done $0x0  }
0x30e: {  	[sflag:s6] =	ssyncadd.s32 $0xFFFFFC00  }
0x30f: {  	_ =	swait.ge [sflag:s6], $0x400  }
0x310: {  	[sflag:s6] =	ssyncset.done $0x0  }
0x311: {  	[sflag:s6] =	ssyncadd.s32 $0xFFFFFC00  }
0x312: {  	_ =	swait.ge [sflag:s6], $0x400  }
0x313: {  	[sflag:s6] =	ssyncset.done $0x0  }
0x314: {  	[sflag:s6] =	ssyncadd.s32 $0xFFFFFC00  }
0x315: {  	_ =	swait.ge [sflag:s6], $0x400  }
0x316: {  	[sflag:s6] =	ssyncset.done $0x0  }
0x317: {  	[sflag:s6] =	ssyncadd.s32 $0xFFFFFC00  }
0x318: {  	_ =	swait.ge [sflag:s6], $0x400  }
0x319: {  	[sflag:s6] =	ssyncset.done $0x0  }
0x31a: {  	[sflag:s6] =	ssyncadd.s32 $0xFFFFFC00  }
0x31b: {  	_ =	swait.ge [sflag:s6], $0x400  }
0x31c: {  	[sflag:s6] =	ssyncset.done $0x0  }
0x31d: {  	[sflag:s6] =	ssyncadd.s32 $0xFFFFFC00  }
0x31e: {  	_ =	swait.ge [sflag:s6], $0x400  }
0x31f: {  	[sflag:s6] =	ssyncset.done $0x0  }
0x320: {  	[sflag:s6] =	ssyncadd.s32 $0xFFFFFC00  }
0x321: {  	_ =	swait.ge [sflag:s6], $0x400  }
0x322: {  	[sflag:s6] =	ssyncset.done $0x0  }
0x323: {  	[sflag:s6] =	ssyncadd.s32 $0xFFFFFC00  }
0x324: {  	_ =	swait.ge [sflag:s6], $0x400  }
0x325: {  	[sflag:s6] =	ssyncset.done $0x0  }
0x326: {  	[sflag:s6] =	ssyncadd.s32 $0xFFFFFC00  }
0x327: {  	_ =	swait.ge [sflag:s6], $0x400  }
0x328: {  	[sflag:s6] =	ssyncset.done $0x0  }
0x329: {  	[sflag:s6] =	ssyncadd.s32 $0xFFFFFC00  }
0x32a: {  	_ =	swait.ge [sflag:s6], $0x400  }
0x32b: {  	[sflag:s6] =	ssyncset.done $0x0  }
0x32c: {  	[sflag:s6] =	ssyncadd.s32 $0xFFFFFC00  }
0x32d: {  	_ =	swait.ge [sflag:s6], $0x400  }
0x32e: {  	[sflag:s6] =	ssyncset.done $0x0  }
0x32f: {  	[sflag:s6] =	ssyncadd.s32 $0xFFFFFC00  }
0x330: {  	_ =	swait.ge [sflag:s6], $0x400  }
0x331: {  	[sflag:s6] =	ssyncset.done $0x0  }
0x332: {  	[sflag:s6] =	ssyncadd.s32 $0xFFFFFC00  }
0x333: {  	_ =	swait.ge [sflag:s6], $0x400  }
0x334: {  	[sflag:s6] =	ssyncset.done $0x0  }
0x335: {  	[sflag:s6] =	ssyncadd.s32 $0xFFFFFC00  }
0x336: {  	_ =	swait.ge [sflag:s6], $0x400  }
0x337: {  	[sflag:s6] =	ssyncset.done $0x0  }
0x338: {  	[sflag:s6] =	ssyncadd.s32 $0xFFFFFC00  }
0x339: {  	_ =	swait.ge [sflag:s6], $0x400  }
0x33a: {  	[sflag:s6] =	ssyncset.done $0x0  }
0x33b: {  	[sflag:s6] =	ssyncadd.s32 $0xFFFFFC00  }
0x33c: {  	_ =	swait.ge [sflag:s6], $0x400  }
0x33d: {  	[sflag:s6] =	ssyncset.done $0x0  }
0x33e: {  	[sflag:s6] =	ssyncadd.s32 $0xFFFFFC00  }
0x33f: {  	_ =	swait.ge [sflag:s6], $0x400  }
0x340: {  	[sflag:s6] =	ssyncset.done $0x0  }
0x341: {  	[sflag:s6] =	ssyncadd.s32 $0xFFFFFC00  }
0x342: {  	_ =	swait.ge [sflag:s6], $0x400  }
0x343: {  	[sflag:s6] =	ssyncset.done $0x0  }
0x344: {  	[sflag:s6] =	ssyncadd.s32 $0xFFFFFC00  }
0x345: {  	_ =	swait.ge [sflag:s6], $0x400  }
0x346: {  	[sflag:s6] =	ssyncset.done $0x0  }
0x347: {  	[sflag:s6] =	ssyncadd.s32 $0xFFFFFC00  }
0x348: {  	_ =	swait.ge [sflag:s6], $0x400  }
0x349: {  	[sflag:s6] =	ssyncset.done $0x0  }
0x34a: {  	[sflag:s6] =	ssyncadd.s32 $0xFFFFFC00  }
0x34b: {  	_ =	swait.ge [sflag:s6], $0x400  }
0x34c: {  	[sflag:s6] =	ssyncset.done $0x0  }
0x34d: {  	[sflag:s6] =	ssyncadd.s32 $0xFFFFFC00  }
0x34e: {  	_ =	swait.ge [sflag:s6], $0x400  }
0x34f: {  	[sflag:s6] =	ssyncset.done $0x0  }
0x350: {  	[sflag:s6] =	ssyncadd.s32 $0xFFFFFC00  }
0x351: {  	_ =	swait.ge [sflag:s6], $0x400  }
0x352: {  	[sflag:s6] =	ssyncset.done $0x0  }
0x353: {  	[sflag:s6] =	ssyncadd.s32 $0xFFFFFC00  }
0x354: {  	_ =	swait.ge [sflag:s6], $0x400  }
0x355: {  	[sflag:s6] =	ssyncset.done $0x0  }
0x356: {  	[sflag:s6] =	ssyncadd.s32 $0xFFFFFC00  }
0x357: {  	_ =	swait.ge [sflag:s6], $0x400  }
0x358: {  	[sflag:s6] =	ssyncset.done $0x0  }
0x359: {  	[sflag:s6] =	ssyncadd.s32 $0xFFFFFC00  }
0x35a: {  	_ =	swait.ge [sflag:s6], $0x400  }
0x35b: {  	[sflag:s6] =	ssyncset.done $0x0  }
0x35c: {  	[sflag:s6] =	ssyncadd.s32 $0xFFFFFC00  }
0x35d: {  	_ =	swait.ge [sflag:s6], $0x400  }
0x35e: {  	[sflag:s6] =	ssyncset.done $0x0  }
0x35f: {  	[sflag:s6] =	ssyncadd.s32 $0xFFFFFC00  }
0x360: {  	_ =	swait.ge [sflag:s6], $0x400  }
0x361: {  	[sflag:s6] =	ssyncset.done $0x0  }
0x362: {  	[sflag:s6] =	ssyncadd.s32 $0xFFFFFC00  }
0x363: {  	_ =	swait.ge [sflag:s6], $0x400  }
0x364: {  	[sflag:s6] =	ssyncset.done $0x0  }
0x365: {  	[sflag:s6] =	ssyncadd.s32 $0xFFFFFC00  }
0x366: {  	_ =	swait.ge [sflag:s6], $0x400  }
0x367: {  	[sflag:s6] =	ssyncset.done $0x0  }
0x368: {  	[sflag:s6] =	ssyncadd.s32 $0xFFFFFC00  }
0x369: {  	_ =	swait.ge [sflag:s6], $0x400  }
0x36a: {  	[sflag:s6] =	ssyncset.done $0x0  }
0x36b: {  	[sflag:s6] =	ssyncadd.s32 $0xFFFFFC00  }
0x36c: {  	_ =	swait.ge [sflag:s6], $0x400  }
0x36d: {  	[sflag:s6] =	ssyncset.done $0x0  }
0x36e: {  	[sflag:s6] =	ssyncadd.s32 $0xFFFFFC00  }
0x36f: {  	_ =	swait.ge [sflag:s6], $0x400  }
0x370: {  	[sflag:s6] =	ssyncset.done $0x0  }
0x371: {  	[sflag:s6] =	ssyncadd.s32 $0xFFFFFC00  }
0x372: {  	_ =	swait.ge [sflag:s6], $0x400  }
0x373: {  	[sflag:s6] =	ssyncset.done $0x0  }
0x374: {  	s23 =	sadd.s32 $0x1, s23;
	[sflag:s6] =	ssyncadd.s32 $0xFFFFFC00  }
0x375: {  	p0 =	sne.s32 s23, s12;
	_ =	swait.ge [sflag:s6], $0x400  }
.Ltmp4:
0x376: {  	[sflag:s6] =	ssyncset.done $0x0;
	(pc) =	sbr.rel @p0 .LBB2_1-.Ltmp4, $4  }
0x377: {  	[sflag:s6] =	ssyncadd.s32 $0xFFFFFC00  }
0x378: {  	_ =	swait.ge [sflag:s6], $0x400  }
0x379: {  	[sflag:s6] =	ssyncset.done $0x0  }
0x37a: {  	[sflag:s6] =	ssyncadd.s32 $0xFFFFFC00  }
0x37b: {  	_ =	sfence.sel $0x180000  }
0x37c: {  	[bflag:$0x0] =	sbarrier.arrive $0xFFFF  }
0x37d: {  	_ =	strace $0x90000047  }
0x37e: {  	s0 =	stileid.u32;
	[bflag:$0x2] =	sbarrier.arrive $0xFFFF  }
0x37f: {  	p0 =	sne.s32 s0, $0x0;
	s0 =	rddreg [dreg:$0x5]  }
0x380: {  	s0 =	sadd.s32 @!p0 $0x100000, s0  }
0x381: {  	[sflag:s0] =	ssyncadd.tile.s32 @!p0 $0x1;
	_ =	shalt  }
.Lfunc_end2:
_tile_overlayer_lowered:
.L_overlay_start_2:
0x382: {  	(tag) =	ssettag $0x2  }
0x383: {  	s0 =	rddreg [dreg:$0x0];
	s2 =	stileid.u32  }
0x384: {  	s1 =	rddreg [dreg:$0x1];
	p0 =	sne.s32 s2, $0x0  }
0x385: {  	s3 =	rddreg [dreg:$0x2];
	[bflag:$0x3] =	sbarrier.arrive $0xFFFF;
	s2 =	simm.s32 @!p0 $0x1C06  }
0x386: {  	[timem:s3], [sflag:s2] =	dma.local @!p0 [hbm:s0], s1  }
0x387: {  	s0 =	simm.s32 @!p0 $0x6  }
0x388: {  	_ =	swait.ge @!p0 [sflag:s0], s1  }
0x389: {  	s1 =	ssub.s32 @!p0 $0x0, s1;
	[sflag:s0] =	ssyncset.done @!p0 $0x0  }
0x38a: {  	[sflag:s0] =	ssyncadd.s32 @!p0 s1  }
0x38b: {  	[bflag:$0x3] =	sbarrier.arrive $0xFFFF  }
0x38c: {  	_ =	shalt  }

</sc_bundles>
